<compile_context>
chip_gen: v7x
topology: tpu7x:2x2x1
jax: 0.10.2.dev20260603
libtpu: 0.0.44.dev20260713+nightly
codegen_flags: <defaults>
</compile_context>

<pallas_src>
import functools

import jax
import jax.numpy as jnp
from jax import lax
from jax.experimental import pallas as pl
from jax.experimental.pallas import tpu as pltpu
from jax.experimental.pallas import tpu_sc as plsc

_B, _N, _NBH = 8, 512, 32
_AB, _SB, _NF = 256, 64, 256
_BN = 256
_NBLK = _N // _BN
_E = _BN * _NBH
_NE = _B * _N * _NBH

_BF = jnp.bfloat16

_LOG2E = 1.4426950408889634
_LN2 = 0.6931471805599453


def _ssp_scaled(z):
    t = jnp.exp2(-jnp.abs(z))
    return (jnp.log2(1.0 + t) - 1.0 - jnp.minimum(z, 0.0)) * _LN2


def _y_kernel(x_ref, Wi_ref, y_ref):
    b = pl.program_id(0)

    @pl.when(b < _B)
    def _():
        yv = jnp.dot(x_ref[0].astype(_BF), Wi_ref[:],
                     preferred_element_type=jnp.float32)
        wl = lax.bitcast_convert_type(yv[:, :_NF // 2], jnp.uint32)
        wh = lax.bitcast_convert_type(yv[:, _NF // 2:], jnp.uint32)
        wl = (wl + jnp.uint32(0x8000)) >> jnp.uint32(16)
        wh = (wh + jnp.uint32(0x8000)) & jnp.uint32(0xFFFF0000)
        y_ref[0] = lax.bitcast_convert_type(wh | wl, jnp.int32)

    @pl.when(b == _B)
    def _():
        y_ref[0] = jnp.zeros((_N, _NF // 2), jnp.int32)


_SC_INFO = plsc.get_sparse_core_info()
_NW = _SC_INFO.num_cores * _SC_INFO.num_subcores
_PER_W = _NE // _NW
_CH = 64
_NCH = _PER_W // _CH


def _sc_gather(table_hbm, idx_hbm, out_hbm, idx_v, rows0, rows1, sem0, sem1):
    wid = lax.axis_index("s") * _SC_INFO.num_cores + lax.axis_index("c")
    base = wid * _PER_W
    pltpu.sync_copy(idx_hbm.at[pl.ds(base, _PER_W)], idx_v)

    bufs = (rows0, rows1)
    sems = (sem0, sem1)
    cp_prev = None
    for c in range(_NCH):
        cp = pltpu.async_copy(table_hbm.at[idx_v.at[pl.ds(c * _CH, _CH)]],
                              bufs[c % 2], sems[c % 2])
        if cp_prev is not None:
            cp_prev.wait()
            pltpu.sync_copy(bufs[(c - 1) % 2],
                            out_hbm.at[pl.ds(base + (c - 1) * _CH, _CH)])
        cp_prev = cp
    cp_prev.wait()
    pltpu.sync_copy(bufs[(_NCH - 1) % 2],
                    out_hbm.at[pl.ds(base + (_NCH - 1) * _CH, _CH)])


def _comb_kernel(ynbh_ref, f_ref, W1_ref, b1_ref, W2_ref, b2_ref,
                 Wf_ref, bf_ref, Wd_ref, bd_ref, out_ref):
    f = f_ref[0].reshape(_E, _SB)
    h = _ssp_scaled(jnp.dot(f.astype(_BF), W1_ref[:],
                            preferred_element_type=jnp.float32) + b1_ref[:])
    wf = jnp.dot(h.astype(_BF), W2_ref[:],
                 preferred_element_type=jnp.float32) + b2_ref[:]
    w = lax.bitcast_convert_type(ynbh_ref[0, 0], jnp.uint32)
    y_lo = lax.bitcast_convert_type(w << jnp.uint32(16), jnp.float32)
    y_hi = lax.bitcast_convert_type(w & jnp.uint32(0xFFFF0000), jnp.float32)
    agg_lo = (y_lo * wf[:, :_NF // 2]).reshape(_BN, _NBH, _NF // 2).sum(axis=1)
    agg_hi = (y_hi * wf[:, _NF // 2:]).reshape(_BN, _NBH, _NF // 2).sum(axis=1)
    agg = jnp.concatenate([agg_lo, agg_hi], axis=1)
    v = _ssp_scaled(jnp.dot(agg.astype(_BF), Wf_ref[:],
                            preferred_element_type=jnp.float32) + bf_ref[:])
    out_ref[0] = jnp.dot(v.astype(_BF), Wd_ref[:],
                         preferred_element_type=jnp.float32) + bd_ref[:]


def kernel(x, r_ij, neighbors, neighbor_mask, f_ij,
           W1, b1, W2, b2, Wi, Wf, bf, Wd, bd):
    del r_ij

    y = pl.pallas_call(
        _y_kernel,
        grid=(_B + 1,),
        in_specs=[
            pl.BlockSpec((1, _N, _AB), lambda b: (jnp.minimum(b, _B - 1), 0, 0)),
            pl.BlockSpec((_AB, _NF), lambda b: (0, 0)),
        ],
        out_specs=pl.BlockSpec((1, _N, _NF // 2), lambda b: (b, 0, 0)),
        out_shape=jax.ShapeDtypeStruct((_B + 1, _N, _NF // 2), jnp.int32),
    )(x, Wi.astype(_BF))
    table = y.reshape((_B + 1) * _N, _NF // 2)

    boff = (jnp.arange(_B, dtype=jnp.int32) * _N)[:, None, None]
    gidx = jnp.where(neighbor_mask > 0, neighbors + boff, _B * _N)
    gidx = gidx.reshape(_NE)

    sc_gather = functools.partial(
        pl.kernel,
        mesh=plsc.VectorSubcoreMesh(core_axis_name="c", subcore_axis_name="s"),
        out_type=jax.ShapeDtypeStruct((_NE, _NF // 2), jnp.int32),
        scratch_types=[
            pltpu.VMEM((_PER_W,), jnp.int32),
            pltpu.VMEM((_CH, _NF // 2), jnp.int32),
            pltpu.VMEM((_CH, _NF // 2), jnp.int32),
            pltpu.SemaphoreType.DMA,
            pltpu.SemaphoreType.DMA,
        ],
    )(_sc_gather)
    y_nbh = sc_gather(table, gidx)
    ynbh_r = y_nbh.reshape(_B, _NBLK, _E, _NF // 2)

    full = lambda shape: pl.BlockSpec(shape, lambda b, nb: (0,) * len(shape))

    out = pl.pallas_call(
        _comb_kernel,
        grid=(_B, _NBLK),
        in_specs=[
            pl.BlockSpec((1, 1, _E, _NF // 2), lambda b, nb: (b, nb, 0, 0)),
            pl.BlockSpec((1, _BN, _NBH, _SB), lambda b, nb: (b, nb, 0, 0)),
            full((_SB, _NF)),
            full((1, _NF)),
            full((_NF, _NF)),
            full((1, _NF)),
            full((_NF, _AB)),
            full((1, _AB)),
            full((_AB, _AB)),
            full((1, _AB)),
        ],
        out_specs=pl.BlockSpec((1, _BN, _AB), lambda b, nb: (b, nb, 0)),
        out_shape=jax.ShapeDtypeStruct((_B, _N, _AB), jnp.float32),
        compiler_params=pltpu.CompilerParams(
            dimension_semantics=("parallel", "parallel"),
        ),
    )(ynbh_r, f_ij,
      (W1 * -_LOG2E).astype(_BF), (b1 * -_LOG2E).reshape(1, _NF),
      W2.astype(_BF), b2.reshape(1, _NF),
      (Wf * -_LOG2E).astype(_BF), (bf * -_LOG2E).reshape(1, _AB),
      Wd.astype(_BF), bd.reshape(1, _AB))
    return out

# --- scband reference (transcript-rebuilt; emitter-appended) ---
"""Pipeline reference for scband-sch-net-interaction-16234976379043 (READ-ONLY COPY).

The authoritative reference and input builder live on the scoring server;
editing this copy changes nothing except your own understanding.
"""

import jax, jax.numpy as jnp
import numpy as np

B, N, NBH = 8, 512, 32
N_ATOM_BASIS, N_SPATIAL_BASIS, N_FILTERS = 256, 64, 256


def ssp(x):
    # shifted softplus: softplus(x) - log(2)
    return jnp.logaddexp(x, 0.0) - jnp.log(2.0)


def setup_inputs(seed: int = 0):
    key = jax.random.key(seed)
    ks = jax.random.split(key, 12)
    x = jax.random.normal(ks[0], (B, N, N_ATOM_BASIS), dtype=jnp.float32)
    r_ij = jax.random.uniform(ks[1], (B, N, NBH), dtype=jnp.float32)
    neighbors = jax.random.randint(ks[2], (B, N, NBH), 0, N, dtype=jnp.int32)
    neighbor_mask = jnp.ones((B, N, NBH), dtype=jnp.float32)
    f_ij = jax.random.normal(ks[3], (B, N, NBH, N_SPATIAL_BASIS), dtype=jnp.float32)
    s = 0.05
    W1 = jax.random.normal(ks[4], (N_SPATIAL_BASIS, N_FILTERS), dtype=jnp.float32) * s
    b1 = jnp.zeros((N_FILTERS,), dtype=jnp.float32)
    W2 = jax.random.normal(ks[5], (N_FILTERS, N_FILTERS), dtype=jnp.float32) * s
    b2 = jnp.zeros((N_FILTERS,), dtype=jnp.float32)
    Wi = jax.random.normal(ks[6], (N_ATOM_BASIS, N_FILTERS), dtype=jnp.float32) * s
    Wf = jax.random.normal(ks[7], (N_FILTERS, N_ATOM_BASIS), dtype=jnp.float32) * s
    bf = jnp.zeros((N_ATOM_BASIS,), dtype=jnp.float32)
    Wd = jax.random.normal(ks[8], (N_ATOM_BASIS, N_ATOM_BASIS), dtype=jnp.float32) * s
    bd = jnp.zeros((N_ATOM_BASIS,), dtype=jnp.float32)
    return {
        'x': x, 'r_ij': r_ij, 'neighbors': neighbors,
        'neighbor_mask': neighbor_mask, 'f_ij': f_ij,
        'W1': W1, 'b1': b1, 'W2': W2, 'b2': b2,
        'Wi': Wi, 'Wf': Wf, 'bf': bf, 'Wd': Wd, 'bd': bd,
    }


def reference(x, r_ij, neighbors, neighbor_mask, f_ij, W1, b1, W2, b2, Wi, Wf, bf, Wd, bd):
    # filter_network: Dense(ssp) -> Dense(linear), applied to f_ij
    # (f_ij provided, so r_ij path is unused, matching schnetpack CFConv)
    h = ssp(f_ij @ W1 + b1)
    Wfilt = h @ W2 + b2                       # [B, N, NBH, n_filters]
    Wfilt = Wfilt * neighbor_mask[..., None]  # mask padded neighbors

    # in2f (no bias, no activation)
    y = x @ Wi                                # [B, N, n_filters]

    # gather neighbor features
    Bq, Nq, NBHq = neighbors.shape
    idx = neighbors.reshape(Bq, Nq * NBHq)
    y_nbh = jnp.take_along_axis(y, idx[..., None], axis=1)
    y_nbh = y_nbh.reshape(Bq, Nq, NBHq, -1)   # [B, N, NBH, n_filters]

    # continuous-filter convolution, sum aggregation (normalize_filter=False)
    agg = (y_nbh * Wfilt).sum(axis=2)         # [B, N, n_filters]

    # f2out: Dense with shifted_softplus activation
    v = ssp(agg @ Wf + bf)                    # [B, N, n_atom_basis]

    # final dense (linear)
    out = v @ Wd + bd                         # [B, N, n_atom_basis]
    return out

if __name__ == "__main__":
    import jax
    _d = setup_inputs()
    print(jax.jit(kernel)(*tuple(_d.values())))

</pallas_src>

<mosaic_0001>
#map = affine_map<(d0, d1) -> (0, 0)>
#map1 = affine_map<(d0, d1) -> (0)>
module attributes {stable_mosaic.version = 14 : i64} {
  func.func @_sc_gather(%arg0: i32, %arg1: i32, %arg2: memref<4608x128xi32, #tpu.memory_space<hbm>>, %arg3: memref<131072xi32, #tpu.memory_space<hbm>>, %arg4: memref<131072x128xi32, #tpu.memory_space<hbm>>, %arg5: memref<4096xi32, #tpu.memory_space<vmem>>, %arg6: memref<64x128xi32, #tpu.memory_space<vmem>>, %arg7: memref<64x128xi32, #tpu.memory_space<vmem>>, %arg8: memref<!tpu.dma_semaphore, #tpu.memory_space<semaphore_mem>>, %arg9: memref<!tpu.dma_semaphore, #tpu.memory_space<semaphore_mem>>) attributes {dimension_semantics = [#tpu.dimension_semantics<core_parallel>, #tpu.dimension_semantics<subcore_parallel>], iteration_bounds = array<i64: 2, 16>, scalar_prefetch = 0 : i64, scratch_operands = 5 : i64, tpu.core_type = #tpu.core_type<sc_vector_subcore>, window_params = [{transform_indices = #map}, {transform_indices = #map1}, {transform_indices = #map}]} {
    %mul3A = arith.constant 2 : i32
    %mul3A_0 = arith.muli %arg1, %mul3A : i32
    %add3A = arith.addi %mul3A_0, %arg0 : i32
    %mul3A_1 = arith.constant 4096 : i32
    %mul3A_2 = arith.muli %add3A, %mul3A_1 : i32
    "tpu.region"() ({
      %run_scoped3A = tpu.sem_alloc : memref<!tpu.dma_semaphore, #tpu.memory_space<semaphore_mem>>
      %dma_start3A_769 = tpu.memref_slice %arg3[%mul3A_2] : memref<131072xi32, #tpu.memory_space<hbm>> -> memref<4096xi32, #tpu.memory_space<hbm>>
      %dma_start3A_770 = tpu.memref_slice %arg3[%mul3A_2] : memref<131072xi32, #tpu.memory_space<hbm>> -> memref<4096xi32, #tpu.memory_space<hbm>>
      tpu.enqueue_dma source(%dma_start3A_770 : memref<4096xi32, #tpu.memory_space<hbm>>) target(%arg5 : memref<4096xi32, #tpu.memory_space<vmem>>) target_semaphore(%run_scoped3A : memref<!tpu.dma_semaphore, #tpu.memory_space<semaphore_mem>>)
      %dma_wait3A_771 = tpu.memref_slice %arg3[%mul3A_2] : memref<131072xi32, #tpu.memory_space<hbm>> -> memref<4096xi32, #tpu.memory_space<hbm>>
      %dma_wait3A_772 = tpu.memref_slice %arg3[%mul3A_2] : memref<131072xi32, #tpu.memory_space<hbm>> -> memref<4096xi32, #tpu.memory_space<hbm>>
      tpu.wait_dma2 semaphore(%run_scoped3A : memref<!tpu.dma_semaphore, #tpu.memory_space<semaphore_mem>>) src(%dma_wait3A_772 : memref<4096xi32, #tpu.memory_space<hbm>>) dst(%arg5 : memref<4096xi32, #tpu.memory_space<vmem>>)
      tpu.yield
    }) : () -> ()
    %dma_start3A = arith.constant 0 : i32
    %dma_start3A_3 = tpu.memref_slice %arg5[%dma_start3A] : memref<4096xi32, #tpu.memory_space<vmem>> -> memref<64xi32, #tpu.memory_space<vmem>>
    %dma_start3A_4 = arith.constant 0 : i32
    %dma_start3A_5 = arith.constant 0 : i32
    %dma_start3A_6 = tpu.memref_slice %arg2[%dma_start3A_4, %dma_start3A_5] : memref<4608x128xi32, #tpu.memory_space<hbm>> -> memref<4608x128xi32, #tpu.memory_space<hbm>>
    tpu.enqueue_indirect_dma source(%dma_start3A_6 : memref<4608x128xi32, #tpu.memory_space<hbm>>) target(%arg6 : memref<64x128xi32, #tpu.memory_space<vmem>>) offsets(%dma_start3A_3 : memref<64xi32, #tpu.memory_space<vmem>>) semaphore(%arg8 : memref<!tpu.dma_semaphore, #tpu.memory_space<semaphore_mem>>)
    %dma_start3A_7 = arith.constant 64 : i32
    %dma_start3A_8 = tpu.memref_slice %arg5[%dma_start3A_7] : memref<4096xi32, #tpu.memory_space<vmem>> -> memref<64xi32, #tpu.memory_space<vmem>>
    %dma_start3A_9 = arith.constant 0 : i32
    %dma_start3A_10 = arith.constant 0 : i32
    %dma_start3A_11 = tpu.memref_slice %arg2[%dma_start3A_9, %dma_start3A_10] : memref<4608x128xi32, #tpu.memory_space<hbm>> -> memref<4608x128xi32, #tpu.memory_space<hbm>>
    tpu.enqueue_indirect_dma source(%dma_start3A_11 : memref<4608x128xi32, #tpu.memory_space<hbm>>) target(%arg7 : memref<64x128xi32, #tpu.memory_space<vmem>>) offsets(%dma_start3A_8 : memref<64xi32, #tpu.memory_space<vmem>>) semaphore(%arg9 : memref<!tpu.dma_semaphore, #tpu.memory_space<semaphore_mem>>)
    %dma_wait3A = arith.constant 0 : i32
    %dma_wait3A_12 = tpu.memref_slice %arg5[%dma_wait3A] : memref<4096xi32, #tpu.memory_space<vmem>> -> memref<64xi32, #tpu.memory_space<vmem>>
    %dma_wait3A_13 = arith.constant 0 : i32
    %dma_wait3A_14 = arith.constant 0 : i32
    %dma_wait3A_15 = tpu.memref_slice %arg2[%dma_wait3A_13, %dma_wait3A_14] : memref<4608x128xi32, #tpu.memory_space<hbm>> -> memref<4608x128xi32, #tpu.memory_space<hbm>>
    tpu.wait_indirect_dma semaphore(%arg8 : memref<!tpu.dma_semaphore, #tpu.memory_space<semaphore_mem>>) src(%dma_wait3A_15 : memref<4608x128xi32, #tpu.memory_space<hbm>>) dst(%arg6 : memref<64x128xi32, #tpu.memory_space<vmem>>)
    %add3A_16 = arith.constant 0 : i32
    %add3A_17 = arith.addi %mul3A_2, %add3A_16 : i32
    "tpu.region"() ({
      %run_scoped3A = tpu.sem_alloc : memref<!tpu.dma_semaphore, #tpu.memory_space<semaphore_mem>>
      %dma_start3A_769 = arith.constant 0 : i32
      %dma_start3A_770 = tpu.memref_slice %arg4[%add3A_17, %dma_start3A_769] : memref<131072x128xi32, #tpu.memory_space<hbm>> -> memref<64x128xi32, #tpu.memory_space<hbm>>
      %dma_start3A_771 = arith.constant 0 : i32
      %dma_start3A_772 = tpu.memref_slice %arg4[%add3A_17, %dma_start3A_771] : memref<131072x128xi32, #tpu.memory_space<hbm>> -> memref<64x128xi32, #tpu.memory_space<hbm>>
      tpu.enqueue_dma source(%arg6 : memref<64x128xi32, #tpu.memory_space<vmem>>) target(%dma_start3A_772 : memref<64x128xi32, #tpu.memory_space<hbm>>) target_semaphore(%run_scoped3A : memref<!tpu.dma_semaphore, #tpu.memory_space<semaphore_mem>>)
      %dma_wait3A_773 = arith.constant 0 : i32
      %dma_wait3A_774 = tpu.memref_slice %arg4[%add3A_17, %dma_wait3A_773] : memref<131072x128xi32, #tpu.memory_space<hbm>> -> memref<64x128xi32, #tpu.memory_space<hbm>>
      %dma_wait3A_775 = arith.constant 0 : i32
      %dma_wait3A_776 = tpu.memref_slice %arg4[%add3A_17, %dma_wait3A_775] : memref<131072x128xi32, #tpu.memory_space<hbm>> -> memref<64x128xi32, #tpu.memory_space<hbm>>
      tpu.wait_dma2 semaphore(%run_scoped3A : memref<!tpu.dma_semaphore, #tpu.memory_space<semaphore_mem>>) src(%arg6 : memref<64x128xi32, #tpu.memory_space<vmem>>) dst(%dma_wait3A_776 : memref<64x128xi32, #tpu.memory_space<hbm>>)
      tpu.yield
    }) : () -> ()
    %dma_start3A_18 = arith.constant 128 : i32
    %dma_start3A_19 = tpu.memref_slice %arg5[%dma_start3A_18] : memref<4096xi32, #tpu.memory_space<vmem>> -> memref<64xi32, #tpu.memory_space<vmem>>
    %dma_start3A_20 = arith.constant 0 : i32
    %dma_start3A_21 = arith.constant 0 : i32
    %dma_start3A_22 = tpu.memref_slice %arg2[%dma_start3A_20, %dma_start3A_21] : memref<4608x128xi32, #tpu.memory_space<hbm>> -> memref<4608x128xi32, #tpu.memory_space<hbm>>
    tpu.enqueue_indirect_dma source(%dma_start3A_22 : memref<4608x128xi32, #tpu.memory_space<hbm>>) target(%arg6 : memref<64x128xi32, #tpu.memory_space<vmem>>) offsets(%dma_start3A_19 : memref<64xi32, #tpu.memory_space<vmem>>) semaphore(%arg8 : memref<!tpu.dma_semaphore, #tpu.memory_space<semaphore_mem>>)
    %dma_wait3A_23 = arith.constant 64 : i32
    %dma_wait3A_24 = tpu.memref_slice %arg5[%dma_wait3A_23] : memref<4096xi32, #tpu.memory_space<vmem>> -> memref<64xi32, #tpu.memory_space<vmem>>
    %dma_wait3A_25 = arith.constant 0 : i32
    %dma_wait3A_26 = arith.constant 0 : i32
    %dma_wait3A_27 = tpu.memref_slice %arg2[%dma_wait3A_25, %dma_wait3A_26] : memref<4608x128xi32, #tpu.memory_space<hbm>> -> memref<4608x128xi32, #tpu.memory_space<hbm>>
    tpu.wait_indirect_dma semaphore(%arg9 : memref<!tpu.dma_semaphore, #tpu.memory_space<semaphore_mem>>) src(%dma_wait3A_27 : memref<4608x128xi32, #tpu.memory_space<hbm>>) dst(%arg7 : memref<64x128xi32, #tpu.memory_space<vmem>>)
    %add3A_28 = arith.constant 64 : i32
    %add3A_29 = arith.addi %mul3A_2, %add3A_28 : i32
    "tpu.region"() ({
      %run_scoped3A = tpu.sem_alloc : memref<!tpu.dma_semaphore, #tpu.memory_space<semaphore_mem>>
      %dma_start3A_769 = arith.constant 0 : i32
      %dma_start3A_770 = tpu.memref_slice %arg4[%add3A_29, %dma_start3A_769] : memref<131072x128xi32, #tpu.memory_space<hbm>> -> memref<64x128xi32, #tpu.memory_space<hbm>>
      %dma_start3A_771 = arith.constant 0 : i32
      %dma_start3A_772 = tpu.memref_slice %arg4[%add3A_29, %dma_start3A_771] : memref<131072x128xi32, #tpu.memory_space<hbm>> -> memref<64x128xi32, #tpu.memory_space<hbm>>
      tpu.enqueue_dma source(%arg7 : memref<64x128xi32, #tpu.memory_space<vmem>>) target(%dma_start3A_772 : memref<64x128xi32, #tpu.memory_space<hbm>>) target_semaphore(%run_scoped3A : memref<!tpu.dma_semaphore, #tpu.memory_space<semaphore_mem>>)
      %dma_wait3A_773 = arith.constant 0 : i32
      %dma_wait3A_774 = tpu.memref_slice %arg4[%add3A_29, %dma_wait3A_773] : memref<131072x128xi32, #tpu.memory_space<hbm>> -> memref<64x128xi32, #tpu.memory_space<hbm>>
      %dma_wait3A_775 = arith.constant 0 : i32
      %dma_wait3A_776 = tpu.memref_slice %arg4[%add3A_29, %dma_wait3A_775] : memref<131072x128xi32, #tpu.memory_space<hbm>> -> memref<64x128xi32, #tpu.memory_space<hbm>>
      tpu.wait_dma2 semaphore(%run_scoped3A : memref<!tpu.dma_semaphore, #tpu.memory_space<semaphore_mem>>) src(%arg7 : memref<64x128xi32, #tpu.memory_space<vmem>>) dst(%dma_wait3A_776 : memref<64x128xi32, #tpu.memory_space<hbm>>)
      tpu.yield
    }) : () -> ()
    %dma_start3A_30 = arith.constant 192 : i32
    %dma_start3A_31 = tpu.memref_slice %arg5[%dma_start3A_30] : memref<4096xi32, #tpu.memory_space<vmem>> -> memref<64xi32, #tpu.memory_space<vmem>>
    %dma_start3A_32 = arith.constant 0 : i32
    %dma_start3A_33 = arith.constant 0 : i32
    %dma_start3A_34 = tpu.memref_slice %arg2[%dma_start3A_32, %dma_start3A_33] : memref<4608x128xi32, #tpu.memory_space<hbm>> -> memref<4608x128xi32, #tpu.memory_space<hbm>>
    tpu.enqueue_indirect_dma source(%dma_start3A_34 : memref<4608x128xi32, #tpu.memory_space<hbm>>) target(%arg7 : memref<64x128xi32, #tpu.memory_space<vmem>>) offsets(%dma_start3A_31 : memref<64xi32, #tpu.memory_space<vmem>>) semaphore(%arg9 : memref<!tpu.dma_semaphore, #tpu.memory_space<semaphore_mem>>)
    %dma_wait3A_35 = arith.constant 128 : i32
    %dma_wait3A_36 = tpu.memref_slice %arg5[%dma_wait3A_35] : memref<4096xi32, #tpu.memory_space<vmem>> -> memref<64xi32, #tpu.memory_space<vmem>>
    %dma_wait3A_37 = arith.constant 0 : i32
    %dma_wait3A_38 = arith.constant 0 : i32
    %dma_wait3A_39 = tpu.memref_slice %arg2[%dma_wait3A_37, %dma_wait3A_38] : memref<4608x128xi32, #tpu.memory_space<hbm>> -> memref<4608x128xi32, #tpu.memory_space<hbm>>
    tpu.wait_indirect_dma semaphore(%arg8 : memref<!tpu.dma_semaphore, #tpu.memory_space<semaphore_mem>>) src(%dma_wait3A_39 : memref<4608x128xi32, #tpu.memory_space<hbm>>) dst(%arg6 : memref<64x128xi32, #tpu.memory_space<vmem>>)
    %add3A_40 = arith.constant 128 : i32
    %add3A_41 = arith.addi %mul3A_2, %add3A_40 : i32
    "tpu.region"() ({
      %run_scoped3A = tpu.sem_alloc : memref<!tpu.dma_semaphore, #tpu.memory_space<semaphore_mem>>
      %dma_start3A_769 = arith.constant 0 : i32
      %dma_start3A_770 = tpu.memref_slice %arg4[%add3A_41, %dma_start3A_769] : memref<131072x128xi32, #tpu.memory_space<hbm>> -> memref<64x128xi32, #tpu.memory_space<hbm>>
      %dma_start3A_771 = arith.constant 0 : i32
      %dma_start3A_772 = tpu.memref_slice %arg4[%add3A_41, %dma_start3A_771] : memref<131072x128xi32, #tpu.memory_space<hbm>> -> memref<64x128xi32, #tpu.memory_space<hbm>>
      tpu.enqueue_dma source(%arg6 : memref<64x128xi32, #tpu.memory_space<vmem>>) target(%dma_start3A_772 : memref<64x128xi32, #tpu.memory_space<hbm>>) target_semaphore(%run_scoped3A : memref<!tpu.dma_semaphore, #tpu.memory_space<semaphore_mem>>)
      %dma_wait3A_773 = arith.constant 0 : i32
      %dma_wait3A_774 = tpu.memref_slice %arg4[%add3A_41, %dma_wait3A_773] : memref<131072x128xi32, #tpu.memory_space<hbm>> -> memref<64x128xi32, #tpu.memory_space<hbm>>
      %dma_wait3A_775 = arith.constant 0 : i32
      %dma_wait3A_776 = tpu.memref_slice %arg4[%add3A_41, %dma_wait3A_775] : memref<131072x128xi32, #tpu.memory_space<hbm>> -> memref<64x128xi32, #tpu.memory_space<hbm>>
      tpu.wait_dma2 semaphore(%run_scoped3A : memref<!tpu.dma_semaphore, #tpu.memory_space<semaphore_mem>>) src(%arg6 : memref<64x128xi32, #tpu.memory_space<vmem>>) dst(%dma_wait3A_776 : memref<64x128xi32, #tpu.memory_space<hbm>>)
      tpu.yield
    }) : () -> ()
    %dma_start3A_42 = arith.constant 256 : i32
    %dma_start3A_43 = tpu.memref_slice %arg5[%dma_start3A_42] : memref<4096xi32, #tpu.memory_space<vmem>> -> memref<64xi32, #tpu.memory_space<vmem>>
    %dma_start3A_44 = arith.constant 0 : i32
    %dma_start3A_45 = arith.constant 0 : i32
    %dma_start3A_46 = tpu.memref_slice %arg2[%dma_start3A_44, %dma_start3A_45] : memref<4608x128xi32, #tpu.memory_space<hbm>> -> memref<4608x128xi32, #tpu.memory_space<hbm>>
    tpu.enqueue_indirect_dma source(%dma_start3A_46 : memref<4608x128xi32, #tpu.memory_space<hbm>>) target(%arg6 : memref<64x128xi32, #tpu.memory_space<vmem>>) offsets(%dma_start3A_43 : memref<64xi32, #tpu.memory_space<vmem>>) semaphore(%arg8 : memref<!tpu.dma_semaphore, #tpu.memory_space<semaphore_mem>>)
    %dma_wait3A_47 = arith.constant 192 : i32
    %dma_wait3A_48 = tpu.memref_slice %arg5[%dma_wait3A_47] : memref<4096xi32, #tpu.memory_space<vmem>> -> memref<64xi32, #tpu.memory_space<vmem>>
    %dma_wait3A_49 = arith.constant 0 : i32
    %dma_wait3A_50 = arith.constant 0 : i32
    %dma_wait3A_51 = tpu.memref_slice %arg2[%dma_wait3A_49, %dma_wait3A_50] : memref<4608x128xi32, #tpu.memory_space<hbm>> -> memref<4608x128xi32, #tpu.memory_space<hbm>>
    tpu.wait_indirect_dma semaphore(%arg9 : memref<!tpu.dma_semaphore, #tpu.memory_space<semaphore_mem>>) src(%dma_wait3A_51 : memref<4608x128xi32, #tpu.memory_space<hbm>>) dst(%arg7 : memref<64x128xi32, #tpu.memory_space<vmem>>)
    %add3A_52 = arith.constant 192 : i32
    %add3A_53 = arith.addi %mul3A_2, %add3A_52 : i32
    "tpu.region"() ({
      %run_scoped3A = tpu.sem_alloc : memref<!tpu.dma_semaphore, #tpu.memory_space<semaphore_mem>>
      %dma_start3A_769 = arith.constant 0 : i32
      %dma_start3A_770 = tpu.memref_slice %arg4[%add3A_53, %dma_start3A_769] : memref<131072x128xi32, #tpu.memory_space<hbm>> -> memref<64x128xi32, #tpu.memory_space<hbm>>
      %dma_start3A_771 = arith.constant 0 : i32
      %dma_start3A_772 = tpu.memref_slice %arg4[%add3A_53, %dma_start3A_771] : memref<131072x128xi32, #tpu.memory_space<hbm>> -> memref<64x128xi32, #tpu.memory_space<hbm>>
      tpu.enqueue_dma source(%arg7 : memref<64x128xi32, #tpu.memory_space<vmem>>) target(%dma_start3A_772 : memref<64x128xi32, #tpu.memory_space<hbm>>) target_semaphore(%run_scoped3A : memref<!tpu.dma_semaphore, #tpu.memory_space<semaphore_mem>>)
      %dma_wait3A_773 = arith.constant 0 : i32
      %dma_wait3A_774 = tpu.memref_slice %arg4[%add3A_53, %dma_wait3A_773] : memref<131072x128xi32, #tpu.memory_space<hbm>> -> memref<64x128xi32, #tpu.memory_space<hbm>>
      %dma_wait3A_775 = arith.constant 0 : i32
      %dma_wait3A_776 = tpu.memref_slice %arg4[%add3A_53, %dma_wait3A_775] : memref<131072x128xi32, #tpu.memory_space<hbm>> -> memref<64x128xi32, #tpu.memory_space<hbm>>
      tpu.wait_dma2 semaphore(%run_scoped3A : memref<!tpu.dma_semaphore, #tpu.memory_space<semaphore_mem>>) src(%arg7 : memref<64x128xi32, #tpu.memory_space<vmem>>) dst(%dma_wait3A_776 : memref<64x128xi32, #tpu.memory_space<hbm>>)
      tpu.yield
    }) : () -> ()
    %dma_start3A_54 = arith.constant 320 : i32
    %dma_start3A_55 = tpu.memref_slice %arg5[%dma_start3A_54] : memref<4096xi32, #tpu.memory_space<vmem>> -> memref<64xi32, #tpu.memory_space<vmem>>
    %dma_start3A_56 = arith.constant 0 : i32
    %dma_start3A_57 = arith.constant 0 : i32
    %dma_start3A_58 = tpu.memref_slice %arg2[%dma_start3A_56, %dma_start3A_57] : memref<4608x128xi32, #tpu.memory_space<hbm>> -> memref<4608x128xi32, #tpu.memory_space<hbm>>
    tpu.enqueue_indirect_dma source(%dma_start3A_58 : memref<4608x128xi32, #tpu.memory_space<hbm>>) target(%arg7 : memref<64x128xi32, #tpu.memory_space<vmem>>) offsets(%dma_start3A_55 : memref<64xi32, #tpu.memory_space<vmem>>) semaphore(%arg9 : memref<!tpu.dma_semaphore, #tpu.memory_space<semaphore_mem>>)
    %dma_wait3A_59 = arith.constant 256 : i32
    %dma_wait3A_60 = tpu.memref_slice %arg5[%dma_wait3A_59] : memref<4096xi32, #tpu.memory_space<vmem>> -> memref<64xi32, #tpu.memory_space<vmem>>
    %dma_wait3A_61 = arith.constant 0 : i32
    %dma_wait3A_62 = arith.constant 0 : i32
    %dma_wait3A_63 = tpu.memref_slice %arg2[%dma_wait3A_61, %dma_wait3A_62] : memref<4608x128xi32, #tpu.memory_space<hbm>> -> memref<4608x128xi32, #tpu.memory_space<hbm>>
    tpu.wait_indirect_dma semaphore(%arg8 : memref<!tpu.dma_semaphore, #tpu.memory_space<semaphore_mem>>) src(%dma_wait3A_63 : memref<4608x128xi32, #tpu.memory_space<hbm>>) dst(%arg6 : memref<64x128xi32, #tpu.memory_space<vmem>>)
    %add3A_64 = arith.constant 256 : i32
    %add3A_65 = arith.addi %mul3A_2, %add3A_64 : i32
    "tpu.region"() ({
      %run_scoped3A = tpu.sem_alloc : memref<!tpu.dma_semaphore, #tpu.memory_space<semaphore_mem>>
      %dma_start3A_769 = arith.constant 0 : i32
      %dma_start3A_770 = tpu.memref_slice %arg4[%add3A_65, %dma_start3A_769] : memref<131072x128xi32, #tpu.memory_space<hbm>> -> memref<64x128xi32, #tpu.memory_space<hbm>>
      %dma_start3A_771 = arith.constant 0 : i32
      %dma_start3A_772 = tpu.memref_slice %arg4[%add3A_65, %dma_start3A_771] : memref<131072x128xi32, #tpu.memory_space<hbm>> -> memref<64x128xi32, #tpu.memory_space<hbm>>
      tpu.enqueue_dma source(%arg6 : memref<64x128xi32, #tpu.memory_space<vmem>>) target(%dma_start3A_772 : memref<64x128xi32, #tpu.memory_space<hbm>>) target_semaphore(%run_scoped3A : memref<!tpu.dma_semaphore, #tpu.memory_space<semaphore_mem>>)
      %dma_wait3A_773 = arith.constant 0 : i32
      %dma_wait3A_774 = tpu.memref_slice %arg4[%add3A_65, %dma_wait3A_773] : memref<131072x128xi32, #tpu.memory_space<hbm>> -> memref<64x128xi32, #tpu.memory_space<hbm>>
      %dma_wait3A_775 = arith.constant 0 : i32
      %dma_wait3A_776 = tpu.memref_slice %arg4[%add3A_65, %dma_wait3A_775] : memref<131072x128xi32, #tpu.memory_space<hbm>> -> memref<64x128xi32, #tpu.memory_space<hbm>>
      tpu.wait_dma2 semaphore(%run_scoped3A : memref<!tpu.dma_semaphore, #tpu.memory_space<semaphore_mem>>) src(%arg6 : memref<64x128xi32, #tpu.memory_space<vmem>>) dst(%dma_wait3A_776 : memref<64x128xi32, #tpu.memory_space<hbm>>)
      tpu.yield
    }) : () -> ()
    %dma_start3A_66 = arith.constant 384 : i32
    %dma_start3A_67 = tpu.memref_slice %arg5[%dma_start3A_66] : memref<4096xi32, #tpu.memory_space<vmem>> -> memref<64xi32, #tpu.memory_space<vmem>>
    %dma_start3A_68 = arith.constant 0 : i32
    %dma_start3A_69 = arith.constant 0 : i32
    %dma_start3A_70 = tpu.memref_slice %arg2[%dma_start3A_68, %dma_start3A_69] : memref<4608x128xi32, #tpu.memory_space<hbm>> -> memref<4608x128xi32, #tpu.memory_space<hbm>>
    tpu.enqueue_indirect_dma source(%dma_start3A_70 : memref<4608x128xi32, #tpu.memory_space<hbm>>) target(%arg6 : memref<64x128xi32, #tpu.memory_space<vmem>>) offsets(%dma_start3A_67 : memref<64xi32, #tpu.memory_space<vmem>>) semaphore(%arg8 : memref<!tpu.dma_semaphore, #tpu.memory_space<semaphore_mem>>)
    %dma_wait3A_71 = arith.constant 320 : i32
    %dma_wait3A_72 = tpu.memref_slice %arg5[%dma_wait3A_71] : memref<4096xi32, #tpu.memory_space<vmem>> -> memref<64xi32, #tpu.memory_space<vmem>>
    %dma_wait3A_73 = arith.constant 0 : i32
    %dma_wait3A_74 = arith.constant 0 : i32
    %dma_wait3A_75 = tpu.memref_slice %arg2[%dma_wait3A_73, %dma_wait3A_74] : memref<4608x128xi32, #tpu.memory_space<hbm>> -> memref<4608x128xi32, #tpu.memory_space<hbm>>
    tpu.wait_indirect_dma semaphore(%arg9 : memref<!tpu.dma_semaphore, #tpu.memory_space<semaphore_mem>>) src(%dma_wait3A_75 : memref<4608x128xi32, #tpu.memory_space<hbm>>) dst(%arg7 : memref<64x128xi32, #tpu.memory_space<vmem>>)
    %add3A_76 = arith.constant 320 : i32
    %add3A_77 = arith.addi %mul3A_2, %add3A_76 : i32
    "tpu.region"() ({
      %run_scoped3A = tpu.sem_alloc : memref<!tpu.dma_semaphore, #tpu.memory_space<semaphore_mem>>
      %dma_start3A_769 = arith.constant 0 : i32
      %dma_start3A_770 = tpu.memref_slice %arg4[%add3A_77, %dma_start3A_769] : memref<131072x128xi32, #tpu.memory_space<hbm>> -> memref<64x128xi32, #tpu.memory_space<hbm>>
      %dma_start3A_771 = arith.constant 0 : i32
      %dma_start3A_772 = tpu.memref_slice %arg4[%add3A_77, %dma_start3A_771] : memref<131072x128xi32, #tpu.memory_space<hbm>> -> memref<64x128xi32, #tpu.memory_space<hbm>>
      tpu.enqueue_dma source(%arg7 : memref<64x128xi32, #tpu.memory_space<vmem>>) target(%dma_start3A_772 : memref<64x128xi32, #tpu.memory_space<hbm>>) target_semaphore(%run_scoped3A : memref<!tpu.dma_semaphore, #tpu.memory_space<semaphore_mem>>)
      %dma_wait3A_773 = arith.constant 0 : i32
      %dma_wait3A_774 = tpu.memref_slice %arg4[%add3A_77, %dma_wait3A_773] : memref<131072x128xi32, #tpu.memory_space<hbm>> -> memref<64x128xi32, #tpu.memory_space<hbm>>
      %dma_wait3A_775 = arith.constant 0 : i32
      %dma_wait3A_776 = tpu.memref_slice %arg4[%add3A_77, %dma_wait3A_775] : memref<131072x128xi32, #tpu.memory_space<hbm>> -> memref<64x128xi32, #tpu.memory_space<hbm>>
      tpu.wait_dma2 semaphore(%run_scoped3A : memref<!tpu.dma_semaphore, #tpu.memory_space<semaphore_mem>>) src(%arg7 : memref<64x128xi32, #tpu.memory_space<vmem>>) dst(%dma_wait3A_776 : memref<64x128xi32, #tpu.memory_space<hbm>>)
      tpu.yield
    }) : () -> ()
    %dma_start3A_78 = arith.constant 448 : i32
    %dma_start3A_79 = tpu.memref_slice %arg5[%dma_start3A_78] : memref<4096xi32, #tpu.memory_space<vmem>> -> memref<64xi32, #tpu.memory_space<vmem>>
    %dma_start3A_80 = arith.constant 0 : i32
    %dma_start3A_81 = arith.constant 0 : i32
    %dma_start3A_82 = tpu.memref_slice %arg2[%dma_start3A_80, %dma_start3A_81] : memref<4608x128xi32, #tpu.memory_space<hbm>> -> memref<4608x128xi32, #tpu.memory_space<hbm>>
    tpu.enqueue_indirect_dma source(%dma_start3A_82 : memref<4608x128xi32, #tpu.memory_space<hbm>>) target(%arg7 : memref<64x128xi32, #tpu.memory_space<vmem>>) offsets(%dma_start3A_79 : memref<64xi32, #tpu.memory_space<vmem>>) semaphore(%arg9 : memref<!tpu.dma_semaphore, #tpu.memory_space<semaphore_mem>>)
    %dma_wait3A_83 = arith.constant 384 : i32
    %dma_wait3A_84 = tpu.memref_slice %arg5[%dma_wait3A_83] : memref<4096xi32, #tpu.memory_space<vmem>> -> memref<64xi32, #tpu.memory_space<vmem>>
    %dma_wait3A_85 = arith.constant 0 : i32
    %dma_wait3A_86 = arith.constant 0 : i32
    %dma_wait3A_87 = tpu.memref_slice %arg2[%dma_wait3A_85, %dma_wait3A_86] : memref<4608x128xi32, #tpu.memory_space<hbm>> -> memref<4608x128xi32, #tpu.memory_space<hbm>>
    tpu.wait_indirect_dma semaphore(%arg8 : memref<!tpu.dma_semaphore, #tpu.memory_space<semaphore_mem>>) src(%dma_wait3A_87 : memref<4608x128xi32, #tpu.memory_space<hbm>>) dst(%arg6 : memref<64x128xi32, #tpu.memory_space<vmem>>)
    %add3A_88 = arith.constant 384 : i32
    %add3A_89 = arith.addi %mul3A_2, %add3A_88 : i32
    "tpu.region"() ({
      %run_scoped3A = tpu.sem_alloc : memref<!tpu.dma_semaphore, #tpu.memory_space<semaphore_mem>>
      %dma_start3A_769 = arith.constant 0 : i32
      %dma_start3A_770 = tpu.memref_slice %arg4[%add3A_89, %dma_start3A_769] : memref<131072x128xi32, #tpu.memory_space<hbm>> -> memref<64x128xi32, #tpu.memory_space<hbm>>
      %dma_start3A_771 = arith.constant 0 : i32
      %dma_start3A_772 = tpu.memref_slice %arg4[%add3A_89, %dma_start3A_771] : memref<131072x128xi32, #tpu.memory_space<hbm>> -> memref<64x128xi32, #tpu.memory_space<hbm>>
      tpu.enqueue_dma source(%arg6 : memref<64x128xi32, #tpu.memory_space<vmem>>) target(%dma_start3A_772 : memref<64x128xi32, #tpu.memory_space<hbm>>) target_semaphore(%run_scoped3A : memref<!tpu.dma_semaphore, #tpu.memory_space<semaphore_mem>>)
      %dma_wait3A_773 = arith.constant 0 : i32
      %dma_wait3A_774 = tpu.memref_slice %arg4[%add3A_89, %dma_wait3A_773] : memref<131072x128xi32, #tpu.memory_space<hbm>> -> memref<64x128xi32, #tpu.memory_space<hbm>>
      %dma_wait3A_775 = arith.constant 0 : i32
      %dma_wait3A_776 = tpu.memref_slice %arg4[%add3A_89, %dma_wait3A_775] : memref<131072x128xi32, #tpu.memory_space<hbm>> -> memref<64x128xi32, #tpu.memory_space<hbm>>
      tpu.wait_dma2 semaphore(%run_scoped3A : memref<!tpu.dma_semaphore, #tpu.memory_space<semaphore_mem>>) src(%arg6 : memref<64x128xi32, #tpu.memory_space<vmem>>) dst(%dma_wait3A_776 : memref<64x128xi32, #tpu.memory_space<hbm>>)
      tpu.yield
    }) : () -> ()
    %dma_start3A_90 = arith.constant 512 : i32
    %dma_start3A_91 = tpu.memref_slice %arg5[%dma_start3A_90] : memref<4096xi32, #tpu.memory_space<vmem>> -> memref<64xi32, #tpu.memory_space<vmem>>
    %dma_start3A_92 = arith.constant 0 : i32
    %dma_start3A_93 = arith.constant 0 : i32
    %dma_start3A_94 = tpu.memref_slice %arg2[%dma_start3A_92, %dma_start3A_93] : memref<4608x128xi32, #tpu.memory_space<hbm>> -> memref<4608x128xi32, #tpu.memory_space<hbm>>
    tpu.enqueue_indirect_dma source(%dma_start3A_94 : memref<4608x128xi32, #tpu.memory_space<hbm>>) target(%arg6 : memref<64x128xi32, #tpu.memory_space<vmem>>) offsets(%dma_start3A_91 : memref<64xi32, #tpu.memory_space<vmem>>) semaphore(%arg8 : memref<!tpu.dma_semaphore, #tpu.memory_space<semaphore_mem>>)
    %dma_wait3A_95 = arith.constant 448 : i32
    %dma_wait3A_96 = tpu.memref_slice %arg5[%dma_wait3A_95] : memref<4096xi32, #tpu.memory_space<vmem>> -> memref<64xi32, #tpu.memory_space<vmem>>
    %dma_wait3A_97 = arith.constant 0 : i32
    %dma_wait3A_98 = arith.constant 0 : i32
    %dma_wait3A_99 = tpu.memref_slice %arg2[%dma_wait3A_97, %dma_wait3A_98] : memref<4608x128xi32, #tpu.memory_space<hbm>> -> memref<4608x128xi32, #tpu.memory_space<hbm>>
    tpu.wait_indirect_dma semaphore(%arg9 : memref<!tpu.dma_semaphore, #tpu.memory_space<semaphore_mem>>) src(%dma_wait3A_99 : memref<4608x128xi32, #tpu.memory_space<hbm>>) dst(%arg7 : memref<64x128xi32, #tpu.memory_space<vmem>>)
    %add3A_100 = arith.constant 448 : i32
    %add3A_101 = arith.addi %mul3A_2, %add3A_100 : i32
    "tpu.region"() ({
      %run_scoped3A = tpu.sem_alloc : memref<!tpu.dma_semaphore, #tpu.memory_space<semaphore_mem>>
      %dma_start3A_769 = arith.constant 0 : i32
      %dma_start3A_770 = tpu.memref_slice %arg4[%add3A_101, %dma_start3A_769] : memref<131072x128xi32, #tpu.memory_space<hbm>> -> memref<64x128xi32, #tpu.memory_space<hbm>>
      %dma_start3A_771 = arith.constant 0 : i32
      %dma_start3A_772 = tpu.memref_slice %arg4[%add3A_101, %dma_start3A_771] : memref<131072x128xi32, #tpu.memory_space<hbm>> -> memref<64x128xi32, #tpu.memory_space<hbm>>
      tpu.enqueue_dma source(%arg7 : memref<64x128xi32, #tpu.memory_space<vmem>>) target(%dma_start3A_772 : memref<64x128xi32, #tpu.memory_space<hbm>>) target_semaphore(%run_scoped3A : memref<!tpu.dma_semaphore, #tpu.memory_space<semaphore_mem>>)
      %dma_wait3A_773 = arith.constant 0 : i32
      %dma_wait3A_774 = tpu.memref_slice %arg4[%add3A_101, %dma_wait3A_773] : memref<131072x128xi32, #tpu.memory_space<hbm>> -> memref<64x128xi32, #tpu.memory_space<hbm>>
      %dma_wait3A_775 = arith.constant 0 : i32
      %dma_wait3A_776 = tpu.memref_slice %arg4[%add3A_101, %dma_wait3A_775] : memref<131072x128xi32, #tpu.memory_space<hbm>> -> memref<64x128xi32, #tpu.memory_space<hbm>>
      tpu.wait_dma2 semaphore(%run_scoped3A : memref<!tpu.dma_semaphore, #tpu.memory_space<semaphore_mem>>) src(%arg7 : memref<64x128xi32, #tpu.memory_space<vmem>>) dst(%dma_wait3A_776 : memref<64x128xi32, #tpu.memory_space<hbm>>)
      tpu.yield
    }) : () -> ()
    %dma_start3A_102 = arith.constant 576 : i32
    %dma_start3A_103 = tpu.memref_slice %arg5[%dma_start3A_102] : memref<4096xi32, #tpu.memory_space<vmem>> -> memref<64xi32, #tpu.memory_space<vmem>>
    %dma_start3A_104 = arith.constant 0 : i32
    %dma_start3A_105 = arith.constant 0 : i32
    %dma_start3A_106 = tpu.memref_slice %arg2[%dma_start3A_104, %dma_start3A_105] : memref<4608x128xi32, #tpu.memory_space<hbm>> -> memref<4608x128xi32, #tpu.memory_space<hbm>>
    tpu.enqueue_indirect_dma source(%dma_start3A_106 : memref<4608x128xi32, #tpu.memory_space<hbm>>) target(%arg7 : memref<64x128xi32, #tpu.memory_space<vmem>>) offsets(%dma_start3A_103 : memref<64xi32, #tpu.memory_space<vmem>>) semaphore(%arg9 : memref<!tpu.dma_semaphore, #tpu.memory_space<semaphore_mem>>)
    %dma_wait3A_107 = arith.constant 512 : i32
    %dma_wait3A_108 = tpu.memref_slice %arg5[%dma_wait3A_107] : memref<4096xi32, #tpu.memory_space<vmem>> -> memref<64xi32, #tpu.memory_space<vmem>>
    %dma_wait3A_109 = arith.constant 0 : i32
    %dma_wait3A_110 = arith.constant 0 : i32
    %dma_wait3A_111 = tpu.memref_slice %arg2[%dma_wait3A_109, %dma_wait3A_110] : memref<4608x128xi32, #tpu.memory_space<hbm>> -> memref<4608x128xi32, #tpu.memory_space<hbm>>
    tpu.wait_indirect_dma semaphore(%arg8 : memref<!tpu.dma_semaphore, #tpu.memory_space<semaphore_mem>>) src(%dma_wait3A_111 : memref<4608x128xi32, #tpu.memory_space<hbm>>) dst(%arg6 : memref<64x128xi32, #tpu.memory_space<vmem>>)
    %add3A_112 = arith.constant 512 : i32
    %add3A_113 = arith.addi %mul3A_2, %add3A_112 : i32
    "tpu.region"() ({
      %run_scoped3A = tpu.sem_alloc : memref<!tpu.dma_semaphore, #tpu.memory_space<semaphore_mem>>
      %dma_start3A_769 = arith.constant 0 : i32
      %dma_start3A_770 = tpu.memref_slice %arg4[%add3A_113, %dma_start3A_769] : memref<131072x128xi32, #tpu.memory_space<hbm>> -> memref<64x128xi32, #tpu.memory_space<hbm>>
      %dma_start3A_771 = arith.constant 0 : i32
      %dma_start3A_772 = tpu.memref_slice %arg4[%add3A_113, %dma_start3A_771] : memref<131072x128xi32, #tpu.memory_space<hbm>> -> memref<64x128xi32, #tpu.memory_space<hbm>>
      tpu.enqueue_dma source(%arg6 : memref<64x128xi32, #tpu.memory_space<vmem>>) target(%dma_start3A_772 : memref<64x128xi32, #tpu.memory_space<hbm>>) target_semaphore(%run_scoped3A : memref<!tpu.dma_semaphore, #tpu.memory_space<semaphore_mem>>)
      %dma_wait3A_773 = arith.constant 0 : i32
      %dma_wait3A_774 = tpu.memref_slice %arg4[%add3A_113, %dma_wait3A_773] : memref<131072x128xi32, #tpu.memory_space<hbm>> -> memref<64x128xi32, #tpu.memory_space<hbm>>
      %dma_wait3A_775 = arith.constant 0 : i32
      %dma_wait3A_776 = tpu.memref_slice %arg4[%add3A_113, %dma_wait3A_775] : memref<131072x128xi32, #tpu.memory_space<hbm>> -> memref<64x128xi32, #tpu.memory_space<hbm>>
      tpu.wait_dma2 semaphore(%run_scoped3A : memref<!tpu.dma_semaphore, #tpu.memory_space<semaphore_mem>>) src(%arg6 : memref<64x128xi32, #tpu.memory_space<vmem>>) dst(%dma_wait3A_776 : memref<64x128xi32, #tpu.memory_space<hbm>>)
      tpu.yield
    }) : () -> ()
    %dma_start3A_114 = arith.constant 640 : i32
    %dma_start3A_115 = tpu.memref_slice %arg5[%dma_start3A_114] : memref<4096xi32, #tpu.memory_space<vmem>> -> memref<64xi32, #tpu.memory_space<vmem>>
    %dma_start3A_116 = arith.constant 0 : i32
    %dma_start3A_117 = arith.constant 0 : i32
    %dma_start3A_118 = tpu.memref_slice %arg2[%dma_start3A_116, %dma_start3A_117] : memref<4608x128xi32, #tpu.memory_space<hbm>> -> memref<4608x128xi32, #tpu.memory_space<hbm>>
    tpu.enqueue_indirect_dma source(%dma_start3A_118 : memref<4608x128xi32, #tpu.memory_space<hbm>>) target(%arg6 : memref<64x128xi32, #tpu.memory_space<vmem>>) offsets(%dma_start3A_115 : memref<64xi32, #tpu.memory_space<vmem>>) semaphore(%arg8 : memref<!tpu.dma_semaphore, #tpu.memory_space<semaphore_mem>>)
    %dma_wait3A_119 = arith.constant 576 : i32
    %dma_wait3A_120 = tpu.memref_slice %arg5[%dma_wait3A_119] : memref<4096xi32, #tpu.memory_space<vmem>> -> memref<64xi32, #tpu.memory_space<vmem>>
    %dma_wait3A_121 = arith.constant 0 : i32
    %dma_wait3A_122 = arith.constant 0 : i32
    %dma_wait3A_123 = tpu.memref_slice %arg2[%dma_wait3A_121, %dma_wait3A_122] : memref<4608x128xi32, #tpu.memory_space<hbm>> -> memref<4608x128xi32, #tpu.memory_space<hbm>>
    tpu.wait_indirect_dma semaphore(%arg9 : memref<!tpu.dma_semaphore, #tpu.memory_space<semaphore_mem>>) src(%dma_wait3A_123 : memref<4608x128xi32, #tpu.memory_space<hbm>>) dst(%arg7 : memref<64x128xi32, #tpu.memory_space<vmem>>)
    %add3A_124 = arith.constant 576 : i32
    %add3A_125 = arith.addi %mul3A_2, %add3A_124 : i32
    "tpu.region"() ({
      %run_scoped3A = tpu.sem_alloc : memref<!tpu.dma_semaphore, #tpu.memory_space<semaphore_mem>>
      %dma_start3A_769 = arith.constant 0 : i32
      %dma_start3A_770 = tpu.memref_slice %arg4[%add3A_125, %dma_start3A_769] : memref<131072x128xi32, #tpu.memory_space<hbm>> -> memref<64x128xi32, #tpu.memory_space<hbm>>
      %dma_start3A_771 = arith.constant 0 : i32
      %dma_start3A_772 = tpu.memref_slice %arg4[%add3A_125, %dma_start3A_771] : memref<131072x128xi32, #tpu.memory_space<hbm>> -> memref<64x128xi32, #tpu.memory_space<hbm>>
      tpu.enqueue_dma source(%arg7 : memref<64x128xi32, #tpu.memory_space<vmem>>) target(%dma_start3A_772 : memref<64x128xi32, #tpu.memory_space<hbm>>) target_semaphore(%run_scoped3A : memref<!tpu.dma_semaphore, #tpu.memory_space<semaphore_mem>>)
      %dma_wait3A_773 = arith.constant 0 : i32
      %dma_wait3A_774 = tpu.memref_slice %arg4[%add3A_125, %dma_wait3A_773] : memref<131072x128xi32, #tpu.memory_space<hbm>> -> memref<64x128xi32, #tpu.memory_space<hbm>>
      %dma_wait3A_775 = arith.constant 0 : i32
      %dma_wait3A_776 = tpu.memref_slice %arg4[%add3A_125, %dma_wait3A_775] : memref<131072x128xi32, #tpu.memory_space<hbm>> -> memref<64x128xi32, #tpu.memory_space<hbm>>
      tpu.wait_dma2 semaphore(%run_scoped3A : memref<!tpu.dma_semaphore, #tpu.memory_space<semaphore_mem>>) src(%arg7 : memref<64x128xi32, #tpu.memory_space<vmem>>) dst(%dma_wait3A_776 : memref<64x128xi32, #tpu.memory_space<hbm>>)
      tpu.yield
    }) : () -> ()
    %dma_start3A_126 = arith.constant 704 : i32
    %dma_start3A_127 = tpu.memref_slice %arg5[%dma_start3A_126] : memref<4096xi32, #tpu.memory_space<vmem>> -> memref<64xi32, #tpu.memory_space<vmem>>
    %dma_start3A_128 = arith.constant 0 : i32
    %dma_start3A_129 = arith.constant 0 : i32
    %dma_start3A_130 = tpu.memref_slice %arg2[%dma_start3A_128, %dma_start3A_129] : memref<4608x128xi32, #tpu.memory_space<hbm>> -> memref<4608x128xi32, #tpu.memory_space<hbm>>
    tpu.enqueue_indirect_dma source(%dma_start3A_130 : memref<4608x128xi32, #tpu.memory_space<hbm>>) target(%arg7 : memref<64x128xi32, #tpu.memory_space<vmem>>) offsets(%dma_start3A_127 : memref<64xi32, #tpu.memory_space<vmem>>) semaphore(%arg9 : memref<!tpu.dma_semaphore, #tpu.memory_space<semaphore_mem>>)
    %dma_wait3A_131 = arith.constant 640 : i32
    %dma_wait3A_132 = tpu.memref_slice %arg5[%dma_wait3A_131] : memref<4096xi32, #tpu.memory_space<vmem>> -> memref<64xi32, #tpu.memory_space<vmem>>
    %dma_wait3A_133 = arith.constant 0 : i32
    %dma_wait3A_134 = arith.constant 0 : i32
    %dma_wait3A_135 = tpu.memref_slice %arg2[%dma_wait3A_133, %dma_wait3A_134] : memref<4608x128xi32, #tpu.memory_space<hbm>> -> memref<4608x128xi32, #tpu.memory_space<hbm>>
    tpu.wait_indirect_dma semaphore(%arg8 : memref<!tpu.dma_semaphore, #tpu.memory_space<semaphore_mem>>) src(%dma_wait3A_135 : memref<4608x128xi32, #tpu.memory_space<hbm>>) dst(%arg6 : memref<64x128xi32, #tpu.memory_space<vmem>>)
    %add3A_136 = arith.constant 640 : i32
    %add3A_137 = arith.addi %mul3A_2, %add3A_136 : i32
    "tpu.region"() ({
      %run_scoped3A = tpu.sem_alloc : memref<!tpu.dma_semaphore, #tpu.memory_space<semaphore_mem>>
      %dma_start3A_769 = arith.constant 0 : i32
      %dma_start3A_770 = tpu.memref_slice %arg4[%add3A_137, %dma_start3A_769] : memref<131072x128xi32, #tpu.memory_space<hbm>> -> memref<64x128xi32, #tpu.memory_space<hbm>>
      %dma_start3A_771 = arith.constant 0 : i32
      %dma_start3A_772 = tpu.memref_slice %arg4[%add3A_137, %dma_start3A_771] : memref<131072x128xi32, #tpu.memory_space<hbm>> -> memref<64x128xi32, #tpu.memory_space<hbm>>
      tpu.enqueue_dma source(%arg6 : memref<64x128xi32, #tpu.memory_space<vmem>>) target(%dma_start3A_772 : memref<64x128xi32, #tpu.memory_space<hbm>>) target_semaphore(%run_scoped3A : memref<!tpu.dma_semaphore, #tpu.memory_space<semaphore_mem>>)
      %dma_wait3A_773 = arith.constant 0 : i32
      %dma_wait3A_774 = tpu.memref_slice %arg4[%add3A_137, %dma_wait3A_773] : memref<131072x128xi32, #tpu.memory_space<hbm>> -> memref<64x128xi32, #tpu.memory_space<hbm>>
      %dma_wait3A_775 = arith.constant 0 : i32
      %dma_wait3A_776 = tpu.memref_slice %arg4[%add3A_137, %dma_wait3A_775] : memref<131072x128xi32, #tpu.memory_space<hbm>> -> memref<64x128xi32, #tpu.memory_space<hbm>>
      tpu.wait_dma2 semaphore(%run_scoped3A : memref<!tpu.dma_semaphore, #tpu.memory_space<semaphore_mem>>) src(%arg6 : memref<64x128xi32, #tpu.memory_space<vmem>>) dst(%dma_wait3A_776 : memref<64x128xi32, #tpu.memory_space<hbm>>)
      tpu.yield
    }) : () -> ()
    %dma_start3A_138 = arith.constant 768 : i32
    %dma_start3A_139 = tpu.memref_slice %arg5[%dma_start3A_138] : memref<4096xi32, #tpu.memory_space<vmem>> -> memref<64xi32, #tpu.memory_space<vmem>>
    %dma_start3A_140 = arith.constant 0 : i32
    %dma_start3A_141 = arith.constant 0 : i32
    %dma_start3A_142 = tpu.memref_slice %arg2[%dma_start3A_140, %dma_start3A_141] : memref<4608x128xi32, #tpu.memory_space<hbm>> -> memref<4608x128xi32, #tpu.memory_space<hbm>>
    tpu.enqueue_indirect_dma source(%dma_start3A_142 : memref<4608x128xi32, #tpu.memory_space<hbm>>) target(%arg6 : memref<64x128xi32, #tpu.memory_space<vmem>>) offsets(%dma_start3A_139 : memref<64xi32, #tpu.memory_space<vmem>>) semaphore(%arg8 : memref<!tpu.dma_semaphore, #tpu.memory_space<semaphore_mem>>)
    %dma_wait3A_143 = arith.constant 704 : i32
    %dma_wait3A_144 = tpu.memref_slice %arg5[%dma_wait3A_143] : memref<4096xi32, #tpu.memory_space<vmem>> -> memref<64xi32, #tpu.memory_space<vmem>>
    %dma_wait3A_145 = arith.constant 0 : i32
    %dma_wait3A_146 = arith.constant 0 : i32
    %dma_wait3A_147 = tpu.memref_slice %arg2[%dma_wait3A_145, %dma_wait3A_146] : memref<4608x128xi32, #tpu.memory_space<hbm>> -> memref<4608x128xi32, #tpu.memory_space<hbm>>
    tpu.wait_indirect_dma semaphore(%arg9 : memref<!tpu.dma_semaphore, #tpu.memory_space<semaphore_mem>>) src(%dma_wait3A_147 : memref<4608x128xi32, #tpu.memory_space<hbm>>) dst(%arg7 : memref<64x128xi32, #tpu.memory_space<vmem>>)
    %add3A_148 = arith.constant 704 : i32
    %add3A_149 = arith.addi %mul3A_2, %add3A_148 : i32
    "tpu.region"() ({
      %run_scoped3A = tpu.sem_alloc : memref<!tpu.dma_semaphore, #tpu.memory_space<semaphore_mem>>
      %dma_start3A_769 = arith.constant 0 : i32
      %dma_start3A_770 = tpu.memref_slice %arg4[%add3A_149, %dma_start3A_769] : memref<131072x128xi32, #tpu.memory_space<hbm>> -> memref<64x128xi32, #tpu.memory_space<hbm>>
      %dma_start3A_771 = arith.constant 0 : i32
      %dma_start3A_772 = tpu.memref_slice %arg4[%add3A_149, %dma_start3A_771] : memref<131072x128xi32, #tpu.memory_space<hbm>> -> memref<64x128xi32, #tpu.memory_space<hbm>>
      tpu.enqueue_dma source(%arg7 : memref<64x128xi32, #tpu.memory_space<vmem>>) target(%dma_start3A_772 : memref<64x128xi32, #tpu.memory_space<hbm>>) target_semaphore(%run_scoped3A : memref<!tpu.dma_semaphore, #tpu.memory_space<semaphore_mem>>)
      %dma_wait3A_773 = arith.constant 0 : i32
      %dma_wait3A_774 = tpu.memref_slice %arg4[%add3A_149, %dma_wait3A_773] : memref<131072x128xi32, #tpu.memory_space<hbm>> -> memref<64x128xi32, #tpu.memory_space<hbm>>
      %dma_wait3A_775 = arith.constant 0 : i32
      %dma_wait3A_776 = tpu.memref_slice %arg4[%add3A_149, %dma_wait3A_775] : memref<131072x128xi32, #tpu.memory_space<hbm>> -> memref<64x128xi32, #tpu.memory_space<hbm>>
      tpu.wait_dma2 semaphore(%run_scoped3A : memref<!tpu.dma_semaphore, #tpu.memory_space<semaphore_mem>>) src(%arg7 : memref<64x128xi32, #tpu.memory_space<vmem>>) dst(%dma_wait3A_776 : memref<64x128xi32, #tpu.memory_space<hbm>>)
      tpu.yield
    }) : () -> ()
    %dma_start3A_150 = arith.constant 832 : i32
    %dma_start3A_151 = tpu.memref_slice %arg5[%dma_start3A_150] : memref<4096xi32, #tpu.memory_space<vmem>> -> memref<64xi32, #tpu.memory_space<vmem>>
    %dma_start3A_152 = arith.constant 0 : i32
    %dma_start3A_153 = arith.constant 0 : i32
    %dma_start3A_154 = tpu.memref_slice %arg2[%dma_start3A_152, %dma_start3A_153] : memref<4608x128xi32, #tpu.memory_space<hbm>> -> memref<4608x128xi32, #tpu.memory_space<hbm>>
    tpu.enqueue_indirect_dma source(%dma_start3A_154 : memref<4608x128xi32, #tpu.memory_space<hbm>>) target(%arg7 : memref<64x128xi32, #tpu.memory_space<vmem>>) offsets(%dma_start3A_151 : memref<64xi32, #tpu.memory_space<vmem>>) semaphore(%arg9 : memref<!tpu.dma_semaphore, #tpu.memory_space<semaphore_mem>>)
    %dma_wait3A_155 = arith.constant 768 : i32
    %dma_wait3A_156 = tpu.memref_slice %arg5[%dma_wait3A_155] : memref<4096xi32, #tpu.memory_space<vmem>> -> memref<64xi32, #tpu.memory_space<vmem>>
    %dma_wait3A_157 = arith.constant 0 : i32
    %dma_wait3A_158 = arith.constant 0 : i32
    %dma_wait3A_159 = tpu.memref_slice %arg2[%dma_wait3A_157, %dma_wait3A_158] : memref<4608x128xi32, #tpu.memory_space<hbm>> -> memref<4608x128xi32, #tpu.memory_space<hbm>>
    tpu.wait_indirect_dma semaphore(%arg8 : memref<!tpu.dma_semaphore, #tpu.memory_space<semaphore_mem>>) src(%dma_wait3A_159 : memref<4608x128xi32, #tpu.memory_space<hbm>>) dst(%arg6 : memref<64x128xi32, #tpu.memory_space<vmem>>)
    %add3A_160 = arith.constant 768 : i32
    %add3A_161 = arith.addi %mul3A_2, %add3A_160 : i32
    "tpu.region"() ({
      %run_scoped3A = tpu.sem_alloc : memref<!tpu.dma_semaphore, #tpu.memory_space<semaphore_mem>>
      %dma_start3A_769 = arith.constant 0 : i32
      %dma_start3A_770 = tpu.memref_slice %arg4[%add3A_161, %dma_start3A_769] : memref<131072x128xi32, #tpu.memory_space<hbm>> -> memref<64x128xi32, #tpu.memory_space<hbm>>
      %dma_start3A_771 = arith.constant 0 : i32
      %dma_start3A_772 = tpu.memref_slice %arg4[%add3A_161, %dma_start3A_771] : memref<131072x128xi32, #tpu.memory_space<hbm>> -> memref<64x128xi32, #tpu.memory_space<hbm>>
      tpu.enqueue_dma source(%arg6 : memref<64x128xi32, #tpu.memory_space<vmem>>) target(%dma_start3A_772 : memref<64x128xi32, #tpu.memory_space<hbm>>) target_semaphore(%run_scoped3A : memref<!tpu.dma_semaphore, #tpu.memory_space<semaphore_mem>>)
      %dma_wait3A_773 = arith.constant 0 : i32
      %dma_wait3A_774 = tpu.memref_slice %arg4[%add3A_161, %dma_wait3A_773] : memref<131072x128xi32, #tpu.memory_space<hbm>> -> memref<64x128xi32, #tpu.memory_space<hbm>>
      %dma_wait3A_775 = arith.constant 0 : i32
      %dma_wait3A_776 = tpu.memref_slice %arg4[%add3A_161, %dma_wait3A_775] : memref<131072x128xi32, #tpu.memory_space<hbm>> -> memref<64x128xi32, #tpu.memory_space<hbm>>
      tpu.wait_dma2 semaphore(%run_scoped3A : memref<!tpu.dma_semaphore, #tpu.memory_space<semaphore_mem>>) src(%arg6 : memref<64x128xi32, #tpu.memory_space<vmem>>) dst(%dma_wait3A_776 : memref<64x128xi32, #tpu.memory_space<hbm>>)
      tpu.yield
    }) : () -> ()
    %dma_start3A_162 = arith.constant 896 : i32
    %dma_start3A_163 = tpu.memref_slice %arg5[%dma_start3A_162] : memref<4096xi32, #tpu.memory_space<vmem>> -> memref<64xi32, #tpu.memory_space<vmem>>
    %dma_start3A_164 = arith.constant 0 : i32
    %dma_start3A_165 = arith.constant 0 : i32
    %dma_start3A_166 = tpu.memref_slice %arg2[%dma_start3A_164, %dma_start3A_165] : memref<4608x128xi32, #tpu.memory_space<hbm>> -> memref<4608x128xi32, #tpu.memory_space<hbm>>
    tpu.enqueue_indirect_dma source(%dma_start3A_166 : memref<4608x128xi32, #tpu.memory_space<hbm>>) target(%arg6 : memref<64x128xi32, #tpu.memory_space<vmem>>) offsets(%dma_start3A_163 : memref<64xi32, #tpu.memory_space<vmem>>) semaphore(%arg8 : memref<!tpu.dma_semaphore, #tpu.memory_space<semaphore_mem>>)
    %dma_wait3A_167 = arith.constant 832 : i32
    %dma_wait3A_168 = tpu.memref_slice %arg5[%dma_wait3A_167] : memref<4096xi32, #tpu.memory_space<vmem>> -> memref<64xi32, #tpu.memory_space<vmem>>
    %dma_wait3A_169 = arith.constant 0 : i32
    %dma_wait3A_170 = arith.constant 0 : i32
    %dma_wait3A_171 = tpu.memref_slice %arg2[%dma_wait3A_169, %dma_wait3A_170] : memref<4608x128xi32, #tpu.memory_space<hbm>> -> memref<4608x128xi32, #tpu.memory_space<hbm>>
    tpu.wait_indirect_dma semaphore(%arg9 : memref<!tpu.dma_semaphore, #tpu.memory_space<semaphore_mem>>) src(%dma_wait3A_171 : memref<4608x128xi32, #tpu.memory_space<hbm>>) dst(%arg7 : memref<64x128xi32, #tpu.memory_space<vmem>>)
    %add3A_172 = arith.constant 832 : i32
    %add3A_173 = arith.addi %mul3A_2, %add3A_172 : i32
    "tpu.region"() ({
      %run_scoped3A = tpu.sem_alloc : memref<!tpu.dma_semaphore, #tpu.memory_space<semaphore_mem>>
      %dma_start3A_769 = arith.constant 0 : i32
      %dma_start3A_770 = tpu.memref_slice %arg4[%add3A_173, %dma_start3A_769] : memref<131072x128xi32, #tpu.memory_space<hbm>> -> memref<64x128xi32, #tpu.memory_space<hbm>>
      %dma_start3A_771 = arith.constant 0 : i32
      %dma_start3A_772 = tpu.memref_slice %arg4[%add3A_173, %dma_start3A_771] : memref<131072x128xi32, #tpu.memory_space<hbm>> -> memref<64x128xi32, #tpu.memory_space<hbm>>
      tpu.enqueue_dma source(%arg7 : memref<64x128xi32, #tpu.memory_space<vmem>>) target(%dma_start3A_772 : memref<64x128xi32, #tpu.memory_space<hbm>>) target_semaphore(%run_scoped3A : memref<!tpu.dma_semaphore, #tpu.memory_space<semaphore_mem>>)
      %dma_wait3A_773 = arith.constant 0 : i32
      %dma_wait3A_774 = tpu.memref_slice %arg4[%add3A_173, %dma_wait3A_773] : memref<131072x128xi32, #tpu.memory_space<hbm>> -> memref<64x128xi32, #tpu.memory_space<hbm>>
      %dma_wait3A_775 = arith.constant 0 : i32
      %dma_wait3A_776 = tpu.memref_slice %arg4[%add3A_173, %dma_wait3A_775] : memref<131072x128xi32, #tpu.memory_space<hbm>> -> memref<64x128xi32, #tpu.memory_space<hbm>>
      tpu.wait_dma2 semaphore(%run_scoped3A : memref<!tpu.dma_semaphore, #tpu.memory_space<semaphore_mem>>) src(%arg7 : memref<64x128xi32, #tpu.memory_space<vmem>>) dst(%dma_wait3A_776 : memref<64x128xi32, #tpu.memory_space<hbm>>)
      tpu.yield
    }) : () -> ()
    %dma_start3A_174 = arith.constant 960 : i32
    %dma_start3A_175 = tpu.memref_slice %arg5[%dma_start3A_174] : memref<4096xi32, #tpu.memory_space<vmem>> -> memref<64xi32, #tpu.memory_space<vmem>>
    %dma_start3A_176 = arith.constant 0 : i32
    %dma_start3A_177 = arith.constant 0 : i32
    %dma_start3A_178 = tpu.memref_slice %arg2[%dma_start3A_176, %dma_start3A_177] : memref<4608x128xi32, #tpu.memory_space<hbm>> -> memref<4608x128xi32, #tpu.memory_space<hbm>>
    tpu.enqueue_indirect_dma source(%dma_start3A_178 : memref<4608x128xi32, #tpu.memory_space<hbm>>) target(%arg7 : memref<64x128xi32, #tpu.memory_space<vmem>>) offsets(%dma_start3A_175 : memref<64xi32, #tpu.memory_space<vmem>>) semaphore(%arg9 : memref<!tpu.dma_semaphore, #tpu.memory_space<semaphore_mem>>)
    %dma_wait3A_179 = arith.constant 896 : i32
    %dma_wait3A_180 = tpu.memref_slice %arg5[%dma_wait3A_179] : memref<4096xi32, #tpu.memory_space<vmem>> -> memref<64xi32, #tpu.memory_space<vmem>>
    %dma_wait3A_181 = arith.constant 0 : i32
    %dma_wait3A_182 = arith.constant 0 : i32
    %dma_wait3A_183 = tpu.memref_slice %arg2[%dma_wait3A_181, %dma_wait3A_182] : memref<4608x128xi32, #tpu.memory_space<hbm>> -> memref<4608x128xi32, #tpu.memory_space<hbm>>
    tpu.wait_indirect_dma semaphore(%arg8 : memref<!tpu.dma_semaphore, #tpu.memory_space<semaphore_mem>>) src(%dma_wait3A_183 : memref<4608x128xi32, #tpu.memory_space<hbm>>) dst(%arg6 : memref<64x128xi32, #tpu.memory_space<vmem>>)
    %add3A_184 = arith.constant 896 : i32
    %add3A_185 = arith.addi %mul3A_2, %add3A_184 : i32
    "tpu.region"() ({
      %run_scoped3A = tpu.sem_alloc : memref<!tpu.dma_semaphore, #tpu.memory_space<semaphore_mem>>
      %dma_start3A_769 = arith.constant 0 : i32
      %dma_start3A_770 = tpu.memref_slice %arg4[%add3A_185, %dma_start3A_769] : memref<131072x128xi32, #tpu.memory_space<hbm>> -> memref<64x128xi32, #tpu.memory_space<hbm>>
      %dma_start3A_771 = arith.constant 0 : i32
      %dma_start3A_772 = tpu.memref_slice %arg4[%add3A_185, %dma_start3A_771] : memref<131072x128xi32, #tpu.memory_space<hbm>> -> memref<64x128xi32, #tpu.memory_space<hbm>>
      tpu.enqueue_dma source(%arg6 : memref<64x128xi32, #tpu.memory_space<vmem>>) target(%dma_start3A_772 : memref<64x128xi32, #tpu.memory_space<hbm>>) target_semaphore(%run_scoped3A : memref<!tpu.dma_semaphore, #tpu.memory_space<semaphore_mem>>)
      %dma_wait3A_773 = arith.constant 0 : i32
      %dma_wait3A_774 = tpu.memref_slice %arg4[%add3A_185, %dma_wait3A_773] : memref<131072x128xi32, #tpu.memory_space<hbm>> -> memref<64x128xi32, #tpu.memory_space<hbm>>
      %dma_wait3A_775 = arith.constant 0 : i32
      %dma_wait3A_776 = tpu.memref_slice %arg4[%add3A_185, %dma_wait3A_775] : memref<131072x128xi32, #tpu.memory_space<hbm>> -> memref<64x128xi32, #tpu.memory_space<hbm>>
      tpu.wait_dma2 semaphore(%run_scoped3A : memref<!tpu.dma_semaphore, #tpu.memory_space<semaphore_mem>>) src(%arg6 : memref<64x128xi32, #tpu.memory_space<vmem>>) dst(%dma_wait3A_776 : memref<64x128xi32, #tpu.memory_space<hbm>>)
      tpu.yield
    }) : () -> ()
    %dma_start3A_186 = arith.constant 1024 : i32
    %dma_start3A_187 = tpu.memref_slice %arg5[%dma_start3A_186] : memref<4096xi32, #tpu.memory_space<vmem>> -> memref<64xi32, #tpu.memory_space<vmem>>
    %dma_start3A_188 = arith.constant 0 : i32
    %dma_start3A_189 = arith.constant 0 : i32
    %dma_start3A_190 = tpu.memref_slice %arg2[%dma_start3A_188, %dma_start3A_189] : memref<4608x128xi32, #tpu.memory_space<hbm>> -> memref<4608x128xi32, #tpu.memory_space<hbm>>
    tpu.enqueue_indirect_dma source(%dma_start3A_190 : memref<4608x128xi32, #tpu.memory_space<hbm>>) target(%arg6 : memref<64x128xi32, #tpu.memory_space<vmem>>) offsets(%dma_start3A_187 : memref<64xi32, #tpu.memory_space<vmem>>) semaphore(%arg8 : memref<!tpu.dma_semaphore, #tpu.memory_space<semaphore_mem>>)
    %dma_wait3A_191 = arith.constant 960 : i32
    %dma_wait3A_192 = tpu.memref_slice %arg5[%dma_wait3A_191] : memref<4096xi32, #tpu.memory_space<vmem>> -> memref<64xi32, #tpu.memory_space<vmem>>
    %dma_wait3A_193 = arith.constant 0 : i32
    %dma_wait3A_194 = arith.constant 0 : i32
    %dma_wait3A_195 = tpu.memref_slice %arg2[%dma_wait3A_193, %dma_wait3A_194] : memref<4608x128xi32, #tpu.memory_space<hbm>> -> memref<4608x128xi32, #tpu.memory_space<hbm>>
    tpu.wait_indirect_dma semaphore(%arg9 : memref<!tpu.dma_semaphore, #tpu.memory_space<semaphore_mem>>) src(%dma_wait3A_195 : memref<4608x128xi32, #tpu.memory_space<hbm>>) dst(%arg7 : memref<64x128xi32, #tpu.memory_space<vmem>>)
    %add3A_196 = arith.constant 960 : i32
    %add3A_197 = arith.addi %mul3A_2, %add3A_196 : i32
    "tpu.region"() ({
      %run_scoped3A = tpu.sem_alloc : memref<!tpu.dma_semaphore, #tpu.memory_space<semaphore_mem>>
      %dma_start3A_769 = arith.constant 0 : i32
      %dma_start3A_770 = tpu.memref_slice %arg4[%add3A_197, %dma_start3A_769] : memref<131072x128xi32, #tpu.memory_space<hbm>> -> memref<64x128xi32, #tpu.memory_space<hbm>>
      %dma_start3A_771 = arith.constant 0 : i32
      %dma_start3A_772 = tpu.memref_slice %arg4[%add3A_197, %dma_start3A_771] : memref<131072x128xi32, #tpu.memory_space<hbm>> -> memref<64x128xi32, #tpu.memory_space<hbm>>
      tpu.enqueue_dma source(%arg7 : memref<64x128xi32, #tpu.memory_space<vmem>>) target(%dma_start3A_772 : memref<64x128xi32, #tpu.memory_space<hbm>>) target_semaphore(%run_scoped3A : memref<!tpu.dma_semaphore, #tpu.memory_space<semaphore_mem>>)
      %dma_wait3A_773 = arith.constant 0 : i32
      %dma_wait3A_774 = tpu.memref_slice %arg4[%add3A_197, %dma_wait3A_773] : memref<131072x128xi32, #tpu.memory_space<hbm>> -> memref<64x128xi32, #tpu.memory_space<hbm>>
      %dma_wait3A_775 = arith.constant 0 : i32
      %dma_wait3A_776 = tpu.memref_slice %arg4[%add3A_197, %dma_wait3A_775] : memref<131072x128xi32, #tpu.memory_space<hbm>> -> memref<64x128xi32, #tpu.memory_space<hbm>>
      tpu.wait_dma2 semaphore(%run_scoped3A : memref<!tpu.dma_semaphore, #tpu.memory_space<semaphore_mem>>) src(%arg7 : memref<64x128xi32, #tpu.memory_space<vmem>>) dst(%dma_wait3A_776 : memref<64x128xi32, #tpu.memory_space<hbm>>)
      tpu.yield
    }) : () -> ()
    %dma_start3A_198 = arith.constant 1088 : i32
    %dma_start3A_199 = tpu.memref_slice %arg5[%dma_start3A_198] : memref<4096xi32, #tpu.memory_space<vmem>> -> memref<64xi32, #tpu.memory_space<vmem>>
    %dma_start3A_200 = arith.constant 0 : i32
    %dma_start3A_201 = arith.constant 0 : i32
    %dma_start3A_202 = tpu.memref_slice %arg2[%dma_start3A_200, %dma_start3A_201] : memref<4608x128xi32, #tpu.memory_space<hbm>> -> memref<4608x128xi32, #tpu.memory_space<hbm>>
    tpu.enqueue_indirect_dma source(%dma_start3A_202 : memref<4608x128xi32, #tpu.memory_space<hbm>>) target(%arg7 : memref<64x128xi32, #tpu.memory_space<vmem>>) offsets(%dma_start3A_199 : memref<64xi32, #tpu.memory_space<vmem>>) semaphore(%arg9 : memref<!tpu.dma_semaphore, #tpu.memory_space<semaphore_mem>>)
    %dma_wait3A_203 = arith.constant 1024 : i32
    %dma_wait3A_204 = tpu.memref_slice %arg5[%dma_wait3A_203] : memref<4096xi32, #tpu.memory_space<vmem>> -> memref<64xi32, #tpu.memory_space<vmem>>
    %dma_wait3A_205 = arith.constant 0 : i32
    %dma_wait3A_206 = arith.constant 0 : i32
    %dma_wait3A_207 = tpu.memref_slice %arg2[%dma_wait3A_205, %dma_wait3A_206] : memref<4608x128xi32, #tpu.memory_space<hbm>> -> memref<4608x128xi32, #tpu.memory_space<hbm>>
    tpu.wait_indirect_dma semaphore(%arg8 : memref<!tpu.dma_semaphore, #tpu.memory_space<semaphore_mem>>) src(%dma_wait3A_207 : memref<4608x128xi32, #tpu.memory_space<hbm>>) dst(%arg6 : memref<64x128xi32, #tpu.memory_space<vmem>>)
    %add3A_208 = arith.constant 1024 : i32
    %add3A_209 = arith.addi %mul3A_2, %add3A_208 : i32
    "tpu.region"() ({
      %run_scoped3A = tpu.sem_alloc : memref<!tpu.dma_semaphore, #tpu.memory_space<semaphore_mem>>
      %dma_start3A_769 = arith.constant 0 : i32
      %dma_start3A_770 = tpu.memref_slice %arg4[%add3A_209, %dma_start3A_769] : memref<131072x128xi32, #tpu.memory_space<hbm>> -> memref<64x128xi32, #tpu.memory_space<hbm>>
      %dma_start3A_771 = arith.constant 0 : i32
      %dma_start3A_772 = tpu.memref_slice %arg4[%add3A_209, %dma_start3A_771] : memref<131072x128xi32, #tpu.memory_space<hbm>> -> memref<64x128xi32, #tpu.memory_space<hbm>>
      tpu.enqueue_dma source(%arg6 : memref<64x128xi32, #tpu.memory_space<vmem>>) target(%dma_start3A_772 : memref<64x128xi32, #tpu.memory_space<hbm>>) target_semaphore(%run_scoped3A : memref<!tpu.dma_semaphore, #tpu.memory_space<semaphore_mem>>)
      %dma_wait3A_773 = arith.constant 0 : i32
      %dma_wait3A_774 = tpu.memref_slice %arg4[%add3A_209, %dma_wait3A_773] : memref<131072x128xi32, #tpu.memory_space<hbm>> -> memref<64x128xi32, #tpu.memory_space<hbm>>
      %dma_wait3A_775 = arith.constant 0 : i32
      %dma_wait3A_776 = tpu.memref_slice %arg4[%add3A_209, %dma_wait3A_775] : memref<131072x128xi32, #tpu.memory_space<hbm>> -> memref<64x128xi32, #tpu.memory_space<hbm>>
      tpu.wait_dma2 semaphore(%run_scoped3A : memref<!tpu.dma_semaphore, #tpu.memory_space<semaphore_mem>>) src(%arg6 : memref<64x128xi32, #tpu.memory_space<vmem>>) dst(%dma_wait3A_776 : memref<64x128xi32, #tpu.memory_space<hbm>>)
      tpu.yield
    }) : () -> ()
    %dma_start3A_210 = arith.constant 1152 : i32
    %dma_start3A_211 = tpu.memref_slice %arg5[%dma_start3A_210] : memref<4096xi32, #tpu.memory_space<vmem>> -> memref<64xi32, #tpu.memory_space<vmem>>
    %dma_start3A_212 = arith.constant 0 : i32
    %dma_start3A_213 = arith.constant 0 : i32
    %dma_start3A_214 = tpu.memref_slice %arg2[%dma_start3A_212, %dma_start3A_213] : memref<4608x128xi32, #tpu.memory_space<hbm>> -> memref<4608x128xi32, #tpu.memory_space<hbm>>
    tpu.enqueue_indirect_dma source(%dma_start3A_214 : memref<4608x128xi32, #tpu.memory_space<hbm>>) target(%arg6 : memref<64x128xi32, #tpu.memory_space<vmem>>) offsets(%dma_start3A_211 : memref<64xi32, #tpu.memory_space<vmem>>) semaphore(%arg8 : memref<!tpu.dma_semaphore, #tpu.memory_space<semaphore_mem>>)
    %dma_wait3A_215 = arith.constant 1088 : i32
    %dma_wait3A_216 = tpu.memref_slice %arg5[%dma_wait3A_215] : memref<4096xi32, #tpu.memory_space<vmem>> -> memref<64xi32, #tpu.memory_space<vmem>>
    %dma_wait3A_217 = arith.constant 0 : i32
    %dma_wait3A_218 = arith.constant 0 : i32
    %dma_wait3A_219 = tpu.memref_slice %arg2[%dma_wait3A_217, %dma_wait3A_218] : memref<4608x128xi32, #tpu.memory_space<hbm>> -> memref<4608x128xi32, #tpu.memory_space<hbm>>
    tpu.wait_indirect_dma semaphore(%arg9 : memref<!tpu.dma_semaphore, #tpu.memory_space<semaphore_mem>>) src(%dma_wait3A_219 : memref<4608x128xi32, #tpu.memory_space<hbm>>) dst(%arg7 : memref<64x128xi32, #tpu.memory_space<vmem>>)
    %add3A_220 = arith.constant 1088 : i32
    %add3A_221 = arith.addi %mul3A_2, %add3A_220 : i32
    "tpu.region"() ({
      %run_scoped3A = tpu.sem_alloc : memref<!tpu.dma_semaphore, #tpu.memory_space<semaphore_mem>>
      %dma_start3A_769 = arith.constant 0 : i32
      %dma_start3A_770 = tpu.memref_slice %arg4[%add3A_221, %dma_start3A_769] : memref<131072x128xi32, #tpu.memory_space<hbm>> -> memref<64x128xi32, #tpu.memory_space<hbm>>
      %dma_start3A_771 = arith.constant 0 : i32
      %dma_start3A_772 = tpu.memref_slice %arg4[%add3A_221, %dma_start3A_771] : memref<131072x128xi32, #tpu.memory_space<hbm>> -> memref<64x128xi32, #tpu.memory_space<hbm>>
      tpu.enqueue_dma source(%arg7 : memref<64x128xi32, #tpu.memory_space<vmem>>) target(%dma_start3A_772 : memref<64x128xi32, #tpu.memory_space<hbm>>) target_semaphore(%run_scoped3A : memref<!tpu.dma_semaphore, #tpu.memory_space<semaphore_mem>>)
      %dma_wait3A_773 = arith.constant 0 : i32
      %dma_wait3A_774 = tpu.memref_slice %arg4[%add3A_221, %dma_wait3A_773] : memref<131072x128xi32, #tpu.memory_space<hbm>> -> memref<64x128xi32, #tpu.memory_space<hbm>>
      %dma_wait3A_775 = arith.constant 0 : i32
      %dma_wait3A_776 = tpu.memref_slice %arg4[%add3A_221, %dma_wait3A_775] : memref<131072x128xi32, #tpu.memory_space<hbm>> -> memref<64x128xi32, #tpu.memory_space<hbm>>
      tpu.wait_dma2 semaphore(%run_scoped3A : memref<!tpu.dma_semaphore, #tpu.memory_space<semaphore_mem>>) src(%arg7 : memref<64x128xi32, #tpu.memory_space<vmem>>) dst(%dma_wait3A_776 : memref<64x128xi32, #tpu.memory_space<hbm>>)
      tpu.yield
    }) : () -> ()
    %dma_start3A_222 = arith.constant 1216 : i32
    %dma_start3A_223 = tpu.memref_slice %arg5[%dma_start3A_222] : memref<4096xi32, #tpu.memory_space<vmem>> -> memref<64xi32, #tpu.memory_space<vmem>>
    %dma_start3A_224 = arith.constant 0 : i32
    %dma_start3A_225 = arith.constant 0 : i32
    %dma_start3A_226 = tpu.memref_slice %arg2[%dma_start3A_224, %dma_start3A_225] : memref<4608x128xi32, #tpu.memory_space<hbm>> -> memref<4608x128xi32, #tpu.memory_space<hbm>>
    tpu.enqueue_indirect_dma source(%dma_start3A_226 : memref<4608x128xi32, #tpu.memory_space<hbm>>) target(%arg7 : memref<64x128xi32, #tpu.memory_space<vmem>>) offsets(%dma_start3A_223 : memref<64xi32, #tpu.memory_space<vmem>>) semaphore(%arg9 : memref<!tpu.dma_semaphore, #tpu.memory_space<semaphore_mem>>)
    %dma_wait3A_227 = arith.constant 1152 : i32
    %dma_wait3A_228 = tpu.memref_slice %arg5[%dma_wait3A_227] : memref<4096xi32, #tpu.memory_space<vmem>> -> memref<64xi32, #tpu.memory_space<vmem>>
    %dma_wait3A_229 = arith.constant 0 : i32
    %dma_wait3A_230 = arith.constant 0 : i32
    %dma_wait3A_231 = tpu.memref_slice %arg2[%dma_wait3A_229, %dma_wait3A_230] : memref<4608x128xi32, #tpu.memory_space<hbm>> -> memref<4608x128xi32, #tpu.memory_space<hbm>>
    tpu.wait_indirect_dma semaphore(%arg8 : memref<!tpu.dma_semaphore, #tpu.memory_space<semaphore_mem>>) src(%dma_wait3A_231 : memref<4608x128xi32, #tpu.memory_space<hbm>>) dst(%arg6 : memref<64x128xi32, #tpu.memory_space<vmem>>)
    %add3A_232 = arith.constant 1152 : i32
    %add3A_233 = arith.addi %mul3A_2, %add3A_232 : i32
    "tpu.region"() ({
      %run_scoped3A = tpu.sem_alloc : memref<!tpu.dma_semaphore, #tpu.memory_space<semaphore_mem>>
      %dma_start3A_769 = arith.constant 0 : i32
      %dma_start3A_770 = tpu.memref_slice %arg4[%add3A_233, %dma_start3A_769] : memref<131072x128xi32, #tpu.memory_space<hbm>> -> memref<64x128xi32, #tpu.memory_space<hbm>>
      %dma_start3A_771 = arith.constant 0 : i32
      %dma_start3A_772 = tpu.memref_slice %arg4[%add3A_233, %dma_start3A_771] : memref<131072x128xi32, #tpu.memory_space<hbm>> -> memref<64x128xi32, #tpu.memory_space<hbm>>
      tpu.enqueue_dma source(%arg6 : memref<64x128xi32, #tpu.memory_space<vmem>>) target(%dma_start3A_772 : memref<64x128xi32, #tpu.memory_space<hbm>>) target_semaphore(%run_scoped3A : memref<!tpu.dma_semaphore, #tpu.memory_space<semaphore_mem>>)
      %dma_wait3A_773 = arith.constant 0 : i32
      %dma_wait3A_774 = tpu.memref_slice %arg4[%add3A_233, %dma_wait3A_773] : memref<131072x128xi32, #tpu.memory_space<hbm>> -> memref<64x128xi32, #tpu.memory_space<hbm>>
      %dma_wait3A_775 = arith.constant 0 : i32
      %dma_wait3A_776 = tpu.memref_slice %arg4[%add3A_233, %dma_wait3A_775] : memref<131072x128xi32, #tpu.memory_space<hbm>> -> memref<64x128xi32, #tpu.memory_space<hbm>>
      tpu.wait_dma2 semaphore(%run_scoped3A : memref<!tpu.dma_semaphore, #tpu.memory_space<semaphore_mem>>) src(%arg6 : memref<64x128xi32, #tpu.memory_space<vmem>>) dst(%dma_wait3A_776 : memref<64x128xi32, #tpu.memory_space<hbm>>)
      tpu.yield
    }) : () -> ()
    %dma_start3A_234 = arith.constant 1280 : i32
    %dma_start3A_235 = tpu.memref_slice %arg5[%dma_start3A_234] : memref<4096xi32, #tpu.memory_space<vmem>> -> memref<64xi32, #tpu.memory_space<vmem>>
    %dma_start3A_236 = arith.constant 0 : i32
    %dma_start3A_237 = arith.constant 0 : i32
    %dma_start3A_238 = tpu.memref_slice %arg2[%dma_start3A_236, %dma_start3A_237] : memref<4608x128xi32, #tpu.memory_space<hbm>> -> memref<4608x128xi32, #tpu.memory_space<hbm>>
    tpu.enqueue_indirect_dma source(%dma_start3A_238 : memref<4608x128xi32, #tpu.memory_space<hbm>>) target(%arg6 : memref<64x128xi32, #tpu.memory_space<vmem>>) offsets(%dma_start3A_235 : memref<64xi32, #tpu.memory_space<vmem>>) semaphore(%arg8 : memref<!tpu.dma_semaphore, #tpu.memory_space<semaphore_mem>>)
    %dma_wait3A_239 = arith.constant 1216 : i32
    %dma_wait3A_240 = tpu.memref_slice %arg5[%dma_wait3A_239] : memref<4096xi32, #tpu.memory_space<vmem>> -> memref<64xi32, #tpu.memory_space<vmem>>
    %dma_wait3A_241 = arith.constant 0 : i32
    %dma_wait3A_242 = arith.constant 0 : i32
    %dma_wait3A_243 = tpu.memref_slice %arg2[%dma_wait3A_241, %dma_wait3A_242] : memref<4608x128xi32, #tpu.memory_space<hbm>> -> memref<4608x128xi32, #tpu.memory_space<hbm>>
    tpu.wait_indirect_dma semaphore(%arg9 : memref<!tpu.dma_semaphore, #tpu.memory_space<semaphore_mem>>) src(%dma_wait3A_243 : memref<4608x128xi32, #tpu.memory_space<hbm>>) dst(%arg7 : memref<64x128xi32, #tpu.memory_space<vmem>>)
    %add3A_244 = arith.constant 1216 : i32
    %add3A_245 = arith.addi %mul3A_2, %add3A_244 : i32
    "tpu.region"() ({
      %run_scoped3A = tpu.sem_alloc : memref<!tpu.dma_semaphore, #tpu.memory_space<semaphore_mem>>
      %dma_start3A_769 = arith.constant 0 : i32
      %dma_start3A_770 = tpu.memref_slice %arg4[%add3A_245, %dma_start3A_769] : memref<131072x128xi32, #tpu.memory_space<hbm>> -> memref<64x128xi32, #tpu.memory_space<hbm>>
      %dma_start3A_771 = arith.constant 0 : i32
      %dma_start3A_772 = tpu.memref_slice %arg4[%add3A_245, %dma_start3A_771] : memref<131072x128xi32, #tpu.memory_space<hbm>> -> memref<64x128xi32, #tpu.memory_space<hbm>>
      tpu.enqueue_dma source(%arg7 : memref<64x128xi32, #tpu.memory_space<vmem>>) target(%dma_start3A_772 : memref<64x128xi32, #tpu.memory_space<hbm>>) target_semaphore(%run_scoped3A : memref<!tpu.dma_semaphore, #tpu.memory_space<semaphore_mem>>)
      %dma_wait3A_773 = arith.constant 0 : i32
      %dma_wait3A_774 = tpu.memref_slice %arg4[%add3A_245, %dma_wait3A_773] : memref<131072x128xi32, #tpu.memory_space<hbm>> -> memref<64x128xi32, #tpu.memory_space<hbm>>
      %dma_wait3A_775 = arith.constant 0 : i32
      %dma_wait3A_776 = tpu.memref_slice %arg4[%add3A_245, %dma_wait3A_775] : memref<131072x128xi32, #tpu.memory_space<hbm>> -> memref<64x128xi32, #tpu.memory_space<hbm>>
      tpu.wait_dma2 semaphore(%run_scoped3A : memref<!tpu.dma_semaphore, #tpu.memory_space<semaphore_mem>>) src(%arg7 : memref<64x128xi32, #tpu.memory_space<vmem>>) dst(%dma_wait3A_776 : memref<64x128xi32, #tpu.memory_space<hbm>>)
      tpu.yield
    }) : () -> ()
    %dma_start3A_246 = arith.constant 1344 : i32
    %dma_start3A_247 = tpu.memref_slice %arg5[%dma_start3A_246] : memref<4096xi32, #tpu.memory_space<vmem>> -> memref<64xi32, #tpu.memory_space<vmem>>
    %dma_start3A_248 = arith.constant 0 : i32
    %dma_start3A_249 = arith.constant 0 : i32
    %dma_start3A_250 = tpu.memref_slice %arg2[%dma_start3A_248, %dma_start3A_249] : memref<4608x128xi32, #tpu.memory_space<hbm>> -> memref<4608x128xi32, #tpu.memory_space<hbm>>
    tpu.enqueue_indirect_dma source(%dma_start3A_250 : memref<4608x128xi32, #tpu.memory_space<hbm>>) target(%arg7 : memref<64x128xi32, #tpu.memory_space<vmem>>) offsets(%dma_start3A_247 : memref<64xi32, #tpu.memory_space<vmem>>) semaphore(%arg9 : memref<!tpu.dma_semaphore, #tpu.memory_space<semaphore_mem>>)
    %dma_wait3A_251 = arith.constant 1280 : i32
    %dma_wait3A_252 = tpu.memref_slice %arg5[%dma_wait3A_251] : memref<4096xi32, #tpu.memory_space<vmem>> -> memref<64xi32, #tpu.memory_space<vmem>>
    %dma_wait3A_253 = arith.constant 0 : i32
    %dma_wait3A_254 = arith.constant 0 : i32
    %dma_wait3A_255 = tpu.memref_slice %arg2[%dma_wait3A_253, %dma_wait3A_254] : memref<4608x128xi32, #tpu.memory_space<hbm>> -> memref<4608x128xi32, #tpu.memory_space<hbm>>
    tpu.wait_indirect_dma semaphore(%arg8 : memref<!tpu.dma_semaphore, #tpu.memory_space<semaphore_mem>>) src(%dma_wait3A_255 : memref<4608x128xi32, #tpu.memory_space<hbm>>) dst(%arg6 : memref<64x128xi32, #tpu.memory_space<vmem>>)
    %add3A_256 = arith.constant 1280 : i32
    %add3A_257 = arith.addi %mul3A_2, %add3A_256 : i32
    "tpu.region"() ({
      %run_scoped3A = tpu.sem_alloc : memref<!tpu.dma_semaphore, #tpu.memory_space<semaphore_mem>>
      %dma_start3A_769 = arith.constant 0 : i32
      %dma_start3A_770 = tpu.memref_slice %arg4[%add3A_257, %dma_start3A_769] : memref<131072x128xi32, #tpu.memory_space<hbm>> -> memref<64x128xi32, #tpu.memory_space<hbm>>
      %dma_start3A_771 = arith.constant 0 : i32
      %dma_start3A_772 = tpu.memref_slice %arg4[%add3A_257, %dma_start3A_771] : memref<131072x128xi32, #tpu.memory_space<hbm>> -> memref<64x128xi32, #tpu.memory_space<hbm>>
      tpu.enqueue_dma source(%arg6 : memref<64x128xi32, #tpu.memory_space<vmem>>) target(%dma_start3A_772 : memref<64x128xi32, #tpu.memory_space<hbm>>) target_semaphore(%run_scoped3A : memref<!tpu.dma_semaphore, #tpu.memory_space<semaphore_mem>>)
      %dma_wait3A_773 = arith.constant 0 : i32
      %dma_wait3A_774 = tpu.memref_slice %arg4[%add3A_257, %dma_wait3A_773] : memref<131072x128xi32, #tpu.memory_space<hbm>> -> memref<64x128xi32, #tpu.memory_space<hbm>>
      %dma_wait3A_775 = arith.constant 0 : i32
      %dma_wait3A_776 = tpu.memref_slice %arg4[%add3A_257, %dma_wait3A_775] : memref<131072x128xi32, #tpu.memory_space<hbm>> -> memref<64x128xi32, #tpu.memory_space<hbm>>
      tpu.wait_dma2 semaphore(%run_scoped3A : memref<!tpu.dma_semaphore, #tpu.memory_space<semaphore_mem>>) src(%arg6 : memref<64x128xi32, #tpu.memory_space<vmem>>) dst(%dma_wait3A_776 : memref<64x128xi32, #tpu.memory_space<hbm>>)
      tpu.yield
    }) : () -> ()
    %dma_start3A_258 = arith.constant 1408 : i32
    %dma_start3A_259 = tpu.memref_slice %arg5[%dma_start3A_258] : memref<4096xi32, #tpu.memory_space<vmem>> -> memref<64xi32, #tpu.memory_space<vmem>>
    %dma_start3A_260 = arith.constant 0 : i32
    %dma_start3A_261 = arith.constant 0 : i32
    %dma_start3A_262 = tpu.memref_slice %arg2[%dma_start3A_260, %dma_start3A_261] : memref<4608x128xi32, #tpu.memory_space<hbm>> -> memref<4608x128xi32, #tpu.memory_space<hbm>>
    tpu.enqueue_indirect_dma source(%dma_start3A_262 : memref<4608x128xi32, #tpu.memory_space<hbm>>) target(%arg6 : memref<64x128xi32, #tpu.memory_space<vmem>>) offsets(%dma_start3A_259 : memref<64xi32, #tpu.memory_space<vmem>>) semaphore(%arg8 : memref<!tpu.dma_semaphore, #tpu.memory_space<semaphore_mem>>)
    %dma_wait3A_263 = arith.constant 1344 : i32
    %dma_wait3A_264 = tpu.memref_slice %arg5[%dma_wait3A_263] : memref<4096xi32, #tpu.memory_space<vmem>> -> memref<64xi32, #tpu.memory_space<vmem>>
    %dma_wait3A_265 = arith.constant 0 : i32
    %dma_wait3A_266 = arith.constant 0 : i32
    %dma_wait3A_267 = tpu.memref_slice %arg2[%dma_wait3A_265, %dma_wait3A_266] : memref<4608x128xi32, #tpu.memory_space<hbm>> -> memref<4608x128xi32, #tpu.memory_space<hbm>>
    tpu.wait_indirect_dma semaphore(%arg9 : memref<!tpu.dma_semaphore, #tpu.memory_space<semaphore_mem>>) src(%dma_wait3A_267 : memref<4608x128xi32, #tpu.memory_space<hbm>>) dst(%arg7 : memref<64x128xi32, #tpu.memory_space<vmem>>)
    %add3A_268 = arith.constant 1344 : i32
    %add3A_269 = arith.addi %mul3A_2, %add3A_268 : i32
    "tpu.region"() ({
      %run_scoped3A = tpu.sem_alloc : memref<!tpu.dma_semaphore, #tpu.memory_space<semaphore_mem>>
      %dma_start3A_769 = arith.constant 0 : i32
      %dma_start3A_770 = tpu.memref_slice %arg4[%add3A_269, %dma_start3A_769] : memref<131072x128xi32, #tpu.memory_space<hbm>> -> memref<64x128xi32, #tpu.memory_space<hbm>>
      %dma_start3A_771 = arith.constant 0 : i32
      %dma_start3A_772 = tpu.memref_slice %arg4[%add3A_269, %dma_start3A_771] : memref<131072x128xi32, #tpu.memory_space<hbm>> -> memref<64x128xi32, #tpu.memory_space<hbm>>
      tpu.enqueue_dma source(%arg7 : memref<64x128xi32, #tpu.memory_space<vmem>>) target(%dma_start3A_772 : memref<64x128xi32, #tpu.memory_space<hbm>>) target_semaphore(%run_scoped3A : memref<!tpu.dma_semaphore, #tpu.memory_space<semaphore_mem>>)
      %dma_wait3A_773 = arith.constant 0 : i32
      %dma_wait3A_774 = tpu.memref_slice %arg4[%add3A_269, %dma_wait3A_773] : memref<131072x128xi32, #tpu.memory_space<hbm>> -> memref<64x128xi32, #tpu.memory_space<hbm>>
      %dma_wait3A_775 = arith.constant 0 : i32
      %dma_wait3A_776 = tpu.memref_slice %arg4[%add3A_269, %dma_wait3A_775] : memref<131072x128xi32, #tpu.memory_space<hbm>> -> memref<64x128xi32, #tpu.memory_space<hbm>>
      tpu.wait_dma2 semaphore(%run_scoped3A : memref<!tpu.dma_semaphore, #tpu.memory_space<semaphore_mem>>) src(%arg7 : memref<64x128xi32, #tpu.memory_space<vmem>>) dst(%dma_wait3A_776 : memref<64x128xi32, #tpu.memory_space<hbm>>)
      tpu.yield
    }) : () -> ()
    %dma_start3A_270 = arith.constant 1472 : i32
    %dma_start3A_271 = tpu.memref_slice %arg5[%dma_start3A_270] : memref<4096xi32, #tpu.memory_space<vmem>> -> memref<64xi32, #tpu.memory_space<vmem>>
    %dma_start3A_272 = arith.constant 0 : i32
    %dma_start3A_273 = arith.constant 0 : i32
    %dma_start3A_274 = tpu.memref_slice %arg2[%dma_start3A_272, %dma_start3A_273] : memref<4608x128xi32, #tpu.memory_space<hbm>> -> memref<4608x128xi32, #tpu.memory_space<hbm>>
    tpu.enqueue_indirect_dma source(%dma_start3A_274 : memref<4608x128xi32, #tpu.memory_space<hbm>>) target(%arg7 : memref<64x128xi32, #tpu.memory_space<vmem>>) offsets(%dma_start3A_271 : memref<64xi32, #tpu.memory_space<vmem>>) semaphore(%arg9 : memref<!tpu.dma_semaphore, #tpu.memory_space<semaphore_mem>>)
    %dma_wait3A_275 = arith.constant 1408 : i32
    %dma_wait3A_276 = tpu.memref_slice %arg5[%dma_wait3A_275] : memref<4096xi32, #tpu.memory_space<vmem>> -> memref<64xi32, #tpu.memory_space<vmem>>
    %dma_wait3A_277 = arith.constant 0 : i32
    %dma_wait3A_278 = arith.constant 0 : i32
    %dma_wait3A_279 = tpu.memref_slice %arg2[%dma_wait3A_277, %dma_wait3A_278] : memref<4608x128xi32, #tpu.memory_space<hbm>> -> memref<4608x128xi32, #tpu.memory_space<hbm>>
    tpu.wait_indirect_dma semaphore(%arg8 : memref<!tpu.dma_semaphore, #tpu.memory_space<semaphore_mem>>) src(%dma_wait3A_279 : memref<4608x128xi32, #tpu.memory_space<hbm>>) dst(%arg6 : memref<64x128xi32, #tpu.memory_space<vmem>>)
    %add3A_280 = arith.constant 1408 : i32
    %add3A_281 = arith.addi %mul3A_2, %add3A_280 : i32
    "tpu.region"() ({
      %run_scoped3A = tpu.sem_alloc : memref<!tpu.dma_semaphore, #tpu.memory_space<semaphore_mem>>
      %dma_start3A_769 = arith.constant 0 : i32
      %dma_start3A_770 = tpu.memref_slice %arg4[%add3A_281, %dma_start3A_769] : memref<131072x128xi32, #tpu.memory_space<hbm>> -> memref<64x128xi32, #tpu.memory_space<hbm>>
      %dma_start3A_771 = arith.constant 0 : i32
      %dma_start3A_772 = tpu.memref_slice %arg4[%add3A_281, %dma_start3A_771] : memref<131072x128xi32, #tpu.memory_space<hbm>> -> memref<64x128xi32, #tpu.memory_space<hbm>>
      tpu.enqueue_dma source(%arg6 : memref<64x128xi32, #tpu.memory_space<vmem>>) target(%dma_start3A_772 : memref<64x128xi32, #tpu.memory_space<hbm>>) target_semaphore(%run_scoped3A : memref<!tpu.dma_semaphore, #tpu.memory_space<semaphore_mem>>)
      %dma_wait3A_773 = arith.constant 0 : i32
      %dma_wait3A_774 = tpu.memref_slice %arg4[%add3A_281, %dma_wait3A_773] : memref<131072x128xi32, #tpu.memory_space<hbm>> -> memref<64x128xi32, #tpu.memory_space<hbm>>
      %dma_wait3A_775 = arith.constant 0 : i32
      %dma_wait3A_776 = tpu.memref_slice %arg4[%add3A_281, %dma_wait3A_775] : memref<131072x128xi32, #tpu.memory_space<hbm>> -> memref<64x128xi32, #tpu.memory_space<hbm>>
      tpu.wait_dma2 semaphore(%run_scoped3A : memref<!tpu.dma_semaphore, #tpu.memory_space<semaphore_mem>>) src(%arg6 : memref<64x128xi32, #tpu.memory_space<vmem>>) dst(%dma_wait3A_776 : memref<64x128xi32, #tpu.memory_space<hbm>>)
      tpu.yield
    }) : () -> ()
    %dma_start3A_282 = arith.constant 1536 : i32
    %dma_start3A_283 = tpu.memref_slice %arg5[%dma_start3A_282] : memref<4096xi32, #tpu.memory_space<vmem>> -> memref<64xi32, #tpu.memory_space<vmem>>
    %dma_start3A_284 = arith.constant 0 : i32
    %dma_start3A_285 = arith.constant 0 : i32
    %dma_start3A_286 = tpu.memref_slice %arg2[%dma_start3A_284, %dma_start3A_285] : memref<4608x128xi32, #tpu.memory_space<hbm>> -> memref<4608x128xi32, #tpu.memory_space<hbm>>
    tpu.enqueue_indirect_dma source(%dma_start3A_286 : memref<4608x128xi32, #tpu.memory_space<hbm>>) target(%arg6 : memref<64x128xi32, #tpu.memory_space<vmem>>) offsets(%dma_start3A_283 : memref<64xi32, #tpu.memory_space<vmem>>) semaphore(%arg8 : memref<!tpu.dma_semaphore, #tpu.memory_space<semaphore_mem>>)
    %dma_wait3A_287 = arith.constant 1472 : i32
    %dma_wait3A_288 = tpu.memref_slice %arg5[%dma_wait3A_287] : memref<4096xi32, #tpu.memory_space<vmem>> -> memref<64xi32, #tpu.memory_space<vmem>>
    %dma_wait3A_289 = arith.constant 0 : i32
    %dma_wait3A_290 = arith.constant 0 : i32
    %dma_wait3A_291 = tpu.memref_slice %arg2[%dma_wait3A_289, %dma_wait3A_290] : memref<4608x128xi32, #tpu.memory_space<hbm>> -> memref<4608x128xi32, #tpu.memory_space<hbm>>
    tpu.wait_indirect_dma semaphore(%arg9 : memref<!tpu.dma_semaphore, #tpu.memory_space<semaphore_mem>>) src(%dma_wait3A_291 : memref<4608x128xi32, #tpu.memory_space<hbm>>) dst(%arg7 : memref<64x128xi32, #tpu.memory_space<vmem>>)
    %add3A_292 = arith.constant 1472 : i32
    %add3A_293 = arith.addi %mul3A_2, %add3A_292 : i32
    "tpu.region"() ({
      %run_scoped3A = tpu.sem_alloc : memref<!tpu.dma_semaphore, #tpu.memory_space<semaphore_mem>>
      %dma_start3A_769 = arith.constant 0 : i32
      %dma_start3A_770 = tpu.memref_slice %arg4[%add3A_293, %dma_start3A_769] : memref<131072x128xi32, #tpu.memory_space<hbm>> -> memref<64x128xi32, #tpu.memory_space<hbm>>
      %dma_start3A_771 = arith.constant 0 : i32
      %dma_start3A_772 = tpu.memref_slice %arg4[%add3A_293, %dma_start3A_771] : memref<131072x128xi32, #tpu.memory_space<hbm>> -> memref<64x128xi32, #tpu.memory_space<hbm>>
      tpu.enqueue_dma source(%arg7 : memref<64x128xi32, #tpu.memory_space<vmem>>) target(%dma_start3A_772 : memref<64x128xi32, #tpu.memory_space<hbm>>) target_semaphore(%run_scoped3A : memref<!tpu.dma_semaphore, #tpu.memory_space<semaphore_mem>>)
      %dma_wait3A_773 = arith.constant 0 : i32
      %dma_wait3A_774 = tpu.memref_slice %arg4[%add3A_293, %dma_wait3A_773] : memref<131072x128xi32, #tpu.memory_space<hbm>> -> memref<64x128xi32, #tpu.memory_space<hbm>>
      %dma_wait3A_775 = arith.constant 0 : i32
      %dma_wait3A_776 = tpu.memref_slice %arg4[%add3A_293, %dma_wait3A_775] : memref<131072x128xi32, #tpu.memory_space<hbm>> -> memref<64x128xi32, #tpu.memory_space<hbm>>
      tpu.wait_dma2 semaphore(%run_scoped3A : memref<!tpu.dma_semaphore, #tpu.memory_space<semaphore_mem>>) src(%arg7 : memref<64x128xi32, #tpu.memory_space<vmem>>) dst(%dma_wait3A_776 : memref<64x128xi32, #tpu.memory_space<hbm>>)
      tpu.yield
    }) : () -> ()
    %dma_start3A_294 = arith.constant 1600 : i32
    %dma_start3A_295 = tpu.memref_slice %arg5[%dma_start3A_294] : memref<4096xi32, #tpu.memory_space<vmem>> -> memref<64xi32, #tpu.memory_space<vmem>>
    %dma_start3A_296 = arith.constant 0 : i32
    %dma_start3A_297 = arith.constant 0 : i32
    %dma_start3A_298 = tpu.memref_slice %arg2[%dma_start3A_296, %dma_start3A_297] : memref<4608x128xi32, #tpu.memory_space<hbm>> -> memref<4608x128xi32, #tpu.memory_space<hbm>>
    tpu.enqueue_indirect_dma source(%dma_start3A_298 : memref<4608x128xi32, #tpu.memory_space<hbm>>) target(%arg7 : memref<64x128xi32, #tpu.memory_space<vmem>>) offsets(%dma_start3A_295 : memref<64xi32, #tpu.memory_space<vmem>>) semaphore(%arg9 : memref<!tpu.dma_semaphore, #tpu.memory_space<semaphore_mem>>)
    %dma_wait3A_299 = arith.constant 1536 : i32
    %dma_wait3A_300 = tpu.memref_slice %arg5[%dma_wait3A_299] : memref<4096xi32, #tpu.memory_space<vmem>> -> memref<64xi32, #tpu.memory_space<vmem>>
    %dma_wait3A_301 = arith.constant 0 : i32
    %dma_wait3A_302 = arith.constant 0 : i32
    %dma_wait3A_303 = tpu.memref_slice %arg2[%dma_wait3A_301, %dma_wait3A_302] : memref<4608x128xi32, #tpu.memory_space<hbm>> -> memref<4608x128xi32, #tpu.memory_space<hbm>>
    tpu.wait_indirect_dma semaphore(%arg8 : memref<!tpu.dma_semaphore, #tpu.memory_space<semaphore_mem>>) src(%dma_wait3A_303 : memref<4608x128xi32, #tpu.memory_space<hbm>>) dst(%arg6 : memref<64x128xi32, #tpu.memory_space<vmem>>)
    %add3A_304 = arith.constant 1536 : i32
    %add3A_305 = arith.addi %mul3A_2, %add3A_304 : i32
    "tpu.region"() ({
      %run_scoped3A = tpu.sem_alloc : memref<!tpu.dma_semaphore, #tpu.memory_space<semaphore_mem>>
      %dma_start3A_769 = arith.constant 0 : i32
      %dma_start3A_770 = tpu.memref_slice %arg4[%add3A_305, %dma_start3A_769] : memref<131072x128xi32, #tpu.memory_space<hbm>> -> memref<64x128xi32, #tpu.memory_space<hbm>>
      %dma_start3A_771 = arith.constant 0 : i32
      %dma_start3A_772 = tpu.memref_slice %arg4[%add3A_305, %dma_start3A_771] : memref<131072x128xi32, #tpu.memory_space<hbm>> -> memref<64x128xi32, #tpu.memory_space<hbm>>
      tpu.enqueue_dma source(%arg6 : memref<64x128xi32, #tpu.memory_space<vmem>>) target(%dma_start3A_772 : memref<64x128xi32, #tpu.memory_space<hbm>>) target_semaphore(%run_scoped3A : memref<!tpu.dma_semaphore, #tpu.memory_space<semaphore_mem>>)
      %dma_wait3A_773 = arith.constant 0 : i32
      %dma_wait3A_774 = tpu.memref_slice %arg4[%add3A_305, %dma_wait3A_773] : memref<131072x128xi32, #tpu.memory_space<hbm>> -> memref<64x128xi32, #tpu.memory_space<hbm>>
      %dma_wait3A_775 = arith.constant 0 : i32
      %dma_wait3A_776 = tpu.memref_slice %arg4[%add3A_305, %dma_wait3A_775] : memref<131072x128xi32, #tpu.memory_space<hbm>> -> memref<64x128xi32, #tpu.memory_space<hbm>>
      tpu.wait_dma2 semaphore(%run_scoped3A : memref<!tpu.dma_semaphore, #tpu.memory_space<semaphore_mem>>) src(%arg6 : memref<64x128xi32, #tpu.memory_space<vmem>>) dst(%dma_wait3A_776 : memref<64x128xi32, #tpu.memory_space<hbm>>)
      tpu.yield
    }) : () -> ()
    %dma_start3A_306 = arith.constant 1664 : i32
    %dma_start3A_307 = tpu.memref_slice %arg5[%dma_start3A_306] : memref<4096xi32, #tpu.memory_space<vmem>> -> memref<64xi32, #tpu.memory_space<vmem>>
    %dma_start3A_308 = arith.constant 0 : i32
    %dma_start3A_309 = arith.constant 0 : i32
    %dma_start3A_310 = tpu.memref_slice %arg2[%dma_start3A_308, %dma_start3A_309] : memref<4608x128xi32, #tpu.memory_space<hbm>> -> memref<4608x128xi32, #tpu.memory_space<hbm>>
    tpu.enqueue_indirect_dma source(%dma_start3A_310 : memref<4608x128xi32, #tpu.memory_space<hbm>>) target(%arg6 : memref<64x128xi32, #tpu.memory_space<vmem>>) offsets(%dma_start3A_307 : memref<64xi32, #tpu.memory_space<vmem>>) semaphore(%arg8 : memref<!tpu.dma_semaphore, #tpu.memory_space<semaphore_mem>>)
    %dma_wait3A_311 = arith.constant 1600 : i32
    %dma_wait3A_312 = tpu.memref_slice %arg5[%dma_wait3A_311] : memref<4096xi32, #tpu.memory_space<vmem>> -> memref<64xi32, #tpu.memory_space<vmem>>
    %dma_wait3A_313 = arith.constant 0 : i32
    %dma_wait3A_314 = arith.constant 0 : i32
    %dma_wait3A_315 = tpu.memref_slice %arg2[%dma_wait3A_313, %dma_wait3A_314] : memref<4608x128xi32, #tpu.memory_space<hbm>> -> memref<4608x128xi32, #tpu.memory_space<hbm>>
    tpu.wait_indirect_dma semaphore(%arg9 : memref<!tpu.dma_semaphore, #tpu.memory_space<semaphore_mem>>) src(%dma_wait3A_315 : memref<4608x128xi32, #tpu.memory_space<hbm>>) dst(%arg7 : memref<64x128xi32, #tpu.memory_space<vmem>>)
    %add3A_316 = arith.constant 1600 : i32
    %add3A_317 = arith.addi %mul3A_2, %add3A_316 : i32
    "tpu.region"() ({
      %run_scoped3A = tpu.sem_alloc : memref<!tpu.dma_semaphore, #tpu.memory_space<semaphore_mem>>
      %dma_start3A_769 = arith.constant 0 : i32
      %dma_start3A_770 = tpu.memref_slice %arg4[%add3A_317, %dma_start3A_769] : memref<131072x128xi32, #tpu.memory_space<hbm>> -> memref<64x128xi32, #tpu.memory_space<hbm>>
      %dma_start3A_771 = arith.constant 0 : i32
      %dma_start3A_772 = tpu.memref_slice %arg4[%add3A_317, %dma_start3A_771] : memref<131072x128xi32, #tpu.memory_space<hbm>> -> memref<64x128xi32, #tpu.memory_space<hbm>>
      tpu.enqueue_dma source(%arg7 : memref<64x128xi32, #tpu.memory_space<vmem>>) target(%dma_start3A_772 : memref<64x128xi32, #tpu.memory_space<hbm>>) target_semaphore(%run_scoped3A : memref<!tpu.dma_semaphore, #tpu.memory_space<semaphore_mem>>)
      %dma_wait3A_773 = arith.constant 0 : i32
      %dma_wait3A_774 = tpu.memref_slice %arg4[%add3A_317, %dma_wait3A_773] : memref<131072x128xi32, #tpu.memory_space<hbm>> -> memref<64x128xi32, #tpu.memory_space<hbm>>
      %dma_wait3A_775 = arith.constant 0 : i32
      %dma_wait3A_776 = tpu.memref_slice %arg4[%add3A_317, %dma_wait3A_775] : memref<131072x128xi32, #tpu.memory_space<hbm>> -> memref<64x128xi32, #tpu.memory_space<hbm>>
      tpu.wait_dma2 semaphore(%run_scoped3A : memref<!tpu.dma_semaphore, #tpu.memory_space<semaphore_mem>>) src(%arg7 : memref<64x128xi32, #tpu.memory_space<vmem>>) dst(%dma_wait3A_776 : memref<64x128xi32, #tpu.memory_space<hbm>>)
      tpu.yield
    }) : () -> ()
    %dma_start3A_318 = arith.constant 1728 : i32
    %dma_start3A_319 = tpu.memref_slice %arg5[%dma_start3A_318] : memref<4096xi32, #tpu.memory_space<vmem>> -> memref<64xi32, #tpu.memory_space<vmem>>
    %dma_start3A_320 = arith.constant 0 : i32
    %dma_start3A_321 = arith.constant 0 : i32
    %dma_start3A_322 = tpu.memref_slice %arg2[%dma_start3A_320, %dma_start3A_321] : memref<4608x128xi32, #tpu.memory_space<hbm>> -> memref<4608x128xi32, #tpu.memory_space<hbm>>
    tpu.enqueue_indirect_dma source(%dma_start3A_322 : memref<4608x128xi32, #tpu.memory_space<hbm>>) target(%arg7 : memref<64x128xi32, #tpu.memory_space<vmem>>) offsets(%dma_start3A_319 : memref<64xi32, #tpu.memory_space<vmem>>) semaphore(%arg9 : memref<!tpu.dma_semaphore, #tpu.memory_space<semaphore_mem>>)
    %dma_wait3A_323 = arith.constant 1664 : i32
    %dma_wait3A_324 = tpu.memref_slice %arg5[%dma_wait3A_323] : memref<4096xi32, #tpu.memory_space<vmem>> -> memref<64xi32, #tpu.memory_space<vmem>>
    %dma_wait3A_325 = arith.constant 0 : i32
    %dma_wait3A_326 = arith.constant 0 : i32
    %dma_wait3A_327 = tpu.memref_slice %arg2[%dma_wait3A_325, %dma_wait3A_326] : memref<4608x128xi32, #tpu.memory_space<hbm>> -> memref<4608x128xi32, #tpu.memory_space<hbm>>
    tpu.wait_indirect_dma semaphore(%arg8 : memref<!tpu.dma_semaphore, #tpu.memory_space<semaphore_mem>>) src(%dma_wait3A_327 : memref<4608x128xi32, #tpu.memory_space<hbm>>) dst(%arg6 : memref<64x128xi32, #tpu.memory_space<vmem>>)
    %add3A_328 = arith.constant 1664 : i32
    %add3A_329 = arith.addi %mul3A_2, %add3A_328 : i32
    "tpu.region"() ({
      %run_scoped3A = tpu.sem_alloc : memref<!tpu.dma_semaphore, #tpu.memory_space<semaphore_mem>>
      %dma_start3A_769 = arith.constant 0 : i32
      %dma_start3A_770 = tpu.memref_slice %arg4[%add3A_329, %dma_start3A_769] : memref<131072x128xi32, #tpu.memory_space<hbm>> -> memref<64x128xi32, #tpu.memory_space<hbm>>
      %dma_start3A_771 = arith.constant 0 : i32
      %dma_start3A_772 = tpu.memref_slice %arg4[%add3A_329, %dma_start3A_771] : memref<131072x128xi32, #tpu.memory_space<hbm>> -> memref<64x128xi32, #tpu.memory_space<hbm>>
      tpu.enqueue_dma source(%arg6 : memref<64x128xi32, #tpu.memory_space<vmem>>) target(%dma_start3A_772 : memref<64x128xi32, #tpu.memory_space<hbm>>) target_semaphore(%run_scoped3A : memref<!tpu.dma_semaphore, #tpu.memory_space<semaphore_mem>>)
      %dma_wait3A_773 = arith.constant 0 : i32
      %dma_wait3A_774 = tpu.memref_slice %arg4[%add3A_329, %dma_wait3A_773] : memref<131072x128xi32, #tpu.memory_space<hbm>> -> memref<64x128xi32, #tpu.memory_space<hbm>>
      %dma_wait3A_775 = arith.constant 0 : i32
      %dma_wait3A_776 = tpu.memref_slice %arg4[%add3A_329, %dma_wait3A_775] : memref<131072x128xi32, #tpu.memory_space<hbm>> -> memref<64x128xi32, #tpu.memory_space<hbm>>
      tpu.wait_dma2 semaphore(%run_scoped3A : memref<!tpu.dma_semaphore, #tpu.memory_space<semaphore_mem>>) src(%arg6 : memref<64x128xi32, #tpu.memory_space<vmem>>) dst(%dma_wait3A_776 : memref<64x128xi32, #tpu.memory_space<hbm>>)
      tpu.yield
    }) : () -> ()
    %dma_start3A_330 = arith.constant 1792 : i32
    %dma_start3A_331 = tpu.memref_slice %arg5[%dma_start3A_330] : memref<4096xi32, #tpu.memory_space<vmem>> -> memref<64xi32, #tpu.memory_space<vmem>>
    %dma_start3A_332 = arith.constant 0 : i32
    %dma_start3A_333 = arith.constant 0 : i32
    %dma_start3A_334 = tpu.memref_slice %arg2[%dma_start3A_332, %dma_start3A_333] : memref<4608x128xi32, #tpu.memory_space<hbm>> -> memref<4608x128xi32, #tpu.memory_space<hbm>>
    tpu.enqueue_indirect_dma source(%dma_start3A_334 : memref<4608x128xi32, #tpu.memory_space<hbm>>) target(%arg6 : memref<64x128xi32, #tpu.memory_space<vmem>>) offsets(%dma_start3A_331 : memref<64xi32, #tpu.memory_space<vmem>>) semaphore(%arg8 : memref<!tpu.dma_semaphore, #tpu.memory_space<semaphore_mem>>)
    %dma_wait3A_335 = arith.constant 1728 : i32
    %dma_wait3A_336 = tpu.memref_slice %arg5[%dma_wait3A_335] : memref<4096xi32, #tpu.memory_space<vmem>> -> memref<64xi32, #tpu.memory_space<vmem>>
    %dma_wait3A_337 = arith.constant 0 : i32
    %dma_wait3A_338 = arith.constant 0 : i32
    %dma_wait3A_339 = tpu.memref_slice %arg2[%dma_wait3A_337, %dma_wait3A_338] : memref<4608x128xi32, #tpu.memory_space<hbm>> -> memref<4608x128xi32, #tpu.memory_space<hbm>>
    tpu.wait_indirect_dma semaphore(%arg9 : memref<!tpu.dma_semaphore, #tpu.memory_space<semaphore_mem>>) src(%dma_wait3A_339 : memref<4608x128xi32, #tpu.memory_space<hbm>>) dst(%arg7 : memref<64x128xi32, #tpu.memory_space<vmem>>)
    %add3A_340 = arith.constant 1728 : i32
    %add3A_341 = arith.addi %mul3A_2, %add3A_340 : i32
    "tpu.region"() ({
      %run_scoped3A = tpu.sem_alloc : memref<!tpu.dma_semaphore, #tpu.memory_space<semaphore_mem>>
      %dma_start3A_769 = arith.constant 0 : i32
      %dma_start3A_770 = tpu.memref_slice %arg4[%add3A_341, %dma_start3A_769] : memref<131072x128xi32, #tpu.memory_space<hbm>> -> memref<64x128xi32, #tpu.memory_space<hbm>>
      %dma_start3A_771 = arith.constant 0 : i32
      %dma_start3A_772 = tpu.memref_slice %arg4[%add3A_341, %dma_start3A_771] : memref<131072x128xi32, #tpu.memory_space<hbm>> -> memref<64x128xi32, #tpu.memory_space<hbm>>
      tpu.enqueue_dma source(%arg7 : memref<64x128xi32, #tpu.memory_space<vmem>>) target(%dma_start3A_772 : memref<64x128xi32, #tpu.memory_space<hbm>>) target_semaphore(%run_scoped3A : memref<!tpu.dma_semaphore, #tpu.memory_space<semaphore_mem>>)
      %dma_wait3A_773 = arith.constant 0 : i32
      %dma_wait3A_774 = tpu.memref_slice %arg4[%add3A_341, %dma_wait3A_773] : memref<131072x128xi32, #tpu.memory_space<hbm>> -> memref<64x128xi32, #tpu.memory_space<hbm>>
      %dma_wait3A_775 = arith.constant 0 : i32
      %dma_wait3A_776 = tpu.memref_slice %arg4[%add3A_341, %dma_wait3A_775] : memref<131072x128xi32, #tpu.memory_space<hbm>> -> memref<64x128xi32, #tpu.memory_space<hbm>>
      tpu.wait_dma2 semaphore(%run_scoped3A : memref<!tpu.dma_semaphore, #tpu.memory_space<semaphore_mem>>) src(%arg7 : memref<64x128xi32, #tpu.memory_space<vmem>>) dst(%dma_wait3A_776 : memref<64x128xi32, #tpu.memory_space<hbm>>)
      tpu.yield
    }) : () -> ()
    %dma_start3A_342 = arith.constant 1856 : i32
    %dma_start3A_343 = tpu.memref_slice %arg5[%dma_start3A_342] : memref<4096xi32, #tpu.memory_space<vmem>> -> memref<64xi32, #tpu.memory_space<vmem>>
    %dma_start3A_344 = arith.constant 0 : i32
    %dma_start3A_345 = arith.constant 0 : i32
    %dma_start3A_346 = tpu.memref_slice %arg2[%dma_start3A_344, %dma_start3A_345] : memref<4608x128xi32, #tpu.memory_space<hbm>> -> memref<4608x128xi32, #tpu.memory_space<hbm>>
    tpu.enqueue_indirect_dma source(%dma_start3A_346 : memref<4608x128xi32, #tpu.memory_space<hbm>>) target(%arg7 : memref<64x128xi32, #tpu.memory_space<vmem>>) offsets(%dma_start3A_343 : memref<64xi32, #tpu.memory_space<vmem>>) semaphore(%arg9 : memref<!tpu.dma_semaphore, #tpu.memory_space<semaphore_mem>>)
    %dma_wait3A_347 = arith.constant 1792 : i32
    %dma_wait3A_348 = tpu.memref_slice %arg5[%dma_wait3A_347] : memref<4096xi32, #tpu.memory_space<vmem>> -> memref<64xi32, #tpu.memory_space<vmem>>
    %dma_wait3A_349 = arith.constant 0 : i32
    %dma_wait3A_350 = arith.constant 0 : i32
    %dma_wait3A_351 = tpu.memref_slice %arg2[%dma_wait3A_349, %dma_wait3A_350] : memref<4608x128xi32, #tpu.memory_space<hbm>> -> memref<4608x128xi32, #tpu.memory_space<hbm>>
    tpu.wait_indirect_dma semaphore(%arg8 : memref<!tpu.dma_semaphore, #tpu.memory_space<semaphore_mem>>) src(%dma_wait3A_351 : memref<4608x128xi32, #tpu.memory_space<hbm>>) dst(%arg6 : memref<64x128xi32, #tpu.memory_space<vmem>>)
    %add3A_352 = arith.constant 1792 : i32
    %add3A_353 = arith.addi %mul3A_2, %add3A_352 : i32
    "tpu.region"() ({
      %run_scoped3A = tpu.sem_alloc : memref<!tpu.dma_semaphore, #tpu.memory_space<semaphore_mem>>
      %dma_start3A_769 = arith.constant 0 : i32
      %dma_start3A_770 = tpu.memref_slice %arg4[%add3A_353, %dma_start3A_769] : memref<131072x128xi32, #tpu.memory_space<hbm>> -> memref<64x128xi32, #tpu.memory_space<hbm>>
      %dma_start3A_771 = arith.constant 0 : i32
      %dma_start3A_772 = tpu.memref_slice %arg4[%add3A_353, %dma_start3A_771] : memref<131072x128xi32, #tpu.memory_space<hbm>> -> memref<64x128xi32, #tpu.memory_space<hbm>>
      tpu.enqueue_dma source(%arg6 : memref<64x128xi32, #tpu.memory_space<vmem>>) target(%dma_start3A_772 : memref<64x128xi32, #tpu.memory_space<hbm>>) target_semaphore(%run_scoped3A : memref<!tpu.dma_semaphore, #tpu.memory_space<semaphore_mem>>)
      %dma_wait3A_773 = arith.constant 0 : i32
      %dma_wait3A_774 = tpu.memref_slice %arg4[%add3A_353, %dma_wait3A_773] : memref<131072x128xi32, #tpu.memory_space<hbm>> -> memref<64x128xi32, #tpu.memory_space<hbm>>
      %dma_wait3A_775 = arith.constant 0 : i32
      %dma_wait3A_776 = tpu.memref_slice %arg4[%add3A_353, %dma_wait3A_775] : memref<131072x128xi32, #tpu.memory_space<hbm>> -> memref<64x128xi32, #tpu.memory_space<hbm>>
      tpu.wait_dma2 semaphore(%run_scoped3A : memref<!tpu.dma_semaphore, #tpu.memory_space<semaphore_mem>>) src(%arg6 : memref<64x128xi32, #tpu.memory_space<vmem>>) dst(%dma_wait3A_776 : memref<64x128xi32, #tpu.memory_space<hbm>>)
      tpu.yield
    }) : () -> ()
    %dma_start3A_354 = arith.constant 1920 : i32
    %dma_start3A_355 = tpu.memref_slice %arg5[%dma_start3A_354] : memref<4096xi32, #tpu.memory_space<vmem>> -> memref<64xi32, #tpu.memory_space<vmem>>
    %dma_start3A_356 = arith.constant 0 : i32
    %dma_start3A_357 = arith.constant 0 : i32
    %dma_start3A_358 = tpu.memref_slice %arg2[%dma_start3A_356, %dma_start3A_357] : memref<4608x128xi32, #tpu.memory_space<hbm>> -> memref<4608x128xi32, #tpu.memory_space<hbm>>
    tpu.enqueue_indirect_dma source(%dma_start3A_358 : memref<4608x128xi32, #tpu.memory_space<hbm>>) target(%arg6 : memref<64x128xi32, #tpu.memory_space<vmem>>) offsets(%dma_start3A_355 : memref<64xi32, #tpu.memory_space<vmem>>) semaphore(%arg8 : memref<!tpu.dma_semaphore, #tpu.memory_space<semaphore_mem>>)
    %dma_wait3A_359 = arith.constant 1856 : i32
    %dma_wait3A_360 = tpu.memref_slice %arg5[%dma_wait3A_359] : memref<4096xi32, #tpu.memory_space<vmem>> -> memref<64xi32, #tpu.memory_space<vmem>>
    %dma_wait3A_361 = arith.constant 0 : i32
    %dma_wait3A_362 = arith.constant 0 : i32
    %dma_wait3A_363 = tpu.memref_slice %arg2[%dma_wait3A_361, %dma_wait3A_362] : memref<4608x128xi32, #tpu.memory_space<hbm>> -> memref<4608x128xi32, #tpu.memory_space<hbm>>
    tpu.wait_indirect_dma semaphore(%arg9 : memref<!tpu.dma_semaphore, #tpu.memory_space<semaphore_mem>>) src(%dma_wait3A_363 : memref<4608x128xi32, #tpu.memory_space<hbm>>) dst(%arg7 : memref<64x128xi32, #tpu.memory_space<vmem>>)
    %add3A_364 = arith.constant 1856 : i32
    %add3A_365 = arith.addi %mul3A_2, %add3A_364 : i32
    "tpu.region"() ({
      %run_scoped3A = tpu.sem_alloc : memref<!tpu.dma_semaphore, #tpu.memory_space<semaphore_mem>>
      %dma_start3A_769 = arith.constant 0 : i32
      %dma_start3A_770 = tpu.memref_slice %arg4[%add3A_365, %dma_start3A_769] : memref<131072x128xi32, #tpu.memory_space<hbm>> -> memref<64x128xi32, #tpu.memory_space<hbm>>
      %dma_start3A_771 = arith.constant 0 : i32
      %dma_start3A_772 = tpu.memref_slice %arg4[%add3A_365, %dma_start3A_771] : memref<131072x128xi32, #tpu.memory_space<hbm>> -> memref<64x128xi32, #tpu.memory_space<hbm>>
      tpu.enqueue_dma source(%arg7 : memref<64x128xi32, #tpu.memory_space<vmem>>) target(%dma_start3A_772 : memref<64x128xi32, #tpu.memory_space<hbm>>) target_semaphore(%run_scoped3A : memref<!tpu.dma_semaphore, #tpu.memory_space<semaphore_mem>>)
      %dma_wait3A_773 = arith.constant 0 : i32
      %dma_wait3A_774 = tpu.memref_slice %arg4[%add3A_365, %dma_wait3A_773] : memref<131072x128xi32, #tpu.memory_space<hbm>> -> memref<64x128xi32, #tpu.memory_space<hbm>>
      %dma_wait3A_775 = arith.constant 0 : i32
      %dma_wait3A_776 = tpu.memref_slice %arg4[%add3A_365, %dma_wait3A_775] : memref<131072x128xi32, #tpu.memory_space<hbm>> -> memref<64x128xi32, #tpu.memory_space<hbm>>
      tpu.wait_dma2 semaphore(%run_scoped3A : memref<!tpu.dma_semaphore, #tpu.memory_space<semaphore_mem>>) src(%arg7 : memref<64x128xi32, #tpu.memory_space<vmem>>) dst(%dma_wait3A_776 : memref<64x128xi32, #tpu.memory_space<hbm>>)
      tpu.yield
    }) : () -> ()
    %dma_start3A_366 = arith.constant 1984 : i32
    %dma_start3A_367 = tpu.memref_slice %arg5[%dma_start3A_366] : memref<4096xi32, #tpu.memory_space<vmem>> -> memref<64xi32, #tpu.memory_space<vmem>>
    %dma_start3A_368 = arith.constant 0 : i32
    %dma_start3A_369 = arith.constant 0 : i32
    %dma_start3A_370 = tpu.memref_slice %arg2[%dma_start3A_368, %dma_start3A_369] : memref<4608x128xi32, #tpu.memory_space<hbm>> -> memref<4608x128xi32, #tpu.memory_space<hbm>>
    tpu.enqueue_indirect_dma source(%dma_start3A_370 : memref<4608x128xi32, #tpu.memory_space<hbm>>) target(%arg7 : memref<64x128xi32, #tpu.memory_space<vmem>>) offsets(%dma_start3A_367 : memref<64xi32, #tpu.memory_space<vmem>>) semaphore(%arg9 : memref<!tpu.dma_semaphore, #tpu.memory_space<semaphore_mem>>)
    %dma_wait3A_371 = arith.constant 1920 : i32
    %dma_wait3A_372 = tpu.memref_slice %arg5[%dma_wait3A_371] : memref<4096xi32, #tpu.memory_space<vmem>> -> memref<64xi32, #tpu.memory_space<vmem>>
    %dma_wait3A_373 = arith.constant 0 : i32
    %dma_wait3A_374 = arith.constant 0 : i32
    %dma_wait3A_375 = tpu.memref_slice %arg2[%dma_wait3A_373, %dma_wait3A_374] : memref<4608x128xi32, #tpu.memory_space<hbm>> -> memref<4608x128xi32, #tpu.memory_space<hbm>>
    tpu.wait_indirect_dma semaphore(%arg8 : memref<!tpu.dma_semaphore, #tpu.memory_space<semaphore_mem>>) src(%dma_wait3A_375 : memref<4608x128xi32, #tpu.memory_space<hbm>>) dst(%arg6 : memref<64x128xi32, #tpu.memory_space<vmem>>)
    %add3A_376 = arith.constant 1920 : i32
    %add3A_377 = arith.addi %mul3A_2, %add3A_376 : i32
    "tpu.region"() ({
      %run_scoped3A = tpu.sem_alloc : memref<!tpu.dma_semaphore, #tpu.memory_space<semaphore_mem>>
      %dma_start3A_769 = arith.constant 0 : i32
      %dma_start3A_770 = tpu.memref_slice %arg4[%add3A_377, %dma_start3A_769] : memref<131072x128xi32, #tpu.memory_space<hbm>> -> memref<64x128xi32, #tpu.memory_space<hbm>>
      %dma_start3A_771 = arith.constant 0 : i32
      %dma_start3A_772 = tpu.memref_slice %arg4[%add3A_377, %dma_start3A_771] : memref<131072x128xi32, #tpu.memory_space<hbm>> -> memref<64x128xi32, #tpu.memory_space<hbm>>
      tpu.enqueue_dma source(%arg6 : memref<64x128xi32, #tpu.memory_space<vmem>>) target(%dma_start3A_772 : memref<64x128xi32, #tpu.memory_space<hbm>>) target_semaphore(%run_scoped3A : memref<!tpu.dma_semaphore, #tpu.memory_space<semaphore_mem>>)
      %dma_wait3A_773 = arith.constant 0 : i32
      %dma_wait3A_774 = tpu.memref_slice %arg4[%add3A_377, %dma_wait3A_773] : memref<131072x128xi32, #tpu.memory_space<hbm>> -> memref<64x128xi32, #tpu.memory_space<hbm>>
      %dma_wait3A_775 = arith.constant 0 : i32
      %dma_wait3A_776 = tpu.memref_slice %arg4[%add3A_377, %dma_wait3A_775] : memref<131072x128xi32, #tpu.memory_space<hbm>> -> memref<64x128xi32, #tpu.memory_space<hbm>>
      tpu.wait_dma2 semaphore(%run_scoped3A : memref<!tpu.dma_semaphore, #tpu.memory_space<semaphore_mem>>) src(%arg6 : memref<64x128xi32, #tpu.memory_space<vmem>>) dst(%dma_wait3A_776 : memref<64x128xi32, #tpu.memory_space<hbm>>)
      tpu.yield
    }) : () -> ()
    %dma_start3A_378 = arith.constant 2048 : i32
    %dma_start3A_379 = tpu.memref_slice %arg5[%dma_start3A_378] : memref<4096xi32, #tpu.memory_space<vmem>> -> memref<64xi32, #tpu.memory_space<vmem>>
    %dma_start3A_380 = arith.constant 0 : i32
    %dma_start3A_381 = arith.constant 0 : i32
    %dma_start3A_382 = tpu.memref_slice %arg2[%dma_start3A_380, %dma_start3A_381] : memref<4608x128xi32, #tpu.memory_space<hbm>> -> memref<4608x128xi32, #tpu.memory_space<hbm>>
    tpu.enqueue_indirect_dma source(%dma_start3A_382 : memref<4608x128xi32, #tpu.memory_space<hbm>>) target(%arg6 : memref<64x128xi32, #tpu.memory_space<vmem>>) offsets(%dma_start3A_379 : memref<64xi32, #tpu.memory_space<vmem>>) semaphore(%arg8 : memref<!tpu.dma_semaphore, #tpu.memory_space<semaphore_mem>>)
    %dma_wait3A_383 = arith.constant 1984 : i32
    %dma_wait3A_384 = tpu.memref_slice %arg5[%dma_wait3A_383] : memref<4096xi32, #tpu.memory_space<vmem>> -> memref<64xi32, #tpu.memory_space<vmem>>
    %dma_wait3A_385 = arith.constant 0 : i32
    %dma_wait3A_386 = arith.constant 0 : i32
    %dma_wait3A_387 = tpu.memref_slice %arg2[%dma_wait3A_385, %dma_wait3A_386] : memref<4608x128xi32, #tpu.memory_space<hbm>> -> memref<4608x128xi32, #tpu.memory_space<hbm>>
    tpu.wait_indirect_dma semaphore(%arg9 : memref<!tpu.dma_semaphore, #tpu.memory_space<semaphore_mem>>) src(%dma_wait3A_387 : memref<4608x128xi32, #tpu.memory_space<hbm>>) dst(%arg7 : memref<64x128xi32, #tpu.memory_space<vmem>>)
    %add3A_388 = arith.constant 1984 : i32
    %add3A_389 = arith.addi %mul3A_2, %add3A_388 : i32
    "tpu.region"() ({
      %run_scoped3A = tpu.sem_alloc : memref<!tpu.dma_semaphore, #tpu.memory_space<semaphore_mem>>
      %dma_start3A_769 = arith.constant 0 : i32
      %dma_start3A_770 = tpu.memref_slice %arg4[%add3A_389, %dma_start3A_769] : memref<131072x128xi32, #tpu.memory_space<hbm>> -> memref<64x128xi32, #tpu.memory_space<hbm>>
      %dma_start3A_771 = arith.constant 0 : i32
      %dma_start3A_772 = tpu.memref_slice %arg4[%add3A_389, %dma_start3A_771] : memref<131072x128xi32, #tpu.memory_space<hbm>> -> memref<64x128xi32, #tpu.memory_space<hbm>>
      tpu.enqueue_dma source(%arg7 : memref<64x128xi32, #tpu.memory_space<vmem>>) target(%dma_start3A_772 : memref<64x128xi32, #tpu.memory_space<hbm>>) target_semaphore(%run_scoped3A : memref<!tpu.dma_semaphore, #tpu.memory_space<semaphore_mem>>)
      %dma_wait3A_773 = arith.constant 0 : i32
      %dma_wait3A_774 = tpu.memref_slice %arg4[%add3A_389, %dma_wait3A_773] : memref<131072x128xi32, #tpu.memory_space<hbm>> -> memref<64x128xi32, #tpu.memory_space<hbm>>
      %dma_wait3A_775 = arith.constant 0 : i32
      %dma_wait3A_776 = tpu.memref_slice %arg4[%add3A_389, %dma_wait3A_775] : memref<131072x128xi32, #tpu.memory_space<hbm>> -> memref<64x128xi32, #tpu.memory_space<hbm>>
      tpu.wait_dma2 semaphore(%run_scoped3A : memref<!tpu.dma_semaphore, #tpu.memory_space<semaphore_mem>>) src(%arg7 : memref<64x128xi32, #tpu.memory_space<vmem>>) dst(%dma_wait3A_776 : memref<64x128xi32, #tpu.memory_space<hbm>>)
      tpu.yield
    }) : () -> ()
    %dma_start3A_390 = arith.constant 2112 : i32
    %dma_start3A_391 = tpu.memref_slice %arg5[%dma_start3A_390] : memref<4096xi32, #tpu.memory_space<vmem>> -> memref<64xi32, #tpu.memory_space<vmem>>
    %dma_start3A_392 = arith.constant 0 : i32
    %dma_start3A_393 = arith.constant 0 : i32
    %dma_start3A_394 = tpu.memref_slice %arg2[%dma_start3A_392, %dma_start3A_393] : memref<4608x128xi32, #tpu.memory_space<hbm>> -> memref<4608x128xi32, #tpu.memory_space<hbm>>
    tpu.enqueue_indirect_dma source(%dma_start3A_394 : memref<4608x128xi32, #tpu.memory_space<hbm>>) target(%arg7 : memref<64x128xi32, #tpu.memory_space<vmem>>) offsets(%dma_start3A_391 : memref<64xi32, #tpu.memory_space<vmem>>) semaphore(%arg9 : memref<!tpu.dma_semaphore, #tpu.memory_space<semaphore_mem>>)
    %dma_wait3A_395 = arith.constant 2048 : i32
    %dma_wait3A_396 = tpu.memref_slice %arg5[%dma_wait3A_395] : memref<4096xi32, #tpu.memory_space<vmem>> -> memref<64xi32, #tpu.memory_space<vmem>>
    %dma_wait3A_397 = arith.constant 0 : i32
    %dma_wait3A_398 = arith.constant 0 : i32
    %dma_wait3A_399 = tpu.memref_slice %arg2[%dma_wait3A_397, %dma_wait3A_398] : memref<4608x128xi32, #tpu.memory_space<hbm>> -> memref<4608x128xi32, #tpu.memory_space<hbm>>
    tpu.wait_indirect_dma semaphore(%arg8 : memref<!tpu.dma_semaphore, #tpu.memory_space<semaphore_mem>>) src(%dma_wait3A_399 : memref<4608x128xi32, #tpu.memory_space<hbm>>) dst(%arg6 : memref<64x128xi32, #tpu.memory_space<vmem>>)
    %add3A_400 = arith.constant 2048 : i32
    %add3A_401 = arith.addi %mul3A_2, %add3A_400 : i32
    "tpu.region"() ({
      %run_scoped3A = tpu.sem_alloc : memref<!tpu.dma_semaphore, #tpu.memory_space<semaphore_mem>>
      %dma_start3A_769 = arith.constant 0 : i32
      %dma_start3A_770 = tpu.memref_slice %arg4[%add3A_401, %dma_start3A_769] : memref<131072x128xi32, #tpu.memory_space<hbm>> -> memref<64x128xi32, #tpu.memory_space<hbm>>
      %dma_start3A_771 = arith.constant 0 : i32
      %dma_start3A_772 = tpu.memref_slice %arg4[%add3A_401, %dma_start3A_771] : memref<131072x128xi32, #tpu.memory_space<hbm>> -> memref<64x128xi32, #tpu.memory_space<hbm>>
      tpu.enqueue_dma source(%arg6 : memref<64x128xi32, #tpu.memory_space<vmem>>) target(%dma_start3A_772 : memref<64x128xi32, #tpu.memory_space<hbm>>) target_semaphore(%run_scoped3A : memref<!tpu.dma_semaphore, #tpu.memory_space<semaphore_mem>>)
      %dma_wait3A_773 = arith.constant 0 : i32
      %dma_wait3A_774 = tpu.memref_slice %arg4[%add3A_401, %dma_wait3A_773] : memref<131072x128xi32, #tpu.memory_space<hbm>> -> memref<64x128xi32, #tpu.memory_space<hbm>>
      %dma_wait3A_775 = arith.constant 0 : i32
      %dma_wait3A_776 = tpu.memref_slice %arg4[%add3A_401, %dma_wait3A_775] : memref<131072x128xi32, #tpu.memory_space<hbm>> -> memref<64x128xi32, #tpu.memory_space<hbm>>
      tpu.wait_dma2 semaphore(%run_scoped3A : memref<!tpu.dma_semaphore, #tpu.memory_space<semaphore_mem>>) src(%arg6 : memref<64x128xi32, #tpu.memory_space<vmem>>) dst(%dma_wait3A_776 : memref<64x128xi32, #tpu.memory_space<hbm>>)
      tpu.yield
    }) : () -> ()
    %dma_start3A_402 = arith.constant 2176 : i32
    %dma_start3A_403 = tpu.memref_slice %arg5[%dma_start3A_402] : memref<4096xi32, #tpu.memory_space<vmem>> -> memref<64xi32, #tpu.memory_space<vmem>>
    %dma_start3A_404 = arith.constant 0 : i32
    %dma_start3A_405 = arith.constant 0 : i32
    %dma_start3A_406 = tpu.memref_slice %arg2[%dma_start3A_404, %dma_start3A_405] : memref<4608x128xi32, #tpu.memory_space<hbm>> -> memref<4608x128xi32, #tpu.memory_space<hbm>>
    tpu.enqueue_indirect_dma source(%dma_start3A_406 : memref<4608x128xi32, #tpu.memory_space<hbm>>) target(%arg6 : memref<64x128xi32, #tpu.memory_space<vmem>>) offsets(%dma_start3A_403 : memref<64xi32, #tpu.memory_space<vmem>>) semaphore(%arg8 : memref<!tpu.dma_semaphore, #tpu.memory_space<semaphore_mem>>)
    %dma_wait3A_407 = arith.constant 2112 : i32
    %dma_wait3A_408 = tpu.memref_slice %arg5[%dma_wait3A_407] : memref<4096xi32, #tpu.memory_space<vmem>> -> memref<64xi32, #tpu.memory_space<vmem>>
    %dma_wait3A_409 = arith.constant 0 : i32
    %dma_wait3A_410 = arith.constant 0 : i32
    %dma_wait3A_411 = tpu.memref_slice %arg2[%dma_wait3A_409, %dma_wait3A_410] : memref<4608x128xi32, #tpu.memory_space<hbm>> -> memref<4608x128xi32, #tpu.memory_space<hbm>>
    tpu.wait_indirect_dma semaphore(%arg9 : memref<!tpu.dma_semaphore, #tpu.memory_space<semaphore_mem>>) src(%dma_wait3A_411 : memref<4608x128xi32, #tpu.memory_space<hbm>>) dst(%arg7 : memref<64x128xi32, #tpu.memory_space<vmem>>)
    %add3A_412 = arith.constant 2112 : i32
    %add3A_413 = arith.addi %mul3A_2, %add3A_412 : i32
    "tpu.region"() ({
      %run_scoped3A = tpu.sem_alloc : memref<!tpu.dma_semaphore, #tpu.memory_space<semaphore_mem>>
      %dma_start3A_769 = arith.constant 0 : i32
      %dma_start3A_770 = tpu.memref_slice %arg4[%add3A_413, %dma_start3A_769] : memref<131072x128xi32, #tpu.memory_space<hbm>> -> memref<64x128xi32, #tpu.memory_space<hbm>>
      %dma_start3A_771 = arith.constant 0 : i32
      %dma_start3A_772 = tpu.memref_slice %arg4[%add3A_413, %dma_start3A_771] : memref<131072x128xi32, #tpu.memory_space<hbm>> -> memref<64x128xi32, #tpu.memory_space<hbm>>
      tpu.enqueue_dma source(%arg7 : memref<64x128xi32, #tpu.memory_space<vmem>>) target(%dma_start3A_772 : memref<64x128xi32, #tpu.memory_space<hbm>>) target_semaphore(%run_scoped3A : memref<!tpu.dma_semaphore, #tpu.memory_space<semaphore_mem>>)
      %dma_wait3A_773 = arith.constant 0 : i32
      %dma_wait3A_774 = tpu.memref_slice %arg4[%add3A_413, %dma_wait3A_773] : memref<131072x128xi32, #tpu.memory_space<hbm>> -> memref<64x128xi32, #tpu.memory_space<hbm>>
      %dma_wait3A_775 = arith.constant 0 : i32
      %dma_wait3A_776 = tpu.memref_slice %arg4[%add3A_413, %dma_wait3A_775] : memref<131072x128xi32, #tpu.memory_space<hbm>> -> memref<64x128xi32, #tpu.memory_space<hbm>>
      tpu.wait_dma2 semaphore(%run_scoped3A : memref<!tpu.dma_semaphore, #tpu.memory_space<semaphore_mem>>) src(%arg7 : memref<64x128xi32, #tpu.memory_space<vmem>>) dst(%dma_wait3A_776 : memref<64x128xi32, #tpu.memory_space<hbm>>)
      tpu.yield
    }) : () -> ()
    %dma_start3A_414 = arith.constant 2240 : i32
    %dma_start3A_415 = tpu.memref_slice %arg5[%dma_start3A_414] : memref<4096xi32, #tpu.memory_space<vmem>> -> memref<64xi32, #tpu.memory_space<vmem>>
    %dma_start3A_416 = arith.constant 0 : i32
    %dma_start3A_417 = arith.constant 0 : i32
    %dma_start3A_418 = tpu.memref_slice %arg2[%dma_start3A_416, %dma_start3A_417] : memref<4608x128xi32, #tpu.memory_space<hbm>> -> memref<4608x128xi32, #tpu.memory_space<hbm>>
    tpu.enqueue_indirect_dma source(%dma_start3A_418 : memref<4608x128xi32, #tpu.memory_space<hbm>>) target(%arg7 : memref<64x128xi32, #tpu.memory_space<vmem>>) offsets(%dma_start3A_415 : memref<64xi32, #tpu.memory_space<vmem>>) semaphore(%arg9 : memref<!tpu.dma_semaphore, #tpu.memory_space<semaphore_mem>>)
    %dma_wait3A_419 = arith.constant 2176 : i32
    %dma_wait3A_420 = tpu.memref_slice %arg5[%dma_wait3A_419] : memref<4096xi32, #tpu.memory_space<vmem>> -> memref<64xi32, #tpu.memory_space<vmem>>
    %dma_wait3A_421 = arith.constant 0 : i32
    %dma_wait3A_422 = arith.constant 0 : i32
    %dma_wait3A_423 = tpu.memref_slice %arg2[%dma_wait3A_421, %dma_wait3A_422] : memref<4608x128xi32, #tpu.memory_space<hbm>> -> memref<4608x128xi32, #tpu.memory_space<hbm>>
    tpu.wait_indirect_dma semaphore(%arg8 : memref<!tpu.dma_semaphore, #tpu.memory_space<semaphore_mem>>) src(%dma_wait3A_423 : memref<4608x128xi32, #tpu.memory_space<hbm>>) dst(%arg6 : memref<64x128xi32, #tpu.memory_space<vmem>>)
    %add3A_424 = arith.constant 2176 : i32
    %add3A_425 = arith.addi %mul3A_2, %add3A_424 : i32
    "tpu.region"() ({
      %run_scoped3A = tpu.sem_alloc : memref<!tpu.dma_semaphore, #tpu.memory_space<semaphore_mem>>
      %dma_start3A_769 = arith.constant 0 : i32
      %dma_start3A_770 = tpu.memref_slice %arg4[%add3A_425, %dma_start3A_769] : memref<131072x128xi32, #tpu.memory_space<hbm>> -> memref<64x128xi32, #tpu.memory_space<hbm>>
      %dma_start3A_771 = arith.constant 0 : i32
      %dma_start3A_772 = tpu.memref_slice %arg4[%add3A_425, %dma_start3A_771] : memref<131072x128xi32, #tpu.memory_space<hbm>> -> memref<64x128xi32, #tpu.memory_space<hbm>>
      tpu.enqueue_dma source(%arg6 : memref<64x128xi32, #tpu.memory_space<vmem>>) target(%dma_start3A_772 : memref<64x128xi32, #tpu.memory_space<hbm>>) target_semaphore(%run_scoped3A : memref<!tpu.dma_semaphore, #tpu.memory_space<semaphore_mem>>)
      %dma_wait3A_773 = arith.constant 0 : i32
      %dma_wait3A_774 = tpu.memref_slice %arg4[%add3A_425, %dma_wait3A_773] : memref<131072x128xi32, #tpu.memory_space<hbm>> -> memref<64x128xi32, #tpu.memory_space<hbm>>
      %dma_wait3A_775 = arith.constant 0 : i32
      %dma_wait3A_776 = tpu.memref_slice %arg4[%add3A_425, %dma_wait3A_775] : memref<131072x128xi32, #tpu.memory_space<hbm>> -> memref<64x128xi32, #tpu.memory_space<hbm>>
      tpu.wait_dma2 semaphore(%run_scoped3A : memref<!tpu.dma_semaphore, #tpu.memory_space<semaphore_mem>>) src(%arg6 : memref<64x128xi32, #tpu.memory_space<vmem>>) dst(%dma_wait3A_776 : memref<64x128xi32, #tpu.memory_space<hbm>>)
      tpu.yield
    }) : () -> ()
    %dma_start3A_426 = arith.constant 2304 : i32
    %dma_start3A_427 = tpu.memref_slice %arg5[%dma_start3A_426] : memref<4096xi32, #tpu.memory_space<vmem>> -> memref<64xi32, #tpu.memory_space<vmem>>
    %dma_start3A_428 = arith.constant 0 : i32
    %dma_start3A_429 = arith.constant 0 : i32
    %dma_start3A_430 = tpu.memref_slice %arg2[%dma_start3A_428, %dma_start3A_429] : memref<4608x128xi32, #tpu.memory_space<hbm>> -> memref<4608x128xi32, #tpu.memory_space<hbm>>
    tpu.enqueue_indirect_dma source(%dma_start3A_430 : memref<4608x128xi32, #tpu.memory_space<hbm>>) target(%arg6 : memref<64x128xi32, #tpu.memory_space<vmem>>) offsets(%dma_start3A_427 : memref<64xi32, #tpu.memory_space<vmem>>) semaphore(%arg8 : memref<!tpu.dma_semaphore, #tpu.memory_space<semaphore_mem>>)
    %dma_wait3A_431 = arith.constant 2240 : i32
    %dma_wait3A_432 = tpu.memref_slice %arg5[%dma_wait3A_431] : memref<4096xi32, #tpu.memory_space<vmem>> -> memref<64xi32, #tpu.memory_space<vmem>>
    %dma_wait3A_433 = arith.constant 0 : i32
    %dma_wait3A_434 = arith.constant 0 : i32
    %dma_wait3A_435 = tpu.memref_slice %arg2[%dma_wait3A_433, %dma_wait3A_434] : memref<4608x128xi32, #tpu.memory_space<hbm>> -> memref<4608x128xi32, #tpu.memory_space<hbm>>
    tpu.wait_indirect_dma semaphore(%arg9 : memref<!tpu.dma_semaphore, #tpu.memory_space<semaphore_mem>>) src(%dma_wait3A_435 : memref<4608x128xi32, #tpu.memory_space<hbm>>) dst(%arg7 : memref<64x128xi32, #tpu.memory_space<vmem>>)
    %add3A_436 = arith.constant 2240 : i32
    %add3A_437 = arith.addi %mul3A_2, %add3A_436 : i32
    "tpu.region"() ({
      %run_scoped3A = tpu.sem_alloc : memref<!tpu.dma_semaphore, #tpu.memory_space<semaphore_mem>>
      %dma_start3A_769 = arith.constant 0 : i32
      %dma_start3A_770 = tpu.memref_slice %arg4[%add3A_437, %dma_start3A_769] : memref<131072x128xi32, #tpu.memory_space<hbm>> -> memref<64x128xi32, #tpu.memory_space<hbm>>
      %dma_start3A_771 = arith.constant 0 : i32
      %dma_start3A_772 = tpu.memref_slice %arg4[%add3A_437, %dma_start3A_771] : memref<131072x128xi32, #tpu.memory_space<hbm>> -> memref<64x128xi32, #tpu.memory_space<hbm>>
      tpu.enqueue_dma source(%arg7 : memref<64x128xi32, #tpu.memory_space<vmem>>) target(%dma_start3A_772 : memref<64x128xi32, #tpu.memory_space<hbm>>) target_semaphore(%run_scoped3A : memref<!tpu.dma_semaphore, #tpu.memory_space<semaphore_mem>>)
      %dma_wait3A_773 = arith.constant 0 : i32
      %dma_wait3A_774 = tpu.memref_slice %arg4[%add3A_437, %dma_wait3A_773] : memref<131072x128xi32, #tpu.memory_space<hbm>> -> memref<64x128xi32, #tpu.memory_space<hbm>>
      %dma_wait3A_775 = arith.constant 0 : i32
      %dma_wait3A_776 = tpu.memref_slice %arg4[%add3A_437, %dma_wait3A_775] : memref<131072x128xi32, #tpu.memory_space<hbm>> -> memref<64x128xi32, #tpu.memory_space<hbm>>
      tpu.wait_dma2 semaphore(%run_scoped3A : memref<!tpu.dma_semaphore, #tpu.memory_space<semaphore_mem>>) src(%arg7 : memref<64x128xi32, #tpu.memory_space<vmem>>) dst(%dma_wait3A_776 : memref<64x128xi32, #tpu.memory_space<hbm>>)
      tpu.yield
    }) : () -> ()
    %dma_start3A_438 = arith.constant 2368 : i32
    %dma_start3A_439 = tpu.memref_slice %arg5[%dma_start3A_438] : memref<4096xi32, #tpu.memory_space<vmem>> -> memref<64xi32, #tpu.memory_space<vmem>>
    %dma_start3A_440 = arith.constant 0 : i32
    %dma_start3A_441 = arith.constant 0 : i32
    %dma_start3A_442 = tpu.memref_slice %arg2[%dma_start3A_440, %dma_start3A_441] : memref<4608x128xi32, #tpu.memory_space<hbm>> -> memref<4608x128xi32, #tpu.memory_space<hbm>>
    tpu.enqueue_indirect_dma source(%dma_start3A_442 : memref<4608x128xi32, #tpu.memory_space<hbm>>) target(%arg7 : memref<64x128xi32, #tpu.memory_space<vmem>>) offsets(%dma_start3A_439 : memref<64xi32, #tpu.memory_space<vmem>>) semaphore(%arg9 : memref<!tpu.dma_semaphore, #tpu.memory_space<semaphore_mem>>)
    %dma_wait3A_443 = arith.constant 2304 : i32
    %dma_wait3A_444 = tpu.memref_slice %arg5[%dma_wait3A_443] : memref<4096xi32, #tpu.memory_space<vmem>> -> memref<64xi32, #tpu.memory_space<vmem>>
    %dma_wait3A_445 = arith.constant 0 : i32
    %dma_wait3A_446 = arith.constant 0 : i32
    %dma_wait3A_447 = tpu.memref_slice %arg2[%dma_wait3A_445, %dma_wait3A_446] : memref<4608x128xi32, #tpu.memory_space<hbm>> -> memref<4608x128xi32, #tpu.memory_space<hbm>>
    tpu.wait_indirect_dma semaphore(%arg8 : memref<!tpu.dma_semaphore, #tpu.memory_space<semaphore_mem>>) src(%dma_wait3A_447 : memref<4608x128xi32, #tpu.memory_space<hbm>>) dst(%arg6 : memref<64x128xi32, #tpu.memory_space<vmem>>)
    %add3A_448 = arith.constant 2304 : i32
    %add3A_449 = arith.addi %mul3A_2, %add3A_448 : i32
    "tpu.region"() ({
      %run_scoped3A = tpu.sem_alloc : memref<!tpu.dma_semaphore, #tpu.memory_space<semaphore_mem>>
      %dma_start3A_769 = arith.constant 0 : i32
      %dma_start3A_770 = tpu.memref_slice %arg4[%add3A_449, %dma_start3A_769] : memref<131072x128xi32, #tpu.memory_space<hbm>> -> memref<64x128xi32, #tpu.memory_space<hbm>>
      %dma_start3A_771 = arith.constant 0 : i32
      %dma_start3A_772 = tpu.memref_slice %arg4[%add3A_449, %dma_start3A_771] : memref<131072x128xi32, #tpu.memory_space<hbm>> -> memref<64x128xi32, #tpu.memory_space<hbm>>
      tpu.enqueue_dma source(%arg6 : memref<64x128xi32, #tpu.memory_space<vmem>>) target(%dma_start3A_772 : memref<64x128xi32, #tpu.memory_space<hbm>>) target_semaphore(%run_scoped3A : memref<!tpu.dma_semaphore, #tpu.memory_space<semaphore_mem>>)
      %dma_wait3A_773 = arith.constant 0 : i32
      %dma_wait3A_774 = tpu.memref_slice %arg4[%add3A_449, %dma_wait3A_773] : memref<131072x128xi32, #tpu.memory_space<hbm>> -> memref<64x128xi32, #tpu.memory_space<hbm>>
      %dma_wait3A_775 = arith.constant 0 : i32
      %dma_wait3A_776 = tpu.memref_slice %arg4[%add3A_449, %dma_wait3A_775] : memref<131072x128xi32, #tpu.memory_space<hbm>> -> memref<64x128xi32, #tpu.memory_space<hbm>>
      tpu.wait_dma2 semaphore(%run_scoped3A : memref<!tpu.dma_semaphore, #tpu.memory_space<semaphore_mem>>) src(%arg6 : memref<64x128xi32, #tpu.memory_space<vmem>>) dst(%dma_wait3A_776 : memref<64x128xi32, #tpu.memory_space<hbm>>)
      tpu.yield
    }) : () -> ()
    %dma_start3A_450 = arith.constant 2432 : i32
    %dma_start3A_451 = tpu.memref_slice %arg5[%dma_start3A_450] : memref<4096xi32, #tpu.memory_space<vmem>> -> memref<64xi32, #tpu.memory_space<vmem>>
    %dma_start3A_452 = arith.constant 0 : i32
    %dma_start3A_453 = arith.constant 0 : i32
    %dma_start3A_454 = tpu.memref_slice %arg2[%dma_start3A_452, %dma_start3A_453] : memref<4608x128xi32, #tpu.memory_space<hbm>> -> memref<4608x128xi32, #tpu.memory_space<hbm>>
    tpu.enqueue_indirect_dma source(%dma_start3A_454 : memref<4608x128xi32, #tpu.memory_space<hbm>>) target(%arg6 : memref<64x128xi32, #tpu.memory_space<vmem>>) offsets(%dma_start3A_451 : memref<64xi32, #tpu.memory_space<vmem>>) semaphore(%arg8 : memref<!tpu.dma_semaphore, #tpu.memory_space<semaphore_mem>>)
    %dma_wait3A_455 = arith.constant 2368 : i32
    %dma_wait3A_456 = tpu.memref_slice %arg5[%dma_wait3A_455] : memref<4096xi32, #tpu.memory_space<vmem>> -> memref<64xi32, #tpu.memory_space<vmem>>
    %dma_wait3A_457 = arith.constant 0 : i32
    %dma_wait3A_458 = arith.constant 0 : i32
    %dma_wait3A_459 = tpu.memref_slice %arg2[%dma_wait3A_457, %dma_wait3A_458] : memref<4608x128xi32, #tpu.memory_space<hbm>> -> memref<4608x128xi32, #tpu.memory_space<hbm>>
    tpu.wait_indirect_dma semaphore(%arg9 : memref<!tpu.dma_semaphore, #tpu.memory_space<semaphore_mem>>) src(%dma_wait3A_459 : memref<4608x128xi32, #tpu.memory_space<hbm>>) dst(%arg7 : memref<64x128xi32, #tpu.memory_space<vmem>>)
    %add3A_460 = arith.constant 2368 : i32
    %add3A_461 = arith.addi %mul3A_2, %add3A_460 : i32
    "tpu.region"() ({
      %run_scoped3A = tpu.sem_alloc : memref<!tpu.dma_semaphore, #tpu.memory_space<semaphore_mem>>
      %dma_start3A_769 = arith.constant 0 : i32
      %dma_start3A_770 = tpu.memref_slice %arg4[%add3A_461, %dma_start3A_769] : memref<131072x128xi32, #tpu.memory_space<hbm>> -> memref<64x128xi32, #tpu.memory_space<hbm>>
      %dma_start3A_771 = arith.constant 0 : i32
      %dma_start3A_772 = tpu.memref_slice %arg4[%add3A_461, %dma_start3A_771] : memref<131072x128xi32, #tpu.memory_space<hbm>> -> memref<64x128xi32, #tpu.memory_space<hbm>>
      tpu.enqueue_dma source(%arg7 : memref<64x128xi32, #tpu.memory_space<vmem>>) target(%dma_start3A_772 : memref<64x128xi32, #tpu.memory_space<hbm>>) target_semaphore(%run_scoped3A : memref<!tpu.dma_semaphore, #tpu.memory_space<semaphore_mem>>)
      %dma_wait3A_773 = arith.constant 0 : i32
      %dma_wait3A_774 = tpu.memref_slice %arg4[%add3A_461, %dma_wait3A_773] : memref<131072x128xi32, #tpu.memory_space<hbm>> -> memref<64x128xi32, #tpu.memory_space<hbm>>
      %dma_wait3A_775 = arith.constant 0 : i32
      %dma_wait3A_776 = tpu.memref_slice %arg4[%add3A_461, %dma_wait3A_775] : memref<131072x128xi32, #tpu.memory_space<hbm>> -> memref<64x128xi32, #tpu.memory_space<hbm>>
      tpu.wait_dma2 semaphore(%run_scoped3A : memref<!tpu.dma_semaphore, #tpu.memory_space<semaphore_mem>>) src(%arg7 : memref<64x128xi32, #tpu.memory_space<vmem>>) dst(%dma_wait3A_776 : memref<64x128xi32, #tpu.memory_space<hbm>>)
      tpu.yield
    }) : () -> ()
    %dma_start3A_462 = arith.constant 2496 : i32
    %dma_start3A_463 = tpu.memref_slice %arg5[%dma_start3A_462] : memref<4096xi32, #tpu.memory_space<vmem>> -> memref<64xi32, #tpu.memory_space<vmem>>
    %dma_start3A_464 = arith.constant 0 : i32
    %dma_start3A_465 = arith.constant 0 : i32
    %dma_start3A_466 = tpu.memref_slice %arg2[%dma_start3A_464, %dma_start3A_465] : memref<4608x128xi32, #tpu.memory_space<hbm>> -> memref<4608x128xi32, #tpu.memory_space<hbm>>
    tpu.enqueue_indirect_dma source(%dma_start3A_466 : memref<4608x128xi32, #tpu.memory_space<hbm>>) target(%arg7 : memref<64x128xi32, #tpu.memory_space<vmem>>) offsets(%dma_start3A_463 : memref<64xi32, #tpu.memory_space<vmem>>) semaphore(%arg9 : memref<!tpu.dma_semaphore, #tpu.memory_space<semaphore_mem>>)
    %dma_wait3A_467 = arith.constant 2432 : i32
    %dma_wait3A_468 = tpu.memref_slice %arg5[%dma_wait3A_467] : memref<4096xi32, #tpu.memory_space<vmem>> -> memref<64xi32, #tpu.memory_space<vmem>>
    %dma_wait3A_469 = arith.constant 0 : i32
    %dma_wait3A_470 = arith.constant 0 : i32
    %dma_wait3A_471 = tpu.memref_slice %arg2[%dma_wait3A_469, %dma_wait3A_470] : memref<4608x128xi32, #tpu.memory_space<hbm>> -> memref<4608x128xi32, #tpu.memory_space<hbm>>
    tpu.wait_indirect_dma semaphore(%arg8 : memref<!tpu.dma_semaphore, #tpu.memory_space<semaphore_mem>>) src(%dma_wait3A_471 : memref<4608x128xi32, #tpu.memory_space<hbm>>) dst(%arg6 : memref<64x128xi32, #tpu.memory_space<vmem>>)
    %add3A_472 = arith.constant 2432 : i32
    %add3A_473 = arith.addi %mul3A_2, %add3A_472 : i32
    "tpu.region"() ({
      %run_scoped3A = tpu.sem_alloc : memref<!tpu.dma_semaphore, #tpu.memory_space<semaphore_mem>>
      %dma_start3A_769 = arith.constant 0 : i32
      %dma_start3A_770 = tpu.memref_slice %arg4[%add3A_473, %dma_start3A_769] : memref<131072x128xi32, #tpu.memory_space<hbm>> -> memref<64x128xi32, #tpu.memory_space<hbm>>
      %dma_start3A_771 = arith.constant 0 : i32
      %dma_start3A_772 = tpu.memref_slice %arg4[%add3A_473, %dma_start3A_771] : memref<131072x128xi32, #tpu.memory_space<hbm>> -> memref<64x128xi32, #tpu.memory_space<hbm>>
      tpu.enqueue_dma source(%arg6 : memref<64x128xi32, #tpu.memory_space<vmem>>) target(%dma_start3A_772 : memref<64x128xi32, #tpu.memory_space<hbm>>) target_semaphore(%run_scoped3A : memref<!tpu.dma_semaphore, #tpu.memory_space<semaphore_mem>>)
      %dma_wait3A_773 = arith.constant 0 : i32
      %dma_wait3A_774 = tpu.memref_slice %arg4[%add3A_473, %dma_wait3A_773] : memref<131072x128xi32, #tpu.memory_space<hbm>> -> memref<64x128xi32, #tpu.memory_space<hbm>>
      %dma_wait3A_775 = arith.constant 0 : i32
      %dma_wait3A_776 = tpu.memref_slice %arg4[%add3A_473, %dma_wait3A_775] : memref<131072x128xi32, #tpu.memory_space<hbm>> -> memref<64x128xi32, #tpu.memory_space<hbm>>
      tpu.wait_dma2 semaphore(%run_scoped3A : memref<!tpu.dma_semaphore, #tpu.memory_space<semaphore_mem>>) src(%arg6 : memref<64x128xi32, #tpu.memory_space<vmem>>) dst(%dma_wait3A_776 : memref<64x128xi32, #tpu.memory_space<hbm>>)
      tpu.yield
    }) : () -> ()
    %dma_start3A_474 = arith.constant 2560 : i32
    %dma_start3A_475 = tpu.memref_slice %arg5[%dma_start3A_474] : memref<4096xi32, #tpu.memory_space<vmem>> -> memref<64xi32, #tpu.memory_space<vmem>>
    %dma_start3A_476 = arith.constant 0 : i32
    %dma_start3A_477 = arith.constant 0 : i32
    %dma_start3A_478 = tpu.memref_slice %arg2[%dma_start3A_476, %dma_start3A_477] : memref<4608x128xi32, #tpu.memory_space<hbm>> -> memref<4608x128xi32, #tpu.memory_space<hbm>>
    tpu.enqueue_indirect_dma source(%dma_start3A_478 : memref<4608x128xi32, #tpu.memory_space<hbm>>) target(%arg6 : memref<64x128xi32, #tpu.memory_space<vmem>>) offsets(%dma_start3A_475 : memref<64xi32, #tpu.memory_space<vmem>>) semaphore(%arg8 : memref<!tpu.dma_semaphore, #tpu.memory_space<semaphore_mem>>)
    %dma_wait3A_479 = arith.constant 2496 : i32
    %dma_wait3A_480 = tpu.memref_slice %arg5[%dma_wait3A_479] : memref<4096xi32, #tpu.memory_space<vmem>> -> memref<64xi32, #tpu.memory_space<vmem>>
    %dma_wait3A_481 = arith.constant 0 : i32
    %dma_wait3A_482 = arith.constant 0 : i32
    %dma_wait3A_483 = tpu.memref_slice %arg2[%dma_wait3A_481, %dma_wait3A_482] : memref<4608x128xi32, #tpu.memory_space<hbm>> -> memref<4608x128xi32, #tpu.memory_space<hbm>>
    tpu.wait_indirect_dma semaphore(%arg9 : memref<!tpu.dma_semaphore, #tpu.memory_space<semaphore_mem>>) src(%dma_wait3A_483 : memref<4608x128xi32, #tpu.memory_space<hbm>>) dst(%arg7 : memref<64x128xi32, #tpu.memory_space<vmem>>)
    %add3A_484 = arith.constant 2496 : i32
    %add3A_485 = arith.addi %mul3A_2, %add3A_484 : i32
    "tpu.region"() ({
      %run_scoped3A = tpu.sem_alloc : memref<!tpu.dma_semaphore, #tpu.memory_space<semaphore_mem>>
      %dma_start3A_769 = arith.constant 0 : i32
      %dma_start3A_770 = tpu.memref_slice %arg4[%add3A_485, %dma_start3A_769] : memref<131072x128xi32, #tpu.memory_space<hbm>> -> memref<64x128xi32, #tpu.memory_space<hbm>>
      %dma_start3A_771 = arith.constant 0 : i32
      %dma_start3A_772 = tpu.memref_slice %arg4[%add3A_485, %dma_start3A_771] : memref<131072x128xi32, #tpu.memory_space<hbm>> -> memref<64x128xi32, #tpu.memory_space<hbm>>
      tpu.enqueue_dma source(%arg7 : memref<64x128xi32, #tpu.memory_space<vmem>>) target(%dma_start3A_772 : memref<64x128xi32, #tpu.memory_space<hbm>>) target_semaphore(%run_scoped3A : memref<!tpu.dma_semaphore, #tpu.memory_space<semaphore_mem>>)
      %dma_wait3A_773 = arith.constant 0 : i32
      %dma_wait3A_774 = tpu.memref_slice %arg4[%add3A_485, %dma_wait3A_773] : memref<131072x128xi32, #tpu.memory_space<hbm>> -> memref<64x128xi32, #tpu.memory_space<hbm>>
      %dma_wait3A_775 = arith.constant 0 : i32
      %dma_wait3A_776 = tpu.memref_slice %arg4[%add3A_485, %dma_wait3A_775] : memref<131072x128xi32, #tpu.memory_space<hbm>> -> memref<64x128xi32, #tpu.memory_space<hbm>>
      tpu.wait_dma2 semaphore(%run_scoped3A : memref<!tpu.dma_semaphore, #tpu.memory_space<semaphore_mem>>) src(%arg7 : memref<64x128xi32, #tpu.memory_space<vmem>>) dst(%dma_wait3A_776 : memref<64x128xi32, #tpu.memory_space<hbm>>)
      tpu.yield
    }) : () -> ()
    %dma_start3A_486 = arith.constant 2624 : i32
    %dma_start3A_487 = tpu.memref_slice %arg5[%dma_start3A_486] : memref<4096xi32, #tpu.memory_space<vmem>> -> memref<64xi32, #tpu.memory_space<vmem>>
    %dma_start3A_488 = arith.constant 0 : i32
    %dma_start3A_489 = arith.constant 0 : i32
    %dma_start3A_490 = tpu.memref_slice %arg2[%dma_start3A_488, %dma_start3A_489] : memref<4608x128xi32, #tpu.memory_space<hbm>> -> memref<4608x128xi32, #tpu.memory_space<hbm>>
    tpu.enqueue_indirect_dma source(%dma_start3A_490 : memref<4608x128xi32, #tpu.memory_space<hbm>>) target(%arg7 : memref<64x128xi32, #tpu.memory_space<vmem>>) offsets(%dma_start3A_487 : memref<64xi32, #tpu.memory_space<vmem>>) semaphore(%arg9 : memref<!tpu.dma_semaphore, #tpu.memory_space<semaphore_mem>>)
    %dma_wait3A_491 = arith.constant 2560 : i32
    %dma_wait3A_492 = tpu.memref_slice %arg5[%dma_wait3A_491] : memref<4096xi32, #tpu.memory_space<vmem>> -> memref<64xi32, #tpu.memory_space<vmem>>
    %dma_wait3A_493 = arith.constant 0 : i32
    %dma_wait3A_494 = arith.constant 0 : i32
    %dma_wait3A_495 = tpu.memref_slice %arg2[%dma_wait3A_493, %dma_wait3A_494] : memref<4608x128xi32, #tpu.memory_space<hbm>> -> memref<4608x128xi32, #tpu.memory_space<hbm>>
    tpu.wait_indirect_dma semaphore(%arg8 : memref<!tpu.dma_semaphore, #tpu.memory_space<semaphore_mem>>) src(%dma_wait3A_495 : memref<4608x128xi32, #tpu.memory_space<hbm>>) dst(%arg6 : memref<64x128xi32, #tpu.memory_space<vmem>>)
    %add3A_496 = arith.constant 2560 : i32
    %add3A_497 = arith.addi %mul3A_2, %add3A_496 : i32
    "tpu.region"() ({
      %run_scoped3A = tpu.sem_alloc : memref<!tpu.dma_semaphore, #tpu.memory_space<semaphore_mem>>
      %dma_start3A_769 = arith.constant 0 : i32
      %dma_start3A_770 = tpu.memref_slice %arg4[%add3A_497, %dma_start3A_769] : memref<131072x128xi32, #tpu.memory_space<hbm>> -> memref<64x128xi32, #tpu.memory_space<hbm>>
      %dma_start3A_771 = arith.constant 0 : i32
      %dma_start3A_772 = tpu.memref_slice %arg4[%add3A_497, %dma_start3A_771] : memref<131072x128xi32, #tpu.memory_space<hbm>> -> memref<64x128xi32, #tpu.memory_space<hbm>>
      tpu.enqueue_dma source(%arg6 : memref<64x128xi32, #tpu.memory_space<vmem>>) target(%dma_start3A_772 : memref<64x128xi32, #tpu.memory_space<hbm>>) target_semaphore(%run_scoped3A : memref<!tpu.dma_semaphore, #tpu.memory_space<semaphore_mem>>)
      %dma_wait3A_773 = arith.constant 0 : i32
      %dma_wait3A_774 = tpu.memref_slice %arg4[%add3A_497, %dma_wait3A_773] : memref<131072x128xi32, #tpu.memory_space<hbm>> -> memref<64x128xi32, #tpu.memory_space<hbm>>
      %dma_wait3A_775 = arith.constant 0 : i32
      %dma_wait3A_776 = tpu.memref_slice %arg4[%add3A_497, %dma_wait3A_775] : memref<131072x128xi32, #tpu.memory_space<hbm>> -> memref<64x128xi32, #tpu.memory_space<hbm>>
      tpu.wait_dma2 semaphore(%run_scoped3A : memref<!tpu.dma_semaphore, #tpu.memory_space<semaphore_mem>>) src(%arg6 : memref<64x128xi32, #tpu.memory_space<vmem>>) dst(%dma_wait3A_776 : memref<64x128xi32, #tpu.memory_space<hbm>>)
      tpu.yield
    }) : () -> ()
    %dma_start3A_498 = arith.constant 2688 : i32
    %dma_start3A_499 = tpu.memref_slice %arg5[%dma_start3A_498] : memref<4096xi32, #tpu.memory_space<vmem>> -> memref<64xi32, #tpu.memory_space<vmem>>
    %dma_start3A_500 = arith.constant 0 : i32
    %dma_start3A_501 = arith.constant 0 : i32
    %dma_start3A_502 = tpu.memref_slice %arg2[%dma_start3A_500, %dma_start3A_501] : memref<4608x128xi32, #tpu.memory_space<hbm>> -> memref<4608x128xi32, #tpu.memory_space<hbm>>
    tpu.enqueue_indirect_dma source(%dma_start3A_502 : memref<4608x128xi32, #tpu.memory_space<hbm>>) target(%arg6 : memref<64x128xi32, #tpu.memory_space<vmem>>) offsets(%dma_start3A_499 : memref<64xi32, #tpu.memory_space<vmem>>) semaphore(%arg8 : memref<!tpu.dma_semaphore, #tpu.memory_space<semaphore_mem>>)
    %dma_wait3A_503 = arith.constant 2624 : i32
    %dma_wait3A_504 = tpu.memref_slice %arg5[%dma_wait3A_503] : memref<4096xi32, #tpu.memory_space<vmem>> -> memref<64xi32, #tpu.memory_space<vmem>>
    %dma_wait3A_505 = arith.constant 0 : i32
    %dma_wait3A_506 = arith.constant 0 : i32
    %dma_wait3A_507 = tpu.memref_slice %arg2[%dma_wait3A_505, %dma_wait3A_506] : memref<4608x128xi32, #tpu.memory_space<hbm>> -> memref<4608x128xi32, #tpu.memory_space<hbm>>
    tpu.wait_indirect_dma semaphore(%arg9 : memref<!tpu.dma_semaphore, #tpu.memory_space<semaphore_mem>>) src(%dma_wait3A_507 : memref<4608x128xi32, #tpu.memory_space<hbm>>) dst(%arg7 : memref<64x128xi32, #tpu.memory_space<vmem>>)
    %add3A_508 = arith.constant 2624 : i32
    %add3A_509 = arith.addi %mul3A_2, %add3A_508 : i32
    "tpu.region"() ({
      %run_scoped3A = tpu.sem_alloc : memref<!tpu.dma_semaphore, #tpu.memory_space<semaphore_mem>>
      %dma_start3A_769 = arith.constant 0 : i32
      %dma_start3A_770 = tpu.memref_slice %arg4[%add3A_509, %dma_start3A_769] : memref<131072x128xi32, #tpu.memory_space<hbm>> -> memref<64x128xi32, #tpu.memory_space<hbm>>
      %dma_start3A_771 = arith.constant 0 : i32
      %dma_start3A_772 = tpu.memref_slice %arg4[%add3A_509, %dma_start3A_771] : memref<131072x128xi32, #tpu.memory_space<hbm>> -> memref<64x128xi32, #tpu.memory_space<hbm>>
      tpu.enqueue_dma source(%arg7 : memref<64x128xi32, #tpu.memory_space<vmem>>) target(%dma_start3A_772 : memref<64x128xi32, #tpu.memory_space<hbm>>) target_semaphore(%run_scoped3A : memref<!tpu.dma_semaphore, #tpu.memory_space<semaphore_mem>>)
      %dma_wait3A_773 = arith.constant 0 : i32
      %dma_wait3A_774 = tpu.memref_slice %arg4[%add3A_509, %dma_wait3A_773] : memref<131072x128xi32, #tpu.memory_space<hbm>> -> memref<64x128xi32, #tpu.memory_space<hbm>>
      %dma_wait3A_775 = arith.constant 0 : i32
      %dma_wait3A_776 = tpu.memref_slice %arg4[%add3A_509, %dma_wait3A_775] : memref<131072x128xi32, #tpu.memory_space<hbm>> -> memref<64x128xi32, #tpu.memory_space<hbm>>
      tpu.wait_dma2 semaphore(%run_scoped3A : memref<!tpu.dma_semaphore, #tpu.memory_space<semaphore_mem>>) src(%arg7 : memref<64x128xi32, #tpu.memory_space<vmem>>) dst(%dma_wait3A_776 : memref<64x128xi32, #tpu.memory_space<hbm>>)
      tpu.yield
    }) : () -> ()
    %dma_start3A_510 = arith.constant 2752 : i32
    %dma_start3A_511 = tpu.memref_slice %arg5[%dma_start3A_510] : memref<4096xi32, #tpu.memory_space<vmem>> -> memref<64xi32, #tpu.memory_space<vmem>>
    %dma_start3A_512 = arith.constant 0 : i32
    %dma_start3A_513 = arith.constant 0 : i32
    %dma_start3A_514 = tpu.memref_slice %arg2[%dma_start3A_512, %dma_start3A_513] : memref<4608x128xi32, #tpu.memory_space<hbm>> -> memref<4608x128xi32, #tpu.memory_space<hbm>>
    tpu.enqueue_indirect_dma source(%dma_start3A_514 : memref<4608x128xi32, #tpu.memory_space<hbm>>) target(%arg7 : memref<64x128xi32, #tpu.memory_space<vmem>>) offsets(%dma_start3A_511 : memref<64xi32, #tpu.memory_space<vmem>>) semaphore(%arg9 : memref<!tpu.dma_semaphore, #tpu.memory_space<semaphore_mem>>)
    %dma_wait3A_515 = arith.constant 2688 : i32
    %dma_wait3A_516 = tpu.memref_slice %arg5[%dma_wait3A_515] : memref<4096xi32, #tpu.memory_space<vmem>> -> memref<64xi32, #tpu.memory_space<vmem>>
    %dma_wait3A_517 = arith.constant 0 : i32
    %dma_wait3A_518 = arith.constant 0 : i32
    %dma_wait3A_519 = tpu.memref_slice %arg2[%dma_wait3A_517, %dma_wait3A_518] : memref<4608x128xi32, #tpu.memory_space<hbm>> -> memref<4608x128xi32, #tpu.memory_space<hbm>>
    tpu.wait_indirect_dma semaphore(%arg8 : memref<!tpu.dma_semaphore, #tpu.memory_space<semaphore_mem>>) src(%dma_wait3A_519 : memref<4608x128xi32, #tpu.memory_space<hbm>>) dst(%arg6 : memref<64x128xi32, #tpu.memory_space<vmem>>)
    %add3A_520 = arith.constant 2688 : i32
    %add3A_521 = arith.addi %mul3A_2, %add3A_520 : i32
    "tpu.region"() ({
      %run_scoped3A = tpu.sem_alloc : memref<!tpu.dma_semaphore, #tpu.memory_space<semaphore_mem>>
      %dma_start3A_769 = arith.constant 0 : i32
      %dma_start3A_770 = tpu.memref_slice %arg4[%add3A_521, %dma_start3A_769] : memref<131072x128xi32, #tpu.memory_space<hbm>> -> memref<64x128xi32, #tpu.memory_space<hbm>>
      %dma_start3A_771 = arith.constant 0 : i32
      %dma_start3A_772 = tpu.memref_slice %arg4[%add3A_521, %dma_start3A_771] : memref<131072x128xi32, #tpu.memory_space<hbm>> -> memref<64x128xi32, #tpu.memory_space<hbm>>
      tpu.enqueue_dma source(%arg6 : memref<64x128xi32, #tpu.memory_space<vmem>>) target(%dma_start3A_772 : memref<64x128xi32, #tpu.memory_space<hbm>>) target_semaphore(%run_scoped3A : memref<!tpu.dma_semaphore, #tpu.memory_space<semaphore_mem>>)
      %dma_wait3A_773 = arith.constant 0 : i32
      %dma_wait3A_774 = tpu.memref_slice %arg4[%add3A_521, %dma_wait3A_773] : memref<131072x128xi32, #tpu.memory_space<hbm>> -> memref<64x128xi32, #tpu.memory_space<hbm>>
      %dma_wait3A_775 = arith.constant 0 : i32
      %dma_wait3A_776 = tpu.memref_slice %arg4[%add3A_521, %dma_wait3A_775] : memref<131072x128xi32, #tpu.memory_space<hbm>> -> memref<64x128xi32, #tpu.memory_space<hbm>>
      tpu.wait_dma2 semaphore(%run_scoped3A : memref<!tpu.dma_semaphore, #tpu.memory_space<semaphore_mem>>) src(%arg6 : memref<64x128xi32, #tpu.memory_space<vmem>>) dst(%dma_wait3A_776 : memref<64x128xi32, #tpu.memory_space<hbm>>)
      tpu.yield
    }) : () -> ()
    %dma_start3A_522 = arith.constant 2816 : i32
    %dma_start3A_523 = tpu.memref_slice %arg5[%dma_start3A_522] : memref<4096xi32, #tpu.memory_space<vmem>> -> memref<64xi32, #tpu.memory_space<vmem>>
    %dma_start3A_524 = arith.constant 0 : i32
    %dma_start3A_525 = arith.constant 0 : i32
    %dma_start3A_526 = tpu.memref_slice %arg2[%dma_start3A_524, %dma_start3A_525] : memref<4608x128xi32, #tpu.memory_space<hbm>> -> memref<4608x128xi32, #tpu.memory_space<hbm>>
    tpu.enqueue_indirect_dma source(%dma_start3A_526 : memref<4608x128xi32, #tpu.memory_space<hbm>>) target(%arg6 : memref<64x128xi32, #tpu.memory_space<vmem>>) offsets(%dma_start3A_523 : memref<64xi32, #tpu.memory_space<vmem>>) semaphore(%arg8 : memref<!tpu.dma_semaphore, #tpu.memory_space<semaphore_mem>>)
    %dma_wait3A_527 = arith.constant 2752 : i32
    %dma_wait3A_528 = tpu.memref_slice %arg5[%dma_wait3A_527] : memref<4096xi32, #tpu.memory_space<vmem>> -> memref<64xi32, #tpu.memory_space<vmem>>
    %dma_wait3A_529 = arith.constant 0 : i32
    %dma_wait3A_530 = arith.constant 0 : i32
    %dma_wait3A_531 = tpu.memref_slice %arg2[%dma_wait3A_529, %dma_wait3A_530] : memref<4608x128xi32, #tpu.memory_space<hbm>> -> memref<4608x128xi32, #tpu.memory_space<hbm>>
    tpu.wait_indirect_dma semaphore(%arg9 : memref<!tpu.dma_semaphore, #tpu.memory_space<semaphore_mem>>) src(%dma_wait3A_531 : memref<4608x128xi32, #tpu.memory_space<hbm>>) dst(%arg7 : memref<64x128xi32, #tpu.memory_space<vmem>>)
    %add3A_532 = arith.constant 2752 : i32
    %add3A_533 = arith.addi %mul3A_2, %add3A_532 : i32
    "tpu.region"() ({
      %run_scoped3A = tpu.sem_alloc : memref<!tpu.dma_semaphore, #tpu.memory_space<semaphore_mem>>
      %dma_start3A_769 = arith.constant 0 : i32
      %dma_start3A_770 = tpu.memref_slice %arg4[%add3A_533, %dma_start3A_769] : memref<131072x128xi32, #tpu.memory_space<hbm>> -> memref<64x128xi32, #tpu.memory_space<hbm>>
      %dma_start3A_771 = arith.constant 0 : i32
      %dma_start3A_772 = tpu.memref_slice %arg4[%add3A_533, %dma_start3A_771] : memref<131072x128xi32, #tpu.memory_space<hbm>> -> memref<64x128xi32, #tpu.memory_space<hbm>>
      tpu.enqueue_dma source(%arg7 : memref<64x128xi32, #tpu.memory_space<vmem>>) target(%dma_start3A_772 : memref<64x128xi32, #tpu.memory_space<hbm>>) target_semaphore(%run_scoped3A : memref<!tpu.dma_semaphore, #tpu.memory_space<semaphore_mem>>)
      %dma_wait3A_773 = arith.constant 0 : i32
      %dma_wait3A_774 = tpu.memref_slice %arg4[%add3A_533, %dma_wait3A_773] : memref<131072x128xi32, #tpu.memory_space<hbm>> -> memref<64x128xi32, #tpu.memory_space<hbm>>
      %dma_wait3A_775 = arith.constant 0 : i32
      %dma_wait3A_776 = tpu.memref_slice %arg4[%add3A_533, %dma_wait3A_775] : memref<131072x128xi32, #tpu.memory_space<hbm>> -> memref<64x128xi32, #tpu.memory_space<hbm>>
      tpu.wait_dma2 semaphore(%run_scoped3A : memref<!tpu.dma_semaphore, #tpu.memory_space<semaphore_mem>>) src(%arg7 : memref<64x128xi32, #tpu.memory_space<vmem>>) dst(%dma_wait3A_776 : memref<64x128xi32, #tpu.memory_space<hbm>>)
      tpu.yield
    }) : () -> ()
    %dma_start3A_534 = arith.constant 2880 : i32
    %dma_start3A_535 = tpu.memref_slice %arg5[%dma_start3A_534] : memref<4096xi32, #tpu.memory_space<vmem>> -> memref<64xi32, #tpu.memory_space<vmem>>
    %dma_start3A_536 = arith.constant 0 : i32
    %dma_start3A_537 = arith.constant 0 : i32
    %dma_start3A_538 = tpu.memref_slice %arg2[%dma_start3A_536, %dma_start3A_537] : memref<4608x128xi32, #tpu.memory_space<hbm>> -> memref<4608x128xi32, #tpu.memory_space<hbm>>
    tpu.enqueue_indirect_dma source(%dma_start3A_538 : memref<4608x128xi32, #tpu.memory_space<hbm>>) target(%arg7 : memref<64x128xi32, #tpu.memory_space<vmem>>) offsets(%dma_start3A_535 : memref<64xi32, #tpu.memory_space<vmem>>) semaphore(%arg9 : memref<!tpu.dma_semaphore, #tpu.memory_space<semaphore_mem>>)
    %dma_wait3A_539 = arith.constant 2816 : i32
    %dma_wait3A_540 = tpu.memref_slice %arg5[%dma_wait3A_539] : memref<4096xi32, #tpu.memory_space<vmem>> -> memref<64xi32, #tpu.memory_space<vmem>>
    %dma_wait3A_541 = arith.constant 0 : i32
    %dma_wait3A_542 = arith.constant 0 : i32
    %dma_wait3A_543 = tpu.memref_slice %arg2[%dma_wait3A_541, %dma_wait3A_542] : memref<4608x128xi32, #tpu.memory_space<hbm>> -> memref<4608x128xi32, #tpu.memory_space<hbm>>
    tpu.wait_indirect_dma semaphore(%arg8 : memref<!tpu.dma_semaphore, #tpu.memory_space<semaphore_mem>>) src(%dma_wait3A_543 : memref<4608x128xi32, #tpu.memory_space<hbm>>) dst(%arg6 : memref<64x128xi32, #tpu.memory_space<vmem>>)
    %add3A_544 = arith.constant 2816 : i32
    %add3A_545 = arith.addi %mul3A_2, %add3A_544 : i32
    "tpu.region"() ({
      %run_scoped3A = tpu.sem_alloc : memref<!tpu.dma_semaphore, #tpu.memory_space<semaphore_mem>>
      %dma_start3A_769 = arith.constant 0 : i32
      %dma_start3A_770 = tpu.memref_slice %arg4[%add3A_545, %dma_start3A_769] : memref<131072x128xi32, #tpu.memory_space<hbm>> -> memref<64x128xi32, #tpu.memory_space<hbm>>
      %dma_start3A_771 = arith.constant 0 : i32
      %dma_start3A_772 = tpu.memref_slice %arg4[%add3A_545, %dma_start3A_771] : memref<131072x128xi32, #tpu.memory_space<hbm>> -> memref<64x128xi32, #tpu.memory_space<hbm>>
      tpu.enqueue_dma source(%arg6 : memref<64x128xi32, #tpu.memory_space<vmem>>) target(%dma_start3A_772 : memref<64x128xi32, #tpu.memory_space<hbm>>) target_semaphore(%run_scoped3A : memref<!tpu.dma_semaphore, #tpu.memory_space<semaphore_mem>>)
      %dma_wait3A_773 = arith.constant 0 : i32
      %dma_wait3A_774 = tpu.memref_slice %arg4[%add3A_545, %dma_wait3A_773] : memref<131072x128xi32, #tpu.memory_space<hbm>> -> memref<64x128xi32, #tpu.memory_space<hbm>>
      %dma_wait3A_775 = arith.constant 0 : i32
      %dma_wait3A_776 = tpu.memref_slice %arg4[%add3A_545, %dma_wait3A_775] : memref<131072x128xi32, #tpu.memory_space<hbm>> -> memref<64x128xi32, #tpu.memory_space<hbm>>
      tpu.wait_dma2 semaphore(%run_scoped3A : memref<!tpu.dma_semaphore, #tpu.memory_space<semaphore_mem>>) src(%arg6 : memref<64x128xi32, #tpu.memory_space<vmem>>) dst(%dma_wait3A_776 : memref<64x128xi32, #tpu.memory_space<hbm>>)
      tpu.yield
    }) : () -> ()
    %dma_start3A_546 = arith.constant 2944 : i32
    %dma_start3A_547 = tpu.memref_slice %arg5[%dma_start3A_546] : memref<4096xi32, #tpu.memory_space<vmem>> -> memref<64xi32, #tpu.memory_space<vmem>>
    %dma_start3A_548 = arith.constant 0 : i32
    %dma_start3A_549 = arith.constant 0 : i32
    %dma_start3A_550 = tpu.memref_slice %arg2[%dma_start3A_548, %dma_start3A_549] : memref<4608x128xi32, #tpu.memory_space<hbm>> -> memref<4608x128xi32, #tpu.memory_space<hbm>>
    tpu.enqueue_indirect_dma source(%dma_start3A_550 : memref<4608x128xi32, #tpu.memory_space<hbm>>) target(%arg6 : memref<64x128xi32, #tpu.memory_space<vmem>>) offsets(%dma_start3A_547 : memref<64xi32, #tpu.memory_space<vmem>>) semaphore(%arg8 : memref<!tpu.dma_semaphore, #tpu.memory_space<semaphore_mem>>)
    %dma_wait3A_551 = arith.constant 2880 : i32
    %dma_wait3A_552 = tpu.memref_slice %arg5[%dma_wait3A_551] : memref<4096xi32, #tpu.memory_space<vmem>> -> memref<64xi32, #tpu.memory_space<vmem>>
    %dma_wait3A_553 = arith.constant 0 : i32
    %dma_wait3A_554 = arith.constant 0 : i32
    %dma_wait3A_555 = tpu.memref_slice %arg2[%dma_wait3A_553, %dma_wait3A_554] : memref<4608x128xi32, #tpu.memory_space<hbm>> -> memref<4608x128xi32, #tpu.memory_space<hbm>>
    tpu.wait_indirect_dma semaphore(%arg9 : memref<!tpu.dma_semaphore, #tpu.memory_space<semaphore_mem>>) src(%dma_wait3A_555 : memref<4608x128xi32, #tpu.memory_space<hbm>>) dst(%arg7 : memref<64x128xi32, #tpu.memory_space<vmem>>)
    %add3A_556 = arith.constant 2880 : i32
    %add3A_557 = arith.addi %mul3A_2, %add3A_556 : i32
    "tpu.region"() ({
      %run_scoped3A = tpu.sem_alloc : memref<!tpu.dma_semaphore, #tpu.memory_space<semaphore_mem>>
      %dma_start3A_769 = arith.constant 0 : i32
      %dma_start3A_770 = tpu.memref_slice %arg4[%add3A_557, %dma_start3A_769] : memref<131072x128xi32, #tpu.memory_space<hbm>> -> memref<64x128xi32, #tpu.memory_space<hbm>>
      %dma_start3A_771 = arith.constant 0 : i32
      %dma_start3A_772 = tpu.memref_slice %arg4[%add3A_557, %dma_start3A_771] : memref<131072x128xi32, #tpu.memory_space<hbm>> -> memref<64x128xi32, #tpu.memory_space<hbm>>
      tpu.enqueue_dma source(%arg7 : memref<64x128xi32, #tpu.memory_space<vmem>>) target(%dma_start3A_772 : memref<64x128xi32, #tpu.memory_space<hbm>>) target_semaphore(%run_scoped3A : memref<!tpu.dma_semaphore, #tpu.memory_space<semaphore_mem>>)
      %dma_wait3A_773 = arith.constant 0 : i32
      %dma_wait3A_774 = tpu.memref_slice %arg4[%add3A_557, %dma_wait3A_773] : memref<131072x128xi32, #tpu.memory_space<hbm>> -> memref<64x128xi32, #tpu.memory_space<hbm>>
      %dma_wait3A_775 = arith.constant 0 : i32
      %dma_wait3A_776 = tpu.memref_slice %arg4[%add3A_557, %dma_wait3A_775] : memref<131072x128xi32, #tpu.memory_space<hbm>> -> memref<64x128xi32, #tpu.memory_space<hbm>>
      tpu.wait_dma2 semaphore(%run_scoped3A : memref<!tpu.dma_semaphore, #tpu.memory_space<semaphore_mem>>) src(%arg7 : memref<64x128xi32, #tpu.memory_space<vmem>>) dst(%dma_wait3A_776 : memref<64x128xi32, #tpu.memory_space<hbm>>)
      tpu.yield
    }) : () -> ()
    %dma_start3A_558 = arith.constant 3008 : i32
    %dma_start3A_559 = tpu.memref_slice %arg5[%dma_start3A_558] : memref<4096xi32, #tpu.memory_space<vmem>> -> memref<64xi32, #tpu.memory_space<vmem>>
    %dma_start3A_560 = arith.constant 0 : i32
    %dma_start3A_561 = arith.constant 0 : i32
    %dma_start3A_562 = tpu.memref_slice %arg2[%dma_start3A_560, %dma_start3A_561] : memref<4608x128xi32, #tpu.memory_space<hbm>> -> memref<4608x128xi32, #tpu.memory_space<hbm>>
    tpu.enqueue_indirect_dma source(%dma_start3A_562 : memref<4608x128xi32, #tpu.memory_space<hbm>>) target(%arg7 : memref<64x128xi32, #tpu.memory_space<vmem>>) offsets(%dma_start3A_559 : memref<64xi32, #tpu.memory_space<vmem>>) semaphore(%arg9 : memref<!tpu.dma_semaphore, #tpu.memory_space<semaphore_mem>>)
    %dma_wait3A_563 = arith.constant 2944 : i32
    %dma_wait3A_564 = tpu.memref_slice %arg5[%dma_wait3A_563] : memref<4096xi32, #tpu.memory_space<vmem>> -> memref<64xi32, #tpu.memory_space<vmem>>
    %dma_wait3A_565 = arith.constant 0 : i32
    %dma_wait3A_566 = arith.constant 0 : i32
    %dma_wait3A_567 = tpu.memref_slice %arg2[%dma_wait3A_565, %dma_wait3A_566] : memref<4608x128xi32, #tpu.memory_space<hbm>> -> memref<4608x128xi32, #tpu.memory_space<hbm>>
    tpu.wait_indirect_dma semaphore(%arg8 : memref<!tpu.dma_semaphore, #tpu.memory_space<semaphore_mem>>) src(%dma_wait3A_567 : memref<4608x128xi32, #tpu.memory_space<hbm>>) dst(%arg6 : memref<64x128xi32, #tpu.memory_space<vmem>>)
    %add3A_568 = arith.constant 2944 : i32
    %add3A_569 = arith.addi %mul3A_2, %add3A_568 : i32
    "tpu.region"() ({
      %run_scoped3A = tpu.sem_alloc : memref<!tpu.dma_semaphore, #tpu.memory_space<semaphore_mem>>
      %dma_start3A_769 = arith.constant 0 : i32
      %dma_start3A_770 = tpu.memref_slice %arg4[%add3A_569, %dma_start3A_769] : memref<131072x128xi32, #tpu.memory_space<hbm>> -> memref<64x128xi32, #tpu.memory_space<hbm>>
      %dma_start3A_771 = arith.constant 0 : i32
      %dma_start3A_772 = tpu.memref_slice %arg4[%add3A_569, %dma_start3A_771] : memref<131072x128xi32, #tpu.memory_space<hbm>> -> memref<64x128xi32, #tpu.memory_space<hbm>>
      tpu.enqueue_dma source(%arg6 : memref<64x128xi32, #tpu.memory_space<vmem>>) target(%dma_start3A_772 : memref<64x128xi32, #tpu.memory_space<hbm>>) target_semaphore(%run_scoped3A : memref<!tpu.dma_semaphore, #tpu.memory_space<semaphore_mem>>)
      %dma_wait3A_773 = arith.constant 0 : i32
      %dma_wait3A_774 = tpu.memref_slice %arg4[%add3A_569, %dma_wait3A_773] : memref<131072x128xi32, #tpu.memory_space<hbm>> -> memref<64x128xi32, #tpu.memory_space<hbm>>
      %dma_wait3A_775 = arith.constant 0 : i32
      %dma_wait3A_776 = tpu.memref_slice %arg4[%add3A_569, %dma_wait3A_775] : memref<131072x128xi32, #tpu.memory_space<hbm>> -> memref<64x128xi32, #tpu.memory_space<hbm>>
      tpu.wait_dma2 semaphore(%run_scoped3A : memref<!tpu.dma_semaphore, #tpu.memory_space<semaphore_mem>>) src(%arg6 : memref<64x128xi32, #tpu.memory_space<vmem>>) dst(%dma_wait3A_776 : memref<64x128xi32, #tpu.memory_space<hbm>>)
      tpu.yield
    }) : () -> ()
    %dma_start3A_570 = arith.constant 3072 : i32
    %dma_start3A_571 = tpu.memref_slice %arg5[%dma_start3A_570] : memref<4096xi32, #tpu.memory_space<vmem>> -> memref<64xi32, #tpu.memory_space<vmem>>
    %dma_start3A_572 = arith.constant 0 : i32
    %dma_start3A_573 = arith.constant 0 : i32
    %dma_start3A_574 = tpu.memref_slice %arg2[%dma_start3A_572, %dma_start3A_573] : memref<4608x128xi32, #tpu.memory_space<hbm>> -> memref<4608x128xi32, #tpu.memory_space<hbm>>
    tpu.enqueue_indirect_dma source(%dma_start3A_574 : memref<4608x128xi32, #tpu.memory_space<hbm>>) target(%arg6 : memref<64x128xi32, #tpu.memory_space<vmem>>) offsets(%dma_start3A_571 : memref<64xi32, #tpu.memory_space<vmem>>) semaphore(%arg8 : memref<!tpu.dma_semaphore, #tpu.memory_space<semaphore_mem>>)
    %dma_wait3A_575 = arith.constant 3008 : i32
    %dma_wait3A_576 = tpu.memref_slice %arg5[%dma_wait3A_575] : memref<4096xi32, #tpu.memory_space<vmem>> -> memref<64xi32, #tpu.memory_space<vmem>>
    %dma_wait3A_577 = arith.constant 0 : i32
    %dma_wait3A_578 = arith.constant 0 : i32
    %dma_wait3A_579 = tpu.memref_slice %arg2[%dma_wait3A_577, %dma_wait3A_578] : memref<4608x128xi32, #tpu.memory_space<hbm>> -> memref<4608x128xi32, #tpu.memory_space<hbm>>
    tpu.wait_indirect_dma semaphore(%arg9 : memref<!tpu.dma_semaphore, #tpu.memory_space<semaphore_mem>>) src(%dma_wait3A_579 : memref<4608x128xi32, #tpu.memory_space<hbm>>) dst(%arg7 : memref<64x128xi32, #tpu.memory_space<vmem>>)
    %add3A_580 = arith.constant 3008 : i32
    %add3A_581 = arith.addi %mul3A_2, %add3A_580 : i32
    "tpu.region"() ({
      %run_scoped3A = tpu.sem_alloc : memref<!tpu.dma_semaphore, #tpu.memory_space<semaphore_mem>>
      %dma_start3A_769 = arith.constant 0 : i32
      %dma_start3A_770 = tpu.memref_slice %arg4[%add3A_581, %dma_start3A_769] : memref<131072x128xi32, #tpu.memory_space<hbm>> -> memref<64x128xi32, #tpu.memory_space<hbm>>
      %dma_start3A_771 = arith.constant 0 : i32
      %dma_start3A_772 = tpu.memref_slice %arg4[%add3A_581, %dma_start3A_771] : memref<131072x128xi32, #tpu.memory_space<hbm>> -> memref<64x128xi32, #tpu.memory_space<hbm>>
      tpu.enqueue_dma source(%arg7 : memref<64x128xi32, #tpu.memory_space<vmem>>) target(%dma_start3A_772 : memref<64x128xi32, #tpu.memory_space<hbm>>) target_semaphore(%run_scoped3A : memref<!tpu.dma_semaphore, #tpu.memory_space<semaphore_mem>>)
      %dma_wait3A_773 = arith.constant 0 : i32
      %dma_wait3A_774 = tpu.memref_slice %arg4[%add3A_581, %dma_wait3A_773] : memref<131072x128xi32, #tpu.memory_space<hbm>> -> memref<64x128xi32, #tpu.memory_space<hbm>>
      %dma_wait3A_775 = arith.constant 0 : i32
      %dma_wait3A_776 = tpu.memref_slice %arg4[%add3A_581, %dma_wait3A_775] : memref<131072x128xi32, #tpu.memory_space<hbm>> -> memref<64x128xi32, #tpu.memory_space<hbm>>
      tpu.wait_dma2 semaphore(%run_scoped3A : memref<!tpu.dma_semaphore, #tpu.memory_space<semaphore_mem>>) src(%arg7 : memref<64x128xi32, #tpu.memory_space<vmem>>) dst(%dma_wait3A_776 : memref<64x128xi32, #tpu.memory_space<hbm>>)
      tpu.yield
    }) : () -> ()
    %dma_start3A_582 = arith.constant 3136 : i32
    %dma_start3A_583 = tpu.memref_slice %arg5[%dma_start3A_582] : memref<4096xi32, #tpu.memory_space<vmem>> -> memref<64xi32, #tpu.memory_space<vmem>>
    %dma_start3A_584 = arith.constant 0 : i32
    %dma_start3A_585 = arith.constant 0 : i32
    %dma_start3A_586 = tpu.memref_slice %arg2[%dma_start3A_584, %dma_start3A_585] : memref<4608x128xi32, #tpu.memory_space<hbm>> -> memref<4608x128xi32, #tpu.memory_space<hbm>>
    tpu.enqueue_indirect_dma source(%dma_start3A_586 : memref<4608x128xi32, #tpu.memory_space<hbm>>) target(%arg7 : memref<64x128xi32, #tpu.memory_space<vmem>>) offsets(%dma_start3A_583 : memref<64xi32, #tpu.memory_space<vmem>>) semaphore(%arg9 : memref<!tpu.dma_semaphore, #tpu.memory_space<semaphore_mem>>)
    %dma_wait3A_587 = arith.constant 3072 : i32
    %dma_wait3A_588 = tpu.memref_slice %arg5[%dma_wait3A_587] : memref<4096xi32, #tpu.memory_space<vmem>> -> memref<64xi32, #tpu.memory_space<vmem>>
    %dma_wait3A_589 = arith.constant 0 : i32
    %dma_wait3A_590 = arith.constant 0 : i32
    %dma_wait3A_591 = tpu.memref_slice %arg2[%dma_wait3A_589, %dma_wait3A_590] : memref<4608x128xi32, #tpu.memory_space<hbm>> -> memref<4608x128xi32, #tpu.memory_space<hbm>>
    tpu.wait_indirect_dma semaphore(%arg8 : memref<!tpu.dma_semaphore, #tpu.memory_space<semaphore_mem>>) src(%dma_wait3A_591 : memref<4608x128xi32, #tpu.memory_space<hbm>>) dst(%arg6 : memref<64x128xi32, #tpu.memory_space<vmem>>)
    %add3A_592 = arith.constant 3072 : i32
    %add3A_593 = arith.addi %mul3A_2, %add3A_592 : i32
    "tpu.region"() ({
      %run_scoped3A = tpu.sem_alloc : memref<!tpu.dma_semaphore, #tpu.memory_space<semaphore_mem>>
      %dma_start3A_769 = arith.constant 0 : i32
      %dma_start3A_770 = tpu.memref_slice %arg4[%add3A_593, %dma_start3A_769] : memref<131072x128xi32, #tpu.memory_space<hbm>> -> memref<64x128xi32, #tpu.memory_space<hbm>>
      %dma_start3A_771 = arith.constant 0 : i32
      %dma_start3A_772 = tpu.memref_slice %arg4[%add3A_593, %dma_start3A_771] : memref<131072x128xi32, #tpu.memory_space<hbm>> -> memref<64x128xi32, #tpu.memory_space<hbm>>
      tpu.enqueue_dma source(%arg6 : memref<64x128xi32, #tpu.memory_space<vmem>>) target(%dma_start3A_772 : memref<64x128xi32, #tpu.memory_space<hbm>>) target_semaphore(%run_scoped3A : memref<!tpu.dma_semaphore, #tpu.memory_space<semaphore_mem>>)
      %dma_wait3A_773 = arith.constant 0 : i32
      %dma_wait3A_774 = tpu.memref_slice %arg4[%add3A_593, %dma_wait3A_773] : memref<131072x128xi32, #tpu.memory_space<hbm>> -> memref<64x128xi32, #tpu.memory_space<hbm>>
      %dma_wait3A_775 = arith.constant 0 : i32
      %dma_wait3A_776 = tpu.memref_slice %arg4[%add3A_593, %dma_wait3A_775] : memref<131072x128xi32, #tpu.memory_space<hbm>> -> memref<64x128xi32, #tpu.memory_space<hbm>>
      tpu.wait_dma2 semaphore(%run_scoped3A : memref<!tpu.dma_semaphore, #tpu.memory_space<semaphore_mem>>) src(%arg6 : memref<64x128xi32, #tpu.memory_space<vmem>>) dst(%dma_wait3A_776 : memref<64x128xi32, #tpu.memory_space<hbm>>)
      tpu.yield
    }) : () -> ()
    %dma_start3A_594 = arith.constant 3200 : i32
    %dma_start3A_595 = tpu.memref_slice %arg5[%dma_start3A_594] : memref<4096xi32, #tpu.memory_space<vmem>> -> memref<64xi32, #tpu.memory_space<vmem>>
    %dma_start3A_596 = arith.constant 0 : i32
    %dma_start3A_597 = arith.constant 0 : i32
    %dma_start3A_598 = tpu.memref_slice %arg2[%dma_start3A_596, %dma_start3A_597] : memref<4608x128xi32, #tpu.memory_space<hbm>> -> memref<4608x128xi32, #tpu.memory_space<hbm>>
    tpu.enqueue_indirect_dma source(%dma_start3A_598 : memref<4608x128xi32, #tpu.memory_space<hbm>>) target(%arg6 : memref<64x128xi32, #tpu.memory_space<vmem>>) offsets(%dma_start3A_595 : memref<64xi32, #tpu.memory_space<vmem>>) semaphore(%arg8 : memref<!tpu.dma_semaphore, #tpu.memory_space<semaphore_mem>>)
    %dma_wait3A_599 = arith.constant 3136 : i32
    %dma_wait3A_600 = tpu.memref_slice %arg5[%dma_wait3A_599] : memref<4096xi32, #tpu.memory_space<vmem>> -> memref<64xi32, #tpu.memory_space<vmem>>
    %dma_wait3A_601 = arith.constant 0 : i32
    %dma_wait3A_602 = arith.constant 0 : i32
    %dma_wait3A_603 = tpu.memref_slice %arg2[%dma_wait3A_601, %dma_wait3A_602] : memref<4608x128xi32, #tpu.memory_space<hbm>> -> memref<4608x128xi32, #tpu.memory_space<hbm>>
    tpu.wait_indirect_dma semaphore(%arg9 : memref<!tpu.dma_semaphore, #tpu.memory_space<semaphore_mem>>) src(%dma_wait3A_603 : memref<4608x128xi32, #tpu.memory_space<hbm>>) dst(%arg7 : memref<64x128xi32, #tpu.memory_space<vmem>>)
    %add3A_604 = arith.constant 3136 : i32
    %add3A_605 = arith.addi %mul3A_2, %add3A_604 : i32
    "tpu.region"() ({
      %run_scoped3A = tpu.sem_alloc : memref<!tpu.dma_semaphore, #tpu.memory_space<semaphore_mem>>
      %dma_start3A_769 = arith.constant 0 : i32
      %dma_start3A_770 = tpu.memref_slice %arg4[%add3A_605, %dma_start3A_769] : memref<131072x128xi32, #tpu.memory_space<hbm>> -> memref<64x128xi32, #tpu.memory_space<hbm>>
      %dma_start3A_771 = arith.constant 0 : i32
      %dma_start3A_772 = tpu.memref_slice %arg4[%add3A_605, %dma_start3A_771] : memref<131072x128xi32, #tpu.memory_space<hbm>> -> memref<64x128xi32, #tpu.memory_space<hbm>>
      tpu.enqueue_dma source(%arg7 : memref<64x128xi32, #tpu.memory_space<vmem>>) target(%dma_start3A_772 : memref<64x128xi32, #tpu.memory_space<hbm>>) target_semaphore(%run_scoped3A : memref<!tpu.dma_semaphore, #tpu.memory_space<semaphore_mem>>)
      %dma_wait3A_773 = arith.constant 0 : i32
      %dma_wait3A_774 = tpu.memref_slice %arg4[%add3A_605, %dma_wait3A_773] : memref<131072x128xi32, #tpu.memory_space<hbm>> -> memref<64x128xi32, #tpu.memory_space<hbm>>
      %dma_wait3A_775 = arith.constant 0 : i32
      %dma_wait3A_776 = tpu.memref_slice %arg4[%add3A_605, %dma_wait3A_775] : memref<131072x128xi32, #tpu.memory_space<hbm>> -> memref<64x128xi32, #tpu.memory_space<hbm>>
      tpu.wait_dma2 semaphore(%run_scoped3A : memref<!tpu.dma_semaphore, #tpu.memory_space<semaphore_mem>>) src(%arg7 : memref<64x128xi32, #tpu.memory_space<vmem>>) dst(%dma_wait3A_776 : memref<64x128xi32, #tpu.memory_space<hbm>>)
      tpu.yield
    }) : () -> ()
    %dma_start3A_606 = arith.constant 3264 : i32
    %dma_start3A_607 = tpu.memref_slice %arg5[%dma_start3A_606] : memref<4096xi32, #tpu.memory_space<vmem>> -> memref<64xi32, #tpu.memory_space<vmem>>
    %dma_start3A_608 = arith.constant 0 : i32
    %dma_start3A_609 = arith.constant 0 : i32
    %dma_start3A_610 = tpu.memref_slice %arg2[%dma_start3A_608, %dma_start3A_609] : memref<4608x128xi32, #tpu.memory_space<hbm>> -> memref<4608x128xi32, #tpu.memory_space<hbm>>
    tpu.enqueue_indirect_dma source(%dma_start3A_610 : memref<4608x128xi32, #tpu.memory_space<hbm>>) target(%arg7 : memref<64x128xi32, #tpu.memory_space<vmem>>) offsets(%dma_start3A_607 : memref<64xi32, #tpu.memory_space<vmem>>) semaphore(%arg9 : memref<!tpu.dma_semaphore, #tpu.memory_space<semaphore_mem>>)
    %dma_wait3A_611 = arith.constant 3200 : i32
    %dma_wait3A_612 = tpu.memref_slice %arg5[%dma_wait3A_611] : memref<4096xi32, #tpu.memory_space<vmem>> -> memref<64xi32, #tpu.memory_space<vmem>>
    %dma_wait3A_613 = arith.constant 0 : i32
    %dma_wait3A_614 = arith.constant 0 : i32
    %dma_wait3A_615 = tpu.memref_slice %arg2[%dma_wait3A_613, %dma_wait3A_614] : memref<4608x128xi32, #tpu.memory_space<hbm>> -> memref<4608x128xi32, #tpu.memory_space<hbm>>
    tpu.wait_indirect_dma semaphore(%arg8 : memref<!tpu.dma_semaphore, #tpu.memory_space<semaphore_mem>>) src(%dma_wait3A_615 : memref<4608x128xi32, #tpu.memory_space<hbm>>) dst(%arg6 : memref<64x128xi32, #tpu.memory_space<vmem>>)
    %add3A_616 = arith.constant 3200 : i32
    %add3A_617 = arith.addi %mul3A_2, %add3A_616 : i32
    "tpu.region"() ({
      %run_scoped3A = tpu.sem_alloc : memref<!tpu.dma_semaphore, #tpu.memory_space<semaphore_mem>>
      %dma_start3A_769 = arith.constant 0 : i32
      %dma_start3A_770 = tpu.memref_slice %arg4[%add3A_617, %dma_start3A_769] : memref<131072x128xi32, #tpu.memory_space<hbm>> -> memref<64x128xi32, #tpu.memory_space<hbm>>
      %dma_start3A_771 = arith.constant 0 : i32
      %dma_start3A_772 = tpu.memref_slice %arg4[%add3A_617, %dma_start3A_771] : memref<131072x128xi32, #tpu.memory_space<hbm>> -> memref<64x128xi32, #tpu.memory_space<hbm>>
      tpu.enqueue_dma source(%arg6 : memref<64x128xi32, #tpu.memory_space<vmem>>) target(%dma_start3A_772 : memref<64x128xi32, #tpu.memory_space<hbm>>) target_semaphore(%run_scoped3A : memref<!tpu.dma_semaphore, #tpu.memory_space<semaphore_mem>>)
      %dma_wait3A_773 = arith.constant 0 : i32
      %dma_wait3A_774 = tpu.memref_slice %arg4[%add3A_617, %dma_wait3A_773] : memref<131072x128xi32, #tpu.memory_space<hbm>> -> memref<64x128xi32, #tpu.memory_space<hbm>>
      %dma_wait3A_775 = arith.constant 0 : i32
      %dma_wait3A_776 = tpu.memref_slice %arg4[%add3A_617, %dma_wait3A_775] : memref<131072x128xi32, #tpu.memory_space<hbm>> -> memref<64x128xi32, #tpu.memory_space<hbm>>
      tpu.wait_dma2 semaphore(%run_scoped3A : memref<!tpu.dma_semaphore, #tpu.memory_space<semaphore_mem>>) src(%arg6 : memref<64x128xi32, #tpu.memory_space<vmem>>) dst(%dma_wait3A_776 : memref<64x128xi32, #tpu.memory_space<hbm>>)
      tpu.yield
    }) : () -> ()
    %dma_start3A_618 = arith.constant 3328 : i32
    %dma_start3A_619 = tpu.memref_slice %arg5[%dma_start3A_618] : memref<4096xi32, #tpu.memory_space<vmem>> -> memref<64xi32, #tpu.memory_space<vmem>>
    %dma_start3A_620 = arith.constant 0 : i32
    %dma_start3A_621 = arith.constant 0 : i32
    %dma_start3A_622 = tpu.memref_slice %arg2[%dma_start3A_620, %dma_start3A_621] : memref<4608x128xi32, #tpu.memory_space<hbm>> -> memref<4608x128xi32, #tpu.memory_space<hbm>>
    tpu.enqueue_indirect_dma source(%dma_start3A_622 : memref<4608x128xi32, #tpu.memory_space<hbm>>) target(%arg6 : memref<64x128xi32, #tpu.memory_space<vmem>>) offsets(%dma_start3A_619 : memref<64xi32, #tpu.memory_space<vmem>>) semaphore(%arg8 : memref<!tpu.dma_semaphore, #tpu.memory_space<semaphore_mem>>)
    %dma_wait3A_623 = arith.constant 3264 : i32
    %dma_wait3A_624 = tpu.memref_slice %arg5[%dma_wait3A_623] : memref<4096xi32, #tpu.memory_space<vmem>> -> memref<64xi32, #tpu.memory_space<vmem>>
    %dma_wait3A_625 = arith.constant 0 : i32
    %dma_wait3A_626 = arith.constant 0 : i32
    %dma_wait3A_627 = tpu.memref_slice %arg2[%dma_wait3A_625, %dma_wait3A_626] : memref<4608x128xi32, #tpu.memory_space<hbm>> -> memref<4608x128xi32, #tpu.memory_space<hbm>>
    tpu.wait_indirect_dma semaphore(%arg9 : memref<!tpu.dma_semaphore, #tpu.memory_space<semaphore_mem>>) src(%dma_wait3A_627 : memref<4608x128xi32, #tpu.memory_space<hbm>>) dst(%arg7 : memref<64x128xi32, #tpu.memory_space<vmem>>)
    %add3A_628 = arith.constant 3264 : i32
    %add3A_629 = arith.addi %mul3A_2, %add3A_628 : i32
    "tpu.region"() ({
      %run_scoped3A = tpu.sem_alloc : memref<!tpu.dma_semaphore, #tpu.memory_space<semaphore_mem>>
      %dma_start3A_769 = arith.constant 0 : i32
      %dma_start3A_770 = tpu.memref_slice %arg4[%add3A_629, %dma_start3A_769] : memref<131072x128xi32, #tpu.memory_space<hbm>> -> memref<64x128xi32, #tpu.memory_space<hbm>>
      %dma_start3A_771 = arith.constant 0 : i32
      %dma_start3A_772 = tpu.memref_slice %arg4[%add3A_629, %dma_start3A_771] : memref<131072x128xi32, #tpu.memory_space<hbm>> -> memref<64x128xi32, #tpu.memory_space<hbm>>
      tpu.enqueue_dma source(%arg7 : memref<64x128xi32, #tpu.memory_space<vmem>>) target(%dma_start3A_772 : memref<64x128xi32, #tpu.memory_space<hbm>>) target_semaphore(%run_scoped3A : memref<!tpu.dma_semaphore, #tpu.memory_space<semaphore_mem>>)
      %dma_wait3A_773 = arith.constant 0 : i32
      %dma_wait3A_774 = tpu.memref_slice %arg4[%add3A_629, %dma_wait3A_773] : memref<131072x128xi32, #tpu.memory_space<hbm>> -> memref<64x128xi32, #tpu.memory_space<hbm>>
      %dma_wait3A_775 = arith.constant 0 : i32
      %dma_wait3A_776 = tpu.memref_slice %arg4[%add3A_629, %dma_wait3A_775] : memref<131072x128xi32, #tpu.memory_space<hbm>> -> memref<64x128xi32, #tpu.memory_space<hbm>>
      tpu.wait_dma2 semaphore(%run_scoped3A : memref<!tpu.dma_semaphore, #tpu.memory_space<semaphore_mem>>) src(%arg7 : memref<64x128xi32, #tpu.memory_space<vmem>>) dst(%dma_wait3A_776 : memref<64x128xi32, #tpu.memory_space<hbm>>)
      tpu.yield
    }) : () -> ()
    %dma_start3A_630 = arith.constant 3392 : i32
    %dma_start3A_631 = tpu.memref_slice %arg5[%dma_start3A_630] : memref<4096xi32, #tpu.memory_space<vmem>> -> memref<64xi32, #tpu.memory_space<vmem>>
    %dma_start3A_632 = arith.constant 0 : i32
    %dma_start3A_633 = arith.constant 0 : i32
    %dma_start3A_634 = tpu.memref_slice %arg2[%dma_start3A_632, %dma_start3A_633] : memref<4608x128xi32, #tpu.memory_space<hbm>> -> memref<4608x128xi32, #tpu.memory_space<hbm>>
    tpu.enqueue_indirect_dma source(%dma_start3A_634 : memref<4608x128xi32, #tpu.memory_space<hbm>>) target(%arg7 : memref<64x128xi32, #tpu.memory_space<vmem>>) offsets(%dma_start3A_631 : memref<64xi32, #tpu.memory_space<vmem>>) semaphore(%arg9 : memref<!tpu.dma_semaphore, #tpu.memory_space<semaphore_mem>>)
    %dma_wait3A_635 = arith.constant 3328 : i32
    %dma_wait3A_636 = tpu.memref_slice %arg5[%dma_wait3A_635] : memref<4096xi32, #tpu.memory_space<vmem>> -> memref<64xi32, #tpu.memory_space<vmem>>
    %dma_wait3A_637 = arith.constant 0 : i32
    %dma_wait3A_638 = arith.constant 0 : i32
    %dma_wait3A_639 = tpu.memref_slice %arg2[%dma_wait3A_637, %dma_wait3A_638] : memref<4608x128xi32, #tpu.memory_space<hbm>> -> memref<4608x128xi32, #tpu.memory_space<hbm>>
    tpu.wait_indirect_dma semaphore(%arg8 : memref<!tpu.dma_semaphore, #tpu.memory_space<semaphore_mem>>) src(%dma_wait3A_639 : memref<4608x128xi32, #tpu.memory_space<hbm>>) dst(%arg6 : memref<64x128xi32, #tpu.memory_space<vmem>>)
    %add3A_640 = arith.constant 3328 : i32
    %add3A_641 = arith.addi %mul3A_2, %add3A_640 : i32
    "tpu.region"() ({
      %run_scoped3A = tpu.sem_alloc : memref<!tpu.dma_semaphore, #tpu.memory_space<semaphore_mem>>
      %dma_start3A_769 = arith.constant 0 : i32
      %dma_start3A_770 = tpu.memref_slice %arg4[%add3A_641, %dma_start3A_769] : memref<131072x128xi32, #tpu.memory_space<hbm>> -> memref<64x128xi32, #tpu.memory_space<hbm>>
      %dma_start3A_771 = arith.constant 0 : i32
      %dma_start3A_772 = tpu.memref_slice %arg4[%add3A_641, %dma_start3A_771] : memref<131072x128xi32, #tpu.memory_space<hbm>> -> memref<64x128xi32, #tpu.memory_space<hbm>>
      tpu.enqueue_dma source(%arg6 : memref<64x128xi32, #tpu.memory_space<vmem>>) target(%dma_start3A_772 : memref<64x128xi32, #tpu.memory_space<hbm>>) target_semaphore(%run_scoped3A : memref<!tpu.dma_semaphore, #tpu.memory_space<semaphore_mem>>)
      %dma_wait3A_773 = arith.constant 0 : i32
      %dma_wait3A_774 = tpu.memref_slice %arg4[%add3A_641, %dma_wait3A_773] : memref<131072x128xi32, #tpu.memory_space<hbm>> -> memref<64x128xi32, #tpu.memory_space<hbm>>
      %dma_wait3A_775 = arith.constant 0 : i32
      %dma_wait3A_776 = tpu.memref_slice %arg4[%add3A_641, %dma_wait3A_775] : memref<131072x128xi32, #tpu.memory_space<hbm>> -> memref<64x128xi32, #tpu.memory_space<hbm>>
      tpu.wait_dma2 semaphore(%run_scoped3A : memref<!tpu.dma_semaphore, #tpu.memory_space<semaphore_mem>>) src(%arg6 : memref<64x128xi32, #tpu.memory_space<vmem>>) dst(%dma_wait3A_776 : memref<64x128xi32, #tpu.memory_space<hbm>>)
      tpu.yield
    }) : () -> ()
    %dma_start3A_642 = arith.constant 3456 : i32
    %dma_start3A_643 = tpu.memref_slice %arg5[%dma_start3A_642] : memref<4096xi32, #tpu.memory_space<vmem>> -> memref<64xi32, #tpu.memory_space<vmem>>
    %dma_start3A_644 = arith.constant 0 : i32
    %dma_start3A_645 = arith.constant 0 : i32
    %dma_start3A_646 = tpu.memref_slice %arg2[%dma_start3A_644, %dma_start3A_645] : memref<4608x128xi32, #tpu.memory_space<hbm>> -> memref<4608x128xi32, #tpu.memory_space<hbm>>
    tpu.enqueue_indirect_dma source(%dma_start3A_646 : memref<4608x128xi32, #tpu.memory_space<hbm>>) target(%arg6 : memref<64x128xi32, #tpu.memory_space<vmem>>) offsets(%dma_start3A_643 : memref<64xi32, #tpu.memory_space<vmem>>) semaphore(%arg8 : memref<!tpu.dma_semaphore, #tpu.memory_space<semaphore_mem>>)
    %dma_wait3A_647 = arith.constant 3392 : i32
    %dma_wait3A_648 = tpu.memref_slice %arg5[%dma_wait3A_647] : memref<4096xi32, #tpu.memory_space<vmem>> -> memref<64xi32, #tpu.memory_space<vmem>>
    %dma_wait3A_649 = arith.constant 0 : i32
    %dma_wait3A_650 = arith.constant 0 : i32
    %dma_wait3A_651 = tpu.memref_slice %arg2[%dma_wait3A_649, %dma_wait3A_650] : memref<4608x128xi32, #tpu.memory_space<hbm>> -> memref<4608x128xi32, #tpu.memory_space<hbm>>
    tpu.wait_indirect_dma semaphore(%arg9 : memref<!tpu.dma_semaphore, #tpu.memory_space<semaphore_mem>>) src(%dma_wait3A_651 : memref<4608x128xi32, #tpu.memory_space<hbm>>) dst(%arg7 : memref<64x128xi32, #tpu.memory_space<vmem>>)
    %add3A_652 = arith.constant 3392 : i32
    %add3A_653 = arith.addi %mul3A_2, %add3A_652 : i32
    "tpu.region"() ({
      %run_scoped3A = tpu.sem_alloc : memref<!tpu.dma_semaphore, #tpu.memory_space<semaphore_mem>>
      %dma_start3A_769 = arith.constant 0 : i32
      %dma_start3A_770 = tpu.memref_slice %arg4[%add3A_653, %dma_start3A_769] : memref<131072x128xi32, #tpu.memory_space<hbm>> -> memref<64x128xi32, #tpu.memory_space<hbm>>
      %dma_start3A_771 = arith.constant 0 : i32
      %dma_start3A_772 = tpu.memref_slice %arg4[%add3A_653, %dma_start3A_771] : memref<131072x128xi32, #tpu.memory_space<hbm>> -> memref<64x128xi32, #tpu.memory_space<hbm>>
      tpu.enqueue_dma source(%arg7 : memref<64x128xi32, #tpu.memory_space<vmem>>) target(%dma_start3A_772 : memref<64x128xi32, #tpu.memory_space<hbm>>) target_semaphore(%run_scoped3A : memref<!tpu.dma_semaphore, #tpu.memory_space<semaphore_mem>>)
      %dma_wait3A_773 = arith.constant 0 : i32
      %dma_wait3A_774 = tpu.memref_slice %arg4[%add3A_653, %dma_wait3A_773] : memref<131072x128xi32, #tpu.memory_space<hbm>> -> memref<64x128xi32, #tpu.memory_space<hbm>>
      %dma_wait3A_775 = arith.constant 0 : i32
      %dma_wait3A_776 = tpu.memref_slice %arg4[%add3A_653, %dma_wait3A_775] : memref<131072x128xi32, #tpu.memory_space<hbm>> -> memref<64x128xi32, #tpu.memory_space<hbm>>
      tpu.wait_dma2 semaphore(%run_scoped3A : memref<!tpu.dma_semaphore, #tpu.memory_space<semaphore_mem>>) src(%arg7 : memref<64x128xi32, #tpu.memory_space<vmem>>) dst(%dma_wait3A_776 : memref<64x128xi32, #tpu.memory_space<hbm>>)
      tpu.yield
    }) : () -> ()
    %dma_start3A_654 = arith.constant 3520 : i32
    %dma_start3A_655 = tpu.memref_slice %arg5[%dma_start3A_654] : memref<4096xi32, #tpu.memory_space<vmem>> -> memref<64xi32, #tpu.memory_space<vmem>>
    %dma_start3A_656 = arith.constant 0 : i32
    %dma_start3A_657 = arith.constant 0 : i32
    %dma_start3A_658 = tpu.memref_slice %arg2[%dma_start3A_656, %dma_start3A_657] : memref<4608x128xi32, #tpu.memory_space<hbm>> -> memref<4608x128xi32, #tpu.memory_space<hbm>>
    tpu.enqueue_indirect_dma source(%dma_start3A_658 : memref<4608x128xi32, #tpu.memory_space<hbm>>) target(%arg7 : memref<64x128xi32, #tpu.memory_space<vmem>>) offsets(%dma_start3A_655 : memref<64xi32, #tpu.memory_space<vmem>>) semaphore(%arg9 : memref<!tpu.dma_semaphore, #tpu.memory_space<semaphore_mem>>)
    %dma_wait3A_659 = arith.constant 3456 : i32
    %dma_wait3A_660 = tpu.memref_slice %arg5[%dma_wait3A_659] : memref<4096xi32, #tpu.memory_space<vmem>> -> memref<64xi32, #tpu.memory_space<vmem>>
    %dma_wait3A_661 = arith.constant 0 : i32
    %dma_wait3A_662 = arith.constant 0 : i32
    %dma_wait3A_663 = tpu.memref_slice %arg2[%dma_wait3A_661, %dma_wait3A_662] : memref<4608x128xi32, #tpu.memory_space<hbm>> -> memref<4608x128xi32, #tpu.memory_space<hbm>>
    tpu.wait_indirect_dma semaphore(%arg8 : memref<!tpu.dma_semaphore, #tpu.memory_space<semaphore_mem>>) src(%dma_wait3A_663 : memref<4608x128xi32, #tpu.memory_space<hbm>>) dst(%arg6 : memref<64x128xi32, #tpu.memory_space<vmem>>)
    %add3A_664 = arith.constant 3456 : i32
    %add3A_665 = arith.addi %mul3A_2, %add3A_664 : i32
    "tpu.region"() ({
      %run_scoped3A = tpu.sem_alloc : memref<!tpu.dma_semaphore, #tpu.memory_space<semaphore_mem>>
      %dma_start3A_769 = arith.constant 0 : i32
      %dma_start3A_770 = tpu.memref_slice %arg4[%add3A_665, %dma_start3A_769] : memref<131072x128xi32, #tpu.memory_space<hbm>> -> memref<64x128xi32, #tpu.memory_space<hbm>>
      %dma_start3A_771 = arith.constant 0 : i32
      %dma_start3A_772 = tpu.memref_slice %arg4[%add3A_665, %dma_start3A_771] : memref<131072x128xi32, #tpu.memory_space<hbm>> -> memref<64x128xi32, #tpu.memory_space<hbm>>
      tpu.enqueue_dma source(%arg6 : memref<64x128xi32, #tpu.memory_space<vmem>>) target(%dma_start3A_772 : memref<64x128xi32, #tpu.memory_space<hbm>>) target_semaphore(%run_scoped3A : memref<!tpu.dma_semaphore, #tpu.memory_space<semaphore_mem>>)
      %dma_wait3A_773 = arith.constant 0 : i32
      %dma_wait3A_774 = tpu.memref_slice %arg4[%add3A_665, %dma_wait3A_773] : memref<131072x128xi32, #tpu.memory_space<hbm>> -> memref<64x128xi32, #tpu.memory_space<hbm>>
      %dma_wait3A_775 = arith.constant 0 : i32
      %dma_wait3A_776 = tpu.memref_slice %arg4[%add3A_665, %dma_wait3A_775] : memref<131072x128xi32, #tpu.memory_space<hbm>> -> memref<64x128xi32, #tpu.memory_space<hbm>>
      tpu.wait_dma2 semaphore(%run_scoped3A : memref<!tpu.dma_semaphore, #tpu.memory_space<semaphore_mem>>) src(%arg6 : memref<64x128xi32, #tpu.memory_space<vmem>>) dst(%dma_wait3A_776 : memref<64x128xi32, #tpu.memory_space<hbm>>)
      tpu.yield
    }) : () -> ()
    %dma_start3A_666 = arith.constant 3584 : i32
    %dma_start3A_667 = tpu.memref_slice %arg5[%dma_start3A_666] : memref<4096xi32, #tpu.memory_space<vmem>> -> memref<64xi32, #tpu.memory_space<vmem>>
    %dma_start3A_668 = arith.constant 0 : i32
    %dma_start3A_669 = arith.constant 0 : i32
    %dma_start3A_670 = tpu.memref_slice %arg2[%dma_start3A_668, %dma_start3A_669] : memref<4608x128xi32, #tpu.memory_space<hbm>> -> memref<4608x128xi32, #tpu.memory_space<hbm>>
    tpu.enqueue_indirect_dma source(%dma_start3A_670 : memref<4608x128xi32, #tpu.memory_space<hbm>>) target(%arg6 : memref<64x128xi32, #tpu.memory_space<vmem>>) offsets(%dma_start3A_667 : memref<64xi32, #tpu.memory_space<vmem>>) semaphore(%arg8 : memref<!tpu.dma_semaphore, #tpu.memory_space<semaphore_mem>>)
    %dma_wait3A_671 = arith.constant 3520 : i32
    %dma_wait3A_672 = tpu.memref_slice %arg5[%dma_wait3A_671] : memref<4096xi32, #tpu.memory_space<vmem>> -> memref<64xi32, #tpu.memory_space<vmem>>
    %dma_wait3A_673 = arith.constant 0 : i32
    %dma_wait3A_674 = arith.constant 0 : i32
    %dma_wait3A_675 = tpu.memref_slice %arg2[%dma_wait3A_673, %dma_wait3A_674] : memref<4608x128xi32, #tpu.memory_space<hbm>> -> memref<4608x128xi32, #tpu.memory_space<hbm>>
    tpu.wait_indirect_dma semaphore(%arg9 : memref<!tpu.dma_semaphore, #tpu.memory_space<semaphore_mem>>) src(%dma_wait3A_675 : memref<4608x128xi32, #tpu.memory_space<hbm>>) dst(%arg7 : memref<64x128xi32, #tpu.memory_space<vmem>>)
    %add3A_676 = arith.constant 3520 : i32
    %add3A_677 = arith.addi %mul3A_2, %add3A_676 : i32
    "tpu.region"() ({
      %run_scoped3A = tpu.sem_alloc : memref<!tpu.dma_semaphore, #tpu.memory_space<semaphore_mem>>
      %dma_start3A_769 = arith.constant 0 : i32
      %dma_start3A_770 = tpu.memref_slice %arg4[%add3A_677, %dma_start3A_769] : memref<131072x128xi32, #tpu.memory_space<hbm>> -> memref<64x128xi32, #tpu.memory_space<hbm>>
      %dma_start3A_771 = arith.constant 0 : i32
      %dma_start3A_772 = tpu.memref_slice %arg4[%add3A_677, %dma_start3A_771] : memref<131072x128xi32, #tpu.memory_space<hbm>> -> memref<64x128xi32, #tpu.memory_space<hbm>>
      tpu.enqueue_dma source(%arg7 : memref<64x128xi32, #tpu.memory_space<vmem>>) target(%dma_start3A_772 : memref<64x128xi32, #tpu.memory_space<hbm>>) target_semaphore(%run_scoped3A : memref<!tpu.dma_semaphore, #tpu.memory_space<semaphore_mem>>)
      %dma_wait3A_773 = arith.constant 0 : i32
      %dma_wait3A_774 = tpu.memref_slice %arg4[%add3A_677, %dma_wait3A_773] : memref<131072x128xi32, #tpu.memory_space<hbm>> -> memref<64x128xi32, #tpu.memory_space<hbm>>
      %dma_wait3A_775 = arith.constant 0 : i32
      %dma_wait3A_776 = tpu.memref_slice %arg4[%add3A_677, %dma_wait3A_775] : memref<131072x128xi32, #tpu.memory_space<hbm>> -> memref<64x128xi32, #tpu.memory_space<hbm>>
      tpu.wait_dma2 semaphore(%run_scoped3A : memref<!tpu.dma_semaphore, #tpu.memory_space<semaphore_mem>>) src(%arg7 : memref<64x128xi32, #tpu.memory_space<vmem>>) dst(%dma_wait3A_776 : memref<64x128xi32, #tpu.memory_space<hbm>>)
      tpu.yield
    }) : () -> ()
    %dma_start3A_678 = arith.constant 3648 : i32
    %dma_start3A_679 = tpu.memref_slice %arg5[%dma_start3A_678] : memref<4096xi32, #tpu.memory_space<vmem>> -> memref<64xi32, #tpu.memory_space<vmem>>
    %dma_start3A_680 = arith.constant 0 : i32
    %dma_start3A_681 = arith.constant 0 : i32
    %dma_start3A_682 = tpu.memref_slice %arg2[%dma_start3A_680, %dma_start3A_681] : memref<4608x128xi32, #tpu.memory_space<hbm>> -> memref<4608x128xi32, #tpu.memory_space<hbm>>
    tpu.enqueue_indirect_dma source(%dma_start3A_682 : memref<4608x128xi32, #tpu.memory_space<hbm>>) target(%arg7 : memref<64x128xi32, #tpu.memory_space<vmem>>) offsets(%dma_start3A_679 : memref<64xi32, #tpu.memory_space<vmem>>) semaphore(%arg9 : memref<!tpu.dma_semaphore, #tpu.memory_space<semaphore_mem>>)
    %dma_wait3A_683 = arith.constant 3584 : i32
    %dma_wait3A_684 = tpu.memref_slice %arg5[%dma_wait3A_683] : memref<4096xi32, #tpu.memory_space<vmem>> -> memref<64xi32, #tpu.memory_space<vmem>>
    %dma_wait3A_685 = arith.constant 0 : i32
    %dma_wait3A_686 = arith.constant 0 : i32
    %dma_wait3A_687 = tpu.memref_slice %arg2[%dma_wait3A_685, %dma_wait3A_686] : memref<4608x128xi32, #tpu.memory_space<hbm>> -> memref<4608x128xi32, #tpu.memory_space<hbm>>
    tpu.wait_indirect_dma semaphore(%arg8 : memref<!tpu.dma_semaphore, #tpu.memory_space<semaphore_mem>>) src(%dma_wait3A_687 : memref<4608x128xi32, #tpu.memory_space<hbm>>) dst(%arg6 : memref<64x128xi32, #tpu.memory_space<vmem>>)
    %add3A_688 = arith.constant 3584 : i32
    %add3A_689 = arith.addi %mul3A_2, %add3A_688 : i32
    "tpu.region"() ({
      %run_scoped3A = tpu.sem_alloc : memref<!tpu.dma_semaphore, #tpu.memory_space<semaphore_mem>>
      %dma_start3A_769 = arith.constant 0 : i32
      %dma_start3A_770 = tpu.memref_slice %arg4[%add3A_689, %dma_start3A_769] : memref<131072x128xi32, #tpu.memory_space<hbm>> -> memref<64x128xi32, #tpu.memory_space<hbm>>
      %dma_start3A_771 = arith.constant 0 : i32
      %dma_start3A_772 = tpu.memref_slice %arg4[%add3A_689, %dma_start3A_771] : memref<131072x128xi32, #tpu.memory_space<hbm>> -> memref<64x128xi32, #tpu.memory_space<hbm>>
      tpu.enqueue_dma source(%arg6 : memref<64x128xi32, #tpu.memory_space<vmem>>) target(%dma_start3A_772 : memref<64x128xi32, #tpu.memory_space<hbm>>) target_semaphore(%run_scoped3A : memref<!tpu.dma_semaphore, #tpu.memory_space<semaphore_mem>>)
      %dma_wait3A_773 = arith.constant 0 : i32
      %dma_wait3A_774 = tpu.memref_slice %arg4[%add3A_689, %dma_wait3A_773] : memref<131072x128xi32, #tpu.memory_space<hbm>> -> memref<64x128xi32, #tpu.memory_space<hbm>>
      %dma_wait3A_775 = arith.constant 0 : i32
      %dma_wait3A_776 = tpu.memref_slice %arg4[%add3A_689, %dma_wait3A_775] : memref<131072x128xi32, #tpu.memory_space<hbm>> -> memref<64x128xi32, #tpu.memory_space<hbm>>
      tpu.wait_dma2 semaphore(%run_scoped3A : memref<!tpu.dma_semaphore, #tpu.memory_space<semaphore_mem>>) src(%arg6 : memref<64x128xi32, #tpu.memory_space<vmem>>) dst(%dma_wait3A_776 : memref<64x128xi32, #tpu.memory_space<hbm>>)
      tpu.yield
    }) : () -> ()
    %dma_start3A_690 = arith.constant 3712 : i32
    %dma_start3A_691 = tpu.memref_slice %arg5[%dma_start3A_690] : memref<4096xi32, #tpu.memory_space<vmem>> -> memref<64xi32, #tpu.memory_space<vmem>>
    %dma_start3A_692 = arith.constant 0 : i32
    %dma_start3A_693 = arith.constant 0 : i32
    %dma_start3A_694 = tpu.memref_slice %arg2[%dma_start3A_692, %dma_start3A_693] : memref<4608x128xi32, #tpu.memory_space<hbm>> -> memref<4608x128xi32, #tpu.memory_space<hbm>>
    tpu.enqueue_indirect_dma source(%dma_start3A_694 : memref<4608x128xi32, #tpu.memory_space<hbm>>) target(%arg6 : memref<64x128xi32, #tpu.memory_space<vmem>>) offsets(%dma_start3A_691 : memref<64xi32, #tpu.memory_space<vmem>>) semaphore(%arg8 : memref<!tpu.dma_semaphore, #tpu.memory_space<semaphore_mem>>)
    %dma_wait3A_695 = arith.constant 3648 : i32
    %dma_wait3A_696 = tpu.memref_slice %arg5[%dma_wait3A_695] : memref<4096xi32, #tpu.memory_space<vmem>> -> memref<64xi32, #tpu.memory_space<vmem>>
    %dma_wait3A_697 = arith.constant 0 : i32
    %dma_wait3A_698 = arith.constant 0 : i32
    %dma_wait3A_699 = tpu.memref_slice %arg2[%dma_wait3A_697, %dma_wait3A_698] : memref<4608x128xi32, #tpu.memory_space<hbm>> -> memref<4608x128xi32, #tpu.memory_space<hbm>>
    tpu.wait_indirect_dma semaphore(%arg9 : memref<!tpu.dma_semaphore, #tpu.memory_space<semaphore_mem>>) src(%dma_wait3A_699 : memref<4608x128xi32, #tpu.memory_space<hbm>>) dst(%arg7 : memref<64x128xi32, #tpu.memory_space<vmem>>)
    %add3A_700 = arith.constant 3648 : i32
    %add3A_701 = arith.addi %mul3A_2, %add3A_700 : i32
    "tpu.region"() ({
      %run_scoped3A = tpu.sem_alloc : memref<!tpu.dma_semaphore, #tpu.memory_space<semaphore_mem>>
      %dma_start3A_769 = arith.constant 0 : i32
      %dma_start3A_770 = tpu.memref_slice %arg4[%add3A_701, %dma_start3A_769] : memref<131072x128xi32, #tpu.memory_space<hbm>> -> memref<64x128xi32, #tpu.memory_space<hbm>>
      %dma_start3A_771 = arith.constant 0 : i32
      %dma_start3A_772 = tpu.memref_slice %arg4[%add3A_701, %dma_start3A_771] : memref<131072x128xi32, #tpu.memory_space<hbm>> -> memref<64x128xi32, #tpu.memory_space<hbm>>
      tpu.enqueue_dma source(%arg7 : memref<64x128xi32, #tpu.memory_space<vmem>>) target(%dma_start3A_772 : memref<64x128xi32, #tpu.memory_space<hbm>>) target_semaphore(%run_scoped3A : memref<!tpu.dma_semaphore, #tpu.memory_space<semaphore_mem>>)
      %dma_wait3A_773 = arith.constant 0 : i32
      %dma_wait3A_774 = tpu.memref_slice %arg4[%add3A_701, %dma_wait3A_773] : memref<131072x128xi32, #tpu.memory_space<hbm>> -> memref<64x128xi32, #tpu.memory_space<hbm>>
      %dma_wait3A_775 = arith.constant 0 : i32
      %dma_wait3A_776 = tpu.memref_slice %arg4[%add3A_701, %dma_wait3A_775] : memref<131072x128xi32, #tpu.memory_space<hbm>> -> memref<64x128xi32, #tpu.memory_space<hbm>>
      tpu.wait_dma2 semaphore(%run_scoped3A : memref<!tpu.dma_semaphore, #tpu.memory_space<semaphore_mem>>) src(%arg7 : memref<64x128xi32, #tpu.memory_space<vmem>>) dst(%dma_wait3A_776 : memref<64x128xi32, #tpu.memory_space<hbm>>)
      tpu.yield
    }) : () -> ()
    %dma_start3A_702 = arith.constant 3776 : i32
    %dma_start3A_703 = tpu.memref_slice %arg5[%dma_start3A_702] : memref<4096xi32, #tpu.memory_space<vmem>> -> memref<64xi32, #tpu.memory_space<vmem>>
    %dma_start3A_704 = arith.constant 0 : i32
    %dma_start3A_705 = arith.constant 0 : i32
    %dma_start3A_706 = tpu.memref_slice %arg2[%dma_start3A_704, %dma_start3A_705] : memref<4608x128xi32, #tpu.memory_space<hbm>> -> memref<4608x128xi32, #tpu.memory_space<hbm>>
    tpu.enqueue_indirect_dma source(%dma_start3A_706 : memref<4608x128xi32, #tpu.memory_space<hbm>>) target(%arg7 : memref<64x128xi32, #tpu.memory_space<vmem>>) offsets(%dma_start3A_703 : memref<64xi32, #tpu.memory_space<vmem>>) semaphore(%arg9 : memref<!tpu.dma_semaphore, #tpu.memory_space<semaphore_mem>>)
    %dma_wait3A_707 = arith.constant 3712 : i32
    %dma_wait3A_708 = tpu.memref_slice %arg5[%dma_wait3A_707] : memref<4096xi32, #tpu.memory_space<vmem>> -> memref<64xi32, #tpu.memory_space<vmem>>
    %dma_wait3A_709 = arith.constant 0 : i32
    %dma_wait3A_710 = arith.constant 0 : i32
    %dma_wait3A_711 = tpu.memref_slice %arg2[%dma_wait3A_709, %dma_wait3A_710] : memref<4608x128xi32, #tpu.memory_space<hbm>> -> memref<4608x128xi32, #tpu.memory_space<hbm>>
    tpu.wait_indirect_dma semaphore(%arg8 : memref<!tpu.dma_semaphore, #tpu.memory_space<semaphore_mem>>) src(%dma_wait3A_711 : memref<4608x128xi32, #tpu.memory_space<hbm>>) dst(%arg6 : memref<64x128xi32, #tpu.memory_space<vmem>>)
    %add3A_712 = arith.constant 3712 : i32
    %add3A_713 = arith.addi %mul3A_2, %add3A_712 : i32
    "tpu.region"() ({
      %run_scoped3A = tpu.sem_alloc : memref<!tpu.dma_semaphore, #tpu.memory_space<semaphore_mem>>
      %dma_start3A_769 = arith.constant 0 : i32
      %dma_start3A_770 = tpu.memref_slice %arg4[%add3A_713, %dma_start3A_769] : memref<131072x128xi32, #tpu.memory_space<hbm>> -> memref<64x128xi32, #tpu.memory_space<hbm>>
      %dma_start3A_771 = arith.constant 0 : i32
      %dma_start3A_772 = tpu.memref_slice %arg4[%add3A_713, %dma_start3A_771] : memref<131072x128xi32, #tpu.memory_space<hbm>> -> memref<64x128xi32, #tpu.memory_space<hbm>>
      tpu.enqueue_dma source(%arg6 : memref<64x128xi32, #tpu.memory_space<vmem>>) target(%dma_start3A_772 : memref<64x128xi32, #tpu.memory_space<hbm>>) target_semaphore(%run_scoped3A : memref<!tpu.dma_semaphore, #tpu.memory_space<semaphore_mem>>)
      %dma_wait3A_773 = arith.constant 0 : i32
      %dma_wait3A_774 = tpu.memref_slice %arg4[%add3A_713, %dma_wait3A_773] : memref<131072x128xi32, #tpu.memory_space<hbm>> -> memref<64x128xi32, #tpu.memory_space<hbm>>
      %dma_wait3A_775 = arith.constant 0 : i32
      %dma_wait3A_776 = tpu.memref_slice %arg4[%add3A_713, %dma_wait3A_775] : memref<131072x128xi32, #tpu.memory_space<hbm>> -> memref<64x128xi32, #tpu.memory_space<hbm>>
      tpu.wait_dma2 semaphore(%run_scoped3A : memref<!tpu.dma_semaphore, #tpu.memory_space<semaphore_mem>>) src(%arg6 : memref<64x128xi32, #tpu.memory_space<vmem>>) dst(%dma_wait3A_776 : memref<64x128xi32, #tpu.memory_space<hbm>>)
      tpu.yield
    }) : () -> ()
    %dma_start3A_714 = arith.constant 3840 : i32
    %dma_start3A_715 = tpu.memref_slice %arg5[%dma_start3A_714] : memref<4096xi32, #tpu.memory_space<vmem>> -> memref<64xi32, #tpu.memory_space<vmem>>
    %dma_start3A_716 = arith.constant 0 : i32
    %dma_start3A_717 = arith.constant 0 : i32
    %dma_start3A_718 = tpu.memref_slice %arg2[%dma_start3A_716, %dma_start3A_717] : memref<4608x128xi32, #tpu.memory_space<hbm>> -> memref<4608x128xi32, #tpu.memory_space<hbm>>
    tpu.enqueue_indirect_dma source(%dma_start3A_718 : memref<4608x128xi32, #tpu.memory_space<hbm>>) target(%arg6 : memref<64x128xi32, #tpu.memory_space<vmem>>) offsets(%dma_start3A_715 : memref<64xi32, #tpu.memory_space<vmem>>) semaphore(%arg8 : memref<!tpu.dma_semaphore, #tpu.memory_space<semaphore_mem>>)
    %dma_wait3A_719 = arith.constant 3776 : i32
    %dma_wait3A_720 = tpu.memref_slice %arg5[%dma_wait3A_719] : memref<4096xi32, #tpu.memory_space<vmem>> -> memref<64xi32, #tpu.memory_space<vmem>>
    %dma_wait3A_721 = arith.constant 0 : i32
    %dma_wait3A_722 = arith.constant 0 : i32
    %dma_wait3A_723 = tpu.memref_slice %arg2[%dma_wait3A_721, %dma_wait3A_722] : memref<4608x128xi32, #tpu.memory_space<hbm>> -> memref<4608x128xi32, #tpu.memory_space<hbm>>
    tpu.wait_indirect_dma semaphore(%arg9 : memref<!tpu.dma_semaphore, #tpu.memory_space<semaphore_mem>>) src(%dma_wait3A_723 : memref<4608x128xi32, #tpu.memory_space<hbm>>) dst(%arg7 : memref<64x128xi32, #tpu.memory_space<vmem>>)
    %add3A_724 = arith.constant 3776 : i32
    %add3A_725 = arith.addi %mul3A_2, %add3A_724 : i32
    "tpu.region"() ({
      %run_scoped3A = tpu.sem_alloc : memref<!tpu.dma_semaphore, #tpu.memory_space<semaphore_mem>>
      %dma_start3A_769 = arith.constant 0 : i32
      %dma_start3A_770 = tpu.memref_slice %arg4[%add3A_725, %dma_start3A_769] : memref<131072x128xi32, #tpu.memory_space<hbm>> -> memref<64x128xi32, #tpu.memory_space<hbm>>
      %dma_start3A_771 = arith.constant 0 : i32
      %dma_start3A_772 = tpu.memref_slice %arg4[%add3A_725, %dma_start3A_771] : memref<131072x128xi32, #tpu.memory_space<hbm>> -> memref<64x128xi32, #tpu.memory_space<hbm>>
      tpu.enqueue_dma source(%arg7 : memref<64x128xi32, #tpu.memory_space<vmem>>) target(%dma_start3A_772 : memref<64x128xi32, #tpu.memory_space<hbm>>) target_semaphore(%run_scoped3A : memref<!tpu.dma_semaphore, #tpu.memory_space<semaphore_mem>>)
      %dma_wait3A_773 = arith.constant 0 : i32
      %dma_wait3A_774 = tpu.memref_slice %arg4[%add3A_725, %dma_wait3A_773] : memref<131072x128xi32, #tpu.memory_space<hbm>> -> memref<64x128xi32, #tpu.memory_space<hbm>>
      %dma_wait3A_775 = arith.constant 0 : i32
      %dma_wait3A_776 = tpu.memref_slice %arg4[%add3A_725, %dma_wait3A_775] : memref<131072x128xi32, #tpu.memory_space<hbm>> -> memref<64x128xi32, #tpu.memory_space<hbm>>
      tpu.wait_dma2 semaphore(%run_scoped3A : memref<!tpu.dma_semaphore, #tpu.memory_space<semaphore_mem>>) src(%arg7 : memref<64x128xi32, #tpu.memory_space<vmem>>) dst(%dma_wait3A_776 : memref<64x128xi32, #tpu.memory_space<hbm>>)
      tpu.yield
    }) : () -> ()
    %dma_start3A_726 = arith.constant 3904 : i32
    %dma_start3A_727 = tpu.memref_slice %arg5[%dma_start3A_726] : memref<4096xi32, #tpu.memory_space<vmem>> -> memref<64xi32, #tpu.memory_space<vmem>>
    %dma_start3A_728 = arith.constant 0 : i32
    %dma_start3A_729 = arith.constant 0 : i32
    %dma_start3A_730 = tpu.memref_slice %arg2[%dma_start3A_728, %dma_start3A_729] : memref<4608x128xi32, #tpu.memory_space<hbm>> -> memref<4608x128xi32, #tpu.memory_space<hbm>>
    tpu.enqueue_indirect_dma source(%dma_start3A_730 : memref<4608x128xi32, #tpu.memory_space<hbm>>) target(%arg7 : memref<64x128xi32, #tpu.memory_space<vmem>>) offsets(%dma_start3A_727 : memref<64xi32, #tpu.memory_space<vmem>>) semaphore(%arg9 : memref<!tpu.dma_semaphore, #tpu.memory_space<semaphore_mem>>)
    %dma_wait3A_731 = arith.constant 3840 : i32
    %dma_wait3A_732 = tpu.memref_slice %arg5[%dma_wait3A_731] : memref<4096xi32, #tpu.memory_space<vmem>> -> memref<64xi32, #tpu.memory_space<vmem>>
    %dma_wait3A_733 = arith.constant 0 : i32
    %dma_wait3A_734 = arith.constant 0 : i32
    %dma_wait3A_735 = tpu.memref_slice %arg2[%dma_wait3A_733, %dma_wait3A_734] : memref<4608x128xi32, #tpu.memory_space<hbm>> -> memref<4608x128xi32, #tpu.memory_space<hbm>>
    tpu.wait_indirect_dma semaphore(%arg8 : memref<!tpu.dma_semaphore, #tpu.memory_space<semaphore_mem>>) src(%dma_wait3A_735 : memref<4608x128xi32, #tpu.memory_space<hbm>>) dst(%arg6 : memref<64x128xi32, #tpu.memory_space<vmem>>)
    %add3A_736 = arith.constant 3840 : i32
    %add3A_737 = arith.addi %mul3A_2, %add3A_736 : i32
    "tpu.region"() ({
      %run_scoped3A = tpu.sem_alloc : memref<!tpu.dma_semaphore, #tpu.memory_space<semaphore_mem>>
      %dma_start3A_769 = arith.constant 0 : i32
      %dma_start3A_770 = tpu.memref_slice %arg4[%add3A_737, %dma_start3A_769] : memref<131072x128xi32, #tpu.memory_space<hbm>> -> memref<64x128xi32, #tpu.memory_space<hbm>>
      %dma_start3A_771 = arith.constant 0 : i32
      %dma_start3A_772 = tpu.memref_slice %arg4[%add3A_737, %dma_start3A_771] : memref<131072x128xi32, #tpu.memory_space<hbm>> -> memref<64x128xi32, #tpu.memory_space<hbm>>
      tpu.enqueue_dma source(%arg6 : memref<64x128xi32, #tpu.memory_space<vmem>>) target(%dma_start3A_772 : memref<64x128xi32, #tpu.memory_space<hbm>>) target_semaphore(%run_scoped3A : memref<!tpu.dma_semaphore, #tpu.memory_space<semaphore_mem>>)
      %dma_wait3A_773 = arith.constant 0 : i32
      %dma_wait3A_774 = tpu.memref_slice %arg4[%add3A_737, %dma_wait3A_773] : memref<131072x128xi32, #tpu.memory_space<hbm>> -> memref<64x128xi32, #tpu.memory_space<hbm>>
      %dma_wait3A_775 = arith.constant 0 : i32
      %dma_wait3A_776 = tpu.memref_slice %arg4[%add3A_737, %dma_wait3A_775] : memref<131072x128xi32, #tpu.memory_space<hbm>> -> memref<64x128xi32, #tpu.memory_space<hbm>>
      tpu.wait_dma2 semaphore(%run_scoped3A : memref<!tpu.dma_semaphore, #tpu.memory_space<semaphore_mem>>) src(%arg6 : memref<64x128xi32, #tpu.memory_space<vmem>>) dst(%dma_wait3A_776 : memref<64x128xi32, #tpu.memory_space<hbm>>)
      tpu.yield
    }) : () -> ()
    %dma_start3A_738 = arith.constant 3968 : i32
    %dma_start3A_739 = tpu.memref_slice %arg5[%dma_start3A_738] : memref<4096xi32, #tpu.memory_space<vmem>> -> memref<64xi32, #tpu.memory_space<vmem>>
    %dma_start3A_740 = arith.constant 0 : i32
    %dma_start3A_741 = arith.constant 0 : i32
    %dma_start3A_742 = tpu.memref_slice %arg2[%dma_start3A_740, %dma_start3A_741] : memref<4608x128xi32, #tpu.memory_space<hbm>> -> memref<4608x128xi32, #tpu.memory_space<hbm>>
    tpu.enqueue_indirect_dma source(%dma_start3A_742 : memref<4608x128xi32, #tpu.memory_space<hbm>>) target(%arg6 : memref<64x128xi32, #tpu.memory_space<vmem>>) offsets(%dma_start3A_739 : memref<64xi32, #tpu.memory_space<vmem>>) semaphore(%arg8 : memref<!tpu.dma_semaphore, #tpu.memory_space<semaphore_mem>>)
    %dma_wait3A_743 = arith.constant 3904 : i32
    %dma_wait3A_744 = tpu.memref_slice %arg5[%dma_wait3A_743] : memref<4096xi32, #tpu.memory_space<vmem>> -> memref<64xi32, #tpu.memory_space<vmem>>
    %dma_wait3A_745 = arith.constant 0 : i32
    %dma_wait3A_746 = arith.constant 0 : i32
    %dma_wait3A_747 = tpu.memref_slice %arg2[%dma_wait3A_745, %dma_wait3A_746] : memref<4608x128xi32, #tpu.memory_space<hbm>> -> memref<4608x128xi32, #tpu.memory_space<hbm>>
    tpu.wait_indirect_dma semaphore(%arg9 : memref<!tpu.dma_semaphore, #tpu.memory_space<semaphore_mem>>) src(%dma_wait3A_747 : memref<4608x128xi32, #tpu.memory_space<hbm>>) dst(%arg7 : memref<64x128xi32, #tpu.memory_space<vmem>>)
    %add3A_748 = arith.constant 3904 : i32
    %add3A_749 = arith.addi %mul3A_2, %add3A_748 : i32
    "tpu.region"() ({
      %run_scoped3A = tpu.sem_alloc : memref<!tpu.dma_semaphore, #tpu.memory_space<semaphore_mem>>
      %dma_start3A_769 = arith.constant 0 : i32
      %dma_start3A_770 = tpu.memref_slice %arg4[%add3A_749, %dma_start3A_769] : memref<131072x128xi32, #tpu.memory_space<hbm>> -> memref<64x128xi32, #tpu.memory_space<hbm>>
      %dma_start3A_771 = arith.constant 0 : i32
      %dma_start3A_772 = tpu.memref_slice %arg4[%add3A_749, %dma_start3A_771] : memref<131072x128xi32, #tpu.memory_space<hbm>> -> memref<64x128xi32, #tpu.memory_space<hbm>>
      tpu.enqueue_dma source(%arg7 : memref<64x128xi32, #tpu.memory_space<vmem>>) target(%dma_start3A_772 : memref<64x128xi32, #tpu.memory_space<hbm>>) target_semaphore(%run_scoped3A : memref<!tpu.dma_semaphore, #tpu.memory_space<semaphore_mem>>)
      %dma_wait3A_773 = arith.constant 0 : i32
      %dma_wait3A_774 = tpu.memref_slice %arg4[%add3A_749, %dma_wait3A_773] : memref<131072x128xi32, #tpu.memory_space<hbm>> -> memref<64x128xi32, #tpu.memory_space<hbm>>
      %dma_wait3A_775 = arith.constant 0 : i32
      %dma_wait3A_776 = tpu.memref_slice %arg4[%add3A_749, %dma_wait3A_775] : memref<131072x128xi32, #tpu.memory_space<hbm>> -> memref<64x128xi32, #tpu.memory_space<hbm>>
      tpu.wait_dma2 semaphore(%run_scoped3A : memref<!tpu.dma_semaphore, #tpu.memory_space<semaphore_mem>>) src(%arg7 : memref<64x128xi32, #tpu.memory_space<vmem>>) dst(%dma_wait3A_776 : memref<64x128xi32, #tpu.memory_space<hbm>>)
      tpu.yield
    }) : () -> ()
    %dma_start3A_750 = arith.constant 4032 : i32
    %dma_start3A_751 = tpu.memref_slice %arg5[%dma_start3A_750] : memref<4096xi32, #tpu.memory_space<vmem>> -> memref<64xi32, #tpu.memory_space<vmem>>
    %dma_start3A_752 = arith.constant 0 : i32
    %dma_start3A_753 = arith.constant 0 : i32
    %dma_start3A_754 = tpu.memref_slice %arg2[%dma_start3A_752, %dma_start3A_753] : memref<4608x128xi32, #tpu.memory_space<hbm>> -> memref<4608x128xi32, #tpu.memory_space<hbm>>
    tpu.enqueue_indirect_dma source(%dma_start3A_754 : memref<4608x128xi32, #tpu.memory_space<hbm>>) target(%arg7 : memref<64x128xi32, #tpu.memory_space<vmem>>) offsets(%dma_start3A_751 : memref<64xi32, #tpu.memory_space<vmem>>) semaphore(%arg9 : memref<!tpu.dma_semaphore, #tpu.memory_space<semaphore_mem>>)
    %dma_wait3A_755 = arith.constant 3968 : i32
    %dma_wait3A_756 = tpu.memref_slice %arg5[%dma_wait3A_755] : memref<4096xi32, #tpu.memory_space<vmem>> -> memref<64xi32, #tpu.memory_space<vmem>>
    %dma_wait3A_757 = arith.constant 0 : i32
    %dma_wait3A_758 = arith.constant 0 : i32
    %dma_wait3A_759 = tpu.memref_slice %arg2[%dma_wait3A_757, %dma_wait3A_758] : memref<4608x128xi32, #tpu.memory_space<hbm>> -> memref<4608x128xi32, #tpu.memory_space<hbm>>
    tpu.wait_indirect_dma semaphore(%arg8 : memref<!tpu.dma_semaphore, #tpu.memory_space<semaphore_mem>>) src(%dma_wait3A_759 : memref<4608x128xi32, #tpu.memory_space<hbm>>) dst(%arg6 : memref<64x128xi32, #tpu.memory_space<vmem>>)
    %add3A_760 = arith.constant 3968 : i32
    %add3A_761 = arith.addi %mul3A_2, %add3A_760 : i32
    "tpu.region"() ({
      %run_scoped3A = tpu.sem_alloc : memref<!tpu.dma_semaphore, #tpu.memory_space<semaphore_mem>>
      %dma_start3A_769 = arith.constant 0 : i32
      %dma_start3A_770 = tpu.memref_slice %arg4[%add3A_761, %dma_start3A_769] : memref<131072x128xi32, #tpu.memory_space<hbm>> -> memref<64x128xi32, #tpu.memory_space<hbm>>
      %dma_start3A_771 = arith.constant 0 : i32
      %dma_start3A_772 = tpu.memref_slice %arg4[%add3A_761, %dma_start3A_771] : memref<131072x128xi32, #tpu.memory_space<hbm>> -> memref<64x128xi32, #tpu.memory_space<hbm>>
      tpu.enqueue_dma source(%arg6 : memref<64x128xi32, #tpu.memory_space<vmem>>) target(%dma_start3A_772 : memref<64x128xi32, #tpu.memory_space<hbm>>) target_semaphore(%run_scoped3A : memref<!tpu.dma_semaphore, #tpu.memory_space<semaphore_mem>>)
      %dma_wait3A_773 = arith.constant 0 : i32
      %dma_wait3A_774 = tpu.memref_slice %arg4[%add3A_761, %dma_wait3A_773] : memref<131072x128xi32, #tpu.memory_space<hbm>> -> memref<64x128xi32, #tpu.memory_space<hbm>>
      %dma_wait3A_775 = arith.constant 0 : i32
      %dma_wait3A_776 = tpu.memref_slice %arg4[%add3A_761, %dma_wait3A_775] : memref<131072x128xi32, #tpu.memory_space<hbm>> -> memref<64x128xi32, #tpu.memory_space<hbm>>
      tpu.wait_dma2 semaphore(%run_scoped3A : memref<!tpu.dma_semaphore, #tpu.memory_space<semaphore_mem>>) src(%arg6 : memref<64x128xi32, #tpu.memory_space<vmem>>) dst(%dma_wait3A_776 : memref<64x128xi32, #tpu.memory_space<hbm>>)
      tpu.yield
    }) : () -> ()
    %dma_wait3A_762 = arith.constant 4032 : i32
    %dma_wait3A_763 = tpu.memref_slice %arg5[%dma_wait3A_762] : memref<4096xi32, #tpu.memory_space<vmem>> -> memref<64xi32, #tpu.memory_space<vmem>>
    %dma_wait3A_764 = arith.constant 0 : i32
    %dma_wait3A_765 = arith.constant 0 : i32
    %dma_wait3A_766 = tpu.memref_slice %arg2[%dma_wait3A_764, %dma_wait3A_765] : memref<4608x128xi32, #tpu.memory_space<hbm>> -> memref<4608x128xi32, #tpu.memory_space<hbm>>
    tpu.wait_indirect_dma semaphore(%arg9 : memref<!tpu.dma_semaphore, #tpu.memory_space<semaphore_mem>>) src(%dma_wait3A_766 : memref<4608x128xi32, #tpu.memory_space<hbm>>) dst(%arg7 : memref<64x128xi32, #tpu.memory_space<vmem>>)
    %add3A_767 = arith.constant 4032 : i32
    %add3A_768 = arith.addi %mul3A_2, %add3A_767 : i32
    "tpu.region"() ({
      %run_scoped3A = tpu.sem_alloc : memref<!tpu.dma_semaphore, #tpu.memory_space<semaphore_mem>>
      %dma_start3A_769 = arith.constant 0 : i32
      %dma_start3A_770 = tpu.memref_slice %arg4[%add3A_768, %dma_start3A_769] : memref<131072x128xi32, #tpu.memory_space<hbm>> -> memref<64x128xi32, #tpu.memory_space<hbm>>
      %dma_start3A_771 = arith.constant 0 : i32
      %dma_start3A_772 = tpu.memref_slice %arg4[%add3A_768, %dma_start3A_771] : memref<131072x128xi32, #tpu.memory_space<hbm>> -> memref<64x128xi32, #tpu.memory_space<hbm>>
      tpu.enqueue_dma source(%arg7 : memref<64x128xi32, #tpu.memory_space<vmem>>) target(%dma_start3A_772 : memref<64x128xi32, #tpu.memory_space<hbm>>) target_semaphore(%run_scoped3A : memref<!tpu.dma_semaphore, #tpu.memory_space<semaphore_mem>>)
      %dma_wait3A_773 = arith.constant 0 : i32
      %dma_wait3A_774 = tpu.memref_slice %arg4[%add3A_768, %dma_wait3A_773] : memref<131072x128xi32, #tpu.memory_space<hbm>> -> memref<64x128xi32, #tpu.memory_space<hbm>>
      %dma_wait3A_775 = arith.constant 0 : i32
      %dma_wait3A_776 = tpu.memref_slice %arg4[%add3A_768, %dma_wait3A_775] : memref<131072x128xi32, #tpu.memory_space<hbm>> -> memref<64x128xi32, #tpu.memory_space<hbm>>
      tpu.wait_dma2 semaphore(%run_scoped3A : memref<!tpu.dma_semaphore, #tpu.memory_space<semaphore_mem>>) src(%arg7 : memref<64x128xi32, #tpu.memory_space<vmem>>) dst(%dma_wait3A_776 : memref<64x128xi32, #tpu.memory_space<hbm>>)
      tpu.yield
    }) : () -> ()
    return
  }
}

module attributes {stable_mosaic.version = 14 : i64} {
  func.func @_y_kernel(%arg0: i32, %arg1: memref<1x512x256xf32, #tpu.memory_space<vmem>>, %arg2: memref<256x256xbf16, #tpu.memory_space<vmem>>, %arg3: memref<1x512x128xi32, #tpu.memory_space<vmem>>) attributes {dimension_semantics = [#tpu.dimension_semantics<arbitrary>], iteration_bounds = array<i64: 9>, scalar_prefetch = 0 : i64, scratch_operands = 0 : i64, tpu.core_type = #tpu.core_type<tc>, window_params = [{transform_indices = @transform_0, window_bounds = array<i64: 1, 512, 256>}, {pipeline_mode = #tpu.pipeline_mode<synchronous>, transform_indices = @transform_1, window_bounds = array<i64: 256, 256>}, {transform_indices = @transform_2, window_bounds = array<i64: 1, 512, 128>}]} {
    %lt3A = arith.constant 8 : i32
    %lt3A_0 = arith.cmpi slt, %arg0, %lt3A : i32
    %convert_element_type3A = arith.extui %lt3A_0 : i1 to i32
    %cond3A = arith.constant 0 : i32
    %cond3A_1 = arith.cmpi ne, %convert_element_type3A, %cond3A : i32
    scf.if %cond3A_1 {
      %get3A = arith.constant 0 : index
      %get3A_6 = arith.constant 0 : index
      %get3A_7 = arith.constant 0 : index
      %get3A_8 = vector.load %arg1[%get3A, %get3A_6, %get3A_7] : memref<1x512x256xf32, #tpu.memory_space<vmem>>, vector<1x512x256xf32>
      %get3A_9 = vector.shape_cast %get3A_8 : vector<1x512x256xf32> to vector<512x256xf32>
      %convert_element_type3A_10 = arith.truncf %get3A_9 : vector<512x256xf32> to vector<512x256xbf16>
      %get3A_11 = arith.constant 0 : index
      %get3A_12 = arith.constant 0 : index
      %get3A_13 = vector.load %arg2[%get3A_11, %get3A_12] : memref<256x256xbf16, #tpu.memory_space<vmem>>, vector<256x256xbf16>
      %dot_general3A = arith.constant dense<0.000000e+00> : vector<512x256xf32>
      %dot_general3A_14 = tpu.matmul %convert_element_type3A_10, %get3A_13, %dot_general3A {dimension_numbers = #tpu.dot_dimension_numbers<[1], [0], [0], [1], [0, 0, 1, 1], [], []>, transpose_lhs_hint = false} : vector<512x256xbf16>, vector<256x256xbf16>, vector<512x256xf32> -> vector<512x256xf32>
      %slice3A = vector.extract_strided_slice %dot_general3A_14 {offsets = [0, 0], sizes = [512, 128], strides = [1, 1]} : vector<512x256xf32> to vector<512x128xf32>
      %bitcast_convert_type3A = tpu.bitcast %slice3A : vector<512x128xf32> -> vector<512x128xi32>
      %slice3A_15 = vector.extract_strided_slice %dot_general3A_14 {offsets = [0, 128], sizes = [512, 128], strides = [1, 1]} : vector<512x256xf32> to vector<512x128xf32>
      %bitcast_convert_type3A_16 = tpu.bitcast %slice3A_15 : vector<512x128xf32> -> vector<512x128xi32>
      %add3A = arith.constant 32768 : i32
      %add3A_17 = vector.broadcast %add3A : i32 to vector<512x128xi32>
      %add3A_18 = arith.addi %bitcast_convert_type3A, %add3A_17 : vector<512x128xi32>
      %shift_right_logical3A = arith.constant 16 : i32
      %shift_right_logical3A_19 = vector.broadcast %shift_right_logical3A : i32 to vector<512x128xi32>
      %shift_right_logical3A_20 = arith.shrui %add3A_18, %shift_right_logical3A_19 : vector<512x128xi32>
      %add3A_21 = arith.constant 32768 : i32
      %add3A_22 = vector.broadcast %add3A_21 : i32 to vector<512x128xi32>
      %add3A_23 = arith.addi %bitcast_convert_type3A_16, %add3A_22 : vector<512x128xi32>
      %and3A = arith.constant -65536 : i32
      %and3A_24 = vector.broadcast %and3A : i32 to vector<512x128xi32>
      %and3A_25 = arith.andi %add3A_23, %and3A_24 : vector<512x128xi32>
      %or3A = arith.ori %and3A_25, %shift_right_logical3A_20 : vector<512x128xi32>
      %bitcast_convert_type3A_26 = tpu.bitcast %or3A : vector<512x128xi32> -> vector<512x128xi32>
      %swap3A = arith.constant 0 : index
      %swap3A_27 = arith.constant 0 : index
      %swap3A_28 = arith.constant 0 : index
      %swap3A_29 = vector.load %arg3[%swap3A, %swap3A_27, %swap3A_28] : memref<1x512x128xi32, #tpu.memory_space<vmem>>, vector<1x512x128xi32>
      %swap3A_30 = vector.shape_cast %swap3A_29 : vector<1x512x128xi32> to vector<512x128xi32>
      %swap3A_31 = vector.shape_cast %bitcast_convert_type3A_26 : vector<512x128xi32> to vector<1x512x128xi32>
      tpu.vector_store %arg3[%swap3A, %swap3A_27, %swap3A_28], %swap3A_31 {strides = array<i32>} : memref<1x512x128xi32, #tpu.memory_space<vmem>>, vector<1x512x128xi32>,
    } else {
    }
    %eq3A = arith.constant 8 : i32
    %eq3A_2 = arith.cmpi eq, %arg0, %eq3A : i32
    %convert_element_type3A_3 = arith.extui %eq3A_2 : i1 to i32
    %cond3A_4 = arith.constant 0 : i32
    %cond3A_5 = arith.cmpi ne, %convert_element_type3A_3, %cond3A_4 : i32
    scf.if %cond3A_5 {
      %broadcast_in_dim3A = arith.constant 0 : i32
      %broadcast_in_dim3A_6 = vector.broadcast %broadcast_in_dim3A : i32 to vector<512x128xi32>
      %swap3A = arith.constant 0 : index
      %swap3A_7 = arith.constant 0 : index
      %swap3A_8 = arith.constant 0 : index
      %swap3A_9 = vector.load %arg3[%swap3A, %swap3A_7, %swap3A_8] : memref<1x512x128xi32, #tpu.memory_space<vmem>>, vector<1x512x128xi32>
      %swap3A_10 = vector.shape_cast %swap3A_9 : vector<1x512x128xi32> to vector<512x128xi32>
      %swap3A_11 = vector.shape_cast %broadcast_in_dim3A_6 : vector<512x128xi32> to vector<1x512x128xi32>
      tpu.vector_store %arg3[%swap3A, %swap3A_7, %swap3A_8], %swap3A_11 {strides = array<i32>} : memref<1x512x128xi32, #tpu.memory_space<vmem>>, vector<1x512x128xi32>,
    } else {
    }
    return
  }
  func.func @transform_0(%arg0: i32) -> (i32, i32, i32) {
    %min3A = arith.constant 7 : i32
    %min3A_0 = arith.minsi %arg0, %min3A : i32
    %c0_i32 = arith.constant 0 : i32
    %c0_i32_1 = arith.constant 0 : i32
    %c0_i32_2 = arith.constant 0 : i32
    return %min3A_0, %c0_i32, %c0_i32_1 : i32, i32, i32
  }
  func.func @transform_1(%arg0: i32) -> (i32, i32) {
    %c0_i32 = arith.constant 0 : i32
    %c0_i32_0 = arith.constant 0 : i32
    %c0_i32_1 = arith.constant 0 : i32
    return %c0_i32, %c0_i32_0 : i32, i32
  }
  func.func @transform_2(%arg0: i32) -> (i32, i32, i32) {
    %c0_i32 = arith.constant 0 : i32
    %c0_i32_0 = arith.constant 0 : i32
    %c0_i32_1 = arith.constant 0 : i32
    return %arg0, %c0_i32, %c0_i32_0 : i32, i32, i32
  }
}

module attributes {stable_mosaic.version = 14 : i64} {
  func.func @_comb_kernel(%arg0: i32, %arg1: i32, %arg2: memref<1x1x8192x128xi32, #tpu.memory_space<vmem>>, %arg3: memref<1x256x32x64xf32, #tpu.memory_space<vmem>>, %arg4: memref<64x256xbf16, #tpu.memory_space<vmem>>, %arg5: memref<1x256xf32, #tpu.memory_space<vmem>>, %arg6: memref<256x256xbf16, #tpu.memory_space<vmem>>, %arg7: memref<1x256xf32, #tpu.memory_space<vmem>>, %arg8: memref<256x256xbf16, #tpu.memory_space<vmem>>, %arg9: memref<1x256xf32, #tpu.memory_space<vmem>>, %arg10: memref<256x256xbf16, #tpu.memory_space<vmem>>, %arg11: memref<1x256xf32, #tpu.memory_space<vmem>>, %arg12: memref<1x256x256xf32, #tpu.memory_space<vmem>>) attributes {dimension_semantics = [#tpu.dimension_semantics<parallel>, #tpu.dimension_semantics<parallel>], iteration_bounds = array<i64: 8, 2>, scalar_prefetch = 0 : i64, scratch_operands = 0 : i64, tpu.core_type = #tpu.core_type<tc>, window_params = [{transform_indices = @transform_0, window_bounds = array<i64: 1, 1, 8192, 128>}, {transform_indices = @transform_1, window_bounds = array<i64: 1, 256, 32, 64>}, {pipeline_mode = #tpu.pipeline_mode<synchronous>, transform_indices = @transform_2, window_bounds = array<i64: 64, 256>}, {pipeline_mode = #tpu.pipeline_mode<synchronous>, transform_indices = @transform_3, window_bounds = array<i64: 1, 256>}, {pipeline_mode = #tpu.pipeline_mode<synchronous>, transform_indices = @transform_4, window_bounds = array<i64: 256, 256>}, {pipeline_mode = #tpu.pipeline_mode<synchronous>, transform_indices = @transform_5, window_bounds = array<i64: 1, 256>}, {pipeline_mode = #tpu.pipeline_mode<synchronous>, transform_indices = @transform_6, window_bounds = array<i64: 256, 256>}, {pipeline_mode = #tpu.pipeline_mode<synchronous>, transform_indices = @transform_7, window_bounds = array<i64: 1, 256>}, {pipeline_mode = #tpu.pipeline_mode<synchronous>, transform_indices = @transform_8, window_bounds = array<i64: 256, 256>}, {pipeline_mode = #tpu.pipeline_mode<synchronous>, transform_indices = @transform_9, window_bounds = array<i64: 1, 256>}, {transform_indices = @transform_10, window_bounds = array<i64: 1, 256, 256>}]} {
    %get3A = arith.constant 0 : index
    %get3A_0 = arith.constant 0 : index
    %get3A_1 = arith.constant 0 : index
    %get3A_2 = arith.constant 0 : index
    %get3A_3 = vector.load %arg3[%get3A, %get3A_0, %get3A_1, %get3A_2] : memref<1x256x32x64xf32, #tpu.memory_space<vmem>>, vector<1x256x32x64xf32>
    %get3A_4 = vector.shape_cast %get3A_3 : vector<1x256x32x64xf32> to vector<256x32x64xf32>
    %reshape3A = vector.shape_cast %get3A_4 : vector<256x32x64xf32> to vector<8192x64xf32>
    %convert_element_type3A = arith.truncf %reshape3A : vector<8192x64xf32> to vector<8192x64xbf16>
    %get3A_5 = arith.constant 0 : index
    %get3A_6 = arith.constant 0 : index
    %get3A_7 = vector.load %arg4[%get3A_5, %get3A_6] : memref<64x256xbf16, #tpu.memory_space<vmem>>, vector<64x256xbf16>
    %dot_general3A = arith.constant dense<0.000000e+00> : vector<8192x256xf32>
    %dot_general3A_8 = tpu.matmul %convert_element_type3A, %get3A_7, %dot_general3A {dimension_numbers = #tpu.dot_dimension_numbers<[1], [0], [0], [1], [0, 0, 1, 1], [], []>, transpose_lhs_hint = false} : vector<8192x64xbf16>, vector<64x256xbf16>, vector<8192x256xf32> -> vector<8192x256xf32>
    %get3A_9 = arith.constant 0 : index
    %get3A_10 = arith.constant 0 : index
    %get3A_11 = vector.load %arg5[%get3A_9, %get3A_10] : memref<1x256xf32, #tpu.memory_space<vmem>>, vector<1x256xf32>
    %add3A = vector.broadcast %get3A_11 : vector<1x256xf32> to vector<8192x256xf32>
    %add3A_12 = arith.addf %dot_general3A_8, %add3A : vector<8192x256xf32>
    %abs3A = math.absf %add3A_12 : vector<8192x256xf32>
    %neg3A = arith.constant 0.000000e+00 : f32
    %neg3A_13 = vector.broadcast %neg3A : f32 to vector<8192x256xf32>
    %neg3A_14 = arith.subf %neg3A_13, %abs3A : vector<8192x256xf32>
    %exp23A = math.exp2 %neg3A_14 : vector<8192x256xf32>
    %add3A_15 = arith.constant 1.000000e+00 : f32
    %add3A_16 = vector.broadcast %add3A_15 : f32 to vector<8192x256xf32>
    %add3A_17 = arith.addf %add3A_16, %exp23A : vector<8192x256xf32>
    %log3A = math.log %add3A_17 : vector<8192x256xf32>
    %log3A_18 = arith.constant 2.000000e+00 : f32
    %log3A_19 = math.log %log3A_18 : f32
    %div3A = vector.broadcast %log3A_19 : f32 to vector<8192x256xf32>
    %div3A_20 = arith.divf %log3A, %div3A : vector<8192x256xf32>
    %sub3A = arith.constant 1.000000e+00 : f32
    %sub3A_21 = vector.broadcast %sub3A : f32 to vector<8192x256xf32>
    %sub3A_22 = arith.subf %div3A_20, %sub3A_21 : vector<8192x256xf32>
    %min3A = arith.constant 0.000000e+00 : f32
    %min3A_23 = vector.broadcast %min3A : f32 to vector<8192x256xf32>
    %min3A_24 = arith.minimumf %add3A_12, %min3A_23 : vector<8192x256xf32>
    %sub3A_25 = arith.subf %sub3A_22, %min3A_24 : vector<8192x256xf32>
    %mul3A = arith.constant 0.693147182 : f32
    %mul3A_26 = vector.broadcast %mul3A : f32 to vector<8192x256xf32>
    %mul3A_27 = arith.mulf %sub3A_25, %mul3A_26 : vector<8192x256xf32>
    %convert_element_type3A_28 = arith.truncf %mul3A_27 : vector<8192x256xf32> to vector<8192x256xbf16>
    %get3A_29 = arith.constant 0 : index
    %get3A_30 = arith.constant 0 : index
    %get3A_31 = vector.load %arg6[%get3A_29, %get3A_30] : memref<256x256xbf16, #tpu.memory_space<vmem>>, vector<256x256xbf16>
    %dot_general3A_32 = arith.constant dense<0.000000e+00> : vector<8192x256xf32>
    %dot_general3A_33 = tpu.matmul %convert_element_type3A_28, %get3A_31, %dot_general3A_32 {dimension_numbers = #tpu.dot_dimension_numbers<[1], [0], [0], [1], [0, 0, 1, 1], [], []>, transpose_lhs_hint = false} : vector<8192x256xbf16>, vector<256x256xbf16>, vector<8192x256xf32> -> vector<8192x256xf32>
    %get3A_34 = arith.constant 0 : index
    %get3A_35 = arith.constant 0 : index
    %get3A_36 = vector.load %arg7[%get3A_34, %get3A_35] : memref<1x256xf32, #tpu.memory_space<vmem>>, vector<1x256xf32>
    %add3A_37 = vector.broadcast %get3A_36 : vector<1x256xf32> to vector<8192x256xf32>
    %add3A_38 = arith.addf %dot_general3A_33, %add3A_37 : vector<8192x256xf32>
    %get3A_39 = arith.constant 0 : index
    %get3A_40 = arith.constant 0 : index
    %get3A_41 = arith.constant 0 : index
    %get3A_42 = arith.constant 0 : index
    %get3A_43 = vector.load %arg2[%get3A_39, %get3A_40, %get3A_41, %get3A_42] : memref<1x1x8192x128xi32, #tpu.memory_space<vmem>>, vector<1x1x8192x128xi32>
    %get3A_44 = vector.shape_cast %get3A_43 : vector<1x1x8192x128xi32> to vector<8192x128xi32>
    %bitcast_convert_type3A = tpu.bitcast %get3A_44 : vector<8192x128xi32> -> vector<8192x128xi32>
    %shift_left3A = arith.constant 16 : i32
    %shift_left3A_45 = vector.broadcast %shift_left3A : i32 to vector<8192x128xi32>
    %shift_left3A_46 = arith.shli %bitcast_convert_type3A, %shift_left3A_45 : vector<8192x128xi32>
    %bitcast_convert_type3A_47 = tpu.bitcast %shift_left3A_46 : vector<8192x128xi32> -> vector<8192x128xf32>
    %and3A = arith.constant -65536 : i32
    %and3A_48 = vector.broadcast %and3A : i32 to vector<8192x128xi32>
    %and3A_49 = arith.andi %bitcast_convert_type3A, %and3A_48 : vector<8192x128xi32>
    %bitcast_convert_type3A_50 = tpu.bitcast %and3A_49 : vector<8192x128xi32> -> vector<8192x128xf32>
    %slice3A = vector.extract_strided_slice %add3A_38 {offsets = [0, 0], sizes = [8192, 128], strides = [1, 1]} : vector<8192x256xf32> to vector<8192x128xf32>
    %mul3A_51 = arith.mulf %bitcast_convert_type3A_47, %slice3A : vector<8192x128xf32>
    %reshape3A_52 = vector.shape_cast %mul3A_51 : vector<8192x128xf32> to vector<256x32x128xf32>
    %reduce_sum3A = arith.constant dense<0.000000e+00> : vector<256x128xf32>
    %reduce_sum3A_53 = vector.multi_reduction <add>, %reshape3A_52, %reduce_sum3A [1] : vector<256x32x128xf32> to vector<256x128xf32>
    %slice3A_54 = vector.extract_strided_slice %add3A_38 {offsets = [0, 128], sizes = [8192, 128], strides = [1, 1]} : vector<8192x256xf32> to vector<8192x128xf32>
    %mul3A_55 = arith.mulf %bitcast_convert_type3A_50, %slice3A_54 : vector<8192x128xf32>
    %reshape3A_56 = vector.shape_cast %mul3A_55 : vector<8192x128xf32> to vector<256x32x128xf32>
    %reduce_sum3A_57 = arith.constant dense<0.000000e+00> : vector<256x128xf32>
    %reduce_sum3A_58 = vector.multi_reduction <add>, %reshape3A_56, %reduce_sum3A_57 [1] : vector<256x32x128xf32> to vector<256x128xf32>
    %concatenate3A = tpu.concatenate %reduce_sum3A_53, %reduce_sum3A_58 in 1 : vector<256x128xf32>, vector<256x128xf32> -> vector<256x256xf32>
    %convert_element_type3A_59 = arith.truncf %concatenate3A : vector<256x256xf32> to vector<256x256xbf16>
    %get3A_60 = arith.constant 0 : index
    %get3A_61 = arith.constant 0 : index
    %get3A_62 = vector.load %arg8[%get3A_60, %get3A_61] : memref<256x256xbf16, #tpu.memory_space<vmem>>, vector<256x256xbf16>
    %dot_general3A_63 = arith.constant dense<0.000000e+00> : vector<256x256xf32>
    %dot_general3A_64 = tpu.matmul %convert_element_type3A_59, %get3A_62, %dot_general3A_63 {dimension_numbers = #tpu.dot_dimension_numbers<[1], [0], [0], [1], [0, 0, 1, 1], [], []>, transpose_lhs_hint = false} : vector<256x256xbf16>, vector<256x256xbf16>, vector<256x256xf32> -> vector<256x256xf32>
    %get3A_65 = arith.constant 0 : index
    %get3A_66 = arith.constant 0 : index
    %get3A_67 = vector.load %arg9[%get3A_65, %get3A_66] : memref<1x256xf32, #tpu.memory_space<vmem>>, vector<1x256xf32>
    %add3A_68 = vector.broadcast %get3A_67 : vector<1x256xf32> to vector<256x256xf32>
    %add3A_69 = arith.addf %dot_general3A_64, %add3A_68 : vector<256x256xf32>
    %abs3A_70 = math.absf %add3A_69 : vector<256x256xf32>
    %neg3A_71 = arith.constant 0.000000e+00 : f32
    %neg3A_72 = vector.broadcast %neg3A_71 : f32 to vector<256x256xf32>
    %neg3A_73 = arith.subf %neg3A_72, %abs3A_70 : vector<256x256xf32>
    %exp23A_74 = math.exp2 %neg3A_73 : vector<256x256xf32>
    %add3A_75 = arith.constant 1.000000e+00 : f32
    %add3A_76 = vector.broadcast %add3A_75 : f32 to vector<256x256xf32>
    %add3A_77 = arith.addf %add3A_76, %exp23A_74 : vector<256x256xf32>
    %log3A_78 = math.log %add3A_77 : vector<256x256xf32>
    %log3A_79 = arith.constant 2.000000e+00 : f32
    %log3A_80 = math.log %log3A_79 : f32
    %div3A_81 = vector.broadcast %log3A_80 : f32 to vector<256x256xf32>
    %div3A_82 = arith.divf %log3A_78, %div3A_81 : vector<256x256xf32>
    %sub3A_83 = arith.constant 1.000000e+00 : f32
    %sub3A_84 = vector.broadcast %sub3A_83 : f32 to vector<256x256xf32>
    %sub3A_85 = arith.subf %div3A_82, %sub3A_84 : vector<256x256xf32>
    %min3A_86 = arith.constant 0.000000e+00 : f32
    %min3A_87 = vector.broadcast %min3A_86 : f32 to vector<256x256xf32>
    %min3A_88 = arith.minimumf %add3A_69, %min3A_87 : vector<256x256xf32>
    %sub3A_89 = arith.subf %sub3A_85, %min3A_88 : vector<256x256xf32>
    %mul3A_90 = arith.constant 0.693147182 : f32
    %mul3A_91 = vector.broadcast %mul3A_90 : f32 to vector<256x256xf32>
    %mul3A_92 = arith.mulf %sub3A_89, %mul3A_91 : vector<256x256xf32>
    %convert_element_type3A_93 = arith.truncf %mul3A_92 : vector<256x256xf32> to vector<256x256xbf16>
    %get3A_94 = arith.constant 0 : index
    %get3A_95 = arith.constant 0 : index
    %get3A_96 = vector.load %arg10[%get3A_94, %get3A_95] : memref<256x256xbf16, #tpu.memory_space<vmem>>, vector<256x256xbf16>
    %dot_general3A_97 = arith.constant dense<0.000000e+00> : vector<256x256xf32>
    %dot_general3A_98 = tpu.matmul %convert_element_type3A_93, %get3A_96, %dot_general3A_97 {dimension_numbers = #tpu.dot_dimension_numbers<[1], [0], [0], [1], [0, 0, 1, 1], [], []>, transpose_lhs_hint = false} : vector<256x256xbf16>, vector<256x256xbf16>, vector<256x256xf32> -> vector<256x256xf32>
    %get3A_99 = arith.constant 0 : index
    %get3A_100 = arith.constant 0 : index
    %get3A_101 = vector.load %arg11[%get3A_99, %get3A_100] : memref<1x256xf32, #tpu.memory_space<vmem>>, vector<1x256xf32>
    %add3A_102 = vector.broadcast %get3A_101 : vector<1x256xf32> to vector<256x256xf32>
    %add3A_103 = arith.addf %dot_general3A_98, %add3A_102 : vector<256x256xf32>
    %swap3A = arith.constant 0 : index
    %swap3A_104 = arith.constant 0 : index
    %swap3A_105 = arith.constant 0 : index
    %swap3A_106 = vector.load %arg12[%swap3A, %swap3A_104, %swap3A_105] : memref<1x256x256xf32, #tpu.memory_space<vmem>>, vector<1x256x256xf32>
    %swap3A_107 = vector.shape_cast %swap3A_106 : vector<1x256x256xf32> to vector<256x256xf32>
    %swap3A_108 = vector.shape_cast %add3A_103 : vector<256x256xf32> to vector<1x256x256xf32>
    tpu.vector_store %arg12[%swap3A, %swap3A_104, %swap3A_105], %swap3A_108 {strides = array<i32>} : memref<1x256x256xf32, #tpu.memory_space<vmem>>, vector<1x256x256xf32>,
    return
  }
  func.func @transform_0(%arg0: i32, %arg1: i32) -> (i32, i32, i32, i32) {
    %c0_i32 = arith.constant 0 : i32
    %c0_i32_0 = arith.constant 0 : i32
    %c0_i32_1 = arith.constant 0 : i32
    return %arg0, %arg1, %c0_i32, %c0_i32_0 : i32, i32, i32, i32
  }
  func.func @transform_1(%arg0: i32, %arg1: i32) -> (i32, i32, i32, i32) {
    %c0_i32 = arith.constant 0 : i32
    %c0_i32_0 = arith.constant 0 : i32
    %c0_i32_1 = arith.constant 0 : i32
    return %arg0, %arg1, %c0_i32, %c0_i32_0 : i32, i32, i32, i32
  }
  func.func @transform_2(%arg0: i32, %arg1: i32) -> (i32, i32) {
    %c0_i32 = arith.constant 0 : i32
    %c0_i32_0 = arith.constant 0 : i32
    %c0_i32_1 = arith.constant 0 : i32
    return %c0_i32, %c0_i32_0 : i32, i32
  }
  func.func @transform_3(%arg0: i32, %arg1: i32) -> (i32, i32) {
    %c0_i32 = arith.constant 0 : i32
    %c0_i32_0 = arith.constant 0 : i32
    %c0_i32_1 = arith.constant 0 : i32
    return %c0_i32, %c0_i32_0 : i32, i32
  }
  func.func @transform_4(%arg0: i32, %arg1: i32) -> (i32, i32) {
    %c0_i32 = arith.constant 0 : i32
    %c0_i32_0 = arith.constant 0 : i32
    %c0_i32_1 = arith.constant 0 : i32
    return %c0_i32, %c0_i32_0 : i32, i32
  }
  func.func @transform_5(%arg0: i32, %arg1: i32) -> (i32, i32) {
    %c0_i32 = arith.constant 0 : i32
    %c0_i32_0 = arith.constant 0 : i32
    %c0_i32_1 = arith.constant 0 : i32
    return %c0_i32, %c0_i32_0 : i32, i32
  }
  func.func @transform_6(%arg0: i32, %arg1: i32) -> (i32, i32) {
    %c0_i32 = arith.constant 0 : i32
    %c0_i32_0 = arith.constant 0 : i32
    %c0_i32_1 = arith.constant 0 : i32
    return %c0_i32, %c0_i32_0 : i32, i32
  }
  func.func @transform_7(%arg0: i32, %arg1: i32) -> (i32, i32) {
    %c0_i32 = arith.constant 0 : i32
    %c0_i32_0 = arith.constant 0 : i32
    %c0_i32_1 = arith.constant 0 : i32
    return %c0_i32, %c0_i32_0 : i32, i32
  }
  func.func @transform_8(%arg0: i32, %arg1: i32) -> (i32, i32) {
    %c0_i32 = arith.constant 0 : i32
    %c0_i32_0 = arith.constant 0 : i32
    %c0_i32_1 = arith.constant 0 : i32
    return %c0_i32, %c0_i32_0 : i32, i32
  }
  func.func @transform_9(%arg0: i32, %arg1: i32) -> (i32, i32) {
    %c0_i32 = arith.constant 0 : i32
    %c0_i32_0 = arith.constant 0 : i32
    %c0_i32_1 = arith.constant 0 : i32
    return %c0_i32, %c0_i32_0 : i32, i32
  }
  func.func @transform_10(%arg0: i32, %arg1: i32) -> (i32, i32, i32) {
    %c0_i32 = arith.constant 0 : i32
    %c0_i32_0 = arith.constant 0 : i32
    return %arg0, %arg1, %c0_i32 : i32, i32, i32
  }
}

</mosaic_0001>

<sc_bundles>
// kernel: kernel.5.cloned.1.call-start
scs
__scs_entry_jumppad:
0x0: {  	(pc) =	sbr.rel $0x88, $3  }
0x1: {  	(tag) =	ssettag $0x0;
	lr =	simm.s32 $0x1  }
0x2: {  	[smem:$0x3F94] =	sst lr;
	_ =	strace $0xD0000000  }
0x3: {  	_ = 	snop  }
0x4: {  	_ = 	snop  }
0x5: {  	_ = 	snop  }
0x6: {  	_ = 	snop  }
0x7: {  	_ = 	snop  }
__scs_overlays_trampoline_lowered:
0x8: {  	[smem:$0x3FA3] =	sst s0  }
0x9: {  	[smem:$0x3FA4] =	sst s1  }
0xa: {  	[smem:$0x3FA5] =	sst s2  }
0xb: {  	[smem:$0x3FA6] =	sst s3  }
0xc: {  	[smem:$0x3FA7] =	sst s4  }
0xd: {  	[smem:$0x3FA8] =	sst s5  }
0xe: {  	[smem:$0x3FA9] =	sst s6  }
0xf: {  	[smem:$0x3FAA] =	sst s7  }
0x10: {  	[smem:$0x3FAB] =	sst s8  }
0x11: {  	[smem:$0x3FAC] =	sst s9;
	s0 =	simm.s32 @!p0 $0x0  }
0x12: {  	s1 =	sld [smem:$0x3F92];
	s0 =	simm.s32 @p0 $0x1  }
0x13: {  	[smem:$0x3FAD] =	sst s0;
	s0 =	simm.s32 @!p1 $0x0  }
0x14: {  	s2 =	sld [smem:$0x3F91];
	s0 =	simm.s32 @p1 $0x1  }
0x15: {  	[smem:$0x3FAE] =	sst s0;
	s0 =	simm.s32 @!p2 $0x0  }
0x16: {  	s3 =	sld [smem:$0x3FDB];
	s0 =	simm.s32 @p2 $0x1  }
0x17: {  	s4 =	simm.s32 $0x1BF5;
	[smem:$0x3FB0] =	sst s0  }
0x18: {  	s0 =	sld [smem:$0x3F93];
	_ =	swait.ge [sflag:s4], $0x0  }
0x19: {  	s7 =	sld [smem:$0x3F94]  }
0x1a: {  	s8 =	sadd.s32 $0xFFFFE003, lr  }
0x1b: {  	s9 =	sadd.s32 $0xFFFFFEF7, lr;
	s5 =	simm.s32 $0xFFFFFFFF;
	p2 =	slt.u32 s8, $0xFFFFF086  }
0x1c: {  	p1 =	slt.u32 s9, $0xF7A;
	s5 =	simm.s32 @!p2 $0x0  }
0x1d: {  	s5 =	simm.s32 @p1 $0x1;
	p0 =	seq.s32 s7, s2  }
0x1e: {  	s7 =	smul.u32 @!p0 $0xF7A, s2;
	p2 =	seq.s32 @!p0 s5, $0x0  }
0x1f: {  	s9 =	smul.u32 $0xF7A, s1;
	s8 =	simm.s32 @!p0 $0x1BF5;
	p2 =	por !p2, p0  }
0x20: {  	[sflag:s8] =	ssyncset.s32 @!p0 $0xFFFFF086;
	s6 =	sadd.s32 @!p0 s3, s7;
	s7 =	simm.s32 @!p0 $0x108  }
0x21: {  	s3 =	sadd.s32 s3, s9;
	s6 =	sadd.s32 @!p0 $0x88, s6;
	s7 =	simm.s32 @p2 $0x1082  }
0x22: {  	[simem:s7], [sflag:s8] =	dma.local @!p0 [hbm:s6], $0xF7A  }
0x23: {  	s9 =	sor.u32 $0xD0000000, s2;
	s6 =	simm.s32 $0x108;
	_ =	swait.ge @!p0 [sflag:s8], $0x0  }
0x24: {  	s3 =	sadd.s32 $0x88, s3;
	s6 =	simm.s32 @!p1 $0x1082;
	[sflag:s4] =	ssyncset.s32 $0xFFFFF086  }
0x25: {  	[simem:s6], [sflag:s4] =	dma.local [hbm:s3], $0xF7A  }
0x26: {  	[smem:$0x3F94] =	sst s1;
	(tag) =	ssettag s2;
	_ =	strace s9  }
0x27: {  	s1 =	sld [smem:$0x3FA4]  }
0x28: {  	s2 =	sld [smem:$0x3FA5]  }
0x29: {  	s4 =	sld [smem:$0x3FA7]  }
0x2a: {  	p0 =	seq.s32 s5, $0x0;
	s5 =	sld [smem:$0x3FA8]  }
0x2b: {  	s6 =	sld [smem:$0x3FA9]  }
0x2c: {  	s7 =	sld [smem:$0x3FAA]  }
0x2d: {  	s3 =	simm.s32 $0x108;
	s8 =	sld [smem:$0x3FAB]  }
0x2e: {  	s3 =	simm.s32 @!p0 $0x1082;
	s9 =	sld [smem:$0x3FAC]  }
0x2f: {  	lr =	sadd.s32 s0, s3;
	s0 =	sld [smem:$0x3FA3]  }
0x30: {  	s3 =	sld [smem:$0x3FA6]  }
0x31: {  	[smem:$0x3FAF] =	sst s10  }
0x32: {  	s10 =	sld [smem:$0x3FAD];
	_ =	sdelay $0x3  }
0x33: {  	p0 =	seq.s32 s10, $0x1;
	s10 =	sld [smem:$0x3FAF];
	_ =	sdelay $0x3  }
0x34: {  	[smem:$0x3FAF] =	sst s10  }
0x35: {  	s10 =	sld [smem:$0x3FAE];
	_ =	sdelay $0x3  }
0x36: {  	p1 =	seq.s32 s10, $0x1;
	s10 =	sld [smem:$0x3FAF];
	_ =	sdelay $0x3  }
0x37: {  	[smem:$0x3FAF] =	sst s10  }
0x38: {  	s10 =	sld [smem:$0x3FB0]  }
0x39: {  	_ = 	snop;
	(pc) =	sbr.ind lr, $3  }
0x3a: {  	_ = 	snop  }
0x3b: {  	_ = 	snop  }
0x3c: {  	p2 =	seq.s32 s10, $0x1;
	s10 =	sld [smem:$0x3FAF]  }
0x3d: {  	_ =	shalt  }
0x3e: {  	_ =	shalt  }
0x3f: {  	_ =	shalt  }
0x40: {  	_ =	shalt  }
0x41: {  	_ =	shalt  }
0x42: {  	_ =	shalt  }
0x43: {  	_ =	shalt  }
0x44: {  	_ =	shalt  }
0x45: {  	_ =	shalt  }
0x46: {  	_ =	shalt  }
0x47: {  	_ =	shalt  }
0x48: {  	_ =	shalt  }
0x49: {  	_ =	shalt  }
0x4a: {  	_ =	shalt  }
0x4b: {  	_ =	shalt  }
0x4c: {  	_ =	shalt  }
0x4d: {  	_ =	shalt  }
0x4e: {  	_ =	shalt  }
0x4f: {  	_ =	shalt  }
0x50: {  	_ =	shalt  }
0x51: {  	_ =	shalt  }
0x52: {  	_ =	shalt  }
0x53: {  	_ =	shalt  }
0x54: {  	_ =	shalt  }
0x55: {  	_ =	shalt  }
0x56: {  	_ =	shalt  }
0x57: {  	_ =	shalt  }
0x58: {  	_ =	shalt  }
0x59: {  	_ =	shalt  }
0x5a: {  	_ =	shalt  }
0x5b: {  	_ =	shalt  }
0x5c: {  	_ =	shalt  }
0x5d: {  	_ =	shalt  }
0x5e: {  	_ =	shalt  }
0x5f: {  	_ =	shalt  }
0x60: {  	_ =	shalt  }
0x61: {  	_ =	shalt  }
0x62: {  	_ =	shalt  }
0x63: {  	_ =	shalt  }
0x64: {  	_ =	shalt  }
0x65: {  	_ =	shalt  }
0x66: {  	_ =	shalt  }
0x67: {  	_ =	shalt  }
0x68: {  	_ =	shalt  }
0x69: {  	_ =	shalt  }
0x6a: {  	_ =	shalt  }
0x6b: {  	_ =	shalt  }
0x6c: {  	_ =	shalt  }
0x6d: {  	_ =	shalt  }
0x6e: {  	_ =	shalt  }
0x6f: {  	_ =	shalt  }
0x70: {  	_ =	shalt  }
0x71: {  	_ =	shalt  }
0x72: {  	_ =	shalt  }
0x73: {  	_ =	shalt  }
0x74: {  	_ =	shalt  }
0x75: {  	_ =	shalt  }
0x76: {  	_ =	shalt  }
0x77: {  	_ =	shalt  }
0x78: {  	_ =	shalt  }
0x79: {  	_ =	shalt  }
0x7a: {  	_ =	shalt  }
0x7b: {  	_ =	shalt  }
0x7c: {  	_ =	shalt  }
0x7d: {  	_ =	shalt  }
0x7e: {  	_ =	shalt  }
0x7f: {  	_ =	shalt  }
0x80: {  	_ =	shalt  }
0x81: {  	_ =	shalt  }
0x82: {  	_ =	shalt  }
0x83: {  	_ =	shalt  }
0x84: {  	_ =	shalt  }
0x85: {  	_ =	shalt  }
0x86: {  	_ =	shalt  }
0x87: {  	_ =	shalt  }
.Lfunc_end0:
.L_simem_size_0:
called_computation_lowered:
.L_overlay_start_0:
0x88: {  	s2 =	sld [smem:$0x3FD9]  }
0x89: {  	s3 =	sld [smem:$0x3FFE];
	_ =	sdelay $0x1  }
0x8a: {  	s1 =	srdreg.scid  }
0x8b: {  	s0 =	sand.u32 $0x1, s1  }
0x8c: {  	s17 =	sshll.u32 s0, $0xA;
	s2 =	sadd.s32 s3, s2  }
0x8d: {  	s2 =	sadd.s32 s2, s17  }
0x8e: {  	[smem:$0x3FBB] =	sst s2  }
0x8f: {  	_ = 	snop  }
0x90: {  	s2 =	sld [smem:$0x3FD0];
	(tm) =	ssettm $0x1  }
0x91: {  	s18 =	sld [smem:$0x3FFB];
	_ =	sdelay $0x3  }
0x92: {  	_ =	strace s18  }
0x93: {  	s3 =	sld [smem:$0x3FFC];
	_ =	sdelay $0x3  }
0x94: {  	_ =	strace s3  }
0x95: {  	s3 =	sld [smem:$0x3FFD];
	_ =	sdelay $0x3  }
0x96: {  	_ =	strace s3  }
0x97: {  	_ =	strace $0x8FFFFFFF  }
0x98: {  	s19 =	sld [smem:$0x3FDB];
	_ =	sdelay $0x1  }
0x99: {  	s4 =	simm.s32 $_scs_section_size  }
0x9a: {  	s5 =	simm.s32 $_size__tile_overlayer_lowered;
	s6 =	simm.s32 $_tile_overlayer_lowered  }
0x9b: {  	s22 =	simm.s32 $0x1BFF;
	s21 =	sshll.u32 s6, $0x1;
	s3 =	sadd.s32 s4, s19  }
0x9c: {  	s7 =	simm.s32 $0x0;
	s20 =	sshll.u32 s5, $0x1;
	s5 =	sadd.s32 s21, s3  }
0x9d: {  	[timem:s7], [sflag:s22] =	dma.local [hbm:s5], s20  }
0x9e: {  	_ =	swait.ge [sflag:s22], s20  }
0x9f: {  	s4 =	ssub.s32 $0x0, s20;
	[sflag:s22] =	ssyncset.done $0x0  }
0xa0: {  	[sflag:s22] =	ssyncadd.s32 s4;
	_ =	sdelay $0x1  }
0xa1: {  	s23 =	simm.s32 $0x1B8B  }
0xa2: {  	_ =	swait.ge [sflag:s23], $0x1  }
0xa3: {  	[sflag:s23] =	ssyncset.done $0x0  }
0xa4: {  	s25 =	simm.s32 $0x1B8E;
	s24 =	sld [smem:$0x3FFE];
	[sflag:s23] =	ssyncadd.s32 $0xFFFFFFFF  }
0xa5: {  	s26 =	simm.s32 $execute0_lowered;
	[smem:$0x3FD2] =	sst s25  }
0xa6: {  	s5 =	sshll.u32 s26, $0x1;
	_ =	strace $0x80000046;
	[dreg:$0x1] =	wrdreg $0xFFFFFFFF  }
0xa7: {  	s28 =	simm.s32 $_size_execute0_lowered;
	s3 =	sadd.s32 s3, s5;
	[dreg:$0x0] =	wrdreg $0x0  }
0xa8: {  	s5 =	sshll.u32 s28, $0x1;
	[dreg:$0x2] =	wrdreg s3  }
0xa9: {  	[dreg:$0x3] =	wrdreg s5  }
0xaa: {  	[dreg:$0x4] =	wrdreg $0xC0  }
0xab: {  	_ =	task [dreg:s7], $0x5FFFF  }
0xac: {  	[dreg:$0x1] =	wrdreg $0xFFFFFFFF  }
0xad: {  	[dreg:$0x0] =	wrdreg $0x60  }
0xae: {  	[dreg:$0x2] =	wrdreg s2  }
0xaf: {  	[dreg:$0x3] =	wrdreg s24  }
0xb0: {  	[dreg:$0x4] =	wrdreg $0x9  }
0xb1: {  	_ =	task.clear_ibuf [dreg:s7], $0x5FFFF;
	_ =	strace $0x90000046  }
0xb2: {  	s29 =	simm.s32 $0x9;
	_ =	strace $0x80000048  }
0xb3: {  	_ =	swait.ge [sflag:s29], $0x1  }
0xb4: {  	[sflag:s29] =	ssyncadd.s32 $0xFFFFFFFF  }
0xb5: {  	_ =	strace $0x90000048  }
0xb6: {  	_ =	sfence  }
0xb7: {  	s30 =	sld [smem:$0x0];
	_ =	sdelay $0x2  }
0xb8: {  	s31 =	sshll.u32 s1, $0xD;
	s1 =	sshrl.u32 s1, $0x2  }
0xb9: {  	s3 =	sand.u32 $0x4000, s31;
	s1 =	sadd.s32 s1, s30  }
0xba: {  	s0 =	sor.u32 s3, s0;
	s1 =	sshll.u32 s1, $0x11  }
0xbb: {  	s0 =	sor.u32 s1, s0  }
0xbc: {  	s0 =	sadd.s32 $0x8F2B, s0  }
0xbd: {  	[sflag:s0] =	ssyncadd.remote.s32 $0x1  }
0xbe: {  	_ =	sfence.sel $0xFFFF  }
0xbf: {  	[dreg:$0x0] =	wrdreg $0xFFFFFFFF;
	(pc) =	sbr.abs _section_cstart, $3  }
0xc0: {  	[dreg:$0x1] =	wrdreg $0xFFFFFFFF  }
0xc1: {  	_ =	task.clear_ibuf [dreg:s7], $0x2FFFF;
	_ =	strace $0x9FFFFFFF  }
0xc2: {  	(tm) =	ssettm $0x7FFFFFFF  }
0xc3: {  	_ =	shalt  }
tec
execute0_lowered:
.L_overlay_start_1:
0x0: {  	(tag) =	ssettag $0x1  }
0x1: {  	s0 =	srdreg.scid  }
0x2: {  	s2 =	stileid.u32;
	s1 =	sand.u32 $0x1, s0  }
0x3: {  	s7 =	sshll.u32 s2, $0xD;
	s8 =	sshll.u32 s1, $0xC  }
0x4: {  	s3 =	rddreg [dreg:$0x0];
	s0 =	sor.u32 s8, s7  }
0x5: {  	s4 =	rddreg [dreg:$0x1];
	s5 =	sshrl.u32 s0, $0x3  }
0x6: {  	s2 =	simm.s32 $0x0;
	s0 =	sshll.u32 s0, $0x4;
	s5 =	sadd.s32 s5, s4  }
0x7: {  	[smem:$0x7FF] =	sst s2;
	s4 =	sadd.s32 s0, s4;
	s9 =	sadd.s32 $0x1800, s5  }
0x8: {  	_ =	strace $0x80000047;
	s10 =	sadd.s32 $0x5800, s4;
	[dreg:$0x3] =	wrdreg s9  }
0x9: {  	s11 =	sadd.s32 $0x5C00, s4;
	[dreg:$0x4] =	wrdreg s10  }
0xa: {  	s12 =	sadd.s32 $0x6000, s4;
	[dreg:$0x5] =	wrdreg s11  }
0xb: {  	s13 =	sadd.s32 $0x6400, s4;
	[dreg:$0x6] =	wrdreg s12  }
0xc: {  	s14 =	sadd.s32 $0x6800, s4;
	[dreg:$0x7] =	wrdreg s13  }
0xd: {  	s15 =	sadd.s32 $0x6C00, s4;
	[dreg:$0x8] =	wrdreg s14  }
0xe: {  	s16 =	sadd.s32 $0x7000, s4;
	[dreg:$0x9] =	wrdreg s15  }
0xf: {  	s17 =	sadd.s32 $0x7400, s4;
	[dreg:$0xa] =	wrdreg s16  }
0x10: {  	s18 =	sadd.s32 $0x7800, s4;
	[dreg:$0xb] =	wrdreg s17  }
0x11: {  	s19 =	sadd.s32 $0x7C00, s4;
	[dreg:$0xc] =	wrdreg s18  }
0x12: {  	s20 =	sadd.s32 $0x8000, s4;
	[dreg:$0xd] =	wrdreg s19  }
0x13: {  	s21 =	sadd.s32 $0x8400, s4;
	[dreg:$0xe] =	wrdreg s20  }
0x14: {  	s22 =	sadd.s32 $0x8800, s4;
	[dreg:$0xf] =	wrdreg s21  }
0x15: {  	s23 =	sadd.s32 $0x8C00, s4;
	[dreg:$0x10] =	wrdreg s22  }
0x16: {  	s24 =	sadd.s32 $0x9000, s4;
	[dreg:$0x11] =	wrdreg s23  }
0x17: {  	s25 =	sadd.s32 $0x9400, s4;
	[dreg:$0x12] =	wrdreg s24  }
0x18: {  	s26 =	sadd.s32 $0x9800, s4;
	[dreg:$0x13] =	wrdreg s25  }
0x19: {  	s5 =	sadd.s32 $0x9C00, s4;
	[dreg:$0x14] =	wrdreg s26  }
0x1a: {  	s6 =	sadd.s32 $0xA000, s4;
	[dreg:$0x15] =	wrdreg s5  }
0x1b: {  	s7 =	sadd.s32 $0xA400, s4;
	[dreg:$0x16] =	wrdreg s6  }
0x1c: {  	s8 =	sadd.s32 $0xA800, s4;
	[dreg:$0x17] =	wrdreg s7  }
0x1d: {  	[dreg:$0x18] =	wrdreg s8;
	s9 =	sadd.s32 $0xAC00, s4  }
0x1e: {  	s10 =	sadd.s32 $0xB000, s4;
	[dreg:$0x19] =	wrdreg s9  }
0x1f: {  	s11 =	sadd.s32 $0xB400, s4;
	[dreg:$0x1a] =	wrdreg s10  }
0x20: {  	s12 =	sadd.s32 $0xB800, s4;
	[dreg:$0x1b] =	wrdreg s11  }
0x21: {  	s13 =	sadd.s32 $0xBC00, s4;
	[dreg:$0x1c] =	wrdreg s12  }
0x22: {  	s14 =	sadd.s32 $0xC000, s4;
	[dreg:$0x1d] =	wrdreg s13  }
0x23: {  	s15 =	sadd.s32 $0xC400, s4;
	[dreg:$0x1e] =	wrdreg s14  }
0x24: {  	s16 =	sadd.s32 $0xC800, s4;
	[dreg:$0x1f] =	wrdreg s15  }
0x25: {  	s17 =	sadd.s32 $0xCC00, s4;
	[smem:$0x7B1] =	sst s16  }
0x26: {  	s18 =	sadd.s32 $0xD000, s4;
	[smem:$0x7B2] =	sst s17  }
0x27: {  	s19 =	sadd.s32 $0xD400, s4;
	[smem:$0x7B3] =	sst s18  }
0x28: {  	s20 =	sadd.s32 $0xD800, s4;
	[smem:$0x7B4] =	sst s19  }
0x29: {  	s21 =	sadd.s32 $0xDC00, s4;
	[smem:$0x7B5] =	sst s20  }
0x2a: {  	s22 =	sadd.s32 $0xE000, s4;
	[smem:$0x7B6] =	sst s21  }
0x2b: {  	s23 =	sadd.s32 $0xE400, s4;
	[smem:$0x7B7] =	sst s22  }
0x2c: {  	s24 =	sadd.s32 $0xE800, s4;
	[smem:$0x7B8] =	sst s23  }
0x2d: {  	s25 =	sadd.s32 $0xEC00, s4;
	[smem:$0x7B9] =	sst s24  }
0x2e: {  	s26 =	sadd.s32 $0xF000, s4;
	[smem:$0x7BA] =	sst s25  }
0x2f: {  	s5 =	sadd.s32 $0xF400, s4;
	[smem:$0x7BB] =	sst s26  }
0x30: {  	s6 =	sadd.s32 $0xF800, s4;
	[smem:$0x7BC] =	sst s5  }
0x31: {  	s7 =	sadd.s32 $0xFC00, s4;
	[smem:$0x7BD] =	sst s6  }
0x32: {  	s8 =	sadd.s32 $0x10000, s4;
	[smem:$0x7BE] =	sst s7  }
0x33: {  	[smem:$0x7BF] =	sst s8  }
0x34: {  	s9 =	sadd.s32 $0x10400, s4;
	s0 =	rddreg [dreg:$0x3]  }
0x35: {  	s10 =	sadd.s32 $0x10800, s4;
	[smem:$0x7C0] =	sst s9  }
0x36: {  	s11 =	sadd.s32 $0x10C00, s4;
	[smem:$0x7C1] =	sst s10  }
0x37: {  	s12 =	sadd.s32 $0x11000, s4;
	[smem:$0x7C2] =	sst s11  }
0x38: {  	s13 =	sadd.s32 $0x11400, s4;
	[smem:$0x7C3] =	sst s12  }
0x39: {  	s14 =	sadd.s32 $0x11800, s4;
	[smem:$0x7C4] =	sst s13  }
0x3a: {  	s15 =	sadd.s32 $0x11C00, s4;
	[smem:$0x7C5] =	sst s14  }
0x3b: {  	s16 =	sadd.s32 $0x12000, s4;
	[smem:$0x7C6] =	sst s15  }
0x3c: {  	s17 =	sadd.s32 $0x12400, s4;
	[smem:$0x7C7] =	sst s16  }
0x3d: {  	s18 =	sadd.s32 $0x12800, s4;
	[smem:$0x7C8] =	sst s17  }
0x3e: {  	s19 =	sadd.s32 $0x12C00, s4;
	[smem:$0x7C9] =	sst s18  }
0x3f: {  	s20 =	sadd.s32 $0x13000, s4;
	[smem:$0x7CA] =	sst s19  }
0x40: {  	s21 =	sadd.s32 $0x13400, s4;
	[smem:$0x7CB] =	sst s20  }
0x41: {  	s22 =	sadd.s32 $0x13800, s4;
	[smem:$0x7CC] =	sst s21  }
0x42: {  	s23 =	sadd.s32 $0x13C00, s4;
	[smem:$0x7CD] =	sst s22  }
0x43: {  	s24 =	sadd.s32 $0x14000, s4;
	[smem:$0x7CE] =	sst s23  }
0x44: {  	s25 =	sadd.s32 $0x14400, s4;
	[smem:$0x7CF] =	sst s24  }
0x45: {  	s26 =	sadd.s32 $0x14800, s4;
	[smem:$0x7D0] =	sst s25  }
0x46: {  	s5 =	sadd.s32 $0x14C00, s4;
	[smem:$0x7D1] =	sst s26  }
0x47: {  	s6 =	sadd.s32 $0x15000, s4;
	[smem:$0x7D2] =	sst s5  }
0x48: {  	s7 =	sadd.s32 $0x15400, s4;
	[smem:$0x7D3] =	sst s6  }
0x49: {  	s8 =	simm.s32 $0x80;
	[smem:$0x7D4] =	sst s7  }
0x4a: {  	s4 =	simm.s32 $0x540;
	[smem:$0x7D5] =	sst s8  }
0x4b: {  	s9 =	simm.s32 $0xC0;
	[smem:$0x7E8] =	sst s4  }
0x4c: {  	s10 =	simm.s32 $0x100;
	[smem:$0x7D6] =	sst s9  }
0x4d: {  	s11 =	simm.s32 $0x140;
	[smem:$0x7D7] =	sst s10  }
0x4e: {  	s12 =	simm.s32 $0x180;
	[smem:$0x7D8] =	sst s11  }
0x4f: {  	s13 =	simm.s32 $0x1C0;
	[smem:$0x7D9] =	sst s12  }
0x50: {  	s14 =	simm.s32 $0x200;
	[smem:$0x7DA] =	sst s13  }
0x51: {  	s15 =	simm.s32 $0x240;
	[smem:$0x7DB] =	sst s14  }
0x52: {  	s16 =	simm.s32 $0x280;
	[smem:$0x7DC] =	sst s15  }
0x53: {  	s17 =	simm.s32 $0x2C0;
	[smem:$0x7DD] =	sst s16  }
0x54: {  	s18 =	simm.s32 $0x300;
	[smem:$0x7DE] =	sst s17  }
0x55: {  	s19 =	simm.s32 $0x340;
	[smem:$0x7DF] =	sst s18  }
0x56: {  	s20 =	simm.s32 $0x380;
	[smem:$0x7E0] =	sst s19  }
0x57: {  	s21 =	simm.s32 $0x3C0;
	[smem:$0x7E1] =	sst s20  }
0x58: {  	s22 =	simm.s32 $0x400;
	[smem:$0x7E2] =	sst s21  }
0x59: {  	s23 =	simm.s32 $0x440;
	[smem:$0x7E3] =	sst s22  }
0x5a: {  	s24 =	simm.s32 $0x480;
	[smem:$0x7E4] =	sst s23  }
0x5b: {  	s25 =	simm.s32 $0x4C0;
	[smem:$0x7E5] =	sst s24  }
0x5c: {  	s26 =	simm.s32 $0x500;
	[smem:$0x7E6] =	sst s25  }
0x5d: {  	s5 =	simm.s32 $0x580;
	[smem:$0x7E7] =	sst s26  }
0x5e: {  	s6 =	simm.s32 $0x5C0;
	[smem:$0x7E9] =	sst s5  }
0x5f: {  	s7 =	simm.s32 $0x600;
	[smem:$0x7EA] =	sst s6  }
0x60: {  	s8 =	simm.s32 $0x640;
	[smem:$0x7EB] =	sst s7  }
0x61: {  	[smem:$0x7EC] =	sst s8;
	s9 =	simm.s32 $0x680  }
0x62: {  	s10 =	simm.s32 $0x6C0;
	[smem:$0x7ED] =	sst s9  }
0x63: {  	s11 =	simm.s32 $0x700;
	[smem:$0x7EE] =	sst s10  }
0x64: {  	s12 =	simm.s32 $0x740;
	[smem:$0x7EF] =	sst s11  }
0x65: {  	s13 =	simm.s32 $0x780;
	[smem:$0x7F0] =	sst s12  }
0x66: {  	s31 =	simm.s32 $0xAC0;
	s14 =	simm.s32 $0x7C0;
	[smem:$0x7F1] =	sst s13  }
0x67: {  	s30 =	simm.s32 $0xB00;
	s15 =	simm.s32 $0x800;
	[smem:$0x7F2] =	sst s14  }
0x68: {  	s29 =	simm.s32 $0xB40;
	s16 =	simm.s32 $0x840;
	[smem:$0x7F3] =	sst s15  }
0x69: {  	s28 =	simm.s32 $0xB80;
	s17 =	simm.s32 $0x880;
	[smem:$0x7F4] =	sst s16  }
0x6a: {  	p0 =	por $0x0, $0x0;
	s19 =	simm.s32 $0x8C0;
	[smem:$0x7F5] =	sst s17  }
0x6b: {  	s1 =	ssub.s32 $0x2, s1;
	s20 =	simm.s32 $0x900;
	[smem:$0x7F6] =	sst s19  }
0x6c: {  	s4 =	simm.s32 $0x3;
	s21 =	simm.s32 $0x940;
	[smem:$0x7F7] =	sst s20  }
0x6d: {  	s18 =	sshrl.u32 s1, $0x1;
	s22 =	simm.s32 $0x980;
	[smem:$0x7F8] =	sst s21  }
0x6e: {  	s7 =	simm.s32 $0x40;
	s23 =	simm.s32 $0x9C0;
	[smem:$0x7F9] =	sst s22  }
0x6f: {  	s6 =	simm.s32 $0x1000;
	s24 =	simm.s32 $0xA00;
	[smem:$0x7FA] =	sst s23  }
0x70: {  	s5 =	simm.s32 $0x3000;
	s25 =	simm.s32 $0xA40;
	[smem:$0x7FB] =	sst s24  }
0x71: {  	s26 =	simm.s32 $0xA80;
	s8 =	simm.s32 $0x2;
	[smem:$0x7FC] =	sst s25  }
0x72: {  	s1 =	ssub.s32 s1, s18;
	s9 =	simm.s32 $0x1;
	[smem:$0x7FD] =	sst s26  }
0x73: {  	s26 =	simm.s32 $0xBC0;
	s25 =	simm.s32 $0xC00;
	s1 =	smax.u32 s1, $0x1  }
0x74: {  	s24 =	simm.s32 $0xC40;
	s23 =	simm.s32 $0xC80;
	p1 =	sne.s32 s1, $0x1  }
.Ltmp0:
0x75: {  	s22 =	simm.s32 $0xCC0;
	s21 =	simm.s32 $0xD00;
	(pc) =	sbr.rel @!p1 .LBB2_3-.Ltmp0, $4  }
0x76: {  	s20 =	simm.s32 $0xD40;
	s19 =	simm.s32 $0xD80;
	s18 =	simm.s32 $0xDC0  }
0x77: {  	s17 =	simm.s32 $0xE00;
	s16 =	simm.s32 $0xE40;
	s15 =	simm.s32 $0xE80  }
0x78: {  	s14 =	simm.s32 $0xEC0;
	s13 =	simm.s32 $0xF00;
	s12 =	simm.s32 $0xF40  }
0x79: {  	s11 =	simm.s32 $0xF80;
	s10 =	simm.s32 $0xFC0;
	s1 =	sadd.s32 $0xFFFFFFFF, s1  }
0x7a: {  	[tilespmem:s2], [sflag:$0x3] =	stream.linear.gather [hbm4b:s0+s2], $0x1000, $0x38;
	[tilespmem:$0x5000] =	vst v63  }
0x7b: {  	_ =	swait.ge [sflag:s4], $0x1000  }
0x7c: {  	[sflag:s4] =	ssyncset.done $0x0  }
0x7d: {  	[sflag:s4] =	ssyncadd.s32 $0xFFFFF000  }
0x7e: {  	[tilespmem:s6], [sflag:$0x1] =	stream.indirect.gather [hbm4b:s3+s7], $0x80, s2, s7, $0xb8;
	[tilespmem:$0x5000] =	vst v63  }
0x7f: {  	_ = 	snop  }
0x80: {  	[tilespmem:s5], [sflag:$0x2] =	stream.indirect.gather [hbm4b:s3+s7], $0x80, s7, s7, $0xb8;
	[tilespmem:$0x5000] =	vst v63  }
0x81: {  	_ =	swait.ge [sflag:s9], $0x2000  }
0x82: {  	[sflag:s9] =	ssyncset.done $0x0  }
0x83: {  	s0 =	rddreg [dreg:$0x4];
	[sflag:s9] =	ssyncadd.s32 $0xFFFFE000  }
0x84: {  	[hbm4b:s0+s2] =	stream.linear.scatter [tilespmem:s6], [sflag:$0x3], $0x2000, $0x38;
	[tilespmem:$0x5000] =	vst v63  }
0x85: {  	_ =	swait.ge [sflag:s4], $0x2000  }
0x86: {  	s0 =	sld [smem:$0x7D5]  }
0x87: {  	[sflag:s4] =	ssyncset.done $0x0  }
0x88: {  	[sflag:s4] =	ssyncadd.s32 $0xFFFFE000  }
0x89: {  	[tilespmem:s6], [sflag:$0x1] =	stream.indirect.gather [hbm4b:s3+s7], $0x80, s0, s7, $0xb8;
	[tilespmem:$0x5000] =	vst v63  }
0x8a: {  	_ =	swait.ge [sflag:s8], $0x2000  }
0x8b: {  	[sflag:s8] =	ssyncset.done $0x0  }
0x8c: {  	s0 =	rddreg [dreg:$0x5];
	[sflag:s8] =	ssyncadd.s32 $0xFFFFE000  }
0x8d: {  	[hbm4b:s0+s2] =	stream.linear.scatter [tilespmem:s5], [sflag:$0x3], $0x2000, $0x38;
	[tilespmem:$0x5000] =	vst v63  }
0x8e: {  	_ =	swait.ge [sflag:s4], $0x2000  }
0x8f: {  	s0 =	sld [smem:$0x7D6]  }
0x90: {  	[sflag:s4] =	ssyncset.done $0x0  }
0x91: {  	[sflag:s4] =	ssyncadd.s32 $0xFFFFE000  }
0x92: {  	[tilespmem:s5], [sflag:$0x2] =	stream.indirect.gather [hbm4b:s3+s7], $0x80, s0, s7, $0xb8;
	[tilespmem:$0x5000] =	vst v63  }
0x93: {  	_ =	swait.ge [sflag:s9], $0x2000  }
0x94: {  	[sflag:s9] =	ssyncset.done $0x0  }
0x95: {  	s0 =	rddreg [dreg:$0x6];
	[sflag:s9] =	ssyncadd.s32 $0xFFFFE000  }
0x96: {  	[hbm4b:s0+s2] =	stream.linear.scatter [tilespmem:s6], [sflag:$0x3], $0x2000, $0x38;
	[tilespmem:$0x5000] =	vst v63  }
0x97: {  	_ =	swait.ge [sflag:s4], $0x2000  }
0x98: {  	s0 =	sld [smem:$0x7D7]  }
0x99: {  	[sflag:s4] =	ssyncset.done $0x0  }
0x9a: {  	[sflag:s4] =	ssyncadd.s32 $0xFFFFE000  }
0x9b: {  	[tilespmem:s6], [sflag:$0x1] =	stream.indirect.gather [hbm4b:s3+s7], $0x80, s0, s7, $0xb8;
	[tilespmem:$0x5000] =	vst v63  }
0x9c: {  	_ =	swait.ge [sflag:s8], $0x2000  }
0x9d: {  	[sflag:s8] =	ssyncset.done $0x0  }
0x9e: {  	s0 =	rddreg [dreg:$0x7];
	[sflag:s8] =	ssyncadd.s32 $0xFFFFE000  }
0x9f: {  	[hbm4b:s0+s2] =	stream.linear.scatter [tilespmem:s5], [sflag:$0x3], $0x2000, $0x38;
	[tilespmem:$0x5000] =	vst v63  }
0xa0: {  	_ =	swait.ge [sflag:s4], $0x2000  }
0xa1: {  	s0 =	sld [smem:$0x7D8]  }
0xa2: {  	[sflag:s4] =	ssyncset.done $0x0  }
0xa3: {  	[sflag:s4] =	ssyncadd.s32 $0xFFFFE000  }
0xa4: {  	[tilespmem:s5], [sflag:$0x2] =	stream.indirect.gather [hbm4b:s3+s7], $0x80, s0, s7, $0xb8;
	[tilespmem:$0x5000] =	vst v63  }
0xa5: {  	_ =	swait.ge [sflag:s9], $0x2000  }
0xa6: {  	[sflag:s9] =	ssyncset.done $0x0  }
0xa7: {  	s0 =	rddreg [dreg:$0x8];
	[sflag:s9] =	ssyncadd.s32 $0xFFFFE000  }
0xa8: {  	[hbm4b:s0+s2] =	stream.linear.scatter [tilespmem:s6], [sflag:$0x3], $0x2000, $0x38;
	[tilespmem:$0x5000] =	vst v63  }
0xa9: {  	_ =	swait.ge [sflag:s4], $0x2000  }
0xaa: {  	s0 =	sld [smem:$0x7D9]  }
0xab: {  	[sflag:s4] =	ssyncset.done $0x0  }
0xac: {  	[sflag:s4] =	ssyncadd.s32 $0xFFFFE000  }
0xad: {  	[tilespmem:s6], [sflag:$0x1] =	stream.indirect.gather [hbm4b:s3+s7], $0x80, s0, s7, $0xb8;
	[tilespmem:$0x5000] =	vst v63  }
0xae: {  	_ =	swait.ge [sflag:s8], $0x2000  }
0xaf: {  	[sflag:s8] =	ssyncset.done $0x0  }
0xb0: {  	s0 =	rddreg [dreg:$0x9];
	[sflag:s8] =	ssyncadd.s32 $0xFFFFE000  }
0xb1: {  	[hbm4b:s0+s2] =	stream.linear.scatter [tilespmem:s5], [sflag:$0x3], $0x2000, $0x38;
	[tilespmem:$0x5000] =	vst v63  }
0xb2: {  	_ =	swait.ge [sflag:s4], $0x2000  }
0xb3: {  	s0 =	sld [smem:$0x7DA]  }
0xb4: {  	[sflag:s4] =	ssyncset.done $0x0  }
0xb5: {  	[sflag:s4] =	ssyncadd.s32 $0xFFFFE000  }
0xb6: {  	[tilespmem:s5], [sflag:$0x2] =	stream.indirect.gather [hbm4b:s3+s7], $0x80, s0, s7, $0xb8;
	[tilespmem:$0x5000] =	vst v63  }
0xb7: {  	_ =	swait.ge [sflag:s9], $0x2000  }
0xb8: {  	[sflag:s9] =	ssyncset.done $0x0  }
0xb9: {  	s0 =	rddreg [dreg:$0xa];
	[sflag:s9] =	ssyncadd.s32 $0xFFFFE000  }
0xba: {  	[hbm4b:s0+s2] =	stream.linear.scatter [tilespmem:s6], [sflag:$0x3], $0x2000, $0x38;
	[tilespmem:$0x5000] =	vst v63  }
0xbb: {  	_ =	swait.ge [sflag:s4], $0x2000  }
0xbc: {  	s0 =	sld [smem:$0x7DB]  }
0xbd: {  	[sflag:s4] =	ssyncset.done $0x0  }
0xbe: {  	[sflag:s4] =	ssyncadd.s32 $0xFFFFE000  }
0xbf: {  	[tilespmem:s6], [sflag:$0x1] =	stream.indirect.gather [hbm4b:s3+s7], $0x80, s0, s7, $0xb8;
	[tilespmem:$0x5000] =	vst v63  }
0xc0: {  	_ =	swait.ge [sflag:s8], $0x2000  }
0xc1: {  	[sflag:s8] =	ssyncset.done $0x0  }
0xc2: {  	s0 =	rddreg [dreg:$0xb];
	[sflag:s8] =	ssyncadd.s32 $0xFFFFE000  }
0xc3: {  	[hbm4b:s0+s2] =	stream.linear.scatter [tilespmem:s5], [sflag:$0x3], $0x2000, $0x38;
	[tilespmem:$0x5000] =	vst v63  }
0xc4: {  	_ =	swait.ge [sflag:s4], $0x2000  }
0xc5: {  	s0 =	sld [smem:$0x7DC]  }
0xc6: {  	[sflag:s4] =	ssyncset.done $0x0  }
0xc7: {  	[sflag:s4] =	ssyncadd.s32 $0xFFFFE000  }
0xc8: {  	[tilespmem:s5], [sflag:$0x2] =	stream.indirect.gather [hbm4b:s3+s7], $0x80, s0, s7, $0xb8;
	[tilespmem:$0x5000] =	vst v63  }
0xc9: {  	_ =	swait.ge [sflag:s9], $0x2000  }
0xca: {  	[sflag:s9] =	ssyncset.done $0x0  }
0xcb: {  	s0 =	rddreg [dreg:$0xc];
	[sflag:s9] =	ssyncadd.s32 $0xFFFFE000  }
0xcc: {  	[hbm4b:s0+s2] =	stream.linear.scatter [tilespmem:s6], [sflag:$0x3], $0x2000, $0x38;
	[tilespmem:$0x5000] =	vst v63  }
0xcd: {  	_ =	swait.ge [sflag:s4], $0x2000  }
0xce: {  	s0 =	sld [smem:$0x7DD]  }
0xcf: {  	[sflag:s4] =	ssyncset.done $0x0  }
0xd0: {  	[sflag:s4] =	ssyncadd.s32 $0xFFFFE000  }
0xd1: {  	[tilespmem:s6], [sflag:$0x1] =	stream.indirect.gather [hbm4b:s3+s7], $0x80, s0, s7, $0xb8;
	[tilespmem:$0x5000] =	vst v63  }
0xd2: {  	_ =	swait.ge [sflag:s8], $0x2000  }
0xd3: {  	[sflag:s8] =	ssyncset.done $0x0  }
0xd4: {  	s0 =	rddreg [dreg:$0xd];
	[sflag:s8] =	ssyncadd.s32 $0xFFFFE000  }
0xd5: {  	[hbm4b:s0+s2] =	stream.linear.scatter [tilespmem:s5], [sflag:$0x3], $0x2000, $0x38;
	[tilespmem:$0x5000] =	vst v63  }
0xd6: {  	_ =	swait.ge [sflag:s4], $0x2000  }
0xd7: {  	s0 =	sld [smem:$0x7DE]  }
0xd8: {  	[sflag:s4] =	ssyncset.done $0x0  }
0xd9: {  	[sflag:s4] =	ssyncadd.s32 $0xFFFFE000  }
0xda: {  	[tilespmem:s5], [sflag:$0x2] =	stream.indirect.gather [hbm4b:s3+s7], $0x80, s0, s7, $0xb8;
	[tilespmem:$0x5000] =	vst v63  }
0xdb: {  	_ =	swait.ge [sflag:s9], $0x2000  }
0xdc: {  	[sflag:s9] =	ssyncset.done $0x0  }
0xdd: {  	s0 =	rddreg [dreg:$0xe];
	[sflag:s9] =	ssyncadd.s32 $0xFFFFE000  }
0xde: {  	[hbm4b:s0+s2] =	stream.linear.scatter [tilespmem:s6], [sflag:$0x3], $0x2000, $0x38;
	[tilespmem:$0x5000] =	vst v63  }
0xdf: {  	_ =	swait.ge [sflag:s4], $0x2000  }
0xe0: {  	s0 =	sld [smem:$0x7DF]  }
0xe1: {  	[sflag:s4] =	ssyncset.done $0x0  }
0xe2: {  	[sflag:s4] =	ssyncadd.s32 $0xFFFFE000  }
0xe3: {  	[tilespmem:s6], [sflag:$0x1] =	stream.indirect.gather [hbm4b:s3+s7], $0x80, s0, s7, $0xb8;
	[tilespmem:$0x5000] =	vst v63  }
0xe4: {  	_ =	swait.ge [sflag:s8], $0x2000  }
0xe5: {  	[sflag:s8] =	ssyncset.done $0x0  }
0xe6: {  	s0 =	rddreg [dreg:$0xf];
	[sflag:s8] =	ssyncadd.s32 $0xFFFFE000  }
0xe7: {  	[hbm4b:s0+s2] =	stream.linear.scatter [tilespmem:s5], [sflag:$0x3], $0x2000, $0x38;
	[tilespmem:$0x5000] =	vst v63  }
0xe8: {  	_ =	swait.ge [sflag:s4], $0x2000  }
0xe9: {  	s0 =	sld [smem:$0x7E0]  }
0xea: {  	[sflag:s4] =	ssyncset.done $0x0  }
0xeb: {  	[sflag:s4] =	ssyncadd.s32 $0xFFFFE000  }
0xec: {  	[tilespmem:s5], [sflag:$0x2] =	stream.indirect.gather [hbm4b:s3+s7], $0x80, s0, s7, $0xb8;
	[tilespmem:$0x5000] =	vst v63  }
0xed: {  	_ =	swait.ge [sflag:s9], $0x2000  }
0xee: {  	[sflag:s9] =	ssyncset.done $0x0  }
0xef: {  	s0 =	rddreg [dreg:$0x10];
	[sflag:s9] =	ssyncadd.s32 $0xFFFFE000  }
0xf0: {  	[hbm4b:s0+s2] =	stream.linear.scatter [tilespmem:s6], [sflag:$0x3], $0x2000, $0x38;
	[tilespmem:$0x5000] =	vst v63  }
0xf1: {  	_ =	swait.ge [sflag:s4], $0x2000  }
0xf2: {  	s0 =	sld [smem:$0x7E1]  }
0xf3: {  	[sflag:s4] =	ssyncset.done $0x0  }
0xf4: {  	[sflag:s4] =	ssyncadd.s32 $0xFFFFE000  }
0xf5: {  	[tilespmem:s6], [sflag:$0x1] =	stream.indirect.gather [hbm4b:s3+s7], $0x80, s0, s7, $0xb8;
	[tilespmem:$0x5000] =	vst v63  }
0xf6: {  	_ =	swait.ge [sflag:s8], $0x2000  }
0xf7: {  	[sflag:s8] =	ssyncset.done $0x0  }
0xf8: {  	s0 =	rddreg [dreg:$0x11];
	[sflag:s8] =	ssyncadd.s32 $0xFFFFE000  }
0xf9: {  	[hbm4b:s0+s2] =	stream.linear.scatter [tilespmem:s5], [sflag:$0x3], $0x2000, $0x38;
	[tilespmem:$0x5000] =	vst v63  }
0xfa: {  	_ =	swait.ge [sflag:s4], $0x2000  }
0xfb: {  	s0 =	sld [smem:$0x7E2]  }
0xfc: {  	[sflag:s4] =	ssyncset.done $0x0  }
0xfd: {  	[sflag:s4] =	ssyncadd.s32 $0xFFFFE000  }
0xfe: {  	[tilespmem:s5], [sflag:$0x2] =	stream.indirect.gather [hbm4b:s3+s7], $0x80, s0, s7, $0xb8;
	[tilespmem:$0x5000] =	vst v63  }
0xff: {  	_ =	swait.ge [sflag:s9], $0x2000  }
0x100: {  	[sflag:s9] =	ssyncset.done $0x0  }
0x101: {  	s0 =	rddreg [dreg:$0x12];
	[sflag:s9] =	ssyncadd.s32 $0xFFFFE000  }
0x102: {  	[hbm4b:s0+s2] =	stream.linear.scatter [tilespmem:s6], [sflag:$0x3], $0x2000, $0x38;
	[tilespmem:$0x5000] =	vst v63  }
0x103: {  	_ =	swait.ge [sflag:s4], $0x2000  }
0x104: {  	s0 =	sld [smem:$0x7E3]  }
0x105: {  	[sflag:s4] =	ssyncset.done $0x0  }
0x106: {  	[sflag:s4] =	ssyncadd.s32 $0xFFFFE000  }
0x107: {  	[tilespmem:s6], [sflag:$0x1] =	stream.indirect.gather [hbm4b:s3+s7], $0x80, s0, s7, $0xb8;
	[tilespmem:$0x5000] =	vst v63  }
0x108: {  	_ =	swait.ge [sflag:s8], $0x2000  }
0x109: {  	[sflag:s8] =	ssyncset.done $0x0  }
0x10a: {  	s0 =	rddreg [dreg:$0x13];
	[sflag:s8] =	ssyncadd.s32 $0xFFFFE000  }
0x10b: {  	[hbm4b:s0+s2] =	stream.linear.scatter [tilespmem:s5], [sflag:$0x3], $0x2000, $0x38;
	[tilespmem:$0x5000] =	vst v63  }
0x10c: {  	_ =	swait.ge [sflag:s4], $0x2000  }
0x10d: {  	s0 =	sld [smem:$0x7E4]  }
0x10e: {  	[sflag:s4] =	ssyncset.done $0x0  }
0x10f: {  	[sflag:s4] =	ssyncadd.s32 $0xFFFFE000  }
0x110: {  	[tilespmem:s5], [sflag:$0x2] =	stream.indirect.gather [hbm4b:s3+s7], $0x80, s0, s7, $0xb8;
	[tilespmem:$0x5000] =	vst v63  }
0x111: {  	_ =	swait.ge [sflag:s9], $0x2000  }
0x112: {  	[sflag:s9] =	ssyncset.done $0x0  }
0x113: {  	s0 =	rddreg [dreg:$0x14];
	[sflag:s9] =	ssyncadd.s32 $0xFFFFE000  }
0x114: {  	[hbm4b:s0+s2] =	stream.linear.scatter [tilespmem:s6], [sflag:$0x3], $0x2000, $0x38;
	[tilespmem:$0x5000] =	vst v63  }
0x115: {  	_ =	swait.ge [sflag:s4], $0x2000  }
0x116: {  	s0 =	sld [smem:$0x7E5]  }
0x117: {  	[sflag:s4] =	ssyncset.done $0x0  }
0x118: {  	[sflag:s4] =	ssyncadd.s32 $0xFFFFE000  }
0x119: {  	[tilespmem:s6], [sflag:$0x1] =	stream.indirect.gather [hbm4b:s3+s7], $0x80, s0, s7, $0xb8;
	[tilespmem:$0x5000] =	vst v63  }
0x11a: {  	_ =	swait.ge [sflag:s8], $0x2000  }
0x11b: {  	[sflag:s8] =	ssyncset.done $0x0  }
0x11c: {  	s0 =	rddreg [dreg:$0x15];
	[sflag:s8] =	ssyncadd.s32 $0xFFFFE000  }
0x11d: {  	[hbm4b:s0+s2] =	stream.linear.scatter [tilespmem:s5], [sflag:$0x3], $0x2000, $0x38;
	[tilespmem:$0x5000] =	vst v63  }
0x11e: {  	_ =	swait.ge [sflag:s4], $0x2000  }
0x11f: {  	s0 =	sld [smem:$0x7E6]  }
0x120: {  	[sflag:s4] =	ssyncset.done $0x0  }
0x121: {  	[sflag:s4] =	ssyncadd.s32 $0xFFFFE000  }
0x122: {  	[tilespmem:s5], [sflag:$0x2] =	stream.indirect.gather [hbm4b:s3+s7], $0x80, s0, s7, $0xb8;
	[tilespmem:$0x5000] =	vst v63  }
0x123: {  	_ =	swait.ge [sflag:s9], $0x2000  }
0x124: {  	[sflag:s9] =	ssyncset.done $0x0  }
0x125: {  	s0 =	rddreg [dreg:$0x16];
	[sflag:s9] =	ssyncadd.s32 $0xFFFFE000  }
0x126: {  	[hbm4b:s0+s2] =	stream.linear.scatter [tilespmem:s6], [sflag:$0x3], $0x2000, $0x38;
	[tilespmem:$0x5000] =	vst v63  }
0x127: {  	_ =	swait.ge [sflag:s4], $0x2000  }
0x128: {  	s0 =	sld [smem:$0x7E7]  }
0x129: {  	[sflag:s4] =	ssyncset.done $0x0  }
0x12a: {  	[sflag:s4] =	ssyncadd.s32 $0xFFFFE000  }
0x12b: {  	[tilespmem:s6], [sflag:$0x1] =	stream.indirect.gather [hbm4b:s3+s7], $0x80, s0, s7, $0xb8;
	[tilespmem:$0x5000] =	vst v63  }
0x12c: {  	_ =	swait.ge [sflag:s8], $0x2000  }
0x12d: {  	[sflag:s8] =	ssyncset.done $0x0  }
0x12e: {  	s0 =	rddreg [dreg:$0x17];
	[sflag:s8] =	ssyncadd.s32 $0xFFFFE000  }
0x12f: {  	[hbm4b:s0+s2] =	stream.linear.scatter [tilespmem:s5], [sflag:$0x3], $0x2000, $0x38;
	[tilespmem:$0x5000] =	vst v63  }
0x130: {  	_ =	swait.ge [sflag:s4], $0x2000  }
0x131: {  	s0 =	sld [smem:$0x7E8]  }
0x132: {  	[sflag:s4] =	ssyncset.done $0x0  }
0x133: {  	[sflag:s4] =	ssyncadd.s32 $0xFFFFE000  }
0x134: {  	[tilespmem:s5], [sflag:$0x2] =	stream.indirect.gather [hbm4b:s3+s7], $0x80, s0, s7, $0xb8;
	[tilespmem:$0x5000] =	vst v63  }
0x135: {  	_ =	swait.ge [sflag:s9], $0x2000  }
0x136: {  	[sflag:s9] =	ssyncset.done $0x0  }
0x137: {  	s0 =	rddreg [dreg:$0x18];
	[sflag:s9] =	ssyncadd.s32 $0xFFFFE000  }
0x138: {  	[hbm4b:s0+s2] =	stream.linear.scatter [tilespmem:s6], [sflag:$0x3], $0x2000, $0x38;
	[tilespmem:$0x5000] =	vst v63  }
0x139: {  	_ =	swait.ge [sflag:s4], $0x2000  }
0x13a: {  	s0 =	sld [smem:$0x7E9]  }
0x13b: {  	[sflag:s4] =	ssyncset.done $0x0  }
0x13c: {  	[sflag:s4] =	ssyncadd.s32 $0xFFFFE000  }
0x13d: {  	[tilespmem:s6], [sflag:$0x1] =	stream.indirect.gather [hbm4b:s3+s7], $0x80, s0, s7, $0xb8;
	[tilespmem:$0x5000] =	vst v63  }
0x13e: {  	_ =	swait.ge [sflag:s8], $0x2000  }
0x13f: {  	[sflag:s8] =	ssyncset.done $0x0  }
0x140: {  	s0 =	rddreg [dreg:$0x19];
	[sflag:s8] =	ssyncadd.s32 $0xFFFFE000  }
0x141: {  	[hbm4b:s0+s2] =	stream.linear.scatter [tilespmem:s5], [sflag:$0x3], $0x2000, $0x38;
	[tilespmem:$0x5000] =	vst v63  }
0x142: {  	_ =	swait.ge [sflag:s4], $0x2000  }
0x143: {  	s0 =	sld [smem:$0x7EA]  }
0x144: {  	[sflag:s4] =	ssyncset.done $0x0  }
0x145: {  	[sflag:s4] =	ssyncadd.s32 $0xFFFFE000  }
0x146: {  	[tilespmem:s5], [sflag:$0x2] =	stream.indirect.gather [hbm4b:s3+s7], $0x80, s0, s7, $0xb8;
	[tilespmem:$0x5000] =	vst v63  }
0x147: {  	_ =	swait.ge [sflag:s9], $0x2000  }
0x148: {  	[sflag:s9] =	ssyncset.done $0x0  }
0x149: {  	s0 =	rddreg [dreg:$0x1a];
	[sflag:s9] =	ssyncadd.s32 $0xFFFFE000  }
0x14a: {  	[hbm4b:s0+s2] =	stream.linear.scatter [tilespmem:s6], [sflag:$0x3], $0x2000, $0x38;
	[tilespmem:$0x5000] =	vst v63  }
0x14b: {  	_ =	swait.ge [sflag:s4], $0x2000  }
0x14c: {  	s0 =	sld [smem:$0x7EB]  }
0x14d: {  	[sflag:s4] =	ssyncset.done $0x0  }
0x14e: {  	[sflag:s4] =	ssyncadd.s32 $0xFFFFE000  }
0x14f: {  	[tilespmem:s6], [sflag:$0x1] =	stream.indirect.gather [hbm4b:s3+s7], $0x80, s0, s7, $0xb8;
	[tilespmem:$0x5000] =	vst v63  }
0x150: {  	_ =	swait.ge [sflag:s8], $0x2000  }
0x151: {  	[sflag:s8] =	ssyncset.done $0x0  }
0x152: {  	s0 =	rddreg [dreg:$0x1b];
	[sflag:s8] =	ssyncadd.s32 $0xFFFFE000  }
0x153: {  	[hbm4b:s0+s2] =	stream.linear.scatter [tilespmem:s5], [sflag:$0x3], $0x2000, $0x38;
	[tilespmem:$0x5000] =	vst v63  }
0x154: {  	_ =	swait.ge [sflag:s4], $0x2000  }
0x155: {  	s0 =	sld [smem:$0x7EC]  }
0x156: {  	[sflag:s4] =	ssyncset.done $0x0  }
0x157: {  	[sflag:s4] =	ssyncadd.s32 $0xFFFFE000  }
0x158: {  	[tilespmem:s5], [sflag:$0x2] =	stream.indirect.gather [hbm4b:s3+s7], $0x80, s0, s7, $0xb8;
	[tilespmem:$0x5000] =	vst v63  }
0x159: {  	_ =	swait.ge [sflag:s9], $0x2000  }
0x15a: {  	[sflag:s9] =	ssyncset.done $0x0  }
0x15b: {  	s0 =	rddreg [dreg:$0x1c];
	[sflag:s9] =	ssyncadd.s32 $0xFFFFE000  }
0x15c: {  	[hbm4b:s0+s2] =	stream.linear.scatter [tilespmem:s6], [sflag:$0x3], $0x2000, $0x38;
	[tilespmem:$0x5000] =	vst v63  }
0x15d: {  	_ =	swait.ge [sflag:s4], $0x2000  }
0x15e: {  	s0 =	sld [smem:$0x7ED]  }
0x15f: {  	[sflag:s4] =	ssyncset.done $0x0  }
0x160: {  	[sflag:s4] =	ssyncadd.s32 $0xFFFFE000  }
0x161: {  	[tilespmem:s6], [sflag:$0x1] =	stream.indirect.gather [hbm4b:s3+s7], $0x80, s0, s7, $0xb8;
	[tilespmem:$0x5000] =	vst v63  }
0x162: {  	_ =	swait.ge [sflag:s8], $0x2000  }
0x163: {  	[sflag:s8] =	ssyncset.done $0x0  }
0x164: {  	s0 =	rddreg [dreg:$0x1d];
	[sflag:s8] =	ssyncadd.s32 $0xFFFFE000  }
0x165: {  	[hbm4b:s0+s2] =	stream.linear.scatter [tilespmem:s5], [sflag:$0x3], $0x2000, $0x38;
	[tilespmem:$0x5000] =	vst v63  }
0x166: {  	_ =	swait.ge [sflag:s4], $0x2000  }
0x167: {  	s0 =	sld [smem:$0x7EE]  }
0x168: {  	[sflag:s4] =	ssyncset.done $0x0  }
0x169: {  	[sflag:s4] =	ssyncadd.s32 $0xFFFFE000  }
0x16a: {  	[tilespmem:s5], [sflag:$0x2] =	stream.indirect.gather [hbm4b:s3+s7], $0x80, s0, s7, $0xb8;
	[tilespmem:$0x5000] =	vst v63  }
0x16b: {  	_ =	swait.ge [sflag:s9], $0x2000  }
0x16c: {  	[sflag:s9] =	ssyncset.done $0x0  }
0x16d: {  	s0 =	rddreg [dreg:$0x1e];
	[sflag:s9] =	ssyncadd.s32 $0xFFFFE000  }
0x16e: {  	[hbm4b:s0+s2] =	stream.linear.scatter [tilespmem:s6], [sflag:$0x3], $0x2000, $0x38;
	[tilespmem:$0x5000] =	vst v63  }
0x16f: {  	_ =	swait.ge [sflag:s4], $0x2000  }
0x170: {  	s0 =	sld [smem:$0x7EF]  }
0x171: {  	[sflag:s4] =	ssyncset.done $0x0  }
0x172: {  	[sflag:s4] =	ssyncadd.s32 $0xFFFFE000  }
0x173: {  	[tilespmem:s6], [sflag:$0x1] =	stream.indirect.gather [hbm4b:s3+s7], $0x80, s0, s7, $0xb8;
	[tilespmem:$0x5000] =	vst v63  }
0x174: {  	_ =	swait.ge [sflag:s8], $0x2000  }
0x175: {  	[sflag:s8] =	ssyncset.done $0x0  }
0x176: {  	s0 =	rddreg [dreg:$0x1f];
	[sflag:s8] =	ssyncadd.s32 $0xFFFFE000  }
0x177: {  	[hbm4b:s0+s2] =	stream.linear.scatter [tilespmem:s5], [sflag:$0x3], $0x2000, $0x38;
	[tilespmem:$0x5000] =	vst v63  }
0x178: {  	_ =	swait.ge [sflag:s4], $0x2000  }
0x179: {  	s0 =	sld [smem:$0x7F0]  }
0x17a: {  	[sflag:s4] =	ssyncset.done $0x0  }
0x17b: {  	[sflag:s4] =	ssyncadd.s32 $0xFFFFE000  }
0x17c: {  	[tilespmem:s5], [sflag:$0x2] =	stream.indirect.gather [hbm4b:s3+s7], $0x80, s0, s7, $0xb8;
	[tilespmem:$0x5000] =	vst v63  }
0x17d: {  	_ =	swait.ge [sflag:s9], $0x2000  }
0x17e: {  	s0 =	sld [smem:$0x7B1]  }
0x17f: {  	[sflag:s9] =	ssyncset.done $0x0  }
0x180: {  	[sflag:s9] =	ssyncadd.s32 $0xFFFFE000  }
0x181: {  	[hbm4b:s0+s2] =	stream.linear.scatter [tilespmem:s6], [sflag:$0x3], $0x2000, $0x38;
	[tilespmem:$0x5000] =	vst v63  }
0x182: {  	_ =	swait.ge [sflag:s4], $0x2000  }
0x183: {  	s0 =	sld [smem:$0x7F1]  }
0x184: {  	[sflag:s4] =	ssyncset.done $0x0  }
0x185: {  	[sflag:s4] =	ssyncadd.s32 $0xFFFFE000  }
0x186: {  	[tilespmem:s6], [sflag:$0x1] =	stream.indirect.gather [hbm4b:s3+s7], $0x80, s0, s7, $0xb8;
	[tilespmem:$0x5000] =	vst v63  }
0x187: {  	_ =	swait.ge [sflag:s8], $0x2000  }
0x188: {  	s0 =	sld [smem:$0x7B2]  }
0x189: {  	[sflag:s8] =	ssyncset.done $0x0  }
0x18a: {  	[sflag:s8] =	ssyncadd.s32 $0xFFFFE000  }
0x18b: {  	[hbm4b:s0+s2] =	stream.linear.scatter [tilespmem:s5], [sflag:$0x3], $0x2000, $0x38;
	[tilespmem:$0x5000] =	vst v63  }
0x18c: {  	_ =	swait.ge [sflag:s4], $0x2000  }
0x18d: {  	s0 =	sld [smem:$0x7F2]  }
0x18e: {  	[sflag:s4] =	ssyncset.done $0x0  }
0x18f: {  	[sflag:s4] =	ssyncadd.s32 $0xFFFFE000  }
0x190: {  	[tilespmem:s5], [sflag:$0x2] =	stream.indirect.gather [hbm4b:s3+s7], $0x80, s0, s7, $0xb8;
	[tilespmem:$0x5000] =	vst v63  }
0x191: {  	_ =	swait.ge [sflag:s9], $0x2000  }
0x192: {  	s0 =	sld [smem:$0x7B3]  }
0x193: {  	[sflag:s9] =	ssyncset.done $0x0  }
0x194: {  	[sflag:s9] =	ssyncadd.s32 $0xFFFFE000  }
0x195: {  	[hbm4b:s0+s2] =	stream.linear.scatter [tilespmem:s6], [sflag:$0x3], $0x2000, $0x38;
	[tilespmem:$0x5000] =	vst v63  }
0x196: {  	_ =	swait.ge [sflag:s4], $0x2000  }
0x197: {  	s0 =	sld [smem:$0x7F3]  }
0x198: {  	[sflag:s4] =	ssyncset.done $0x0  }
0x199: {  	[sflag:s4] =	ssyncadd.s32 $0xFFFFE000  }
0x19a: {  	[tilespmem:s6], [sflag:$0x1] =	stream.indirect.gather [hbm4b:s3+s7], $0x80, s0, s7, $0xb8;
	[tilespmem:$0x5000] =	vst v63  }
0x19b: {  	_ =	swait.ge [sflag:s8], $0x2000  }
0x19c: {  	s0 =	sld [smem:$0x7B4]  }
0x19d: {  	[sflag:s8] =	ssyncset.done $0x0  }
0x19e: {  	[sflag:s8] =	ssyncadd.s32 $0xFFFFE000  }
0x19f: {  	[hbm4b:s0+s2] =	stream.linear.scatter [tilespmem:s5], [sflag:$0x3], $0x2000, $0x38;
	[tilespmem:$0x5000] =	vst v63  }
0x1a0: {  	_ =	swait.ge [sflag:s4], $0x2000  }
0x1a1: {  	s0 =	sld [smem:$0x7F4]  }
0x1a2: {  	[sflag:s4] =	ssyncset.done $0x0  }
0x1a3: {  	[sflag:s4] =	ssyncadd.s32 $0xFFFFE000  }
0x1a4: {  	[tilespmem:s5], [sflag:$0x2] =	stream.indirect.gather [hbm4b:s3+s7], $0x80, s0, s7, $0xb8;
	[tilespmem:$0x5000] =	vst v63  }
0x1a5: {  	_ =	swait.ge [sflag:s9], $0x2000  }
0x1a6: {  	s0 =	sld [smem:$0x7B5]  }
0x1a7: {  	[sflag:s9] =	ssyncset.done $0x0  }
0x1a8: {  	[sflag:s9] =	ssyncadd.s32 $0xFFFFE000  }
0x1a9: {  	[hbm4b:s0+s2] =	stream.linear.scatter [tilespmem:s6], [sflag:$0x3], $0x2000, $0x38;
	[tilespmem:$0x5000] =	vst v63  }
0x1aa: {  	_ =	swait.ge [sflag:s4], $0x2000  }
0x1ab: {  	s0 =	sld [smem:$0x7F5]  }
0x1ac: {  	[sflag:s4] =	ssyncset.done $0x0  }
0x1ad: {  	[sflag:s4] =	ssyncadd.s32 $0xFFFFE000  }
0x1ae: {  	[tilespmem:s6], [sflag:$0x1] =	stream.indirect.gather [hbm4b:s3+s7], $0x80, s0, s7, $0xb8;
	[tilespmem:$0x5000] =	vst v63  }
0x1af: {  	_ =	swait.ge [sflag:s8], $0x2000  }
0x1b0: {  	s0 =	sld [smem:$0x7B6]  }
0x1b1: {  	[sflag:s8] =	ssyncset.done $0x0  }
0x1b2: {  	[sflag:s8] =	ssyncadd.s32 $0xFFFFE000  }
0x1b3: {  	[hbm4b:s0+s2] =	stream.linear.scatter [tilespmem:s5], [sflag:$0x3], $0x2000, $0x38;
	[tilespmem:$0x5000] =	vst v63  }
0x1b4: {  	_ =	swait.ge [sflag:s4], $0x2000  }
0x1b5: {  	s0 =	sld [smem:$0x7F6]  }
0x1b6: {  	[sflag:s4] =	ssyncset.done $0x0  }
0x1b7: {  	[sflag:s4] =	ssyncadd.s32 $0xFFFFE000  }
0x1b8: {  	[tilespmem:s5], [sflag:$0x2] =	stream.indirect.gather [hbm4b:s3+s7], $0x80, s0, s7, $0xb8;
	[tilespmem:$0x5000] =	vst v63  }
0x1b9: {  	_ =	swait.ge [sflag:s9], $0x2000  }
0x1ba: {  	s0 =	sld [smem:$0x7B7]  }
0x1bb: {  	[sflag:s9] =	ssyncset.done $0x0  }
0x1bc: {  	[sflag:s9] =	ssyncadd.s32 $0xFFFFE000  }
0x1bd: {  	[hbm4b:s0+s2] =	stream.linear.scatter [tilespmem:s6], [sflag:$0x3], $0x2000, $0x38;
	[tilespmem:$0x5000] =	vst v63  }
0x1be: {  	_ =	swait.ge [sflag:s4], $0x2000  }
0x1bf: {  	s0 =	sld [smem:$0x7F7]  }
0x1c0: {  	[sflag:s4] =	ssyncset.done $0x0  }
0x1c1: {  	[sflag:s4] =	ssyncadd.s32 $0xFFFFE000  }
0x1c2: {  	[tilespmem:s6], [sflag:$0x1] =	stream.indirect.gather [hbm4b:s3+s7], $0x80, s0, s7, $0xb8;
	[tilespmem:$0x5000] =	vst v63  }
0x1c3: {  	_ =	swait.ge [sflag:s8], $0x2000  }
0x1c4: {  	s0 =	sld [smem:$0x7B8]  }
0x1c5: {  	[sflag:s8] =	ssyncset.done $0x0  }
0x1c6: {  	[sflag:s8] =	ssyncadd.s32 $0xFFFFE000  }
0x1c7: {  	[hbm4b:s0+s2] =	stream.linear.scatter [tilespmem:s5], [sflag:$0x3], $0x2000, $0x38;
	[tilespmem:$0x5000] =	vst v63  }
0x1c8: {  	_ =	swait.ge [sflag:s4], $0x2000  }
0x1c9: {  	s0 =	sld [smem:$0x7F8]  }
0x1ca: {  	[sflag:s4] =	ssyncset.done $0x0  }
0x1cb: {  	[sflag:s4] =	ssyncadd.s32 $0xFFFFE000  }
0x1cc: {  	[tilespmem:s5], [sflag:$0x2] =	stream.indirect.gather [hbm4b:s3+s7], $0x80, s0, s7, $0xb8;
	[tilespmem:$0x5000] =	vst v63  }
0x1cd: {  	_ =	swait.ge [sflag:s9], $0x2000  }
0x1ce: {  	s0 =	sld [smem:$0x7B9]  }
0x1cf: {  	[sflag:s9] =	ssyncset.done $0x0  }
0x1d0: {  	[sflag:s9] =	ssyncadd.s32 $0xFFFFE000  }
0x1d1: {  	[hbm4b:s0+s2] =	stream.linear.scatter [tilespmem:s6], [sflag:$0x3], $0x2000, $0x38;
	[tilespmem:$0x5000] =	vst v63  }
0x1d2: {  	_ =	swait.ge [sflag:s4], $0x2000  }
0x1d3: {  	s0 =	sld [smem:$0x7F9]  }
0x1d4: {  	[sflag:s4] =	ssyncset.done $0x0  }
0x1d5: {  	[sflag:s4] =	ssyncadd.s32 $0xFFFFE000  }
0x1d6: {  	[tilespmem:s6], [sflag:$0x1] =	stream.indirect.gather [hbm4b:s3+s7], $0x80, s0, s7, $0xb8;
	[tilespmem:$0x5000] =	vst v63  }
0x1d7: {  	_ =	swait.ge [sflag:s8], $0x2000  }
0x1d8: {  	s0 =	sld [smem:$0x7BA]  }
0x1d9: {  	[sflag:s8] =	ssyncset.done $0x0  }
0x1da: {  	[sflag:s8] =	ssyncadd.s32 $0xFFFFE000  }
0x1db: {  	[hbm4b:s0+s2] =	stream.linear.scatter [tilespmem:s5], [sflag:$0x3], $0x2000, $0x38;
	[tilespmem:$0x5000] =	vst v63  }
0x1dc: {  	_ =	swait.ge [sflag:s4], $0x2000  }
0x1dd: {  	s0 =	sld [smem:$0x7FA]  }
0x1de: {  	[sflag:s4] =	ssyncset.done $0x0  }
0x1df: {  	[sflag:s4] =	ssyncadd.s32 $0xFFFFE000  }
0x1e0: {  	[tilespmem:s5], [sflag:$0x2] =	stream.indirect.gather [hbm4b:s3+s7], $0x80, s0, s7, $0xb8;
	[tilespmem:$0x5000] =	vst v63  }
0x1e1: {  	_ =	swait.ge [sflag:s9], $0x2000  }
0x1e2: {  	s0 =	sld [smem:$0x7BB]  }
0x1e3: {  	[sflag:s9] =	ssyncset.done $0x0  }
0x1e4: {  	[sflag:s9] =	ssyncadd.s32 $0xFFFFE000  }
0x1e5: {  	[hbm4b:s0+s2] =	stream.linear.scatter [tilespmem:s6], [sflag:$0x3], $0x2000, $0x38;
	[tilespmem:$0x5000] =	vst v63  }
0x1e6: {  	_ =	swait.ge [sflag:s4], $0x2000  }
0x1e7: {  	s0 =	sld [smem:$0x7FB]  }
0x1e8: {  	[sflag:s4] =	ssyncset.done $0x0  }
0x1e9: {  	[sflag:s4] =	ssyncadd.s32 $0xFFFFE000  }
0x1ea: {  	[tilespmem:s6], [sflag:$0x1] =	stream.indirect.gather [hbm4b:s3+s7], $0x80, s0, s7, $0xb8;
	[tilespmem:$0x5000] =	vst v63  }
0x1eb: {  	_ =	swait.ge [sflag:s8], $0x2000  }
0x1ec: {  	s0 =	sld [smem:$0x7BC]  }
0x1ed: {  	[sflag:s8] =	ssyncset.done $0x0  }
0x1ee: {  	[sflag:s8] =	ssyncadd.s32 $0xFFFFE000  }
0x1ef: {  	[hbm4b:s0+s2] =	stream.linear.scatter [tilespmem:s5], [sflag:$0x3], $0x2000, $0x38;
	[tilespmem:$0x5000] =	vst v63  }
0x1f0: {  	_ =	swait.ge [sflag:s4], $0x2000  }
0x1f1: {  	s0 =	sld [smem:$0x7FC]  }
0x1f2: {  	[sflag:s4] =	ssyncset.done $0x0  }
0x1f3: {  	[sflag:s4] =	ssyncadd.s32 $0xFFFFE000  }
0x1f4: {  	[tilespmem:s5], [sflag:$0x2] =	stream.indirect.gather [hbm4b:s3+s7], $0x80, s0, s7, $0xb8;
	[tilespmem:$0x5000] =	vst v63  }
0x1f5: {  	_ =	swait.ge [sflag:s9], $0x2000  }
0x1f6: {  	s0 =	sld [smem:$0x7BD]  }
0x1f7: {  	[sflag:s9] =	ssyncset.done $0x0  }
0x1f8: {  	[sflag:s9] =	ssyncadd.s32 $0xFFFFE000  }
0x1f9: {  	[hbm4b:s0+s2] =	stream.linear.scatter [tilespmem:s6], [sflag:$0x3], $0x2000, $0x38;
	[tilespmem:$0x5000] =	vst v63  }
0x1fa: {  	_ =	swait.ge [sflag:s4], $0x2000  }
0x1fb: {  	s0 =	sld [smem:$0x7FD]  }
0x1fc: {  	[sflag:s4] =	ssyncset.done $0x0  }
0x1fd: {  	[sflag:s4] =	ssyncadd.s32 $0xFFFFE000  }
0x1fe: {  	[tilespmem:s6], [sflag:$0x1] =	stream.indirect.gather [hbm4b:s3+s7], $0x80, s0, s7, $0xb8;
	[tilespmem:$0x5000] =	vst v63  }
0x1ff: {  	_ =	swait.ge [sflag:s8], $0x2000  }
0x200: {  	s0 =	sld [smem:$0x7BE]  }
0x201: {  	[sflag:s8] =	ssyncset.done $0x0  }
0x202: {  	[sflag:s8] =	ssyncadd.s32 $0xFFFFE000  }
0x203: {  	[hbm4b:s0+s2] =	stream.linear.scatter [tilespmem:s5], [sflag:$0x3], $0x2000, $0x38;
	[tilespmem:$0x5000] =	vst v63  }
0x204: {  	_ =	swait.ge [sflag:s4], $0x2000  }
0x205: {  	[sflag:s4] =	ssyncset.done $0x0  }
0x206: {  	[sflag:s4] =	ssyncadd.s32 $0xFFFFE000  }
0x207: {  	[tilespmem:s5], [sflag:$0x2] =	stream.indirect.gather [hbm4b:s3+s7], $0x80, s31, s7, $0xb8;
	[tilespmem:$0x5000] =	vst v63  }
0x208: {  	_ =	swait.ge [sflag:s9], $0x2000  }
0x209: {  	s0 =	sld [smem:$0x7BF]  }
0x20a: {  	[sflag:s9] =	ssyncset.done $0x0  }
0x20b: {  	[sflag:s9] =	ssyncadd.s32 $0xFFFFE000  }
0x20c: {  	[hbm4b:s0+s2] =	stream.linear.scatter [tilespmem:s6], [sflag:$0x3], $0x2000, $0x38;
	[tilespmem:$0x5000] =	vst v63  }
0x20d: {  	_ =	swait.ge [sflag:s4], $0x2000  }
0x20e: {  	[sflag:s4] =	ssyncset.done $0x0  }
0x20f: {  	[sflag:s4] =	ssyncadd.s32 $0xFFFFE000  }
0x210: {  	[tilespmem:s6], [sflag:$0x1] =	stream.indirect.gather [hbm4b:s3+s7], $0x80, s30, s7, $0xb8;
	[tilespmem:$0x5000] =	vst v63  }
0x211: {  	_ =	swait.ge [sflag:s8], $0x2000  }
0x212: {  	s0 =	sld [smem:$0x7C0]  }
0x213: {  	[sflag:s8] =	ssyncset.done $0x0  }
0x214: {  	[sflag:s8] =	ssyncadd.s32 $0xFFFFE000  }
0x215: {  	[hbm4b:s0+s2] =	stream.linear.scatter [tilespmem:s5], [sflag:$0x3], $0x2000, $0x38;
	[tilespmem:$0x5000] =	vst v63  }
0x216: {  	_ =	swait.ge [sflag:s4], $0x2000  }
0x217: {  	[sflag:s4] =	ssyncset.done $0x0  }
0x218: {  	[sflag:s4] =	ssyncadd.s32 $0xFFFFE000  }
0x219: {  	[tilespmem:s5], [sflag:$0x2] =	stream.indirect.gather [hbm4b:s3+s7], $0x80, s29, s7, $0xb8;
	[tilespmem:$0x5000] =	vst v63  }
0x21a: {  	_ =	swait.ge [sflag:s9], $0x2000  }
0x21b: {  	s0 =	sld [smem:$0x7C1]  }
0x21c: {  	[sflag:s9] =	ssyncset.done $0x0  }
0x21d: {  	[sflag:s9] =	ssyncadd.s32 $0xFFFFE000  }
0x21e: {  	[hbm4b:s0+s2] =	stream.linear.scatter [tilespmem:s6], [sflag:$0x3], $0x2000, $0x38;
	[tilespmem:$0x5000] =	vst v63  }
0x21f: {  	_ =	swait.ge [sflag:s4], $0x2000  }
0x220: {  	[sflag:s4] =	ssyncset.done $0x0  }
0x221: {  	[sflag:s4] =	ssyncadd.s32 $0xFFFFE000  }
0x222: {  	[tilespmem:s6], [sflag:$0x1] =	stream.indirect.gather [hbm4b:s3+s7], $0x80, s28, s7, $0xb8;
	[tilespmem:$0x5000] =	vst v63  }
0x223: {  	_ =	swait.ge [sflag:s8], $0x2000  }
0x224: {  	s0 =	sld [smem:$0x7C2]  }
0x225: {  	[sflag:s8] =	ssyncset.done $0x0  }
0x226: {  	[sflag:s8] =	ssyncadd.s32 $0xFFFFE000  }
0x227: {  	[hbm4b:s0+s2] =	stream.linear.scatter [tilespmem:s5], [sflag:$0x3], $0x2000, $0x38;
	[tilespmem:$0x5000] =	vst v63  }
0x228: {  	_ =	swait.ge [sflag:s4], $0x2000  }
0x229: {  	[sflag:s4] =	ssyncset.done $0x0  }
0x22a: {  	[sflag:s4] =	ssyncadd.s32 $0xFFFFE000  }
0x22b: {  	[tilespmem:s5], [sflag:$0x2] =	stream.indirect.gather [hbm4b:s3+s7], $0x80, s26, s7, $0xb8;
	[tilespmem:$0x5000] =	vst v63  }
0x22c: {  	_ =	swait.ge [sflag:s9], $0x2000  }
0x22d: {  	s0 =	sld [smem:$0x7C3]  }
0x22e: {  	[sflag:s9] =	ssyncset.done $0x0  }
0x22f: {  	[sflag:s9] =	ssyncadd.s32 $0xFFFFE000  }
0x230: {  	[hbm4b:s0+s2] =	stream.linear.scatter [tilespmem:s6], [sflag:$0x3], $0x2000, $0x38;
	[tilespmem:$0x5000] =	vst v63  }
0x231: {  	_ =	swait.ge [sflag:s4], $0x2000  }
0x232: {  	[sflag:s4] =	ssyncset.done $0x0  }
0x233: {  	[sflag:s4] =	ssyncadd.s32 $0xFFFFE000  }
0x234: {  	[tilespmem:s6], [sflag:$0x1] =	stream.indirect.gather [hbm4b:s3+s7], $0x80, s25, s7, $0xb8;
	[tilespmem:$0x5000] =	vst v63  }
0x235: {  	_ =	swait.ge [sflag:s8], $0x2000  }
0x236: {  	s0 =	sld [smem:$0x7C4]  }
0x237: {  	[sflag:s8] =	ssyncset.done $0x0  }
0x238: {  	[sflag:s8] =	ssyncadd.s32 $0xFFFFE000  }
0x239: {  	[hbm4b:s0+s2] =	stream.linear.scatter [tilespmem:s5], [sflag:$0x3], $0x2000, $0x38;
	[tilespmem:$0x5000] =	vst v63  }
0x23a: {  	_ =	swait.ge [sflag:s4], $0x2000  }
0x23b: {  	[sflag:s4] =	ssyncset.done $0x0  }
0x23c: {  	[sflag:s4] =	ssyncadd.s32 $0xFFFFE000  }
0x23d: {  	[tilespmem:s5], [sflag:$0x2] =	stream.indirect.gather [hbm4b:s3+s7], $0x80, s24, s7, $0xb8;
	[tilespmem:$0x5000] =	vst v63  }
0x23e: {  	_ =	swait.ge [sflag:s9], $0x2000  }
0x23f: {  	s0 =	sld [smem:$0x7C5]  }
0x240: {  	[sflag:s9] =	ssyncset.done $0x0  }
0x241: {  	[sflag:s9] =	ssyncadd.s32 $0xFFFFE000  }
0x242: {  	[hbm4b:s0+s2] =	stream.linear.scatter [tilespmem:s6], [sflag:$0x3], $0x2000, $0x38;
	[tilespmem:$0x5000] =	vst v63  }
0x243: {  	_ =	swait.ge [sflag:s4], $0x2000  }
0x244: {  	[sflag:s4] =	ssyncset.done $0x0  }
0x245: {  	[sflag:s4] =	ssyncadd.s32 $0xFFFFE000  }
0x246: {  	[tilespmem:s6], [sflag:$0x1] =	stream.indirect.gather [hbm4b:s3+s7], $0x80, s23, s7, $0xb8;
	[tilespmem:$0x5000] =	vst v63  }
0x247: {  	_ =	swait.ge [sflag:s8], $0x2000  }
0x248: {  	s0 =	sld [smem:$0x7C6]  }
0x249: {  	[sflag:s8] =	ssyncset.done $0x0  }
0x24a: {  	[sflag:s8] =	ssyncadd.s32 $0xFFFFE000  }
0x24b: {  	[hbm4b:s0+s2] =	stream.linear.scatter [tilespmem:s5], [sflag:$0x3], $0x2000, $0x38;
	[tilespmem:$0x5000] =	vst v63  }
0x24c: {  	_ =	swait.ge [sflag:s4], $0x2000  }
0x24d: {  	[sflag:s4] =	ssyncset.done $0x0  }
0x24e: {  	[sflag:s4] =	ssyncadd.s32 $0xFFFFE000  }
0x24f: {  	[tilespmem:s5], [sflag:$0x2] =	stream.indirect.gather [hbm4b:s3+s7], $0x80, s22, s7, $0xb8;
	[tilespmem:$0x5000] =	vst v63  }
0x250: {  	_ =	swait.ge [sflag:s9], $0x2000  }
0x251: {  	s0 =	sld [smem:$0x7C7]  }
0x252: {  	[sflag:s9] =	ssyncset.done $0x0  }
0x253: {  	[sflag:s9] =	ssyncadd.s32 $0xFFFFE000  }
0x254: {  	[hbm4b:s0+s2] =	stream.linear.scatter [tilespmem:s6], [sflag:$0x3], $0x2000, $0x38;
	[tilespmem:$0x5000] =	vst v63  }
0x255: {  	_ =	swait.ge [sflag:s4], $0x2000  }
0x256: {  	[sflag:s4] =	ssyncset.done $0x0  }
0x257: {  	[sflag:s4] =	ssyncadd.s32 $0xFFFFE000  }
0x258: {  	[tilespmem:s6], [sflag:$0x1] =	stream.indirect.gather [hbm4b:s3+s7], $0x80, s21, s7, $0xb8;
	[tilespmem:$0x5000] =	vst v63  }
0x259: {  	_ =	swait.ge [sflag:s8], $0x2000  }
0x25a: {  	s0 =	sld [smem:$0x7C8]  }
0x25b: {  	[sflag:s8] =	ssyncset.done $0x0  }
0x25c: {  	[sflag:s8] =	ssyncadd.s32 $0xFFFFE000  }
0x25d: {  	[hbm4b:s0+s2] =	stream.linear.scatter [tilespmem:s5], [sflag:$0x3], $0x2000, $0x38;
	[tilespmem:$0x5000] =	vst v63  }
0x25e: {  	_ =	swait.ge [sflag:s4], $0x2000  }
0x25f: {  	[sflag:s4] =	ssyncset.done $0x0  }
0x260: {  	[sflag:s4] =	ssyncadd.s32 $0xFFFFE000  }
0x261: {  	[tilespmem:s5], [sflag:$0x2] =	stream.indirect.gather [hbm4b:s3+s7], $0x80, s20, s7, $0xb8;
	[tilespmem:$0x5000] =	vst v63  }
0x262: {  	_ =	swait.ge [sflag:s9], $0x2000  }
0x263: {  	s0 =	sld [smem:$0x7C9]  }
0x264: {  	[sflag:s9] =	ssyncset.done $0x0  }
0x265: {  	[sflag:s9] =	ssyncadd.s32 $0xFFFFE000  }
0x266: {  	[hbm4b:s0+s2] =	stream.linear.scatter [tilespmem:s6], [sflag:$0x3], $0x2000, $0x38;
	[tilespmem:$0x5000] =	vst v63  }
0x267: {  	_ =	swait.ge [sflag:s4], $0x2000  }
0x268: {  	[sflag:s4] =	ssyncset.done $0x0  }
0x269: {  	[sflag:s4] =	ssyncadd.s32 $0xFFFFE000  }
0x26a: {  	[tilespmem:s6], [sflag:$0x1] =	stream.indirect.gather [hbm4b:s3+s7], $0x80, s19, s7, $0xb8;
	[tilespmem:$0x5000] =	vst v63  }
0x26b: {  	_ =	swait.ge [sflag:s8], $0x2000  }
0x26c: {  	s0 =	sld [smem:$0x7CA]  }
0x26d: {  	[sflag:s8] =	ssyncset.done $0x0  }
0x26e: {  	[sflag:s8] =	ssyncadd.s32 $0xFFFFE000  }
0x26f: {  	[hbm4b:s0+s2] =	stream.linear.scatter [tilespmem:s5], [sflag:$0x3], $0x2000, $0x38;
	[tilespmem:$0x5000] =	vst v63  }
0x270: {  	_ =	swait.ge [sflag:s4], $0x2000  }
0x271: {  	[sflag:s4] =	ssyncset.done $0x0  }
0x272: {  	[sflag:s4] =	ssyncadd.s32 $0xFFFFE000  }
0x273: {  	[tilespmem:s5], [sflag:$0x2] =	stream.indirect.gather [hbm4b:s3+s7], $0x80, s18, s7, $0xb8;
	[tilespmem:$0x5000] =	vst v63  }
0x274: {  	_ =	swait.ge [sflag:s9], $0x2000  }
0x275: {  	s0 =	sld [smem:$0x7CB]  }
0x276: {  	[sflag:s9] =	ssyncset.done $0x0  }
0x277: {  	[sflag:s9] =	ssyncadd.s32 $0xFFFFE000  }
0x278: {  	[hbm4b:s0+s2] =	stream.linear.scatter [tilespmem:s6], [sflag:$0x3], $0x2000, $0x38;
	[tilespmem:$0x5000] =	vst v63  }
0x279: {  	_ =	swait.ge [sflag:s4], $0x2000  }
0x27a: {  	[sflag:s4] =	ssyncset.done $0x0  }
0x27b: {  	[sflag:s4] =	ssyncadd.s32 $0xFFFFE000  }
0x27c: {  	[tilespmem:s6], [sflag:$0x1] =	stream.indirect.gather [hbm4b:s3+s7], $0x80, s17, s7, $0xb8;
	[tilespmem:$0x5000] =	vst v63  }
0x27d: {  	_ =	swait.ge [sflag:s8], $0x2000  }
0x27e: {  	s0 =	sld [smem:$0x7CC]  }
0x27f: {  	[sflag:s8] =	ssyncset.done $0x0  }
0x280: {  	[sflag:s8] =	ssyncadd.s32 $0xFFFFE000  }
0x281: {  	[hbm4b:s0+s2] =	stream.linear.scatter [tilespmem:s5], [sflag:$0x3], $0x2000, $0x38;
	[tilespmem:$0x5000] =	vst v63  }
0x282: {  	_ =	swait.ge [sflag:s4], $0x2000  }
0x283: {  	[sflag:s4] =	ssyncset.done $0x0  }
0x284: {  	[sflag:s4] =	ssyncadd.s32 $0xFFFFE000  }
0x285: {  	[tilespmem:s5], [sflag:$0x2] =	stream.indirect.gather [hbm4b:s3+s7], $0x80, s16, s7, $0xb8;
	[tilespmem:$0x5000] =	vst v63  }
0x286: {  	_ =	swait.ge [sflag:s9], $0x2000  }
0x287: {  	s0 =	sld [smem:$0x7CD]  }
0x288: {  	[sflag:s9] =	ssyncset.done $0x0  }
0x289: {  	[sflag:s9] =	ssyncadd.s32 $0xFFFFE000  }
0x28a: {  	[hbm4b:s0+s2] =	stream.linear.scatter [tilespmem:s6], [sflag:$0x3], $0x2000, $0x38;
	[tilespmem:$0x5000] =	vst v63  }
0x28b: {  	_ =	swait.ge [sflag:s4], $0x2000  }
0x28c: {  	[sflag:s4] =	ssyncset.done $0x0  }
0x28d: {  	[sflag:s4] =	ssyncadd.s32 $0xFFFFE000  }
0x28e: {  	[tilespmem:s6], [sflag:$0x1] =	stream.indirect.gather [hbm4b:s3+s7], $0x80, s15, s7, $0xb8;
	[tilespmem:$0x5000] =	vst v63  }
0x28f: {  	_ =	swait.ge [sflag:s8], $0x2000  }
0x290: {  	s0 =	sld [smem:$0x7CE]  }
0x291: {  	[sflag:s8] =	ssyncset.done $0x0  }
0x292: {  	[sflag:s8] =	ssyncadd.s32 $0xFFFFE000  }
0x293: {  	[hbm4b:s0+s2] =	stream.linear.scatter [tilespmem:s5], [sflag:$0x3], $0x2000, $0x38;
	[tilespmem:$0x5000] =	vst v63  }
0x294: {  	_ =	swait.ge [sflag:s4], $0x2000  }
0x295: {  	[sflag:s4] =	ssyncset.done $0x0  }
0x296: {  	[sflag:s4] =	ssyncadd.s32 $0xFFFFE000  }
0x297: {  	[tilespmem:s5], [sflag:$0x2] =	stream.indirect.gather [hbm4b:s3+s7], $0x80, s14, s7, $0xb8;
	[tilespmem:$0x5000] =	vst v63  }
0x298: {  	_ =	swait.ge [sflag:s9], $0x2000  }
0x299: {  	s0 =	sld [smem:$0x7CF]  }
0x29a: {  	[sflag:s9] =	ssyncset.done $0x0  }
0x29b: {  	[sflag:s9] =	ssyncadd.s32 $0xFFFFE000  }
0x29c: {  	[hbm4b:s0+s2] =	stream.linear.scatter [tilespmem:s6], [sflag:$0x3], $0x2000, $0x38;
	[tilespmem:$0x5000] =	vst v63  }
0x29d: {  	_ =	swait.ge [sflag:s4], $0x2000  }
0x29e: {  	[sflag:s4] =	ssyncset.done $0x0  }
0x29f: {  	[sflag:s4] =	ssyncadd.s32 $0xFFFFE000  }
0x2a0: {  	[tilespmem:s6], [sflag:$0x1] =	stream.indirect.gather [hbm4b:s3+s7], $0x80, s13, s7, $0xb8;
	[tilespmem:$0x5000] =	vst v63  }
0x2a1: {  	_ =	swait.ge [sflag:s8], $0x2000  }
0x2a2: {  	s0 =	sld [smem:$0x7D0]  }
0x2a3: {  	[sflag:s8] =	ssyncset.done $0x0  }
0x2a4: {  	[sflag:s8] =	ssyncadd.s32 $0xFFFFE000  }
0x2a5: {  	[hbm4b:s0+s2] =	stream.linear.scatter [tilespmem:s5], [sflag:$0x3], $0x2000, $0x38;
	[tilespmem:$0x5000] =	vst v63  }
0x2a6: {  	_ =	swait.ge [sflag:s4], $0x2000  }
0x2a7: {  	[sflag:s4] =	ssyncset.done $0x0  }
0x2a8: {  	[sflag:s4] =	ssyncadd.s32 $0xFFFFE000  }
0x2a9: {  	[tilespmem:s5], [sflag:$0x2] =	stream.indirect.gather [hbm4b:s3+s7], $0x80, s12, s7, $0xb8;
	[tilespmem:$0x5000] =	vst v63  }
0x2aa: {  	_ =	swait.ge [sflag:s9], $0x2000  }
0x2ab: {  	s0 =	sld [smem:$0x7D1]  }
0x2ac: {  	[sflag:s9] =	ssyncset.done $0x0  }
0x2ad: {  	[sflag:s9] =	ssyncadd.s32 $0xFFFFE000  }
0x2ae: {  	[hbm4b:s0+s2] =	stream.linear.scatter [tilespmem:s6], [sflag:$0x3], $0x2000, $0x38;
	[tilespmem:$0x5000] =	vst v63  }
0x2af: {  	_ =	swait.ge [sflag:s4], $0x2000  }
0x2b0: {  	[sflag:s4] =	ssyncset.done $0x0  }
0x2b1: {  	[sflag:s4] =	ssyncadd.s32 $0xFFFFE000  }
0x2b2: {  	[tilespmem:s6], [sflag:$0x1] =	stream.indirect.gather [hbm4b:s3+s7], $0x80, s11, s7, $0xb8;
	[tilespmem:$0x5000] =	vst v63  }
0x2b3: {  	_ =	swait.ge [sflag:s8], $0x2000  }
0x2b4: {  	s0 =	sld [smem:$0x7D2]  }
0x2b5: {  	[sflag:s8] =	ssyncset.done $0x0  }
0x2b6: {  	[sflag:s8] =	ssyncadd.s32 $0xFFFFE000  }
0x2b7: {  	[hbm4b:s0+s2] =	stream.linear.scatter [tilespmem:s5], [sflag:$0x3], $0x2000, $0x38;
	[tilespmem:$0x5000] =	vst v63  }
0x2b8: {  	_ =	swait.ge [sflag:s4], $0x2000  }
0x2b9: {  	[sflag:s4] =	ssyncset.done $0x0  }
0x2ba: {  	[sflag:s4] =	ssyncadd.s32 $0xFFFFE000  }
0x2bb: {  	[tilespmem:s5], [sflag:$0x2] =	stream.indirect.gather [hbm4b:s3+s7], $0x80, s10, s7, $0xb8;
	[tilespmem:$0x5000] =	vst v63  }
0x2bc: {  	_ =	swait.ge [sflag:s9], $0x2000  }
0x2bd: {  	s0 =	sld [smem:$0x7D3]  }
0x2be: {  	[sflag:s9] =	ssyncset.done $0x0  }
0x2bf: {  	[sflag:s9] =	ssyncadd.s32 $0xFFFFE000  }
0x2c0: {  	[hbm4b:s0+s2] =	stream.linear.scatter [tilespmem:s6], [sflag:$0x3], $0x2000, $0x38;
	[tilespmem:$0x5000] =	vst v63  }
0x2c1: {  	_ =	swait.ge [sflag:s4], $0x2000  }
0x2c2: {  	[sflag:s4] =	ssyncset.done $0x0  }
0x2c3: {  	[sflag:s4] =	ssyncadd.s32 $0xFFFFE000  }
0x2c4: {  	_ =	swait.ge [sflag:s8], $0x2000  }
0x2c5: {  	p1 =	sne.s32 s1, $0x1;
	s0 =	sld [smem:$0x7D4]  }
.Ltmp1:
0x2c6: {  	[sflag:s8] =	ssyncset.done $0x0;
	(pc) =	sbr.rel @!p1 .LBB2_3-.Ltmp1, $4  }
0x2c7: {  	[sflag:s8] =	ssyncadd.s32 $0xFFFFE000  }
0x2c8: {  	[hbm4b:s0+s2] =	stream.linear.scatter [tilespmem:s5], [sflag:$0x3], $0x2000, $0x38;
	[tilespmem:$0x5000] =	vst v63  }
0x2c9: {  	s1 =	sadd.s32 $0xFFFFFFFF, s1;
	_ =	swait.ge [sflag:s4], $0x2000  }
0x2ca: {  	p0 =	por $0x1, $0x1;
	s0 =	rddreg [dreg:$0x3];
	[sflag:s4] =	ssyncset.done $0x0  }
.LBB2_2:
0x2cb: {  	[sflag:s4] =	ssyncadd.s32 $0xFFFFE000  }
0x2cc: {  	[tilespmem:s2], [sflag:$0x3] =	stream.linear.gather [hbm4b:s0+s2], $0x1000, $0x38;
	[tilespmem:$0x5000] =	vst v63  }
0x2cd: {  	_ =	swait.ge [sflag:s4], $0x1000  }
0x2ce: {  	[sflag:s4] =	ssyncset.done $0x0  }
0x2cf: {  	[sflag:s4] =	ssyncadd.s32 $0xFFFFF000  }
0x2d0: {  	[tilespmem:s6], [sflag:$0x1] =	stream.indirect.gather [hbm4b:s3+s7], $0x80, s2, s7, $0xb8;
	[tilespmem:$0x5000] =	vst v63  }
0x2d1: {  	_ = 	snop  }
0x2d2: {  	[tilespmem:s5], [sflag:$0x2] =	stream.indirect.gather [hbm4b:s3+s7], $0x80, s7, s7, $0xb8;
	[tilespmem:$0x5000] =	vst v63  }
0x2d3: {  	_ =	swait.ge [sflag:s9], $0x2000  }
0x2d4: {  	[sflag:s9] =	ssyncset.done $0x0  }
0x2d5: {  	s0 =	rddreg [dreg:$0x4];
	[sflag:s9] =	ssyncadd.s32 $0xFFFFE000  }
0x2d6: {  	[hbm4b:s0+s2] =	stream.linear.scatter [tilespmem:s6], [sflag:$0x3], $0x2000, $0x38;
	[tilespmem:$0x5000] =	vst v63  }
0x2d7: {  	_ =	swait.ge [sflag:s4], $0x2000  }
0x2d8: {  	s0 =	sld [smem:$0x7D5]  }
0x2d9: {  	[sflag:s4] =	ssyncset.done $0x0  }
0x2da: {  	[sflag:s4] =	ssyncadd.s32 $0xFFFFE000  }
0x2db: {  	[tilespmem:s6], [sflag:$0x1] =	stream.indirect.gather [hbm4b:s3+s7], $0x80, s0, s7, $0xb8;
	[tilespmem:$0x5000] =	vst v63  }
0x2dc: {  	_ =	swait.ge [sflag:s8], $0x2000  }
0x2dd: {  	[sflag:s8] =	ssyncset.done $0x0  }
0x2de: {  	s0 =	rddreg [dreg:$0x5];
	[sflag:s8] =	ssyncadd.s32 $0xFFFFE000  }
0x2df: {  	[hbm4b:s0+s2] =	stream.linear.scatter [tilespmem:s5], [sflag:$0x3], $0x2000, $0x38;
	[tilespmem:$0x5000] =	vst v63  }
0x2e0: {  	_ =	swait.ge [sflag:s4], $0x2000  }
0x2e1: {  	s0 =	sld [smem:$0x7D6]  }
0x2e2: {  	[sflag:s4] =	ssyncset.done $0x0  }
0x2e3: {  	[sflag:s4] =	ssyncadd.s32 $0xFFFFE000  }
0x2e4: {  	[tilespmem:s5], [sflag:$0x2] =	stream.indirect.gather [hbm4b:s3+s7], $0x80, s0, s7, $0xb8;
	[tilespmem:$0x5000] =	vst v63  }
0x2e5: {  	_ =	swait.ge [sflag:s9], $0x2000  }
0x2e6: {  	[sflag:s9] =	ssyncset.done $0x0  }
0x2e7: {  	s0 =	rddreg [dreg:$0x6];
	[sflag:s9] =	ssyncadd.s32 $0xFFFFE000  }
0x2e8: {  	[hbm4b:s0+s2] =	stream.linear.scatter [tilespmem:s6], [sflag:$0x3], $0x2000, $0x38;
	[tilespmem:$0x5000] =	vst v63  }
0x2e9: {  	_ =	swait.ge [sflag:s4], $0x2000  }
0x2ea: {  	s0 =	sld [smem:$0x7D7]  }
0x2eb: {  	[sflag:s4] =	ssyncset.done $0x0  }
0x2ec: {  	[sflag:s4] =	ssyncadd.s32 $0xFFFFE000  }
0x2ed: {  	[tilespmem:s6], [sflag:$0x1] =	stream.indirect.gather [hbm4b:s3+s7], $0x80, s0, s7, $0xb8;
	[tilespmem:$0x5000] =	vst v63  }
0x2ee: {  	_ =	swait.ge [sflag:s8], $0x2000  }
0x2ef: {  	[sflag:s8] =	ssyncset.done $0x0  }
0x2f0: {  	s0 =	rddreg [dreg:$0x7];
	[sflag:s8] =	ssyncadd.s32 $0xFFFFE000  }
0x2f1: {  	[hbm4b:s0+s2] =	stream.linear.scatter [tilespmem:s5], [sflag:$0x3], $0x2000, $0x38;
	[tilespmem:$0x5000] =	vst v63  }
0x2f2: {  	_ =	swait.ge [sflag:s4], $0x2000  }
0x2f3: {  	s0 =	sld [smem:$0x7D8]  }
0x2f4: {  	[sflag:s4] =	ssyncset.done $0x0  }
0x2f5: {  	[sflag:s4] =	ssyncadd.s32 $0xFFFFE000  }
0x2f6: {  	[tilespmem:s5], [sflag:$0x2] =	stream.indirect.gather [hbm4b:s3+s7], $0x80, s0, s7, $0xb8;
	[tilespmem:$0x5000] =	vst v63  }
0x2f7: {  	_ =	swait.ge [sflag:s9], $0x2000  }
0x2f8: {  	[sflag:s9] =	ssyncset.done $0x0  }
0x2f9: {  	s0 =	rddreg [dreg:$0x8];
	[sflag:s9] =	ssyncadd.s32 $0xFFFFE000  }
0x2fa: {  	[hbm4b:s0+s2] =	stream.linear.scatter [tilespmem:s6], [sflag:$0x3], $0x2000, $0x38;
	[tilespmem:$0x5000] =	vst v63  }
0x2fb: {  	_ =	swait.ge [sflag:s4], $0x2000  }
0x2fc: {  	s0 =	sld [smem:$0x7D9]  }
0x2fd: {  	[sflag:s4] =	ssyncset.done $0x0  }
0x2fe: {  	[sflag:s4] =	ssyncadd.s32 $0xFFFFE000  }
0x2ff: {  	[tilespmem:s6], [sflag:$0x1] =	stream.indirect.gather [hbm4b:s3+s7], $0x80, s0, s7, $0xb8;
	[tilespmem:$0x5000] =	vst v63  }
0x300: {  	_ =	swait.ge [sflag:s8], $0x2000  }
0x301: {  	[sflag:s8] =	ssyncset.done $0x0  }
0x302: {  	s0 =	rddreg [dreg:$0x9];
	[sflag:s8] =	ssyncadd.s32 $0xFFFFE000  }
0x303: {  	[hbm4b:s0+s2] =	stream.linear.scatter [tilespmem:s5], [sflag:$0x3], $0x2000, $0x38;
	[tilespmem:$0x5000] =	vst v63  }
0x304: {  	_ =	swait.ge [sflag:s4], $0x2000  }
0x305: {  	s0 =	sld [smem:$0x7DA]  }
0x306: {  	[sflag:s4] =	ssyncset.done $0x0  }
0x307: {  	[sflag:s4] =	ssyncadd.s32 $0xFFFFE000  }
0x308: {  	[tilespmem:s5], [sflag:$0x2] =	stream.indirect.gather [hbm4b:s3+s7], $0x80, s0, s7, $0xb8;
	[tilespmem:$0x5000] =	vst v63  }
0x309: {  	_ =	swait.ge [sflag:s9], $0x2000  }
0x30a: {  	[sflag:s9] =	ssyncset.done $0x0  }
0x30b: {  	s0 =	rddreg [dreg:$0xa];
	[sflag:s9] =	ssyncadd.s32 $0xFFFFE000  }
0x30c: {  	[hbm4b:s0+s2] =	stream.linear.scatter [tilespmem:s6], [sflag:$0x3], $0x2000, $0x38;
	[tilespmem:$0x5000] =	vst v63  }
0x30d: {  	_ =	swait.ge [sflag:s4], $0x2000  }
0x30e: {  	s0 =	sld [smem:$0x7DB]  }
0x30f: {  	[sflag:s4] =	ssyncset.done $0x0  }
0x310: {  	[sflag:s4] =	ssyncadd.s32 $0xFFFFE000  }
0x311: {  	[tilespmem:s6], [sflag:$0x1] =	stream.indirect.gather [hbm4b:s3+s7], $0x80, s0, s7, $0xb8;
	[tilespmem:$0x5000] =	vst v63  }
0x312: {  	_ =	swait.ge [sflag:s8], $0x2000  }
0x313: {  	[sflag:s8] =	ssyncset.done $0x0  }
0x314: {  	s0 =	rddreg [dreg:$0xb];
	[sflag:s8] =	ssyncadd.s32 $0xFFFFE000  }
0x315: {  	[hbm4b:s0+s2] =	stream.linear.scatter [tilespmem:s5], [sflag:$0x3], $0x2000, $0x38;
	[tilespmem:$0x5000] =	vst v63  }
0x316: {  	_ =	swait.ge [sflag:s4], $0x2000  }
0x317: {  	s0 =	sld [smem:$0x7DC]  }
0x318: {  	[sflag:s4] =	ssyncset.done $0x0  }
0x319: {  	[sflag:s4] =	ssyncadd.s32 $0xFFFFE000  }
0x31a: {  	[tilespmem:s5], [sflag:$0x2] =	stream.indirect.gather [hbm4b:s3+s7], $0x80, s0, s7, $0xb8;
	[tilespmem:$0x5000] =	vst v63  }
0x31b: {  	_ =	swait.ge [sflag:s9], $0x2000  }
0x31c: {  	[sflag:s9] =	ssyncset.done $0x0  }
0x31d: {  	s0 =	rddreg [dreg:$0xc];
	[sflag:s9] =	ssyncadd.s32 $0xFFFFE000  }
0x31e: {  	[hbm4b:s0+s2] =	stream.linear.scatter [tilespmem:s6], [sflag:$0x3], $0x2000, $0x38;
	[tilespmem:$0x5000] =	vst v63  }
0x31f: {  	_ =	swait.ge [sflag:s4], $0x2000  }
0x320: {  	s0 =	sld [smem:$0x7DD]  }
0x321: {  	[sflag:s4] =	ssyncset.done $0x0  }
0x322: {  	[sflag:s4] =	ssyncadd.s32 $0xFFFFE000  }
0x323: {  	[tilespmem:s6], [sflag:$0x1] =	stream.indirect.gather [hbm4b:s3+s7], $0x80, s0, s7, $0xb8;
	[tilespmem:$0x5000] =	vst v63  }
0x324: {  	_ =	swait.ge [sflag:s8], $0x2000  }
0x325: {  	[sflag:s8] =	ssyncset.done $0x0  }
0x326: {  	s0 =	rddreg [dreg:$0xd];
	[sflag:s8] =	ssyncadd.s32 $0xFFFFE000  }
0x327: {  	[hbm4b:s0+s2] =	stream.linear.scatter [tilespmem:s5], [sflag:$0x3], $0x2000, $0x38;
	[tilespmem:$0x5000] =	vst v63  }
0x328: {  	_ =	swait.ge [sflag:s4], $0x2000  }
0x329: {  	s0 =	sld [smem:$0x7DE]  }
0x32a: {  	[sflag:s4] =	ssyncset.done $0x0  }
0x32b: {  	[sflag:s4] =	ssyncadd.s32 $0xFFFFE000  }
0x32c: {  	[tilespmem:s5], [sflag:$0x2] =	stream.indirect.gather [hbm4b:s3+s7], $0x80, s0, s7, $0xb8;
	[tilespmem:$0x5000] =	vst v63  }
0x32d: {  	_ =	swait.ge [sflag:s9], $0x2000  }
0x32e: {  	[sflag:s9] =	ssyncset.done $0x0  }
0x32f: {  	s0 =	rddreg [dreg:$0xe];
	[sflag:s9] =	ssyncadd.s32 $0xFFFFE000  }
0x330: {  	[hbm4b:s0+s2] =	stream.linear.scatter [tilespmem:s6], [sflag:$0x3], $0x2000, $0x38;
	[tilespmem:$0x5000] =	vst v63  }
0x331: {  	_ =	swait.ge [sflag:s4], $0x2000  }
0x332: {  	s0 =	sld [smem:$0x7DF]  }
0x333: {  	[sflag:s4] =	ssyncset.done $0x0  }
0x334: {  	[sflag:s4] =	ssyncadd.s32 $0xFFFFE000  }
0x335: {  	[tilespmem:s6], [sflag:$0x1] =	stream.indirect.gather [hbm4b:s3+s7], $0x80, s0, s7, $0xb8;
	[tilespmem:$0x5000] =	vst v63  }
0x336: {  	_ =	swait.ge [sflag:s8], $0x2000  }
0x337: {  	[sflag:s8] =	ssyncset.done $0x0  }
0x338: {  	s0 =	rddreg [dreg:$0xf];
	[sflag:s8] =	ssyncadd.s32 $0xFFFFE000  }
0x339: {  	[hbm4b:s0+s2] =	stream.linear.scatter [tilespmem:s5], [sflag:$0x3], $0x2000, $0x38;
	[tilespmem:$0x5000] =	vst v63  }
0x33a: {  	_ =	swait.ge [sflag:s4], $0x2000  }
0x33b: {  	s0 =	sld [smem:$0x7E0]  }
0x33c: {  	[sflag:s4] =	ssyncset.done $0x0  }
0x33d: {  	[sflag:s4] =	ssyncadd.s32 $0xFFFFE000  }
0x33e: {  	[tilespmem:s5], [sflag:$0x2] =	stream.indirect.gather [hbm4b:s3+s7], $0x80, s0, s7, $0xb8;
	[tilespmem:$0x5000] =	vst v63  }
0x33f: {  	_ =	swait.ge [sflag:s9], $0x2000  }
0x340: {  	[sflag:s9] =	ssyncset.done $0x0  }
0x341: {  	s0 =	rddreg [dreg:$0x10];
	[sflag:s9] =	ssyncadd.s32 $0xFFFFE000  }
0x342: {  	[hbm4b:s0+s2] =	stream.linear.scatter [tilespmem:s6], [sflag:$0x3], $0x2000, $0x38;
	[tilespmem:$0x5000] =	vst v63  }
0x343: {  	_ =	swait.ge [sflag:s4], $0x2000  }
0x344: {  	s0 =	sld [smem:$0x7E1]  }
0x345: {  	[sflag:s4] =	ssyncset.done $0x0  }
0x346: {  	[sflag:s4] =	ssyncadd.s32 $0xFFFFE000  }
0x347: {  	[tilespmem:s6], [sflag:$0x1] =	stream.indirect.gather [hbm4b:s3+s7], $0x80, s0, s7, $0xb8;
	[tilespmem:$0x5000] =	vst v63  }
0x348: {  	_ =	swait.ge [sflag:s8], $0x2000  }
0x349: {  	[sflag:s8] =	ssyncset.done $0x0  }
0x34a: {  	s0 =	rddreg [dreg:$0x11];
	[sflag:s8] =	ssyncadd.s32 $0xFFFFE000  }
0x34b: {  	[hbm4b:s0+s2] =	stream.linear.scatter [tilespmem:s5], [sflag:$0x3], $0x2000, $0x38;
	[tilespmem:$0x5000] =	vst v63  }
0x34c: {  	_ =	swait.ge [sflag:s4], $0x2000  }
0x34d: {  	s0 =	sld [smem:$0x7E2]  }
0x34e: {  	[sflag:s4] =	ssyncset.done $0x0  }
0x34f: {  	[sflag:s4] =	ssyncadd.s32 $0xFFFFE000  }
0x350: {  	[tilespmem:s5], [sflag:$0x2] =	stream.indirect.gather [hbm4b:s3+s7], $0x80, s0, s7, $0xb8;
	[tilespmem:$0x5000] =	vst v63  }
0x351: {  	_ =	swait.ge [sflag:s9], $0x2000  }
0x352: {  	[sflag:s9] =	ssyncset.done $0x0  }
0x353: {  	s0 =	rddreg [dreg:$0x12];
	[sflag:s9] =	ssyncadd.s32 $0xFFFFE000  }
0x354: {  	[hbm4b:s0+s2] =	stream.linear.scatter [tilespmem:s6], [sflag:$0x3], $0x2000, $0x38;
	[tilespmem:$0x5000] =	vst v63  }
0x355: {  	_ =	swait.ge [sflag:s4], $0x2000  }
0x356: {  	s0 =	sld [smem:$0x7E3]  }
0x357: {  	[sflag:s4] =	ssyncset.done $0x0  }
0x358: {  	[sflag:s4] =	ssyncadd.s32 $0xFFFFE000  }
0x359: {  	[tilespmem:s6], [sflag:$0x1] =	stream.indirect.gather [hbm4b:s3+s7], $0x80, s0, s7, $0xb8;
	[tilespmem:$0x5000] =	vst v63  }
0x35a: {  	_ =	swait.ge [sflag:s8], $0x2000  }
0x35b: {  	[sflag:s8] =	ssyncset.done $0x0  }
0x35c: {  	s0 =	rddreg [dreg:$0x13];
	[sflag:s8] =	ssyncadd.s32 $0xFFFFE000  }
0x35d: {  	[hbm4b:s0+s2] =	stream.linear.scatter [tilespmem:s5], [sflag:$0x3], $0x2000, $0x38;
	[tilespmem:$0x5000] =	vst v63  }
0x35e: {  	_ =	swait.ge [sflag:s4], $0x2000  }
0x35f: {  	s0 =	sld [smem:$0x7E4]  }
0x360: {  	[sflag:s4] =	ssyncset.done $0x0  }
0x361: {  	[sflag:s4] =	ssyncadd.s32 $0xFFFFE000  }
0x362: {  	[tilespmem:s5], [sflag:$0x2] =	stream.indirect.gather [hbm4b:s3+s7], $0x80, s0, s7, $0xb8;
	[tilespmem:$0x5000] =	vst v63  }
0x363: {  	_ =	swait.ge [sflag:s9], $0x2000  }
0x364: {  	[sflag:s9] =	ssyncset.done $0x0  }
0x365: {  	s0 =	rddreg [dreg:$0x14];
	[sflag:s9] =	ssyncadd.s32 $0xFFFFE000  }
0x366: {  	[hbm4b:s0+s2] =	stream.linear.scatter [tilespmem:s6], [sflag:$0x3], $0x2000, $0x38;
	[tilespmem:$0x5000] =	vst v63  }
0x367: {  	_ =	swait.ge [sflag:s4], $0x2000  }
0x368: {  	s0 =	sld [smem:$0x7E5]  }
0x369: {  	[sflag:s4] =	ssyncset.done $0x0  }
0x36a: {  	[sflag:s4] =	ssyncadd.s32 $0xFFFFE000  }
0x36b: {  	[tilespmem:s6], [sflag:$0x1] =	stream.indirect.gather [hbm4b:s3+s7], $0x80, s0, s7, $0xb8;
	[tilespmem:$0x5000] =	vst v63  }
0x36c: {  	_ =	swait.ge [sflag:s8], $0x2000  }
0x36d: {  	[sflag:s8] =	ssyncset.done $0x0  }
0x36e: {  	s0 =	rddreg [dreg:$0x15];
	[sflag:s8] =	ssyncadd.s32 $0xFFFFE000  }
0x36f: {  	[hbm4b:s0+s2] =	stream.linear.scatter [tilespmem:s5], [sflag:$0x3], $0x2000, $0x38;
	[tilespmem:$0x5000] =	vst v63  }
0x370: {  	_ =	swait.ge [sflag:s4], $0x2000  }
0x371: {  	s0 =	sld [smem:$0x7E6]  }
0x372: {  	[sflag:s4] =	ssyncset.done $0x0  }
0x373: {  	[sflag:s4] =	ssyncadd.s32 $0xFFFFE000  }
0x374: {  	[tilespmem:s5], [sflag:$0x2] =	stream.indirect.gather [hbm4b:s3+s7], $0x80, s0, s7, $0xb8;
	[tilespmem:$0x5000] =	vst v63  }
0x375: {  	_ =	swait.ge [sflag:s9], $0x2000  }
0x376: {  	[sflag:s9] =	ssyncset.done $0x0  }
0x377: {  	s0 =	rddreg [dreg:$0x16];
	[sflag:s9] =	ssyncadd.s32 $0xFFFFE000  }
0x378: {  	[hbm4b:s0+s2] =	stream.linear.scatter [tilespmem:s6], [sflag:$0x3], $0x2000, $0x38;
	[tilespmem:$0x5000] =	vst v63  }
0x379: {  	_ =	swait.ge [sflag:s4], $0x2000  }
0x37a: {  	s0 =	sld [smem:$0x7E7]  }
0x37b: {  	[sflag:s4] =	ssyncset.done $0x0  }
0x37c: {  	[sflag:s4] =	ssyncadd.s32 $0xFFFFE000  }
0x37d: {  	[tilespmem:s6], [sflag:$0x1] =	stream.indirect.gather [hbm4b:s3+s7], $0x80, s0, s7, $0xb8;
	[tilespmem:$0x5000] =	vst v63  }
0x37e: {  	_ =	swait.ge [sflag:s8], $0x2000  }
0x37f: {  	[sflag:s8] =	ssyncset.done $0x0  }
0x380: {  	s0 =	rddreg [dreg:$0x17];
	[sflag:s8] =	ssyncadd.s32 $0xFFFFE000  }
0x381: {  	[hbm4b:s0+s2] =	stream.linear.scatter [tilespmem:s5], [sflag:$0x3], $0x2000, $0x38;
	[tilespmem:$0x5000] =	vst v63  }
0x382: {  	_ =	swait.ge [sflag:s4], $0x2000  }
0x383: {  	s0 =	sld [smem:$0x7E8]  }
0x384: {  	[sflag:s4] =	ssyncset.done $0x0  }
0x385: {  	[sflag:s4] =	ssyncadd.s32 $0xFFFFE000  }
0x386: {  	[tilespmem:s5], [sflag:$0x2] =	stream.indirect.gather [hbm4b:s3+s7], $0x80, s0, s7, $0xb8;
	[tilespmem:$0x5000] =	vst v63  }
0x387: {  	_ =	swait.ge [sflag:s9], $0x2000  }
0x388: {  	[sflag:s9] =	ssyncset.done $0x0  }
0x389: {  	s0 =	rddreg [dreg:$0x18];
	[sflag:s9] =	ssyncadd.s32 $0xFFFFE000  }
0x38a: {  	[hbm4b:s0+s2] =	stream.linear.scatter [tilespmem:s6], [sflag:$0x3], $0x2000, $0x38;
	[tilespmem:$0x5000] =	vst v63  }
0x38b: {  	_ =	swait.ge [sflag:s4], $0x2000  }
0x38c: {  	s0 =	sld [smem:$0x7E9]  }
0x38d: {  	[sflag:s4] =	ssyncset.done $0x0  }
0x38e: {  	[sflag:s4] =	ssyncadd.s32 $0xFFFFE000  }
0x38f: {  	[tilespmem:s6], [sflag:$0x1] =	stream.indirect.gather [hbm4b:s3+s7], $0x80, s0, s7, $0xb8;
	[tilespmem:$0x5000] =	vst v63  }
0x390: {  	_ =	swait.ge [sflag:s8], $0x2000  }
0x391: {  	[sflag:s8] =	ssyncset.done $0x0  }
0x392: {  	s0 =	rddreg [dreg:$0x19];
	[sflag:s8] =	ssyncadd.s32 $0xFFFFE000  }
0x393: {  	[hbm4b:s0+s2] =	stream.linear.scatter [tilespmem:s5], [sflag:$0x3], $0x2000, $0x38;
	[tilespmem:$0x5000] =	vst v63  }
0x394: {  	_ =	swait.ge [sflag:s4], $0x2000  }
0x395: {  	s0 =	sld [smem:$0x7EA]  }
0x396: {  	[sflag:s4] =	ssyncset.done $0x0  }
0x397: {  	[sflag:s4] =	ssyncadd.s32 $0xFFFFE000  }
0x398: {  	[tilespmem:s5], [sflag:$0x2] =	stream.indirect.gather [hbm4b:s3+s7], $0x80, s0, s7, $0xb8;
	[tilespmem:$0x5000] =	vst v63  }
0x399: {  	_ =	swait.ge [sflag:s9], $0x2000  }
0x39a: {  	[sflag:s9] =	ssyncset.done $0x0  }
0x39b: {  	s0 =	rddreg [dreg:$0x1a];
	[sflag:s9] =	ssyncadd.s32 $0xFFFFE000  }
0x39c: {  	[hbm4b:s0+s2] =	stream.linear.scatter [tilespmem:s6], [sflag:$0x3], $0x2000, $0x38;
	[tilespmem:$0x5000] =	vst v63  }
0x39d: {  	_ =	swait.ge [sflag:s4], $0x2000  }
0x39e: {  	s0 =	sld [smem:$0x7EB]  }
0x39f: {  	[sflag:s4] =	ssyncset.done $0x0  }
0x3a0: {  	[sflag:s4] =	ssyncadd.s32 $0xFFFFE000  }
0x3a1: {  	[tilespmem:s6], [sflag:$0x1] =	stream.indirect.gather [hbm4b:s3+s7], $0x80, s0, s7, $0xb8;
	[tilespmem:$0x5000] =	vst v63  }
0x3a2: {  	_ =	swait.ge [sflag:s8], $0x2000  }
0x3a3: {  	[sflag:s8] =	ssyncset.done $0x0  }
0x3a4: {  	s0 =	rddreg [dreg:$0x1b];
	[sflag:s8] =	ssyncadd.s32 $0xFFFFE000  }
0x3a5: {  	[hbm4b:s0+s2] =	stream.linear.scatter [tilespmem:s5], [sflag:$0x3], $0x2000, $0x38;
	[tilespmem:$0x5000] =	vst v63  }
0x3a6: {  	_ =	swait.ge [sflag:s4], $0x2000  }
0x3a7: {  	s0 =	sld [smem:$0x7EC]  }
0x3a8: {  	[sflag:s4] =	ssyncset.done $0x0  }
0x3a9: {  	[sflag:s4] =	ssyncadd.s32 $0xFFFFE000  }
0x3aa: {  	[tilespmem:s5], [sflag:$0x2] =	stream.indirect.gather [hbm4b:s3+s7], $0x80, s0, s7, $0xb8;
	[tilespmem:$0x5000] =	vst v63  }
0x3ab: {  	_ =	swait.ge [sflag:s9], $0x2000  }
0x3ac: {  	[sflag:s9] =	ssyncset.done $0x0  }
0x3ad: {  	s0 =	rddreg [dreg:$0x1c];
	[sflag:s9] =	ssyncadd.s32 $0xFFFFE000  }
0x3ae: {  	[hbm4b:s0+s2] =	stream.linear.scatter [tilespmem:s6], [sflag:$0x3], $0x2000, $0x38;
	[tilespmem:$0x5000] =	vst v63  }
0x3af: {  	_ =	swait.ge [sflag:s4], $0x2000  }
0x3b0: {  	s0 =	sld [smem:$0x7ED]  }
0x3b1: {  	[sflag:s4] =	ssyncset.done $0x0  }
0x3b2: {  	[sflag:s4] =	ssyncadd.s32 $0xFFFFE000  }
0x3b3: {  	[tilespmem:s6], [sflag:$0x1] =	stream.indirect.gather [hbm4b:s3+s7], $0x80, s0, s7, $0xb8;
	[tilespmem:$0x5000] =	vst v63  }
0x3b4: {  	_ =	swait.ge [sflag:s8], $0x2000  }
0x3b5: {  	[sflag:s8] =	ssyncset.done $0x0  }
0x3b6: {  	s0 =	rddreg [dreg:$0x1d];
	[sflag:s8] =	ssyncadd.s32 $0xFFFFE000  }
0x3b7: {  	[hbm4b:s0+s2] =	stream.linear.scatter [tilespmem:s5], [sflag:$0x3], $0x2000, $0x38;
	[tilespmem:$0x5000] =	vst v63  }
0x3b8: {  	_ =	swait.ge [sflag:s4], $0x2000  }
0x3b9: {  	s0 =	sld [smem:$0x7EE]  }
0x3ba: {  	[sflag:s4] =	ssyncset.done $0x0  }
0x3bb: {  	[sflag:s4] =	ssyncadd.s32 $0xFFFFE000  }
0x3bc: {  	[tilespmem:s5], [sflag:$0x2] =	stream.indirect.gather [hbm4b:s3+s7], $0x80, s0, s7, $0xb8;
	[tilespmem:$0x5000] =	vst v63  }
0x3bd: {  	_ =	swait.ge [sflag:s9], $0x2000  }
0x3be: {  	[sflag:s9] =	ssyncset.done $0x0  }
0x3bf: {  	s0 =	rddreg [dreg:$0x1e];
	[sflag:s9] =	ssyncadd.s32 $0xFFFFE000  }
0x3c0: {  	[hbm4b:s0+s2] =	stream.linear.scatter [tilespmem:s6], [sflag:$0x3], $0x2000, $0x38;
	[tilespmem:$0x5000] =	vst v63  }
0x3c1: {  	_ =	swait.ge [sflag:s4], $0x2000  }
0x3c2: {  	s0 =	sld [smem:$0x7EF]  }
0x3c3: {  	[sflag:s4] =	ssyncset.done $0x0  }
0x3c4: {  	[sflag:s4] =	ssyncadd.s32 $0xFFFFE000  }
0x3c5: {  	[tilespmem:s6], [sflag:$0x1] =	stream.indirect.gather [hbm4b:s3+s7], $0x80, s0, s7, $0xb8;
	[tilespmem:$0x5000] =	vst v63  }
0x3c6: {  	_ =	swait.ge [sflag:s8], $0x2000  }
0x3c7: {  	[sflag:s8] =	ssyncset.done $0x0  }
0x3c8: {  	s0 =	rddreg [dreg:$0x1f];
	[sflag:s8] =	ssyncadd.s32 $0xFFFFE000  }
0x3c9: {  	[hbm4b:s0+s2] =	stream.linear.scatter [tilespmem:s5], [sflag:$0x3], $0x2000, $0x38;
	[tilespmem:$0x5000] =	vst v63  }
0x3ca: {  	_ =	swait.ge [sflag:s4], $0x2000  }
0x3cb: {  	s0 =	sld [smem:$0x7F0]  }
0x3cc: {  	[sflag:s4] =	ssyncset.done $0x0  }
0x3cd: {  	[sflag:s4] =	ssyncadd.s32 $0xFFFFE000  }
0x3ce: {  	[tilespmem:s5], [sflag:$0x2] =	stream.indirect.gather [hbm4b:s3+s7], $0x80, s0, s7, $0xb8;
	[tilespmem:$0x5000] =	vst v63  }
0x3cf: {  	_ =	swait.ge [sflag:s9], $0x2000  }
0x3d0: {  	s0 =	sld [smem:$0x7B1]  }
0x3d1: {  	[sflag:s9] =	ssyncset.done $0x0  }
0x3d2: {  	[sflag:s9] =	ssyncadd.s32 $0xFFFFE000  }
0x3d3: {  	[hbm4b:s0+s2] =	stream.linear.scatter [tilespmem:s6], [sflag:$0x3], $0x2000, $0x38;
	[tilespmem:$0x5000] =	vst v63  }
0x3d4: {  	_ =	swait.ge [sflag:s4], $0x2000  }
0x3d5: {  	s0 =	sld [smem:$0x7F1]  }
0x3d6: {  	[sflag:s4] =	ssyncset.done $0x0  }
0x3d7: {  	[sflag:s4] =	ssyncadd.s32 $0xFFFFE000  }
0x3d8: {  	[tilespmem:s6], [sflag:$0x1] =	stream.indirect.gather [hbm4b:s3+s7], $0x80, s0, s7, $0xb8;
	[tilespmem:$0x5000] =	vst v63  }
0x3d9: {  	_ =	swait.ge [sflag:s8], $0x2000  }
0x3da: {  	s0 =	sld [smem:$0x7B2]  }
0x3db: {  	[sflag:s8] =	ssyncset.done $0x0  }
0x3dc: {  	[sflag:s8] =	ssyncadd.s32 $0xFFFFE000  }
0x3dd: {  	[hbm4b:s0+s2] =	stream.linear.scatter [tilespmem:s5], [sflag:$0x3], $0x2000, $0x38;
	[tilespmem:$0x5000] =	vst v63  }
0x3de: {  	_ =	swait.ge [sflag:s4], $0x2000  }
0x3df: {  	s0 =	sld [smem:$0x7F2]  }
0x3e0: {  	[sflag:s4] =	ssyncset.done $0x0  }
0x3e1: {  	[sflag:s4] =	ssyncadd.s32 $0xFFFFE000  }
0x3e2: {  	[tilespmem:s5], [sflag:$0x2] =	stream.indirect.gather [hbm4b:s3+s7], $0x80, s0, s7, $0xb8;
	[tilespmem:$0x5000] =	vst v63  }
0x3e3: {  	_ =	swait.ge [sflag:s9], $0x2000  }
0x3e4: {  	s0 =	sld [smem:$0x7B3]  }
0x3e5: {  	[sflag:s9] =	ssyncset.done $0x0  }
0x3e6: {  	[sflag:s9] =	ssyncadd.s32 $0xFFFFE000  }
0x3e7: {  	[hbm4b:s0+s2] =	stream.linear.scatter [tilespmem:s6], [sflag:$0x3], $0x2000, $0x38;
	[tilespmem:$0x5000] =	vst v63  }
0x3e8: {  	_ =	swait.ge [sflag:s4], $0x2000  }
0x3e9: {  	s0 =	sld [smem:$0x7F3]  }
0x3ea: {  	[sflag:s4] =	ssyncset.done $0x0  }
0x3eb: {  	[sflag:s4] =	ssyncadd.s32 $0xFFFFE000  }
0x3ec: {  	[tilespmem:s6], [sflag:$0x1] =	stream.indirect.gather [hbm4b:s3+s7], $0x80, s0, s7, $0xb8;
	[tilespmem:$0x5000] =	vst v63  }
0x3ed: {  	_ =	swait.ge [sflag:s8], $0x2000  }
0x3ee: {  	s0 =	sld [smem:$0x7B4]  }
0x3ef: {  	[sflag:s8] =	ssyncset.done $0x0  }
0x3f0: {  	[sflag:s8] =	ssyncadd.s32 $0xFFFFE000  }
0x3f1: {  	[hbm4b:s0+s2] =	stream.linear.scatter [tilespmem:s5], [sflag:$0x3], $0x2000, $0x38;
	[tilespmem:$0x5000] =	vst v63  }
0x3f2: {  	_ =	swait.ge [sflag:s4], $0x2000  }
0x3f3: {  	s0 =	sld [smem:$0x7F4]  }
0x3f4: {  	[sflag:s4] =	ssyncset.done $0x0  }
0x3f5: {  	[sflag:s4] =	ssyncadd.s32 $0xFFFFE000  }
0x3f6: {  	[tilespmem:s5], [sflag:$0x2] =	stream.indirect.gather [hbm4b:s3+s7], $0x80, s0, s7, $0xb8;
	[tilespmem:$0x5000] =	vst v63  }
0x3f7: {  	_ =	swait.ge [sflag:s9], $0x2000  }
0x3f8: {  	s0 =	sld [smem:$0x7B5]  }
0x3f9: {  	[sflag:s9] =	ssyncset.done $0x0  }
0x3fa: {  	[sflag:s9] =	ssyncadd.s32 $0xFFFFE000  }
0x3fb: {  	[hbm4b:s0+s2] =	stream.linear.scatter [tilespmem:s6], [sflag:$0x3], $0x2000, $0x38;
	[tilespmem:$0x5000] =	vst v63  }
0x3fc: {  	_ =	swait.ge [sflag:s4], $0x2000  }
0x3fd: {  	s0 =	sld [smem:$0x7F5]  }
0x3fe: {  	[sflag:s4] =	ssyncset.done $0x0  }
0x3ff: {  	[sflag:s4] =	ssyncadd.s32 $0xFFFFE000  }
0x400: {  	[tilespmem:s6], [sflag:$0x1] =	stream.indirect.gather [hbm4b:s3+s7], $0x80, s0, s7, $0xb8;
	[tilespmem:$0x5000] =	vst v63  }
0x401: {  	_ =	swait.ge [sflag:s8], $0x2000  }
0x402: {  	s0 =	sld [smem:$0x7B6]  }
0x403: {  	[sflag:s8] =	ssyncset.done $0x0  }
0x404: {  	[sflag:s8] =	ssyncadd.s32 $0xFFFFE000  }
0x405: {  	[hbm4b:s0+s2] =	stream.linear.scatter [tilespmem:s5], [sflag:$0x3], $0x2000, $0x38;
	[tilespmem:$0x5000] =	vst v63  }
0x406: {  	_ =	swait.ge [sflag:s4], $0x2000  }
0x407: {  	s0 =	sld [smem:$0x7F6]  }
0x408: {  	[sflag:s4] =	ssyncset.done $0x0  }
0x409: {  	[sflag:s4] =	ssyncadd.s32 $0xFFFFE000  }
0x40a: {  	[tilespmem:s5], [sflag:$0x2] =	stream.indirect.gather [hbm4b:s3+s7], $0x80, s0, s7, $0xb8;
	[tilespmem:$0x5000] =	vst v63  }
0x40b: {  	_ =	swait.ge [sflag:s9], $0x2000  }
0x40c: {  	s0 =	sld [smem:$0x7B7]  }
0x40d: {  	[sflag:s9] =	ssyncset.done $0x0  }
0x40e: {  	[sflag:s9] =	ssyncadd.s32 $0xFFFFE000  }
0x40f: {  	[hbm4b:s0+s2] =	stream.linear.scatter [tilespmem:s6], [sflag:$0x3], $0x2000, $0x38;
	[tilespmem:$0x5000] =	vst v63  }
0x410: {  	_ =	swait.ge [sflag:s4], $0x2000  }
0x411: {  	s0 =	sld [smem:$0x7F7]  }
0x412: {  	[sflag:s4] =	ssyncset.done $0x0  }
0x413: {  	[sflag:s4] =	ssyncadd.s32 $0xFFFFE000  }
0x414: {  	[tilespmem:s6], [sflag:$0x1] =	stream.indirect.gather [hbm4b:s3+s7], $0x80, s0, s7, $0xb8;
	[tilespmem:$0x5000] =	vst v63  }
0x415: {  	_ =	swait.ge [sflag:s8], $0x2000  }
0x416: {  	s0 =	sld [smem:$0x7B8]  }
0x417: {  	[sflag:s8] =	ssyncset.done $0x0  }
0x418: {  	[sflag:s8] =	ssyncadd.s32 $0xFFFFE000  }
0x419: {  	[hbm4b:s0+s2] =	stream.linear.scatter [tilespmem:s5], [sflag:$0x3], $0x2000, $0x38;
	[tilespmem:$0x5000] =	vst v63  }
0x41a: {  	_ =	swait.ge [sflag:s4], $0x2000  }
0x41b: {  	s0 =	sld [smem:$0x7F8]  }
0x41c: {  	[sflag:s4] =	ssyncset.done $0x0  }
0x41d: {  	[sflag:s4] =	ssyncadd.s32 $0xFFFFE000  }
0x41e: {  	[tilespmem:s5], [sflag:$0x2] =	stream.indirect.gather [hbm4b:s3+s7], $0x80, s0, s7, $0xb8;
	[tilespmem:$0x5000] =	vst v63  }
0x41f: {  	_ =	swait.ge [sflag:s9], $0x2000  }
0x420: {  	s0 =	sld [smem:$0x7B9]  }
0x421: {  	[sflag:s9] =	ssyncset.done $0x0  }
0x422: {  	[sflag:s9] =	ssyncadd.s32 $0xFFFFE000  }
0x423: {  	[hbm4b:s0+s2] =	stream.linear.scatter [tilespmem:s6], [sflag:$0x3], $0x2000, $0x38;
	[tilespmem:$0x5000] =	vst v63  }
0x424: {  	_ =	swait.ge [sflag:s4], $0x2000  }
0x425: {  	s0 =	sld [smem:$0x7F9]  }
0x426: {  	[sflag:s4] =	ssyncset.done $0x0  }
0x427: {  	[sflag:s4] =	ssyncadd.s32 $0xFFFFE000  }
0x428: {  	[tilespmem:s6], [sflag:$0x1] =	stream.indirect.gather [hbm4b:s3+s7], $0x80, s0, s7, $0xb8;
	[tilespmem:$0x5000] =	vst v63  }
0x429: {  	_ =	swait.ge [sflag:s8], $0x2000  }
0x42a: {  	s0 =	sld [smem:$0x7BA]  }
0x42b: {  	[sflag:s8] =	ssyncset.done $0x0  }
0x42c: {  	[sflag:s8] =	ssyncadd.s32 $0xFFFFE000  }
0x42d: {  	[hbm4b:s0+s2] =	stream.linear.scatter [tilespmem:s5], [sflag:$0x3], $0x2000, $0x38;
	[tilespmem:$0x5000] =	vst v63  }
0x42e: {  	_ =	swait.ge [sflag:s4], $0x2000  }
0x42f: {  	s0 =	sld [smem:$0x7FA]  }
0x430: {  	[sflag:s4] =	ssyncset.done $0x0  }
0x431: {  	[sflag:s4] =	ssyncadd.s32 $0xFFFFE000  }
0x432: {  	[tilespmem:s5], [sflag:$0x2] =	stream.indirect.gather [hbm4b:s3+s7], $0x80, s0, s7, $0xb8;
	[tilespmem:$0x5000] =	vst v63  }
0x433: {  	_ =	swait.ge [sflag:s9], $0x2000  }
0x434: {  	s0 =	sld [smem:$0x7BB]  }
0x435: {  	[sflag:s9] =	ssyncset.done $0x0  }
0x436: {  	[sflag:s9] =	ssyncadd.s32 $0xFFFFE000  }
0x437: {  	[hbm4b:s0+s2] =	stream.linear.scatter [tilespmem:s6], [sflag:$0x3], $0x2000, $0x38;
	[tilespmem:$0x5000] =	vst v63  }
0x438: {  	_ =	swait.ge [sflag:s4], $0x2000  }
0x439: {  	s0 =	sld [smem:$0x7FB]  }
0x43a: {  	[sflag:s4] =	ssyncset.done $0x0  }
0x43b: {  	[sflag:s4] =	ssyncadd.s32 $0xFFFFE000  }
0x43c: {  	[tilespmem:s6], [sflag:$0x1] =	stream.indirect.gather [hbm4b:s3+s7], $0x80, s0, s7, $0xb8;
	[tilespmem:$0x5000] =	vst v63  }
0x43d: {  	_ =	swait.ge [sflag:s8], $0x2000  }
0x43e: {  	s0 =	sld [smem:$0x7BC]  }
0x43f: {  	[sflag:s8] =	ssyncset.done $0x0  }
0x440: {  	[sflag:s8] =	ssyncadd.s32 $0xFFFFE000  }
0x441: {  	[hbm4b:s0+s2] =	stream.linear.scatter [tilespmem:s5], [sflag:$0x3], $0x2000, $0x38;
	[tilespmem:$0x5000] =	vst v63  }
0x442: {  	_ =	swait.ge [sflag:s4], $0x2000  }
0x443: {  	s0 =	sld [smem:$0x7FC]  }
0x444: {  	[sflag:s4] =	ssyncset.done $0x0  }
0x445: {  	[sflag:s4] =	ssyncadd.s32 $0xFFFFE000  }
0x446: {  	[tilespmem:s5], [sflag:$0x2] =	stream.indirect.gather [hbm4b:s3+s7], $0x80, s0, s7, $0xb8;
	[tilespmem:$0x5000] =	vst v63  }
0x447: {  	_ =	swait.ge [sflag:s9], $0x2000  }
0x448: {  	s0 =	sld [smem:$0x7BD]  }
0x449: {  	[sflag:s9] =	ssyncset.done $0x0  }
0x44a: {  	[sflag:s9] =	ssyncadd.s32 $0xFFFFE000  }
0x44b: {  	[hbm4b:s0+s2] =	stream.linear.scatter [tilespmem:s6], [sflag:$0x3], $0x2000, $0x38;
	[tilespmem:$0x5000] =	vst v63  }
0x44c: {  	_ =	swait.ge [sflag:s4], $0x2000  }
0x44d: {  	s0 =	sld [smem:$0x7FD]  }
0x44e: {  	[sflag:s4] =	ssyncset.done $0x0  }
0x44f: {  	[sflag:s4] =	ssyncadd.s32 $0xFFFFE000  }
0x450: {  	[tilespmem:s6], [sflag:$0x1] =	stream.indirect.gather [hbm4b:s3+s7], $0x80, s0, s7, $0xb8;
	[tilespmem:$0x5000] =	vst v63  }
0x451: {  	_ =	swait.ge [sflag:s8], $0x2000  }
0x452: {  	s0 =	sld [smem:$0x7BE]  }
0x453: {  	[sflag:s8] =	ssyncset.done $0x0  }
0x454: {  	[sflag:s8] =	ssyncadd.s32 $0xFFFFE000  }
0x455: {  	[hbm4b:s0+s2] =	stream.linear.scatter [tilespmem:s5], [sflag:$0x3], $0x2000, $0x38;
	[tilespmem:$0x5000] =	vst v63  }
0x456: {  	_ =	swait.ge [sflag:s4], $0x2000  }
0x457: {  	[sflag:s4] =	ssyncset.done $0x0  }
0x458: {  	[sflag:s4] =	ssyncadd.s32 $0xFFFFE000  }
0x459: {  	[tilespmem:s5], [sflag:$0x2] =	stream.indirect.gather [hbm4b:s3+s7], $0x80, s31, s7, $0xb8;
	[tilespmem:$0x5000] =	vst v63  }
0x45a: {  	_ =	swait.ge [sflag:s9], $0x2000  }
0x45b: {  	s0 =	sld [smem:$0x7BF]  }
0x45c: {  	[sflag:s9] =	ssyncset.done $0x0  }
0x45d: {  	[sflag:s9] =	ssyncadd.s32 $0xFFFFE000  }
0x45e: {  	[hbm4b:s0+s2] =	stream.linear.scatter [tilespmem:s6], [sflag:$0x3], $0x2000, $0x38;
	[tilespmem:$0x5000] =	vst v63  }
0x45f: {  	_ =	swait.ge [sflag:s4], $0x2000  }
0x460: {  	[sflag:s4] =	ssyncset.done $0x0  }
0x461: {  	[sflag:s4] =	ssyncadd.s32 $0xFFFFE000  }
0x462: {  	[tilespmem:s6], [sflag:$0x1] =	stream.indirect.gather [hbm4b:s3+s7], $0x80, s30, s7, $0xb8;
	[tilespmem:$0x5000] =	vst v63  }
0x463: {  	_ =	swait.ge [sflag:s8], $0x2000  }
0x464: {  	s0 =	sld [smem:$0x7C0]  }
0x465: {  	[sflag:s8] =	ssyncset.done $0x0  }
0x466: {  	[sflag:s8] =	ssyncadd.s32 $0xFFFFE000  }
0x467: {  	[hbm4b:s0+s2] =	stream.linear.scatter [tilespmem:s5], [sflag:$0x3], $0x2000, $0x38;
	[tilespmem:$0x5000] =	vst v63  }
0x468: {  	_ =	swait.ge [sflag:s4], $0x2000  }
0x469: {  	[sflag:s4] =	ssyncset.done $0x0  }
0x46a: {  	[sflag:s4] =	ssyncadd.s32 $0xFFFFE000  }
0x46b: {  	[tilespmem:s5], [sflag:$0x2] =	stream.indirect.gather [hbm4b:s3+s7], $0x80, s29, s7, $0xb8;
	[tilespmem:$0x5000] =	vst v63  }
0x46c: {  	_ =	swait.ge [sflag:s9], $0x2000  }
0x46d: {  	s0 =	sld [smem:$0x7C1]  }
0x46e: {  	[sflag:s9] =	ssyncset.done $0x0  }
0x46f: {  	[sflag:s9] =	ssyncadd.s32 $0xFFFFE000  }
0x470: {  	[hbm4b:s0+s2] =	stream.linear.scatter [tilespmem:s6], [sflag:$0x3], $0x2000, $0x38;
	[tilespmem:$0x5000] =	vst v63  }
0x471: {  	_ =	swait.ge [sflag:s4], $0x2000  }
0x472: {  	[sflag:s4] =	ssyncset.done $0x0  }
0x473: {  	[sflag:s4] =	ssyncadd.s32 $0xFFFFE000  }
0x474: {  	[tilespmem:s6], [sflag:$0x1] =	stream.indirect.gather [hbm4b:s3+s7], $0x80, s28, s7, $0xb8;
	[tilespmem:$0x5000] =	vst v63  }
0x475: {  	_ =	swait.ge [sflag:s8], $0x2000  }
0x476: {  	s0 =	sld [smem:$0x7C2]  }
0x477: {  	[sflag:s8] =	ssyncset.done $0x0  }
0x478: {  	[sflag:s8] =	ssyncadd.s32 $0xFFFFE000  }
0x479: {  	[hbm4b:s0+s2] =	stream.linear.scatter [tilespmem:s5], [sflag:$0x3], $0x2000, $0x38;
	[tilespmem:$0x5000] =	vst v63  }
0x47a: {  	_ =	swait.ge [sflag:s4], $0x2000  }
0x47b: {  	[sflag:s4] =	ssyncset.done $0x0  }
0x47c: {  	[sflag:s4] =	ssyncadd.s32 $0xFFFFE000  }
0x47d: {  	[tilespmem:s5], [sflag:$0x2] =	stream.indirect.gather [hbm4b:s3+s7], $0x80, s26, s7, $0xb8;
	[tilespmem:$0x5000] =	vst v63  }
0x47e: {  	_ =	swait.ge [sflag:s9], $0x2000  }
0x47f: {  	s0 =	sld [smem:$0x7C3]  }
0x480: {  	[sflag:s9] =	ssyncset.done $0x0  }
0x481: {  	[sflag:s9] =	ssyncadd.s32 $0xFFFFE000  }
0x482: {  	[hbm4b:s0+s2] =	stream.linear.scatter [tilespmem:s6], [sflag:$0x3], $0x2000, $0x38;
	[tilespmem:$0x5000] =	vst v63  }
0x483: {  	_ =	swait.ge [sflag:s4], $0x2000  }
0x484: {  	[sflag:s4] =	ssyncset.done $0x0  }
0x485: {  	[sflag:s4] =	ssyncadd.s32 $0xFFFFE000  }
0x486: {  	[tilespmem:s6], [sflag:$0x1] =	stream.indirect.gather [hbm4b:s3+s7], $0x80, s25, s7, $0xb8;
	[tilespmem:$0x5000] =	vst v63  }
0x487: {  	_ =	swait.ge [sflag:s8], $0x2000  }
0x488: {  	s0 =	sld [smem:$0x7C4]  }
0x489: {  	[sflag:s8] =	ssyncset.done $0x0  }
0x48a: {  	[sflag:s8] =	ssyncadd.s32 $0xFFFFE000  }
0x48b: {  	[hbm4b:s0+s2] =	stream.linear.scatter [tilespmem:s5], [sflag:$0x3], $0x2000, $0x38;
	[tilespmem:$0x5000] =	vst v63  }
0x48c: {  	_ =	swait.ge [sflag:s4], $0x2000  }
0x48d: {  	[sflag:s4] =	ssyncset.done $0x0  }
0x48e: {  	[sflag:s4] =	ssyncadd.s32 $0xFFFFE000  }
0x48f: {  	[tilespmem:s5], [sflag:$0x2] =	stream.indirect.gather [hbm4b:s3+s7], $0x80, s24, s7, $0xb8;
	[tilespmem:$0x5000] =	vst v63  }
0x490: {  	_ =	swait.ge [sflag:s9], $0x2000  }
0x491: {  	s0 =	sld [smem:$0x7C5]  }
0x492: {  	[sflag:s9] =	ssyncset.done $0x0  }
0x493: {  	[sflag:s9] =	ssyncadd.s32 $0xFFFFE000  }
0x494: {  	[hbm4b:s0+s2] =	stream.linear.scatter [tilespmem:s6], [sflag:$0x3], $0x2000, $0x38;
	[tilespmem:$0x5000] =	vst v63  }
0x495: {  	_ =	swait.ge [sflag:s4], $0x2000  }
0x496: {  	[sflag:s4] =	ssyncset.done $0x0  }
0x497: {  	[sflag:s4] =	ssyncadd.s32 $0xFFFFE000  }
0x498: {  	[tilespmem:s6], [sflag:$0x1] =	stream.indirect.gather [hbm4b:s3+s7], $0x80, s23, s7, $0xb8;
	[tilespmem:$0x5000] =	vst v63  }
0x499: {  	_ =	swait.ge [sflag:s8], $0x2000  }
0x49a: {  	s0 =	sld [smem:$0x7C6]  }
0x49b: {  	[sflag:s8] =	ssyncset.done $0x0  }
0x49c: {  	[sflag:s8] =	ssyncadd.s32 $0xFFFFE000  }
0x49d: {  	[hbm4b:s0+s2] =	stream.linear.scatter [tilespmem:s5], [sflag:$0x3], $0x2000, $0x38;
	[tilespmem:$0x5000] =	vst v63  }
0x49e: {  	_ =	swait.ge [sflag:s4], $0x2000  }
0x49f: {  	[sflag:s4] =	ssyncset.done $0x0  }
0x4a0: {  	[sflag:s4] =	ssyncadd.s32 $0xFFFFE000  }
0x4a1: {  	[tilespmem:s5], [sflag:$0x2] =	stream.indirect.gather [hbm4b:s3+s7], $0x80, s22, s7, $0xb8;
	[tilespmem:$0x5000] =	vst v63  }
0x4a2: {  	_ =	swait.ge [sflag:s9], $0x2000  }
0x4a3: {  	s0 =	sld [smem:$0x7C7]  }
0x4a4: {  	[sflag:s9] =	ssyncset.done $0x0  }
0x4a5: {  	[sflag:s9] =	ssyncadd.s32 $0xFFFFE000  }
0x4a6: {  	[hbm4b:s0+s2] =	stream.linear.scatter [tilespmem:s6], [sflag:$0x3], $0x2000, $0x38;
	[tilespmem:$0x5000] =	vst v63  }
0x4a7: {  	_ =	swait.ge [sflag:s4], $0x2000  }
0x4a8: {  	[sflag:s4] =	ssyncset.done $0x0  }
0x4a9: {  	[sflag:s4] =	ssyncadd.s32 $0xFFFFE000  }
0x4aa: {  	[tilespmem:s6], [sflag:$0x1] =	stream.indirect.gather [hbm4b:s3+s7], $0x80, s21, s7, $0xb8;
	[tilespmem:$0x5000] =	vst v63  }
0x4ab: {  	_ =	swait.ge [sflag:s8], $0x2000  }
0x4ac: {  	s0 =	sld [smem:$0x7C8]  }
0x4ad: {  	[sflag:s8] =	ssyncset.done $0x0  }
0x4ae: {  	[sflag:s8] =	ssyncadd.s32 $0xFFFFE000  }
0x4af: {  	[hbm4b:s0+s2] =	stream.linear.scatter [tilespmem:s5], [sflag:$0x3], $0x2000, $0x38;
	[tilespmem:$0x5000] =	vst v63  }
0x4b0: {  	_ =	swait.ge [sflag:s4], $0x2000  }
0x4b1: {  	[sflag:s4] =	ssyncset.done $0x0  }
0x4b2: {  	[sflag:s4] =	ssyncadd.s32 $0xFFFFE000  }
0x4b3: {  	[tilespmem:s5], [sflag:$0x2] =	stream.indirect.gather [hbm4b:s3+s7], $0x80, s20, s7, $0xb8;
	[tilespmem:$0x5000] =	vst v63  }
0x4b4: {  	_ =	swait.ge [sflag:s9], $0x2000  }
0x4b5: {  	s0 =	sld [smem:$0x7C9]  }
0x4b6: {  	[sflag:s9] =	ssyncset.done $0x0  }
0x4b7: {  	[sflag:s9] =	ssyncadd.s32 $0xFFFFE000  }
0x4b8: {  	[hbm4b:s0+s2] =	stream.linear.scatter [tilespmem:s6], [sflag:$0x3], $0x2000, $0x38;
	[tilespmem:$0x5000] =	vst v63  }
0x4b9: {  	_ =	swait.ge [sflag:s4], $0x2000  }
0x4ba: {  	[sflag:s4] =	ssyncset.done $0x0  }
0x4bb: {  	[sflag:s4] =	ssyncadd.s32 $0xFFFFE000  }
0x4bc: {  	[tilespmem:s6], [sflag:$0x1] =	stream.indirect.gather [hbm4b:s3+s7], $0x80, s19, s7, $0xb8;
	[tilespmem:$0x5000] =	vst v63  }
0x4bd: {  	_ =	swait.ge [sflag:s8], $0x2000  }
0x4be: {  	s0 =	sld [smem:$0x7CA]  }
0x4bf: {  	[sflag:s8] =	ssyncset.done $0x0  }
0x4c0: {  	[sflag:s8] =	ssyncadd.s32 $0xFFFFE000  }
0x4c1: {  	[hbm4b:s0+s2] =	stream.linear.scatter [tilespmem:s5], [sflag:$0x3], $0x2000, $0x38;
	[tilespmem:$0x5000] =	vst v63  }
0x4c2: {  	_ =	swait.ge [sflag:s4], $0x2000  }
0x4c3: {  	[sflag:s4] =	ssyncset.done $0x0  }
0x4c4: {  	[sflag:s4] =	ssyncadd.s32 $0xFFFFE000  }
0x4c5: {  	[tilespmem:s5], [sflag:$0x2] =	stream.indirect.gather [hbm4b:s3+s7], $0x80, s18, s7, $0xb8;
	[tilespmem:$0x5000] =	vst v63  }
0x4c6: {  	_ =	swait.ge [sflag:s9], $0x2000  }
0x4c7: {  	s0 =	sld [smem:$0x7CB]  }
0x4c8: {  	[sflag:s9] =	ssyncset.done $0x0  }
0x4c9: {  	[sflag:s9] =	ssyncadd.s32 $0xFFFFE000  }
0x4ca: {  	[hbm4b:s0+s2] =	stream.linear.scatter [tilespmem:s6], [sflag:$0x3], $0x2000, $0x38;
	[tilespmem:$0x5000] =	vst v63  }
0x4cb: {  	_ =	swait.ge [sflag:s4], $0x2000  }
0x4cc: {  	[sflag:s4] =	ssyncset.done $0x0  }
0x4cd: {  	[sflag:s4] =	ssyncadd.s32 $0xFFFFE000  }
0x4ce: {  	[tilespmem:s6], [sflag:$0x1] =	stream.indirect.gather [hbm4b:s3+s7], $0x80, s17, s7, $0xb8;
	[tilespmem:$0x5000] =	vst v63  }
0x4cf: {  	_ =	swait.ge [sflag:s8], $0x2000  }
0x4d0: {  	s0 =	sld [smem:$0x7CC]  }
0x4d1: {  	[sflag:s8] =	ssyncset.done $0x0  }
0x4d2: {  	[sflag:s8] =	ssyncadd.s32 $0xFFFFE000  }
0x4d3: {  	[hbm4b:s0+s2] =	stream.linear.scatter [tilespmem:s5], [sflag:$0x3], $0x2000, $0x38;
	[tilespmem:$0x5000] =	vst v63  }
0x4d4: {  	_ =	swait.ge [sflag:s4], $0x2000  }
0x4d5: {  	[sflag:s4] =	ssyncset.done $0x0  }
0x4d6: {  	[sflag:s4] =	ssyncadd.s32 $0xFFFFE000  }
0x4d7: {  	[tilespmem:s5], [sflag:$0x2] =	stream.indirect.gather [hbm4b:s3+s7], $0x80, s16, s7, $0xb8;
	[tilespmem:$0x5000] =	vst v63  }
0x4d8: {  	_ =	swait.ge [sflag:s9], $0x2000  }
0x4d9: {  	s0 =	sld [smem:$0x7CD]  }
0x4da: {  	[sflag:s9] =	ssyncset.done $0x0  }
0x4db: {  	[sflag:s9] =	ssyncadd.s32 $0xFFFFE000  }
0x4dc: {  	[hbm4b:s0+s2] =	stream.linear.scatter [tilespmem:s6], [sflag:$0x3], $0x2000, $0x38;
	[tilespmem:$0x5000] =	vst v63  }
0x4dd: {  	_ =	swait.ge [sflag:s4], $0x2000  }
0x4de: {  	[sflag:s4] =	ssyncset.done $0x0  }
0x4df: {  	[sflag:s4] =	ssyncadd.s32 $0xFFFFE000  }
0x4e0: {  	[tilespmem:s6], [sflag:$0x1] =	stream.indirect.gather [hbm4b:s3+s7], $0x80, s15, s7, $0xb8;
	[tilespmem:$0x5000] =	vst v63  }
0x4e1: {  	_ =	swait.ge [sflag:s8], $0x2000  }
0x4e2: {  	s0 =	sld [smem:$0x7CE]  }
0x4e3: {  	[sflag:s8] =	ssyncset.done $0x0  }
0x4e4: {  	[sflag:s8] =	ssyncadd.s32 $0xFFFFE000  }
0x4e5: {  	[hbm4b:s0+s2] =	stream.linear.scatter [tilespmem:s5], [sflag:$0x3], $0x2000, $0x38;
	[tilespmem:$0x5000] =	vst v63  }
0x4e6: {  	_ =	swait.ge [sflag:s4], $0x2000  }
0x4e7: {  	[sflag:s4] =	ssyncset.done $0x0  }
0x4e8: {  	[sflag:s4] =	ssyncadd.s32 $0xFFFFE000  }
0x4e9: {  	[tilespmem:s5], [sflag:$0x2] =	stream.indirect.gather [hbm4b:s3+s7], $0x80, s14, s7, $0xb8;
	[tilespmem:$0x5000] =	vst v63  }
0x4ea: {  	_ =	swait.ge [sflag:s9], $0x2000  }
0x4eb: {  	s0 =	sld [smem:$0x7CF]  }
0x4ec: {  	[sflag:s9] =	ssyncset.done $0x0  }
0x4ed: {  	[sflag:s9] =	ssyncadd.s32 $0xFFFFE000  }
0x4ee: {  	[hbm4b:s0+s2] =	stream.linear.scatter [tilespmem:s6], [sflag:$0x3], $0x2000, $0x38;
	[tilespmem:$0x5000] =	vst v63  }
0x4ef: {  	_ =	swait.ge [sflag:s4], $0x2000  }
0x4f0: {  	[sflag:s4] =	ssyncset.done $0x0  }
0x4f1: {  	[sflag:s4] =	ssyncadd.s32 $0xFFFFE000  }
0x4f2: {  	[tilespmem:s6], [sflag:$0x1] =	stream.indirect.gather [hbm4b:s3+s7], $0x80, s13, s7, $0xb8;
	[tilespmem:$0x5000] =	vst v63  }
0x4f3: {  	_ =	swait.ge [sflag:s8], $0x2000  }
0x4f4: {  	s0 =	sld [smem:$0x7D0]  }
0x4f5: {  	[sflag:s8] =	ssyncset.done $0x0  }
0x4f6: {  	[sflag:s8] =	ssyncadd.s32 $0xFFFFE000  }
0x4f7: {  	[hbm4b:s0+s2] =	stream.linear.scatter [tilespmem:s5], [sflag:$0x3], $0x2000, $0x38;
	[tilespmem:$0x5000] =	vst v63  }
0x4f8: {  	_ =	swait.ge [sflag:s4], $0x2000  }
0x4f9: {  	[sflag:s4] =	ssyncset.done $0x0  }
0x4fa: {  	[sflag:s4] =	ssyncadd.s32 $0xFFFFE000  }
0x4fb: {  	[tilespmem:s5], [sflag:$0x2] =	stream.indirect.gather [hbm4b:s3+s7], $0x80, s12, s7, $0xb8;
	[tilespmem:$0x5000] =	vst v63  }
0x4fc: {  	_ =	swait.ge [sflag:s9], $0x2000  }
0x4fd: {  	s0 =	sld [smem:$0x7D1]  }
0x4fe: {  	[sflag:s9] =	ssyncset.done $0x0  }
0x4ff: {  	[sflag:s9] =	ssyncadd.s32 $0xFFFFE000  }
0x500: {  	[hbm4b:s0+s2] =	stream.linear.scatter [tilespmem:s6], [sflag:$0x3], $0x2000, $0x38;
	[tilespmem:$0x5000] =	vst v63  }
0x501: {  	_ =	swait.ge [sflag:s4], $0x2000  }
0x502: {  	[sflag:s4] =	ssyncset.done $0x0  }
0x503: {  	[sflag:s4] =	ssyncadd.s32 $0xFFFFE000  }
0x504: {  	[tilespmem:s6], [sflag:$0x1] =	stream.indirect.gather [hbm4b:s3+s7], $0x80, s11, s7, $0xb8;
	[tilespmem:$0x5000] =	vst v63  }
0x505: {  	_ =	swait.ge [sflag:s8], $0x2000  }
0x506: {  	s0 =	sld [smem:$0x7D2]  }
0x507: {  	[sflag:s8] =	ssyncset.done $0x0  }
0x508: {  	[sflag:s8] =	ssyncadd.s32 $0xFFFFE000  }
0x509: {  	[hbm4b:s0+s2] =	stream.linear.scatter [tilespmem:s5], [sflag:$0x3], $0x2000, $0x38;
	[tilespmem:$0x5000] =	vst v63  }
0x50a: {  	_ =	swait.ge [sflag:s4], $0x2000  }
0x50b: {  	[sflag:s4] =	ssyncset.done $0x0  }
0x50c: {  	[sflag:s4] =	ssyncadd.s32 $0xFFFFE000  }
0x50d: {  	[tilespmem:s5], [sflag:$0x2] =	stream.indirect.gather [hbm4b:s3+s7], $0x80, s10, s7, $0xb8;
	[tilespmem:$0x5000] =	vst v63  }
0x50e: {  	_ =	swait.ge [sflag:s9], $0x2000  }
0x50f: {  	s0 =	sld [smem:$0x7D3]  }
0x510: {  	[sflag:s9] =	ssyncset.done $0x0  }
0x511: {  	[sflag:s9] =	ssyncadd.s32 $0xFFFFE000  }
0x512: {  	[hbm4b:s0+s2] =	stream.linear.scatter [tilespmem:s6], [sflag:$0x3], $0x2000, $0x38;
	[tilespmem:$0x5000] =	vst v63  }
0x513: {  	_ =	swait.ge [sflag:s4], $0x2000  }
0x514: {  	[sflag:s4] =	ssyncset.done $0x0  }
0x515: {  	[sflag:s4] =	ssyncadd.s32 $0xFFFFE000  }
0x516: {  	_ =	swait.ge [sflag:s8], $0x2000  }
0x517: {  	p1 =	sne.s32 s1, $0x1;
	s0 =	sld [smem:$0x7D4]  }
.Ltmp2:
0x518: {  	[sflag:s8] =	ssyncset.done $0x0;
	(pc) =	sbr.rel @p1 .LBB2_2-.Ltmp2, $4  }
0x519: {  	[sflag:s8] =	ssyncadd.s32 $0xFFFFE000  }
0x51a: {  	[hbm4b:s0+s2] =	stream.linear.scatter [tilespmem:s5], [sflag:$0x3], $0x2000, $0x38;
	[tilespmem:$0x5000] =	vst v63  }
0x51b: {  	_ =	swait.ge [sflag:s4], $0x2000  }
0x51c: {  	s1 =	sadd.s32 $0xFFFFFFFF, s1;
	s0 =	rddreg [dreg:$0x3];
	[sflag:s4] =	ssyncset.done $0x0  }
.LBB2_3:
0x51d: {  	[sflag:s4] =	ssyncadd.s32 @p0 $0xFFFFE000  }
0x51e: {  	[tilespmem:s2], [sflag:$0x3] =	stream.linear.gather [hbm4b:s0+s2], $0x1000, $0x38;
	[tilespmem:$0x5000] =	vst v63  }
0x51f: {  	_ =	swait.ge [sflag:s4], $0x1000  }
0x520: {  	[sflag:s4] =	ssyncset.done $0x0  }
0x521: {  	[sflag:s4] =	ssyncadd.s32 $0xFFFFF000  }
0x522: {  	[tilespmem:s6], [sflag:$0x1] =	stream.indirect.gather [hbm4b:s3+s7], $0x80, s2, s7, $0xb8;
	[tilespmem:$0x5000] =	vst v63  }
0x523: {  	_ = 	snop  }
0x524: {  	[tilespmem:s5], [sflag:$0x2] =	stream.indirect.gather [hbm4b:s3+s7], $0x80, s7, s7, $0xb8;
	[tilespmem:$0x5000] =	vst v63  }
0x525: {  	_ =	swait.ge [sflag:s9], $0x2000  }
0x526: {  	[sflag:s9] =	ssyncset.done $0x0  }
0x527: {  	s1 =	rddreg [dreg:$0x4];
	[sflag:s9] =	ssyncadd.s32 $0xFFFFE000  }
0x528: {  	[hbm4b:s1+s2] =	stream.linear.scatter [tilespmem:s6], [sflag:$0x3], $0x2000, $0x38;
	[tilespmem:$0x5000] =	vst v63  }
0x529: {  	_ =	swait.ge [sflag:s4], $0x2000  }
0x52a: {  	s1 =	sld [smem:$0x7D5]  }
0x52b: {  	[sflag:s4] =	ssyncset.done $0x0  }
0x52c: {  	[sflag:s4] =	ssyncadd.s32 $0xFFFFE000  }
0x52d: {  	[tilespmem:s6], [sflag:$0x1] =	stream.indirect.gather [hbm4b:s3+s7], $0x80, s1, s7, $0xb8;
	[tilespmem:$0x5000] =	vst v63  }
0x52e: {  	_ =	swait.ge [sflag:s8], $0x2000  }
0x52f: {  	[sflag:s8] =	ssyncset.done $0x0  }
0x530: {  	s1 =	rddreg [dreg:$0x5];
	[sflag:s8] =	ssyncadd.s32 $0xFFFFE000  }
0x531: {  	[hbm4b:s1+s2] =	stream.linear.scatter [tilespmem:s5], [sflag:$0x3], $0x2000, $0x38;
	[tilespmem:$0x5000] =	vst v63  }
0x532: {  	_ =	swait.ge [sflag:s4], $0x2000  }
0x533: {  	s1 =	sld [smem:$0x7D6]  }
0x534: {  	[sflag:s4] =	ssyncset.done $0x0  }
0x535: {  	[sflag:s4] =	ssyncadd.s32 $0xFFFFE000  }
0x536: {  	[tilespmem:s5], [sflag:$0x2] =	stream.indirect.gather [hbm4b:s3+s7], $0x80, s1, s7, $0xb8;
	[tilespmem:$0x5000] =	vst v63  }
0x537: {  	_ =	swait.ge [sflag:s9], $0x2000  }
0x538: {  	[sflag:s9] =	ssyncset.done $0x0  }
0x539: {  	s1 =	rddreg [dreg:$0x6];
	[sflag:s9] =	ssyncadd.s32 $0xFFFFE000  }
0x53a: {  	[hbm4b:s1+s2] =	stream.linear.scatter [tilespmem:s6], [sflag:$0x3], $0x2000, $0x38;
	[tilespmem:$0x5000] =	vst v63  }
0x53b: {  	_ =	swait.ge [sflag:s4], $0x2000  }
0x53c: {  	s1 =	sld [smem:$0x7D7]  }
0x53d: {  	[sflag:s4] =	ssyncset.done $0x0  }
0x53e: {  	[sflag:s4] =	ssyncadd.s32 $0xFFFFE000  }
0x53f: {  	[tilespmem:s6], [sflag:$0x1] =	stream.indirect.gather [hbm4b:s3+s7], $0x80, s1, s7, $0xb8;
	[tilespmem:$0x5000] =	vst v63  }
0x540: {  	_ =	swait.ge [sflag:s8], $0x2000  }
0x541: {  	[sflag:s8] =	ssyncset.done $0x0  }
0x542: {  	s1 =	rddreg [dreg:$0x7];
	[sflag:s8] =	ssyncadd.s32 $0xFFFFE000  }
0x543: {  	[hbm4b:s1+s2] =	stream.linear.scatter [tilespmem:s5], [sflag:$0x3], $0x2000, $0x38;
	[tilespmem:$0x5000] =	vst v63  }
0x544: {  	_ =	swait.ge [sflag:s4], $0x2000  }
0x545: {  	s1 =	sld [smem:$0x7D8]  }
0x546: {  	[sflag:s4] =	ssyncset.done $0x0  }
0x547: {  	[sflag:s4] =	ssyncadd.s32 $0xFFFFE000  }
0x548: {  	[tilespmem:s5], [sflag:$0x2] =	stream.indirect.gather [hbm4b:s3+s7], $0x80, s1, s7, $0xb8;
	[tilespmem:$0x5000] =	vst v63  }
0x549: {  	_ =	swait.ge [sflag:s9], $0x2000  }
0x54a: {  	[sflag:s9] =	ssyncset.done $0x0  }
0x54b: {  	s1 =	rddreg [dreg:$0x8];
	[sflag:s9] =	ssyncadd.s32 $0xFFFFE000  }
0x54c: {  	[hbm4b:s1+s2] =	stream.linear.scatter [tilespmem:s6], [sflag:$0x3], $0x2000, $0x38;
	[tilespmem:$0x5000] =	vst v63  }
0x54d: {  	_ =	swait.ge [sflag:s4], $0x2000  }
0x54e: {  	s1 =	sld [smem:$0x7D9]  }
0x54f: {  	[sflag:s4] =	ssyncset.done $0x0  }
0x550: {  	[sflag:s4] =	ssyncadd.s32 $0xFFFFE000  }
0x551: {  	[tilespmem:s6], [sflag:$0x1] =	stream.indirect.gather [hbm4b:s3+s7], $0x80, s1, s7, $0xb8;
	[tilespmem:$0x5000] =	vst v63  }
0x552: {  	_ =	swait.ge [sflag:s8], $0x2000  }
0x553: {  	[sflag:s8] =	ssyncset.done $0x0  }
0x554: {  	s1 =	rddreg [dreg:$0x9];
	[sflag:s8] =	ssyncadd.s32 $0xFFFFE000  }
0x555: {  	[hbm4b:s1+s2] =	stream.linear.scatter [tilespmem:s5], [sflag:$0x3], $0x2000, $0x38;
	[tilespmem:$0x5000] =	vst v63  }
0x556: {  	_ =	swait.ge [sflag:s4], $0x2000  }
0x557: {  	s1 =	sld [smem:$0x7DA]  }
0x558: {  	[sflag:s4] =	ssyncset.done $0x0  }
0x559: {  	[sflag:s4] =	ssyncadd.s32 $0xFFFFE000  }
0x55a: {  	[tilespmem:s5], [sflag:$0x2] =	stream.indirect.gather [hbm4b:s3+s7], $0x80, s1, s7, $0xb8;
	[tilespmem:$0x5000] =	vst v63  }
0x55b: {  	_ =	swait.ge [sflag:s9], $0x2000  }
0x55c: {  	[sflag:s9] =	ssyncset.done $0x0  }
0x55d: {  	s1 =	rddreg [dreg:$0xa];
	[sflag:s9] =	ssyncadd.s32 $0xFFFFE000  }
0x55e: {  	[hbm4b:s1+s2] =	stream.linear.scatter [tilespmem:s6], [sflag:$0x3], $0x2000, $0x38;
	[tilespmem:$0x5000] =	vst v63  }
0x55f: {  	_ =	swait.ge [sflag:s4], $0x2000  }
0x560: {  	s1 =	sld [smem:$0x7DB]  }
0x561: {  	[sflag:s4] =	ssyncset.done $0x0  }
0x562: {  	[sflag:s4] =	ssyncadd.s32 $0xFFFFE000  }
0x563: {  	[tilespmem:s6], [sflag:$0x1] =	stream.indirect.gather [hbm4b:s3+s7], $0x80, s1, s7, $0xb8;
	[tilespmem:$0x5000] =	vst v63  }
0x564: {  	_ =	swait.ge [sflag:s8], $0x2000  }
0x565: {  	[sflag:s8] =	ssyncset.done $0x0  }
0x566: {  	s1 =	rddreg [dreg:$0xb];
	[sflag:s8] =	ssyncadd.s32 $0xFFFFE000  }
0x567: {  	[hbm4b:s1+s2] =	stream.linear.scatter [tilespmem:s5], [sflag:$0x3], $0x2000, $0x38;
	[tilespmem:$0x5000] =	vst v63  }
0x568: {  	_ =	swait.ge [sflag:s4], $0x2000  }
0x569: {  	s1 =	sld [smem:$0x7DC]  }
0x56a: {  	[sflag:s4] =	ssyncset.done $0x0  }
0x56b: {  	[sflag:s4] =	ssyncadd.s32 $0xFFFFE000  }
0x56c: {  	[tilespmem:s5], [sflag:$0x2] =	stream.indirect.gather [hbm4b:s3+s7], $0x80, s1, s7, $0xb8;
	[tilespmem:$0x5000] =	vst v63  }
0x56d: {  	_ =	swait.ge [sflag:s9], $0x2000  }
0x56e: {  	[sflag:s9] =	ssyncset.done $0x0  }
0x56f: {  	s1 =	rddreg [dreg:$0xc];
	[sflag:s9] =	ssyncadd.s32 $0xFFFFE000  }
0x570: {  	[hbm4b:s1+s2] =	stream.linear.scatter [tilespmem:s6], [sflag:$0x3], $0x2000, $0x38;
	[tilespmem:$0x5000] =	vst v63  }
0x571: {  	_ =	swait.ge [sflag:s4], $0x2000  }
0x572: {  	s1 =	sld [smem:$0x7DD]  }
0x573: {  	[sflag:s4] =	ssyncset.done $0x0  }
0x574: {  	[sflag:s4] =	ssyncadd.s32 $0xFFFFE000  }
0x575: {  	[tilespmem:s6], [sflag:$0x1] =	stream.indirect.gather [hbm4b:s3+s7], $0x80, s1, s7, $0xb8;
	[tilespmem:$0x5000] =	vst v63  }
0x576: {  	_ =	swait.ge [sflag:s8], $0x2000  }
0x577: {  	[sflag:s8] =	ssyncset.done $0x0  }
0x578: {  	s1 =	rddreg [dreg:$0xd];
	[sflag:s8] =	ssyncadd.s32 $0xFFFFE000  }
0x579: {  	[hbm4b:s1+s2] =	stream.linear.scatter [tilespmem:s5], [sflag:$0x3], $0x2000, $0x38;
	[tilespmem:$0x5000] =	vst v63  }
0x57a: {  	_ =	swait.ge [sflag:s4], $0x2000  }
0x57b: {  	s1 =	sld [smem:$0x7DE]  }
0x57c: {  	[sflag:s4] =	ssyncset.done $0x0  }
0x57d: {  	[sflag:s4] =	ssyncadd.s32 $0xFFFFE000  }
0x57e: {  	[tilespmem:s5], [sflag:$0x2] =	stream.indirect.gather [hbm4b:s3+s7], $0x80, s1, s7, $0xb8;
	[tilespmem:$0x5000] =	vst v63  }
0x57f: {  	_ =	swait.ge [sflag:s9], $0x2000  }
0x580: {  	[sflag:s9] =	ssyncset.done $0x0  }
0x581: {  	s1 =	rddreg [dreg:$0xe];
	[sflag:s9] =	ssyncadd.s32 $0xFFFFE000  }
0x582: {  	[hbm4b:s1+s2] =	stream.linear.scatter [tilespmem:s6], [sflag:$0x3], $0x2000, $0x38;
	[tilespmem:$0x5000] =	vst v63  }
0x583: {  	_ =	swait.ge [sflag:s4], $0x2000  }
0x584: {  	s1 =	sld [smem:$0x7DF]  }
0x585: {  	[sflag:s4] =	ssyncset.done $0x0  }
0x586: {  	[sflag:s4] =	ssyncadd.s32 $0xFFFFE000  }
0x587: {  	[tilespmem:s6], [sflag:$0x1] =	stream.indirect.gather [hbm4b:s3+s7], $0x80, s1, s7, $0xb8;
	[tilespmem:$0x5000] =	vst v63  }
0x588: {  	_ =	swait.ge [sflag:s8], $0x2000  }
0x589: {  	[sflag:s8] =	ssyncset.done $0x0  }
0x58a: {  	s1 =	rddreg [dreg:$0xf];
	[sflag:s8] =	ssyncadd.s32 $0xFFFFE000  }
0x58b: {  	[hbm4b:s1+s2] =	stream.linear.scatter [tilespmem:s5], [sflag:$0x3], $0x2000, $0x38;
	[tilespmem:$0x5000] =	vst v63  }
0x58c: {  	_ =	swait.ge [sflag:s4], $0x2000  }
0x58d: {  	s1 =	sld [smem:$0x7E0]  }
0x58e: {  	[sflag:s4] =	ssyncset.done $0x0  }
0x58f: {  	[sflag:s4] =	ssyncadd.s32 $0xFFFFE000  }
0x590: {  	[tilespmem:s5], [sflag:$0x2] =	stream.indirect.gather [hbm4b:s3+s7], $0x80, s1, s7, $0xb8;
	[tilespmem:$0x5000] =	vst v63  }
0x591: {  	_ =	swait.ge [sflag:s9], $0x2000  }
0x592: {  	[sflag:s9] =	ssyncset.done $0x0  }
0x593: {  	s1 =	rddreg [dreg:$0x10];
	[sflag:s9] =	ssyncadd.s32 $0xFFFFE000  }
0x594: {  	[hbm4b:s1+s2] =	stream.linear.scatter [tilespmem:s6], [sflag:$0x3], $0x2000, $0x38;
	[tilespmem:$0x5000] =	vst v63  }
0x595: {  	_ =	swait.ge [sflag:s4], $0x2000  }
0x596: {  	s1 =	sld [smem:$0x7E1]  }
0x597: {  	[sflag:s4] =	ssyncset.done $0x0  }
0x598: {  	[sflag:s4] =	ssyncadd.s32 $0xFFFFE000  }
0x599: {  	[tilespmem:s6], [sflag:$0x1] =	stream.indirect.gather [hbm4b:s3+s7], $0x80, s1, s7, $0xb8;
	[tilespmem:$0x5000] =	vst v63  }
0x59a: {  	_ =	swait.ge [sflag:s8], $0x2000  }
0x59b: {  	[sflag:s8] =	ssyncset.done $0x0  }
0x59c: {  	s1 =	rddreg [dreg:$0x11];
	[sflag:s8] =	ssyncadd.s32 $0xFFFFE000  }
0x59d: {  	[hbm4b:s1+s2] =	stream.linear.scatter [tilespmem:s5], [sflag:$0x3], $0x2000, $0x38;
	[tilespmem:$0x5000] =	vst v63  }
0x59e: {  	_ =	swait.ge [sflag:s4], $0x2000  }
0x59f: {  	s1 =	sld [smem:$0x7E2]  }
0x5a0: {  	[sflag:s4] =	ssyncset.done $0x0  }
0x5a1: {  	[sflag:s4] =	ssyncadd.s32 $0xFFFFE000  }
0x5a2: {  	[tilespmem:s5], [sflag:$0x2] =	stream.indirect.gather [hbm4b:s3+s7], $0x80, s1, s7, $0xb8;
	[tilespmem:$0x5000] =	vst v63  }
0x5a3: {  	_ =	swait.ge [sflag:s9], $0x2000  }
0x5a4: {  	[sflag:s9] =	ssyncset.done $0x0  }
0x5a5: {  	s1 =	rddreg [dreg:$0x12];
	[sflag:s9] =	ssyncadd.s32 $0xFFFFE000  }
0x5a6: {  	[hbm4b:s1+s2] =	stream.linear.scatter [tilespmem:s6], [sflag:$0x3], $0x2000, $0x38;
	[tilespmem:$0x5000] =	vst v63  }
0x5a7: {  	_ =	swait.ge [sflag:s4], $0x2000  }
0x5a8: {  	s1 =	sld [smem:$0x7E3]  }
0x5a9: {  	[sflag:s4] =	ssyncset.done $0x0  }
0x5aa: {  	[sflag:s4] =	ssyncadd.s32 $0xFFFFE000  }
0x5ab: {  	[tilespmem:s6], [sflag:$0x1] =	stream.indirect.gather [hbm4b:s3+s7], $0x80, s1, s7, $0xb8;
	[tilespmem:$0x5000] =	vst v63  }
0x5ac: {  	_ =	swait.ge [sflag:s8], $0x2000  }
0x5ad: {  	[sflag:s8] =	ssyncset.done $0x0  }
0x5ae: {  	s1 =	rddreg [dreg:$0x13];
	[sflag:s8] =	ssyncadd.s32 $0xFFFFE000  }
0x5af: {  	[hbm4b:s1+s2] =	stream.linear.scatter [tilespmem:s5], [sflag:$0x3], $0x2000, $0x38;
	[tilespmem:$0x5000] =	vst v63  }
0x5b0: {  	_ =	swait.ge [sflag:s4], $0x2000  }
0x5b1: {  	s1 =	sld [smem:$0x7E4]  }
0x5b2: {  	[sflag:s4] =	ssyncset.done $0x0  }
0x5b3: {  	[sflag:s4] =	ssyncadd.s32 $0xFFFFE000  }
0x5b4: {  	[tilespmem:s5], [sflag:$0x2] =	stream.indirect.gather [hbm4b:s3+s7], $0x80, s1, s7, $0xb8;
	[tilespmem:$0x5000] =	vst v63  }
0x5b5: {  	_ =	swait.ge [sflag:s9], $0x2000  }
0x5b6: {  	[sflag:s9] =	ssyncset.done $0x0  }
0x5b7: {  	s1 =	rddreg [dreg:$0x14];
	[sflag:s9] =	ssyncadd.s32 $0xFFFFE000  }
0x5b8: {  	[hbm4b:s1+s2] =	stream.linear.scatter [tilespmem:s6], [sflag:$0x3], $0x2000, $0x38;
	[tilespmem:$0x5000] =	vst v63  }
0x5b9: {  	_ =	swait.ge [sflag:s4], $0x2000  }
0x5ba: {  	s1 =	sld [smem:$0x7E5]  }
0x5bb: {  	[sflag:s4] =	ssyncset.done $0x0  }
0x5bc: {  	[sflag:s4] =	ssyncadd.s32 $0xFFFFE000  }
0x5bd: {  	[tilespmem:s6], [sflag:$0x1] =	stream.indirect.gather [hbm4b:s3+s7], $0x80, s1, s7, $0xb8;
	[tilespmem:$0x5000] =	vst v63  }
0x5be: {  	_ =	swait.ge [sflag:s8], $0x2000  }
0x5bf: {  	[sflag:s8] =	ssyncset.done $0x0  }
0x5c0: {  	s1 =	rddreg [dreg:$0x15];
	[sflag:s8] =	ssyncadd.s32 $0xFFFFE000  }
0x5c1: {  	[hbm4b:s1+s2] =	stream.linear.scatter [tilespmem:s5], [sflag:$0x3], $0x2000, $0x38;
	[tilespmem:$0x5000] =	vst v63  }
0x5c2: {  	_ =	swait.ge [sflag:s4], $0x2000  }
0x5c3: {  	s1 =	sld [smem:$0x7E6]  }
0x5c4: {  	[sflag:s4] =	ssyncset.done $0x0  }
0x5c5: {  	[sflag:s4] =	ssyncadd.s32 $0xFFFFE000  }
0x5c6: {  	[tilespmem:s5], [sflag:$0x2] =	stream.indirect.gather [hbm4b:s3+s7], $0x80, s1, s7, $0xb8;
	[tilespmem:$0x5000] =	vst v63  }
0x5c7: {  	_ =	swait.ge [sflag:s9], $0x2000  }
0x5c8: {  	[sflag:s9] =	ssyncset.done $0x0  }
0x5c9: {  	s1 =	rddreg [dreg:$0x16];
	[sflag:s9] =	ssyncadd.s32 $0xFFFFE000  }
0x5ca: {  	[hbm4b:s1+s2] =	stream.linear.scatter [tilespmem:s6], [sflag:$0x3], $0x2000, $0x38;
	[tilespmem:$0x5000] =	vst v63  }
0x5cb: {  	_ =	swait.ge [sflag:s4], $0x2000  }
0x5cc: {  	s1 =	sld [smem:$0x7E7]  }
0x5cd: {  	[sflag:s4] =	ssyncset.done $0x0  }
0x5ce: {  	[sflag:s4] =	ssyncadd.s32 $0xFFFFE000  }
0x5cf: {  	[tilespmem:s6], [sflag:$0x1] =	stream.indirect.gather [hbm4b:s3+s7], $0x80, s1, s7, $0xb8;
	[tilespmem:$0x5000] =	vst v63  }
0x5d0: {  	_ =	swait.ge [sflag:s8], $0x2000  }
0x5d1: {  	[sflag:s8] =	ssyncset.done $0x0  }
0x5d2: {  	s1 =	rddreg [dreg:$0x17];
	[sflag:s8] =	ssyncadd.s32 $0xFFFFE000  }
0x5d3: {  	[hbm4b:s1+s2] =	stream.linear.scatter [tilespmem:s5], [sflag:$0x3], $0x2000, $0x38;
	[tilespmem:$0x5000] =	vst v63  }
0x5d4: {  	_ =	swait.ge [sflag:s4], $0x2000  }
0x5d5: {  	s1 =	sld [smem:$0x7E8]  }
0x5d6: {  	[sflag:s4] =	ssyncset.done $0x0  }
0x5d7: {  	[sflag:s4] =	ssyncadd.s32 $0xFFFFE000  }
0x5d8: {  	[tilespmem:s5], [sflag:$0x2] =	stream.indirect.gather [hbm4b:s3+s7], $0x80, s1, s7, $0xb8;
	[tilespmem:$0x5000] =	vst v63  }
0x5d9: {  	_ =	swait.ge [sflag:s9], $0x2000  }
0x5da: {  	[sflag:s9] =	ssyncset.done $0x0  }
0x5db: {  	s1 =	rddreg [dreg:$0x18];
	[sflag:s9] =	ssyncadd.s32 $0xFFFFE000  }
0x5dc: {  	[hbm4b:s1+s2] =	stream.linear.scatter [tilespmem:s6], [sflag:$0x3], $0x2000, $0x38;
	[tilespmem:$0x5000] =	vst v63  }
0x5dd: {  	_ =	swait.ge [sflag:s4], $0x2000  }
0x5de: {  	s1 =	sld [smem:$0x7E9]  }
0x5df: {  	[sflag:s4] =	ssyncset.done $0x0  }
0x5e0: {  	[sflag:s4] =	ssyncadd.s32 $0xFFFFE000  }
0x5e1: {  	[tilespmem:s6], [sflag:$0x1] =	stream.indirect.gather [hbm4b:s3+s7], $0x80, s1, s7, $0xb8;
	[tilespmem:$0x5000] =	vst v63  }
0x5e2: {  	_ =	swait.ge [sflag:s8], $0x2000  }
0x5e3: {  	[sflag:s8] =	ssyncset.done $0x0  }
0x5e4: {  	s1 =	rddreg [dreg:$0x19];
	[sflag:s8] =	ssyncadd.s32 $0xFFFFE000  }
0x5e5: {  	[hbm4b:s1+s2] =	stream.linear.scatter [tilespmem:s5], [sflag:$0x3], $0x2000, $0x38;
	[tilespmem:$0x5000] =	vst v63  }
0x5e6: {  	_ =	swait.ge [sflag:s4], $0x2000  }
0x5e7: {  	s1 =	sld [smem:$0x7EA]  }
0x5e8: {  	[sflag:s4] =	ssyncset.done $0x0  }
0x5e9: {  	[sflag:s4] =	ssyncadd.s32 $0xFFFFE000  }
0x5ea: {  	[tilespmem:s5], [sflag:$0x2] =	stream.indirect.gather [hbm4b:s3+s7], $0x80, s1, s7, $0xb8;
	[tilespmem:$0x5000] =	vst v63  }
0x5eb: {  	_ =	swait.ge [sflag:s9], $0x2000  }
0x5ec: {  	[sflag:s9] =	ssyncset.done $0x0  }
0x5ed: {  	s1 =	rddreg [dreg:$0x1a];
	[sflag:s9] =	ssyncadd.s32 $0xFFFFE000  }
0x5ee: {  	[hbm4b:s1+s2] =	stream.linear.scatter [tilespmem:s6], [sflag:$0x3], $0x2000, $0x38;
	[tilespmem:$0x5000] =	vst v63  }
0x5ef: {  	_ =	swait.ge [sflag:s4], $0x2000  }
0x5f0: {  	s1 =	sld [smem:$0x7EB]  }
0x5f1: {  	[sflag:s4] =	ssyncset.done $0x0  }
0x5f2: {  	[sflag:s4] =	ssyncadd.s32 $0xFFFFE000  }
0x5f3: {  	[tilespmem:s6], [sflag:$0x1] =	stream.indirect.gather [hbm4b:s3+s7], $0x80, s1, s7, $0xb8;
	[tilespmem:$0x5000] =	vst v63  }
0x5f4: {  	_ =	swait.ge [sflag:s8], $0x2000  }
0x5f5: {  	[sflag:s8] =	ssyncset.done $0x0  }
0x5f6: {  	s1 =	rddreg [dreg:$0x1b];
	[sflag:s8] =	ssyncadd.s32 $0xFFFFE000  }
0x5f7: {  	[hbm4b:s1+s2] =	stream.linear.scatter [tilespmem:s5], [sflag:$0x3], $0x2000, $0x38;
	[tilespmem:$0x5000] =	vst v63  }
0x5f8: {  	_ =	swait.ge [sflag:s4], $0x2000  }
0x5f9: {  	s1 =	sld [smem:$0x7EC]  }
0x5fa: {  	[sflag:s4] =	ssyncset.done $0x0  }
0x5fb: {  	[sflag:s4] =	ssyncadd.s32 $0xFFFFE000  }
0x5fc: {  	[tilespmem:s5], [sflag:$0x2] =	stream.indirect.gather [hbm4b:s3+s7], $0x80, s1, s7, $0xb8;
	[tilespmem:$0x5000] =	vst v63  }
0x5fd: {  	_ =	swait.ge [sflag:s9], $0x2000  }
0x5fe: {  	[sflag:s9] =	ssyncset.done $0x0  }
0x5ff: {  	s1 =	rddreg [dreg:$0x1c];
	[sflag:s9] =	ssyncadd.s32 $0xFFFFE000  }
0x600: {  	[hbm4b:s1+s2] =	stream.linear.scatter [tilespmem:s6], [sflag:$0x3], $0x2000, $0x38;
	[tilespmem:$0x5000] =	vst v63  }
0x601: {  	_ =	swait.ge [sflag:s4], $0x2000  }
0x602: {  	s1 =	sld [smem:$0x7ED]  }
0x603: {  	[sflag:s4] =	ssyncset.done $0x0  }
0x604: {  	[sflag:s4] =	ssyncadd.s32 $0xFFFFE000  }
0x605: {  	[tilespmem:s6], [sflag:$0x1] =	stream.indirect.gather [hbm4b:s3+s7], $0x80, s1, s7, $0xb8;
	[tilespmem:$0x5000] =	vst v63  }
0x606: {  	_ =	swait.ge [sflag:s8], $0x2000  }
0x607: {  	[sflag:s8] =	ssyncset.done $0x0  }
0x608: {  	s1 =	rddreg [dreg:$0x1d];
	[sflag:s8] =	ssyncadd.s32 $0xFFFFE000  }
0x609: {  	[hbm4b:s1+s2] =	stream.linear.scatter [tilespmem:s5], [sflag:$0x3], $0x2000, $0x38;
	[tilespmem:$0x5000] =	vst v63  }
0x60a: {  	_ =	swait.ge [sflag:s4], $0x2000  }
0x60b: {  	s1 =	sld [smem:$0x7EE]  }
0x60c: {  	[sflag:s4] =	ssyncset.done $0x0  }
0x60d: {  	[sflag:s4] =	ssyncadd.s32 $0xFFFFE000  }
0x60e: {  	[tilespmem:s5], [sflag:$0x2] =	stream.indirect.gather [hbm4b:s3+s7], $0x80, s1, s7, $0xb8;
	[tilespmem:$0x5000] =	vst v63  }
0x60f: {  	_ =	swait.ge [sflag:s9], $0x2000  }
0x610: {  	[sflag:s9] =	ssyncset.done $0x0  }
0x611: {  	s1 =	rddreg [dreg:$0x1e];
	[sflag:s9] =	ssyncadd.s32 $0xFFFFE000  }
0x612: {  	[hbm4b:s1+s2] =	stream.linear.scatter [tilespmem:s6], [sflag:$0x3], $0x2000, $0x38;
	[tilespmem:$0x5000] =	vst v63  }
0x613: {  	_ =	swait.ge [sflag:s4], $0x2000  }
0x614: {  	s1 =	sld [smem:$0x7EF]  }
0x615: {  	[sflag:s4] =	ssyncset.done $0x0  }
0x616: {  	[sflag:s4] =	ssyncadd.s32 $0xFFFFE000  }
0x617: {  	[tilespmem:s6], [sflag:$0x1] =	stream.indirect.gather [hbm4b:s3+s7], $0x80, s1, s7, $0xb8;
	[tilespmem:$0x5000] =	vst v63  }
0x618: {  	_ =	swait.ge [sflag:s8], $0x2000  }
0x619: {  	[sflag:s8] =	ssyncset.done $0x0  }
0x61a: {  	s1 =	rddreg [dreg:$0x1f];
	[sflag:s8] =	ssyncadd.s32 $0xFFFFE000  }
0x61b: {  	[hbm4b:s1+s2] =	stream.linear.scatter [tilespmem:s5], [sflag:$0x3], $0x2000, $0x38;
	[tilespmem:$0x5000] =	vst v63  }
0x61c: {  	_ =	swait.ge [sflag:s4], $0x2000  }
0x61d: {  	s1 =	sld [smem:$0x7F0]  }
0x61e: {  	[sflag:s4] =	ssyncset.done $0x0  }
0x61f: {  	[sflag:s4] =	ssyncadd.s32 $0xFFFFE000  }
0x620: {  	[tilespmem:s5], [sflag:$0x2] =	stream.indirect.gather [hbm4b:s3+s7], $0x80, s1, s7, $0xb8;
	[tilespmem:$0x5000] =	vst v63  }
0x621: {  	_ =	swait.ge [sflag:s9], $0x2000  }
0x622: {  	s1 =	sld [smem:$0x7B1]  }
0x623: {  	[sflag:s9] =	ssyncset.done $0x0  }
0x624: {  	[sflag:s9] =	ssyncadd.s32 $0xFFFFE000  }
0x625: {  	[hbm4b:s1+s2] =	stream.linear.scatter [tilespmem:s6], [sflag:$0x3], $0x2000, $0x38;
	[tilespmem:$0x5000] =	vst v63  }
0x626: {  	_ =	swait.ge [sflag:s4], $0x2000  }
0x627: {  	s1 =	sld [smem:$0x7F1]  }
0x628: {  	[sflag:s4] =	ssyncset.done $0x0  }
0x629: {  	[sflag:s4] =	ssyncadd.s32 $0xFFFFE000  }
0x62a: {  	[tilespmem:s6], [sflag:$0x1] =	stream.indirect.gather [hbm4b:s3+s7], $0x80, s1, s7, $0xb8;
	[tilespmem:$0x5000] =	vst v63  }
0x62b: {  	_ =	swait.ge [sflag:s8], $0x2000  }
0x62c: {  	s1 =	sld [smem:$0x7B2]  }
0x62d: {  	[sflag:s8] =	ssyncset.done $0x0  }
0x62e: {  	[sflag:s8] =	ssyncadd.s32 $0xFFFFE000  }
0x62f: {  	[hbm4b:s1+s2] =	stream.linear.scatter [tilespmem:s5], [sflag:$0x3], $0x2000, $0x38;
	[tilespmem:$0x5000] =	vst v63  }
0x630: {  	_ =	swait.ge [sflag:s4], $0x2000  }
0x631: {  	s1 =	sld [smem:$0x7F2]  }
0x632: {  	[sflag:s4] =	ssyncset.done $0x0  }
0x633: {  	[sflag:s4] =	ssyncadd.s32 $0xFFFFE000  }
0x634: {  	[tilespmem:s5], [sflag:$0x2] =	stream.indirect.gather [hbm4b:s3+s7], $0x80, s1, s7, $0xb8;
	[tilespmem:$0x5000] =	vst v63  }
0x635: {  	_ =	swait.ge [sflag:s9], $0x2000  }
0x636: {  	s1 =	sld [smem:$0x7B3]  }
0x637: {  	[sflag:s9] =	ssyncset.done $0x0  }
0x638: {  	[sflag:s9] =	ssyncadd.s32 $0xFFFFE000  }
0x639: {  	[hbm4b:s1+s2] =	stream.linear.scatter [tilespmem:s6], [sflag:$0x3], $0x2000, $0x38;
	[tilespmem:$0x5000] =	vst v63  }
0x63a: {  	_ =	swait.ge [sflag:s4], $0x2000  }
0x63b: {  	s1 =	sld [smem:$0x7F3]  }
0x63c: {  	[sflag:s4] =	ssyncset.done $0x0  }
0x63d: {  	[sflag:s4] =	ssyncadd.s32 $0xFFFFE000  }
0x63e: {  	[tilespmem:s6], [sflag:$0x1] =	stream.indirect.gather [hbm4b:s3+s7], $0x80, s1, s7, $0xb8;
	[tilespmem:$0x5000] =	vst v63  }
0x63f: {  	_ =	swait.ge [sflag:s8], $0x2000  }
0x640: {  	s1 =	sld [smem:$0x7B4]  }
0x641: {  	[sflag:s8] =	ssyncset.done $0x0  }
0x642: {  	[sflag:s8] =	ssyncadd.s32 $0xFFFFE000  }
0x643: {  	[hbm4b:s1+s2] =	stream.linear.scatter [tilespmem:s5], [sflag:$0x3], $0x2000, $0x38;
	[tilespmem:$0x5000] =	vst v63  }
0x644: {  	_ =	swait.ge [sflag:s4], $0x2000  }
0x645: {  	s1 =	sld [smem:$0x7F4]  }
0x646: {  	[sflag:s4] =	ssyncset.done $0x0  }
0x647: {  	[sflag:s4] =	ssyncadd.s32 $0xFFFFE000  }
0x648: {  	[tilespmem:s5], [sflag:$0x2] =	stream.indirect.gather [hbm4b:s3+s7], $0x80, s1, s7, $0xb8;
	[tilespmem:$0x5000] =	vst v63  }
0x649: {  	_ =	swait.ge [sflag:s9], $0x2000  }
0x64a: {  	s1 =	sld [smem:$0x7B5]  }
0x64b: {  	[sflag:s9] =	ssyncset.done $0x0  }
0x64c: {  	[sflag:s9] =	ssyncadd.s32 $0xFFFFE000  }
0x64d: {  	[hbm4b:s1+s2] =	stream.linear.scatter [tilespmem:s6], [sflag:$0x3], $0x2000, $0x38;
	[tilespmem:$0x5000] =	vst v63  }
0x64e: {  	_ =	swait.ge [sflag:s4], $0x2000  }
0x64f: {  	s1 =	sld [smem:$0x7F5]  }
0x650: {  	[sflag:s4] =	ssyncset.done $0x0  }
0x651: {  	[sflag:s4] =	ssyncadd.s32 $0xFFFFE000  }
0x652: {  	[tilespmem:s6], [sflag:$0x1] =	stream.indirect.gather [hbm4b:s3+s7], $0x80, s1, s7, $0xb8;
	[tilespmem:$0x5000] =	vst v63  }
0x653: {  	_ =	swait.ge [sflag:s8], $0x2000  }
0x654: {  	s1 =	sld [smem:$0x7B6]  }
0x655: {  	[sflag:s8] =	ssyncset.done $0x0  }
0x656: {  	[sflag:s8] =	ssyncadd.s32 $0xFFFFE000  }
0x657: {  	[hbm4b:s1+s2] =	stream.linear.scatter [tilespmem:s5], [sflag:$0x3], $0x2000, $0x38;
	[tilespmem:$0x5000] =	vst v63  }
0x658: {  	_ =	swait.ge [sflag:s4], $0x2000  }
0x659: {  	s1 =	sld [smem:$0x7F6]  }
0x65a: {  	[sflag:s4] =	ssyncset.done $0x0  }
0x65b: {  	[sflag:s4] =	ssyncadd.s32 $0xFFFFE000  }
0x65c: {  	[tilespmem:s5], [sflag:$0x2] =	stream.indirect.gather [hbm4b:s3+s7], $0x80, s1, s7, $0xb8;
	[tilespmem:$0x5000] =	vst v63  }
0x65d: {  	_ =	swait.ge [sflag:s9], $0x2000  }
0x65e: {  	s1 =	sld [smem:$0x7B7]  }
0x65f: {  	[sflag:s9] =	ssyncset.done $0x0  }
0x660: {  	[sflag:s9] =	ssyncadd.s32 $0xFFFFE000  }
0x661: {  	[hbm4b:s1+s2] =	stream.linear.scatter [tilespmem:s6], [sflag:$0x3], $0x2000, $0x38;
	[tilespmem:$0x5000] =	vst v63  }
0x662: {  	_ =	swait.ge [sflag:s4], $0x2000  }
0x663: {  	s1 =	sld [smem:$0x7F7]  }
0x664: {  	[sflag:s4] =	ssyncset.done $0x0  }
0x665: {  	[sflag:s4] =	ssyncadd.s32 $0xFFFFE000  }
0x666: {  	[tilespmem:s6], [sflag:$0x1] =	stream.indirect.gather [hbm4b:s3+s7], $0x80, s1, s7, $0xb8;
	[tilespmem:$0x5000] =	vst v63  }
0x667: {  	_ =	swait.ge [sflag:s8], $0x2000  }
0x668: {  	s1 =	sld [smem:$0x7B8]  }
0x669: {  	[sflag:s8] =	ssyncset.done $0x0  }
0x66a: {  	[sflag:s8] =	ssyncadd.s32 $0xFFFFE000  }
0x66b: {  	[hbm4b:s1+s2] =	stream.linear.scatter [tilespmem:s5], [sflag:$0x3], $0x2000, $0x38;
	[tilespmem:$0x5000] =	vst v63  }
0x66c: {  	_ =	swait.ge [sflag:s4], $0x2000  }
0x66d: {  	s1 =	sld [smem:$0x7F8]  }
0x66e: {  	[sflag:s4] =	ssyncset.done $0x0  }
0x66f: {  	[sflag:s4] =	ssyncadd.s32 $0xFFFFE000  }
0x670: {  	[tilespmem:s5], [sflag:$0x2] =	stream.indirect.gather [hbm4b:s3+s7], $0x80, s1, s7, $0xb8;
	[tilespmem:$0x5000] =	vst v63  }
0x671: {  	_ =	swait.ge [sflag:s9], $0x2000  }
0x672: {  	s1 =	sld [smem:$0x7B9]  }
0x673: {  	[sflag:s9] =	ssyncset.done $0x0  }
0x674: {  	[sflag:s9] =	ssyncadd.s32 $0xFFFFE000  }
0x675: {  	[hbm4b:s1+s2] =	stream.linear.scatter [tilespmem:s6], [sflag:$0x3], $0x2000, $0x38;
	[tilespmem:$0x5000] =	vst v63  }
0x676: {  	_ =	swait.ge [sflag:s4], $0x2000  }
0x677: {  	s1 =	sld [smem:$0x7F9]  }
0x678: {  	[sflag:s4] =	ssyncset.done $0x0  }
0x679: {  	[sflag:s4] =	ssyncadd.s32 $0xFFFFE000  }
0x67a: {  	[tilespmem:s6], [sflag:$0x1] =	stream.indirect.gather [hbm4b:s3+s7], $0x80, s1, s7, $0xb8;
	[tilespmem:$0x5000] =	vst v63  }
0x67b: {  	_ =	swait.ge [sflag:s8], $0x2000  }
0x67c: {  	s1 =	sld [smem:$0x7BA]  }
0x67d: {  	[sflag:s8] =	ssyncset.done $0x0  }
0x67e: {  	[sflag:s8] =	ssyncadd.s32 $0xFFFFE000  }
0x67f: {  	[hbm4b:s1+s2] =	stream.linear.scatter [tilespmem:s5], [sflag:$0x3], $0x2000, $0x38;
	[tilespmem:$0x5000] =	vst v63  }
0x680: {  	_ =	swait.ge [sflag:s4], $0x2000  }
0x681: {  	s1 =	sld [smem:$0x7FA]  }
0x682: {  	[sflag:s4] =	ssyncset.done $0x0  }
0x683: {  	[sflag:s4] =	ssyncadd.s32 $0xFFFFE000  }
0x684: {  	[tilespmem:s5], [sflag:$0x2] =	stream.indirect.gather [hbm4b:s3+s7], $0x80, s1, s7, $0xb8;
	[tilespmem:$0x5000] =	vst v63  }
0x685: {  	_ =	swait.ge [sflag:s9], $0x2000  }
0x686: {  	s1 =	sld [smem:$0x7BB]  }
0x687: {  	[sflag:s9] =	ssyncset.done $0x0  }
0x688: {  	[sflag:s9] =	ssyncadd.s32 $0xFFFFE000  }
0x689: {  	[hbm4b:s1+s2] =	stream.linear.scatter [tilespmem:s6], [sflag:$0x3], $0x2000, $0x38;
	[tilespmem:$0x5000] =	vst v63  }
0x68a: {  	_ =	swait.ge [sflag:s4], $0x2000  }
0x68b: {  	s1 =	sld [smem:$0x7FB]  }
0x68c: {  	[sflag:s4] =	ssyncset.done $0x0  }
0x68d: {  	[sflag:s4] =	ssyncadd.s32 $0xFFFFE000  }
0x68e: {  	[tilespmem:s6], [sflag:$0x1] =	stream.indirect.gather [hbm4b:s3+s7], $0x80, s1, s7, $0xb8;
	[tilespmem:$0x5000] =	vst v63  }
0x68f: {  	_ =	swait.ge [sflag:s8], $0x2000  }
0x690: {  	s1 =	sld [smem:$0x7BC]  }
0x691: {  	[sflag:s8] =	ssyncset.done $0x0  }
0x692: {  	[sflag:s8] =	ssyncadd.s32 $0xFFFFE000  }
0x693: {  	[hbm4b:s1+s2] =	stream.linear.scatter [tilespmem:s5], [sflag:$0x3], $0x2000, $0x38;
	[tilespmem:$0x5000] =	vst v63  }
0x694: {  	_ =	swait.ge [sflag:s4], $0x2000  }
0x695: {  	s1 =	sld [smem:$0x7FC]  }
0x696: {  	[sflag:s4] =	ssyncset.done $0x0  }
0x697: {  	[sflag:s4] =	ssyncadd.s32 $0xFFFFE000  }
0x698: {  	[tilespmem:s5], [sflag:$0x2] =	stream.indirect.gather [hbm4b:s3+s7], $0x80, s1, s7, $0xb8;
	[tilespmem:$0x5000] =	vst v63  }
0x699: {  	_ =	swait.ge [sflag:s9], $0x2000  }
0x69a: {  	s1 =	sld [smem:$0x7BD]  }
0x69b: {  	[sflag:s9] =	ssyncset.done $0x0  }
0x69c: {  	[sflag:s9] =	ssyncadd.s32 $0xFFFFE000  }
0x69d: {  	[hbm4b:s1+s2] =	stream.linear.scatter [tilespmem:s6], [sflag:$0x3], $0x2000, $0x38;
	[tilespmem:$0x5000] =	vst v63  }
0x69e: {  	_ =	swait.ge [sflag:s4], $0x2000  }
0x69f: {  	s1 =	sld [smem:$0x7FD]  }
0x6a0: {  	[sflag:s4] =	ssyncset.done $0x0  }
0x6a1: {  	[sflag:s4] =	ssyncadd.s32 $0xFFFFE000  }
0x6a2: {  	[tilespmem:s6], [sflag:$0x1] =	stream.indirect.gather [hbm4b:s3+s7], $0x80, s1, s7, $0xb8;
	[tilespmem:$0x5000] =	vst v63  }
0x6a3: {  	_ =	swait.ge [sflag:s8], $0x2000  }
0x6a4: {  	s1 =	sld [smem:$0x7BE]  }
0x6a5: {  	[sflag:s8] =	ssyncset.done $0x0  }
0x6a6: {  	[sflag:s8] =	ssyncadd.s32 $0xFFFFE000  }
0x6a7: {  	[hbm4b:s1+s2] =	stream.linear.scatter [tilespmem:s5], [sflag:$0x3], $0x2000, $0x38;
	[tilespmem:$0x5000] =	vst v63  }
0x6a8: {  	_ =	swait.ge [sflag:s4], $0x2000  }
0x6a9: {  	[sflag:s4] =	ssyncset.done $0x0  }
0x6aa: {  	[sflag:s4] =	ssyncadd.s32 $0xFFFFE000  }
0x6ab: {  	[tilespmem:s5], [sflag:$0x2] =	stream.indirect.gather [hbm4b:s3+s7], $0x80, s31, s7, $0xb8;
	[tilespmem:$0x5000] =	vst v63  }
0x6ac: {  	_ =	swait.ge [sflag:s9], $0x2000  }
0x6ad: {  	s31 =	sld [smem:$0x7BF]  }
0x6ae: {  	[sflag:s9] =	ssyncset.done $0x0  }
0x6af: {  	[sflag:s9] =	ssyncadd.s32 $0xFFFFE000  }
0x6b0: {  	[hbm4b:s31+s2] =	stream.linear.scatter [tilespmem:s6], [sflag:$0x3], $0x2000, $0x38;
	[tilespmem:$0x5000] =	vst v63  }
0x6b1: {  	_ =	swait.ge [sflag:s4], $0x2000  }
0x6b2: {  	[sflag:s4] =	ssyncset.done $0x0  }
0x6b3: {  	[sflag:s4] =	ssyncadd.s32 $0xFFFFE000  }
0x6b4: {  	[tilespmem:s6], [sflag:$0x1] =	stream.indirect.gather [hbm4b:s3+s7], $0x80, s30, s7, $0xb8;
	[tilespmem:$0x5000] =	vst v63  }
0x6b5: {  	_ =	swait.ge [sflag:s8], $0x2000  }
0x6b6: {  	s1 =	sld [smem:$0x7C0]  }
0x6b7: {  	[sflag:s8] =	ssyncset.done $0x0  }
0x6b8: {  	[sflag:s8] =	ssyncadd.s32 $0xFFFFE000  }
0x6b9: {  	[hbm4b:s1+s2] =	stream.linear.scatter [tilespmem:s5], [sflag:$0x3], $0x2000, $0x38;
	[tilespmem:$0x5000] =	vst v63  }
0x6ba: {  	_ =	swait.ge [sflag:s4], $0x2000  }
0x6bb: {  	[sflag:s4] =	ssyncset.done $0x0  }
0x6bc: {  	[sflag:s4] =	ssyncadd.s32 $0xFFFFE000  }
0x6bd: {  	[tilespmem:s5], [sflag:$0x2] =	stream.indirect.gather [hbm4b:s3+s7], $0x80, s29, s7, $0xb8;
	[tilespmem:$0x5000] =	vst v63  }
0x6be: {  	_ =	swait.ge [sflag:s9], $0x2000  }
0x6bf: {  	s30 =	sld [smem:$0x7C1]  }
0x6c0: {  	[sflag:s9] =	ssyncset.done $0x0  }
0x6c1: {  	[sflag:s9] =	ssyncadd.s32 $0xFFFFE000  }
0x6c2: {  	[hbm4b:s30+s2] =	stream.linear.scatter [tilespmem:s6], [sflag:$0x3], $0x2000, $0x38;
	[tilespmem:$0x5000] =	vst v63  }
0x6c3: {  	_ =	swait.ge [sflag:s4], $0x2000  }
0x6c4: {  	[sflag:s4] =	ssyncset.done $0x0  }
0x6c5: {  	[sflag:s4] =	ssyncadd.s32 $0xFFFFE000  }
0x6c6: {  	[tilespmem:s6], [sflag:$0x1] =	stream.indirect.gather [hbm4b:s3+s7], $0x80, s28, s7, $0xb8;
	[tilespmem:$0x5000] =	vst v63  }
0x6c7: {  	_ =	swait.ge [sflag:s8], $0x2000  }
0x6c8: {  	s31 =	sld [smem:$0x7C2]  }
0x6c9: {  	[sflag:s8] =	ssyncset.done $0x0  }
0x6ca: {  	[sflag:s8] =	ssyncadd.s32 $0xFFFFE000  }
0x6cb: {  	[hbm4b:s31+s2] =	stream.linear.scatter [tilespmem:s5], [sflag:$0x3], $0x2000, $0x38;
	[tilespmem:$0x5000] =	vst v63  }
0x6cc: {  	_ =	swait.ge [sflag:s4], $0x2000  }
0x6cd: {  	[sflag:s4] =	ssyncset.done $0x0  }
0x6ce: {  	[sflag:s4] =	ssyncadd.s32 $0xFFFFE000  }
0x6cf: {  	[tilespmem:s5], [sflag:$0x2] =	stream.indirect.gather [hbm4b:s3+s7], $0x80, s26, s7, $0xb8;
	[tilespmem:$0x5000] =	vst v63  }
0x6d0: {  	_ =	swait.ge [sflag:s9], $0x2000  }
0x6d1: {  	s1 =	sld [smem:$0x7C3]  }
0x6d2: {  	[sflag:s9] =	ssyncset.done $0x0  }
0x6d3: {  	[sflag:s9] =	ssyncadd.s32 $0xFFFFE000  }
0x6d4: {  	[hbm4b:s1+s2] =	stream.linear.scatter [tilespmem:s6], [sflag:$0x3], $0x2000, $0x38;
	[tilespmem:$0x5000] =	vst v63  }
0x6d5: {  	_ =	swait.ge [sflag:s4], $0x2000  }
0x6d6: {  	[sflag:s4] =	ssyncset.done $0x0  }
0x6d7: {  	[sflag:s4] =	ssyncadd.s32 $0xFFFFE000  }
0x6d8: {  	[tilespmem:s6], [sflag:$0x1] =	stream.indirect.gather [hbm4b:s3+s7], $0x80, s25, s7, $0xb8;
	[tilespmem:$0x5000] =	vst v63  }
0x6d9: {  	_ =	swait.ge [sflag:s8], $0x2000  }
0x6da: {  	s26 =	sld [smem:$0x7C4]  }
0x6db: {  	[sflag:s8] =	ssyncset.done $0x0  }
0x6dc: {  	[sflag:s8] =	ssyncadd.s32 $0xFFFFE000  }
0x6dd: {  	[hbm4b:s26+s2] =	stream.linear.scatter [tilespmem:s5], [sflag:$0x3], $0x2000, $0x38;
	[tilespmem:$0x5000] =	vst v63  }
0x6de: {  	_ =	swait.ge [sflag:s4], $0x2000  }
0x6df: {  	[sflag:s4] =	ssyncset.done $0x0  }
0x6e0: {  	[sflag:s4] =	ssyncadd.s32 $0xFFFFE000  }
0x6e1: {  	[tilespmem:s5], [sflag:$0x2] =	stream.indirect.gather [hbm4b:s3+s7], $0x80, s24, s7, $0xb8;
	[tilespmem:$0x5000] =	vst v63  }
0x6e2: {  	_ =	swait.ge [sflag:s9], $0x2000  }
0x6e3: {  	s28 =	sld [smem:$0x7C5]  }
0x6e4: {  	[sflag:s9] =	ssyncset.done $0x0  }
0x6e5: {  	[sflag:s9] =	ssyncadd.s32 $0xFFFFE000  }
0x6e6: {  	[hbm4b:s28+s2] =	stream.linear.scatter [tilespmem:s6], [sflag:$0x3], $0x2000, $0x38;
	[tilespmem:$0x5000] =	vst v63  }
0x6e7: {  	_ =	swait.ge [sflag:s4], $0x2000  }
0x6e8: {  	[sflag:s4] =	ssyncset.done $0x0  }
0x6e9: {  	[sflag:s4] =	ssyncadd.s32 $0xFFFFE000  }
0x6ea: {  	[tilespmem:s6], [sflag:$0x1] =	stream.indirect.gather [hbm4b:s3+s7], $0x80, s23, s7, $0xb8;
	[tilespmem:$0x5000] =	vst v63  }
0x6eb: {  	_ =	swait.ge [sflag:s8], $0x2000  }
0x6ec: {  	s29 =	sld [smem:$0x7C6]  }
0x6ed: {  	[sflag:s8] =	ssyncset.done $0x0  }
0x6ee: {  	[sflag:s8] =	ssyncadd.s32 $0xFFFFE000  }
0x6ef: {  	[hbm4b:s29+s2] =	stream.linear.scatter [tilespmem:s5], [sflag:$0x3], $0x2000, $0x38;
	[tilespmem:$0x5000] =	vst v63  }
0x6f0: {  	_ =	swait.ge [sflag:s4], $0x2000  }
0x6f1: {  	[sflag:s4] =	ssyncset.done $0x0  }
0x6f2: {  	[sflag:s4] =	ssyncadd.s32 $0xFFFFE000  }
0x6f3: {  	[tilespmem:s5], [sflag:$0x2] =	stream.indirect.gather [hbm4b:s3+s7], $0x80, s22, s7, $0xb8;
	[tilespmem:$0x5000] =	vst v63  }
0x6f4: {  	_ =	swait.ge [sflag:s9], $0x2000  }
0x6f5: {  	s30 =	sld [smem:$0x7C7]  }
0x6f6: {  	[sflag:s9] =	ssyncset.done $0x0  }
0x6f7: {  	[sflag:s9] =	ssyncadd.s32 $0xFFFFE000  }
0x6f8: {  	[hbm4b:s30+s2] =	stream.linear.scatter [tilespmem:s6], [sflag:$0x3], $0x2000, $0x38;
	[tilespmem:$0x5000] =	vst v63  }
0x6f9: {  	_ =	swait.ge [sflag:s4], $0x2000  }
0x6fa: {  	[sflag:s4] =	ssyncset.done $0x0  }
0x6fb: {  	[sflag:s4] =	ssyncadd.s32 $0xFFFFE000  }
0x6fc: {  	[tilespmem:s6], [sflag:$0x1] =	stream.indirect.gather [hbm4b:s3+s7], $0x80, s21, s7, $0xb8;
	[tilespmem:$0x5000] =	vst v63  }
0x6fd: {  	_ =	swait.ge [sflag:s8], $0x2000  }
0x6fe: {  	s31 =	sld [smem:$0x7C8]  }
0x6ff: {  	[sflag:s8] =	ssyncset.done $0x0  }
0x700: {  	[sflag:s8] =	ssyncadd.s32 $0xFFFFE000  }
0x701: {  	[hbm4b:s31+s2] =	stream.linear.scatter [tilespmem:s5], [sflag:$0x3], $0x2000, $0x38;
	[tilespmem:$0x5000] =	vst v63  }
0x702: {  	_ =	swait.ge [sflag:s4], $0x2000  }
0x703: {  	[sflag:s4] =	ssyncset.done $0x0  }
0x704: {  	[sflag:s4] =	ssyncadd.s32 $0xFFFFE000  }
0x705: {  	[tilespmem:s5], [sflag:$0x2] =	stream.indirect.gather [hbm4b:s3+s7], $0x80, s20, s7, $0xb8;
	[tilespmem:$0x5000] =	vst v63  }
0x706: {  	_ =	swait.ge [sflag:s9], $0x2000  }
0x707: {  	s1 =	sld [smem:$0x7C9]  }
0x708: {  	[sflag:s9] =	ssyncset.done $0x0  }
0x709: {  	[sflag:s9] =	ssyncadd.s32 $0xFFFFE000  }
0x70a: {  	[hbm4b:s1+s2] =	stream.linear.scatter [tilespmem:s6], [sflag:$0x3], $0x2000, $0x38;
	[tilespmem:$0x5000] =	vst v63  }
0x70b: {  	_ =	swait.ge [sflag:s4], $0x2000  }
0x70c: {  	[sflag:s4] =	ssyncset.done $0x0  }
0x70d: {  	[sflag:s4] =	ssyncadd.s32 $0xFFFFE000  }
0x70e: {  	[tilespmem:s6], [sflag:$0x1] =	stream.indirect.gather [hbm4b:s3+s7], $0x80, s19, s7, $0xb8;
	[tilespmem:$0x5000] =	vst v63  }
0x70f: {  	_ =	swait.ge [sflag:s8], $0x2000  }
0x710: {  	s19 =	sld [smem:$0x7CA]  }
0x711: {  	[sflag:s8] =	ssyncset.done $0x0  }
0x712: {  	[sflag:s8] =	ssyncadd.s32 $0xFFFFE000  }
0x713: {  	[hbm4b:s19+s2] =	stream.linear.scatter [tilespmem:s5], [sflag:$0x3], $0x2000, $0x38;
	[tilespmem:$0x5000] =	vst v63  }
0x714: {  	_ =	swait.ge [sflag:s4], $0x2000  }
0x715: {  	[sflag:s4] =	ssyncset.done $0x0  }
0x716: {  	[sflag:s4] =	ssyncadd.s32 $0xFFFFE000  }
0x717: {  	[tilespmem:s5], [sflag:$0x2] =	stream.indirect.gather [hbm4b:s3+s7], $0x80, s18, s7, $0xb8;
	[tilespmem:$0x5000] =	vst v63  }
0x718: {  	_ =	swait.ge [sflag:s9], $0x2000  }
0x719: {  	s20 =	sld [smem:$0x7CB]  }
0x71a: {  	[sflag:s9] =	ssyncset.done $0x0  }
0x71b: {  	[sflag:s9] =	ssyncadd.s32 $0xFFFFE000  }
0x71c: {  	[hbm4b:s20+s2] =	stream.linear.scatter [tilespmem:s6], [sflag:$0x3], $0x2000, $0x38;
	[tilespmem:$0x5000] =	vst v63  }
0x71d: {  	_ =	swait.ge [sflag:s4], $0x2000  }
0x71e: {  	[sflag:s4] =	ssyncset.done $0x0  }
0x71f: {  	[sflag:s4] =	ssyncadd.s32 $0xFFFFE000  }
0x720: {  	[tilespmem:s6], [sflag:$0x1] =	stream.indirect.gather [hbm4b:s3+s7], $0x80, s17, s7, $0xb8;
	[tilespmem:$0x5000] =	vst v63  }
0x721: {  	_ =	swait.ge [sflag:s8], $0x2000  }
0x722: {  	s21 =	sld [smem:$0x7CC]  }
0x723: {  	[sflag:s8] =	ssyncset.done $0x0  }
0x724: {  	[sflag:s8] =	ssyncadd.s32 $0xFFFFE000  }
0x725: {  	[hbm4b:s21+s2] =	stream.linear.scatter [tilespmem:s5], [sflag:$0x3], $0x2000, $0x38;
	[tilespmem:$0x5000] =	vst v63  }
0x726: {  	_ =	swait.ge [sflag:s4], $0x2000  }
0x727: {  	[sflag:s4] =	ssyncset.done $0x0  }
0x728: {  	[sflag:s4] =	ssyncadd.s32 $0xFFFFE000  }
0x729: {  	[tilespmem:s5], [sflag:$0x2] =	stream.indirect.gather [hbm4b:s3+s7], $0x80, s16, s7, $0xb8;
	[tilespmem:$0x5000] =	vst v63  }
0x72a: {  	_ =	swait.ge [sflag:s9], $0x2000  }
0x72b: {  	s22 =	sld [smem:$0x7CD]  }
0x72c: {  	[sflag:s9] =	ssyncset.done $0x0  }
0x72d: {  	[sflag:s9] =	ssyncadd.s32 $0xFFFFE000  }
0x72e: {  	[hbm4b:s22+s2] =	stream.linear.scatter [tilespmem:s6], [sflag:$0x3], $0x2000, $0x38;
	[tilespmem:$0x5000] =	vst v63  }
0x72f: {  	_ =	swait.ge [sflag:s4], $0x2000  }
0x730: {  	[sflag:s4] =	ssyncset.done $0x0  }
0x731: {  	[sflag:s4] =	ssyncadd.s32 $0xFFFFE000  }
0x732: {  	[tilespmem:s6], [sflag:$0x1] =	stream.indirect.gather [hbm4b:s3+s7], $0x80, s15, s7, $0xb8;
	[tilespmem:$0x5000] =	vst v63  }
0x733: {  	_ =	swait.ge [sflag:s8], $0x2000  }
0x734: {  	s23 =	sld [smem:$0x7CE]  }
0x735: {  	[sflag:s8] =	ssyncset.done $0x0  }
0x736: {  	[sflag:s8] =	ssyncadd.s32 $0xFFFFE000  }
0x737: {  	[hbm4b:s23+s2] =	stream.linear.scatter [tilespmem:s5], [sflag:$0x3], $0x2000, $0x38;
	[tilespmem:$0x5000] =	vst v63  }
0x738: {  	_ =	swait.ge [sflag:s4], $0x2000  }
0x739: {  	[sflag:s4] =	ssyncset.done $0x0  }
0x73a: {  	[sflag:s4] =	ssyncadd.s32 $0xFFFFE000  }
0x73b: {  	[tilespmem:s5], [sflag:$0x2] =	stream.indirect.gather [hbm4b:s3+s7], $0x80, s14, s7, $0xb8;
	[tilespmem:$0x5000] =	vst v63  }
0x73c: {  	_ =	swait.ge [sflag:s9], $0x2000  }
0x73d: {  	s24 =	sld [smem:$0x7CF]  }
0x73e: {  	[sflag:s9] =	ssyncset.done $0x0  }
0x73f: {  	[sflag:s9] =	ssyncadd.s32 $0xFFFFE000  }
0x740: {  	[hbm4b:s24+s2] =	stream.linear.scatter [tilespmem:s6], [sflag:$0x3], $0x2000, $0x38;
	[tilespmem:$0x5000] =	vst v63  }
0x741: {  	_ =	swait.ge [sflag:s4], $0x2000  }
0x742: {  	[sflag:s4] =	ssyncset.done $0x0  }
0x743: {  	[sflag:s4] =	ssyncadd.s32 $0xFFFFE000  }
0x744: {  	[tilespmem:s6], [sflag:$0x1] =	stream.indirect.gather [hbm4b:s3+s7], $0x80, s13, s7, $0xb8;
	[tilespmem:$0x5000] =	vst v63  }
0x745: {  	_ =	swait.ge [sflag:s8], $0x2000  }
0x746: {  	s25 =	sld [smem:$0x7D0]  }
0x747: {  	[sflag:s8] =	ssyncset.done $0x0  }
0x748: {  	[sflag:s8] =	ssyncadd.s32 $0xFFFFE000  }
0x749: {  	[hbm4b:s25+s2] =	stream.linear.scatter [tilespmem:s5], [sflag:$0x3], $0x2000, $0x38;
	[tilespmem:$0x5000] =	vst v63  }
0x74a: {  	_ =	swait.ge [sflag:s4], $0x2000  }
0x74b: {  	[sflag:s4] =	ssyncset.done $0x0  }
0x74c: {  	[sflag:s4] =	ssyncadd.s32 $0xFFFFE000  }
0x74d: {  	[tilespmem:s5], [sflag:$0x2] =	stream.indirect.gather [hbm4b:s3+s7], $0x80, s12, s7, $0xb8;
	[tilespmem:$0x5000] =	vst v63  }
0x74e: {  	_ =	swait.ge [sflag:s9], $0x2000  }
0x74f: {  	s26 =	sld [smem:$0x7D1]  }
0x750: {  	[sflag:s9] =	ssyncset.done $0x0  }
0x751: {  	[sflag:s9] =	ssyncadd.s32 $0xFFFFE000  }
0x752: {  	[hbm4b:s26+s2] =	stream.linear.scatter [tilespmem:s6], [sflag:$0x3], $0x2000, $0x38;
	[tilespmem:$0x5000] =	vst v63  }
0x753: {  	_ =	swait.ge [sflag:s4], $0x2000  }
0x754: {  	[sflag:s4] =	ssyncset.done $0x0  }
0x755: {  	[sflag:s4] =	ssyncadd.s32 $0xFFFFE000  }
0x756: {  	[tilespmem:s6], [sflag:$0x1] =	stream.indirect.gather [hbm4b:s3+s7], $0x80, s11, s7, $0xb8;
	[tilespmem:$0x5000] =	vst v63  }
0x757: {  	_ =	swait.ge [sflag:s8], $0x2000  }
0x758: {  	s28 =	sld [smem:$0x7D2]  }
0x759: {  	[sflag:s8] =	ssyncset.done $0x0  }
0x75a: {  	[sflag:s8] =	ssyncadd.s32 $0xFFFFE000  }
0x75b: {  	[hbm4b:s28+s2] =	stream.linear.scatter [tilespmem:s5], [sflag:$0x3], $0x2000, $0x38;
	[tilespmem:$0x5000] =	vst v63  }
0x75c: {  	_ =	swait.ge [sflag:s4], $0x2000  }
0x75d: {  	[sflag:s4] =	ssyncset.done $0x0  }
0x75e: {  	[sflag:s4] =	ssyncadd.s32 $0xFFFFE000  }
0x75f: {  	[tilespmem:s5], [sflag:$0x2] =	stream.indirect.gather [hbm4b:s3+s7], $0x80, s10, s7, $0xb8;
	[tilespmem:$0x5000] =	vst v63  }
0x760: {  	_ =	swait.ge [sflag:s9], $0x2000  }
0x761: {  	s29 =	sld [smem:$0x7D3]  }
0x762: {  	[sflag:s9] =	ssyncset.done $0x0  }
0x763: {  	[sflag:s9] =	ssyncadd.s32 $0xFFFFE000  }
0x764: {  	[hbm4b:s29+s2] =	stream.linear.scatter [tilespmem:s6], [sflag:$0x3], $0x2000, $0x38;
	[tilespmem:$0x5000] =	vst v63  }
0x765: {  	_ =	swait.ge [sflag:s4], $0x2000  }
0x766: {  	[sflag:s4] =	ssyncset.done $0x0  }
0x767: {  	[sflag:s4] =	ssyncadd.s32 $0xFFFFE000  }
0x768: {  	_ =	swait.ge [sflag:s8], $0x2000  }
0x769: {  	s30 =	sld [smem:$0x7D4]  }
0x76a: {  	[sflag:s8] =	ssyncset.done $0x0  }
0x76b: {  	[sflag:s8] =	ssyncadd.s32 $0xFFFFE000  }
0x76c: {  	[hbm4b:s30+s2] =	stream.linear.scatter [tilespmem:s5], [sflag:$0x3], $0x2000, $0x38;
	[tilespmem:$0x5000] =	vst v63  }
0x76d: {  	_ =	swait.ge [sflag:s4], $0x2000  }
0x76e: {  	[sflag:s4] =	ssyncset.done $0x0  }
0x76f: {  	[sflag:s4] =	ssyncadd.s32 $0xFFFFE000  }
0x770: {  	_ =	sfence.sel $0x180000  }
0x771: {  	[bflag:$0x0] =	sbarrier.arrive $0xFFFF  }
0x772: {  	_ =	strace $0x90000047  }
0x773: {  	s31 =	stileid.u32;
	[bflag:$0x2] =	sbarrier.arrive $0xFFFF  }
0x774: {  	p0 =	sne.s32 s31, $0x0;
	s0 =	rddreg [dreg:$0x2]  }
0x775: {  	s0 =	sadd.s32 @!p0 $0x100000, s0  }
0x776: {  	[sflag:s0] =	ssyncadd.tile.s32 @!p0 $0x1;
	_ =	shalt  }
.Lfunc_end2:
_tile_overlayer_lowered:
.L_overlay_start_2:
0x777: {  	(tag) =	ssettag $0x2  }
0x778: {  	s0 =	rddreg [dreg:$0x0];
	s2 =	stileid.u32  }
0x779: {  	s1 =	rddreg [dreg:$0x1];
	p0 =	sne.s32 s2, $0x0  }
0x77a: {  	s3 =	rddreg [dreg:$0x2];
	[bflag:$0x3] =	sbarrier.arrive $0xFFFF;
	s2 =	simm.s32 @!p0 $0x1C03  }
0x77b: {  	[timem:s3], [sflag:s2] =	dma.local @!p0 [hbm:s0], s1  }
0x77c: {  	s0 =	simm.s32 @!p0 $0x3  }
0x77d: {  	_ =	swait.ge @!p0 [sflag:s0], s1  }
0x77e: {  	s1 =	ssub.s32 @!p0 $0x0, s1;
	[sflag:s0] =	ssyncset.done @!p0 $0x0  }
0x77f: {  	[sflag:s0] =	ssyncadd.s32 @!p0 s1  }
0x780: {  	[bflag:$0x3] =	sbarrier.arrive $0xFFFF  }
0x781: {  	_ =	shalt  }

</sc_bundles>
